<compile_context>
chip_gen: v7x
topology: tpu7x:2x2x1
jax: 0.10.2.dev20260603
libtpu: 0.0.44.dev20260713+nightly
codegen_flags: <defaults>
</compile_context>

<pallas_src>
import functools
import jax
import jax.numpy as jnp
from jax import lax
from jax.experimental import pallas as pl
from jax.experimental.pallas import tpu as pltpu
from jax.experimental.pallas import tpu_sc as plsc

_N = 100000
_D = 768
_R = 32
_NW = 32
_EPS = 1e-8

_SC_ROWS = _N
assert _SC_ROWS % _R == 0
_NT = _SC_ROWS // _R
_TPW = -(-_NT // _NW)
_REM = _NT % _NW
_LO = _NT // _NW


def _rsqrt(v):
    y = plsc.bitcast(
        jnp.int32(0x5F3759DF) - lax.shift_right_logical(
            plsc.bitcast(v, jnp.int32), jnp.int32(1)), jnp.float32)
    for _ in range(3):
        y = y * (1.5 - 0.5 * v * y * y)
    return y


def _sc_cosine(x_hbm, u_hbm, o_hbm, buf0, buf1, uq, ostage, tpad,
               si0, si1, squ):
    cid = lax.axis_index("c")
    sid = lax.axis_index("s")
    wid = sid * 2 + cid
    if _REM:
        nt = jnp.where(wid < _REM, _TPW, _LO)
        t0 = wid * _LO + jnp.minimum(wid, _REM)
    else:
        nt = jnp.full((), _LO, jnp.int32)
        t0 = wid * _LO

    pltpu.sync_copy(u_hbm.at[0], uq)

    un2 = jnp.zeros((16,), jnp.float32)
    for c in range(_D // 16):
        uc = uq[pl.ds(c * 16, 16)]
        un2 = un2 + uc * uc
    lanes = lax.iota(jnp.int32, 16)
    for sh in (1, 2, 4, 8):
        tpad[0, pl.ds(0, 16)] = un2
        un2 = un2 + plsc.load_gather(tpad, [jnp.zeros((16,), jnp.int32),
                                            lanes ^ sh])
    unv = un2 * _rsqrt(jnp.maximum(un2, 1e-30))
    unv = jnp.maximum(unv, _EPS)

    zero = jnp.zeros((16,), jnp.float32)
    bufs = (buf0, buf1)
    sis = (si0, si1)

    def in_slice(t):
        return x_hbm.at[pl.ds(t * _R, _R)]

    pltpu.async_copy(in_slice(t0), buf0, si0)

    def outer(i2, _):
        for b in range(2):
            i = i2 * 2 + b
            t = t0 + i

            @pl.when(i < nt)
            def _():
                @pl.when(i + 1 < nt)
                def _():
                    pltpu.async_copy(in_slice(t + 1), bufs[1 - b], sis[1 - b])

                pltpu.make_async_copy(in_slice(t), bufs[b], sis[b]).wait()
                buf = bufs[b]

                for g in range(_R // 16):
                    def chunk(c, carry):
                        uc = uq[pl.ds(c * 16, 16)]
                        out = []
                        for r in range(16):
                            v = buf[g * 16 + r, pl.ds(c * 16, 16)]
                            out.append(carry[2 * r] + v * uc)
                            out.append(carry[2 * r + 1] + v * v)
                        return tuple(out)

                    accs = lax.fori_loop(0, _D // 16, chunk,
                                         (zero,) * 32, unroll=2)

                    d = zero
                    q = zero
                    for r in range(16):
                        tpad[r, pl.ds(0, 16)] = accs[2 * r]
                    for c in range(16):
                        cv = jnp.full((16,), c, jnp.int32)
                        d = d + plsc.load_gather(tpad, [lanes, cv])
                    for r in range(16):
                        tpad[r, pl.ds(0, 16)] = accs[2 * r + 1]
                    for c in range(16):
                        cv = jnp.full((16,), c, jnp.int32)
                        q = q + plsc.load_gather(tpad, [lanes, cv])

                    xn = q * _rsqrt(jnp.maximum(q, 1e-30))
                    den = unv * jnp.maximum(xn, _EPS)
                    ostage[pl.ds(i * _R + g * 16, 16)] = d / den
        return 0

    lax.fori_loop(0, (_TPW + 1) // 2, outer, 0)

    if _REM:
        @pl.when(nt == _TPW)
        def _():
            pltpu.sync_copy(ostage, o_hbm.at[pl.ds(t0 * _R, _TPW * _R)])

        @pl.when(nt != _TPW)
        def _():
            pltpu.sync_copy(ostage.at[pl.ds(0, _LO * _R)],
                            o_hbm.at[pl.ds(t0 * _R, _LO * _R)])
    else:
        pltpu.sync_copy(ostage.at[pl.ds(0, _LO * _R)],
                        o_hbm.at[pl.ds(t0 * _R, _LO * _R)])


def kernel(x, user_embed):
    mesh = plsc.VectorSubcoreMesh(core_axis_name="c", subcore_axis_name="s")
    f = functools.partial(
        pl.kernel,
        out_type=jax.ShapeDtypeStruct((_SC_ROWS,), jnp.float32),
        mesh=mesh,
        scratch_types=[
            pltpu.VMEM((_R, _D), jnp.float32),
            pltpu.VMEM((_R, _D), jnp.float32),
            pltpu.VMEM((_D,), jnp.float32),
            pltpu.VMEM((_TPW * _R,), jnp.float32),
            pltpu.VMEM((16, 17), jnp.float32),
            pltpu.SemaphoreType.DMA,
            pltpu.SemaphoreType.DMA,
            pltpu.SemaphoreType.DMA,
        ],
        compiler_params=pltpu.CompilerParams(needs_layout_passes=False),
    )(_sc_cosine)
    return f(x, user_embed)

# --- scband reference (transcript-rebuilt; emitter-appended) ---
"""Pipeline reference for scband-my-chat-bot-89687507075385 (READ-ONLY COPY).

The authoritative reference and input builder live on the scoring server;
editing this copy changes nothing except your own understanding.
"""

import jax, jax.numpy as jnp
import numpy as np


def setup_inputs(seed: int = 0) -> dict:
    key = jax.random.key(seed)
    k1, k2 = jax.random.split(key)
    # Candidate QA embedding bank (one big retrieval batch)
    x = jax.random.normal(k1, (100000, 768), dtype=jnp.float32)
    # Module state: user query embedding, shape (1, embed_dim) as set by set_user_embed
    user_embed = jax.random.normal(k2, (1, 768), dtype=jnp.float32)
    return {"x": x, "user_embed": user_embed}


def reference(x, user_embed):
    # Faithful translation of nn.CosineSimilarity(dim=-1)(user_embed, x)
    # torch clamps each norm to eps=1e-8 before dividing.
    eps = 1e-8
    num = jnp.sum(user_embed * x, axis=-1)              # broadcast (1,d)*(N,d) -> (N,)
    un = jnp.sqrt(jnp.sum(user_embed * user_embed, axis=-1))  # (1,)
    xn = jnp.sqrt(jnp.sum(x * x, axis=-1))              # (N,)
    denom = jnp.maximum(un, eps) * jnp.maximum(xn, eps)
    sim = num / denom
    return sim

if __name__ == "__main__":
    import jax
    _d = setup_inputs()
    print(jax.jit(kernel)(*tuple(_d.values())))

</pallas_src>

<mosaic_0001>
#map = affine_map<(d0, d1) -> (0, 0)>
#map1 = affine_map<(d0, d1) -> (0)>
module attributes {stable_mosaic.version = 14 : i64} {
  func.func @_sc_cosine(%arg0: i32, %arg1: i32, %arg2: memref<100000x768xf32, #tpu.memory_space<hbm>>, %arg3: memref<1x768xf32, #tpu.memory_space<hbm>>, %arg4: memref<100000xf32, #tpu.memory_space<hbm>>, %arg5: memref<32x768xf32, #tpu.memory_space<vmem>>, %arg6: memref<32x768xf32, #tpu.memory_space<vmem>>, %arg7: memref<768xf32, #tpu.memory_space<vmem>>, %arg8: memref<3136xf32, #tpu.memory_space<vmem>>, %arg9: memref<16x17xf32, #tpu.memory_space<vmem>>, %arg10: memref<!tpu.dma_semaphore, #tpu.memory_space<semaphore_mem>>, %arg11: memref<!tpu.dma_semaphore, #tpu.memory_space<semaphore_mem>>, %arg12: memref<!tpu.dma_semaphore, #tpu.memory_space<semaphore_mem>>) attributes {dimension_semantics = [#tpu.dimension_semantics<core_parallel>, #tpu.dimension_semantics<subcore_parallel>], iteration_bounds = array<i64: 2, 16>, scalar_prefetch = 0 : i64, scratch_operands = 8 : i64, tpu.core_type = #tpu.core_type<sc_vector_subcore>, window_params = [{transform_indices = #map}, {transform_indices = #map}, {transform_indices = #map1}]} {
    %mul3A = arith.constant 2 : i32
    %mul3A_0 = arith.muli %arg1, %mul3A : i32
    %add3A = arith.addi %mul3A_0, %arg0 : i32
    %lt3A = arith.constant 21 : i32
    %lt3A_1 = arith.cmpi slt, %add3A, %lt3A : i32
    %jit3A = arith.constant 98 : i32
    %jit3A_2 = arith.constant 97 : i32
    %select_n3A = arith.select %lt3A_1, %jit3A, %jit3A_2 : i32
    %mul3A_3 = arith.constant 97 : i32
    %mul3A_4 = arith.muli %add3A, %mul3A_3 : i32
    %min3A = arith.constant 21 : i32
    %min3A_5 = arith.minsi %add3A, %min3A : i32
    %add3A_6 = arith.addi %mul3A_4, %min3A_5 : i32
    %run_scoped3A = arith.constant 0 : i32
    "tpu.region"() ({
      %run_scoped3A_297 = tpu.sem_alloc : memref<!tpu.dma_semaphore, #tpu.memory_space<semaphore_mem>>
      %dma_start3A_298 = arith.constant 0 : i32
      %dma_start3A_299 = tpu.memref_slice %arg3[%run_scoped3A, %dma_start3A_298] : memref<1x768xf32, #tpu.memory_space<hbm>> -> memref<1x768xf32, #tpu.memory_space<hbm>>
      %dma_start3A_300 = tpu.memref_squeeze %dma_start3A_299 : memref<1x768xf32, #tpu.memory_space<hbm>> -> memref<768xf32, #tpu.memory_space<hbm>>
      %dma_start3A_301 = arith.constant 0 : i32
      %dma_start3A_302 = tpu.memref_slice %arg3[%run_scoped3A, %dma_start3A_301] : memref<1x768xf32, #tpu.memory_space<hbm>> -> memref<1x768xf32, #tpu.memory_space<hbm>>
      %dma_start3A_303 = tpu.memref_squeeze %dma_start3A_302 : memref<1x768xf32, #tpu.memory_space<hbm>> -> memref<768xf32, #tpu.memory_space<hbm>>
      tpu.enqueue_dma source(%dma_start3A_303 : memref<768xf32, #tpu.memory_space<hbm>>) target(%arg7 : memref<768xf32, #tpu.memory_space<vmem>>) target_semaphore(%run_scoped3A_297 : memref<!tpu.dma_semaphore, #tpu.memory_space<semaphore_mem>>)
      %dma_wait3A = arith.constant 0 : i32
      %dma_wait3A_304 = tpu.memref_slice %arg3[%run_scoped3A, %dma_wait3A] : memref<1x768xf32, #tpu.memory_space<hbm>> -> memref<1x768xf32, #tpu.memory_space<hbm>>
      %dma_wait3A_305 = tpu.memref_squeeze %dma_wait3A_304 : memref<1x768xf32, #tpu.memory_space<hbm>> -> memref<768xf32, #tpu.memory_space<hbm>>
      %dma_wait3A_306 = arith.constant 0 : i32
      %dma_wait3A_307 = tpu.memref_slice %arg3[%run_scoped3A, %dma_wait3A_306] : memref<1x768xf32, #tpu.memory_space<hbm>> -> memref<1x768xf32, #tpu.memory_space<hbm>>
      %dma_wait3A_308 = tpu.memref_squeeze %dma_wait3A_307 : memref<1x768xf32, #tpu.memory_space<hbm>> -> memref<768xf32, #tpu.memory_space<hbm>>
      tpu.wait_dma2 semaphore(%run_scoped3A_297 : memref<!tpu.dma_semaphore, #tpu.memory_space<semaphore_mem>>) src(%dma_wait3A_308 : memref<768xf32, #tpu.memory_space<hbm>>) dst(%arg7 : memref<768xf32, #tpu.memory_space<vmem>>)
      tpu.yield
    }) : () -> ()
    %broadcast_in_dim3A = arith.constant 0.000000e+00 : f32
    %broadcast_in_dim3A_7 = vector.broadcast %broadcast_in_dim3A : f32 to vector<16xf32>
    %get3A = arith.constant 0 : index
    %get3A_8 = tpu.vector_load %arg7[%get3A] {strides = array<i32>} : memref<768xf32, #tpu.memory_space<vmem>>, vector<16xf32>,
    %mul3A_9 = arith.mulf %get3A_8, %get3A_8 : vector<16xf32>
    %add3A_10 = arith.addf %broadcast_in_dim3A_7, %mul3A_9 : vector<16xf32>
    %get3A_11 = arith.constant 16 : index
    %get3A_12 = tpu.vector_load %arg7[%get3A_11] {strides = array<i32>} : memref<768xf32, #tpu.memory_space<vmem>>, vector<16xf32>,
    %mul3A_13 = arith.mulf %get3A_12, %get3A_12 : vector<16xf32>
    %add3A_14 = arith.addf %add3A_10, %mul3A_13 : vector<16xf32>
    %get3A_15 = arith.constant 32 : index
    %get3A_16 = tpu.vector_load %arg7[%get3A_15] {strides = array<i32>} : memref<768xf32, #tpu.memory_space<vmem>>, vector<16xf32>,
    %mul3A_17 = arith.mulf %get3A_16, %get3A_16 : vector<16xf32>
    %add3A_18 = arith.addf %add3A_14, %mul3A_17 : vector<16xf32>
    %get3A_19 = arith.constant 48 : index
    %get3A_20 = tpu.vector_load %arg7[%get3A_19] {strides = array<i32>} : memref<768xf32, #tpu.memory_space<vmem>>, vector<16xf32>,
    %mul3A_21 = arith.mulf %get3A_20, %get3A_20 : vector<16xf32>
    %add3A_22 = arith.addf %add3A_18, %mul3A_21 : vector<16xf32>
    %get3A_23 = arith.constant 64 : index
    %get3A_24 = tpu.vector_load %arg7[%get3A_23] {strides = array<i32>} : memref<768xf32, #tpu.memory_space<vmem>>, vector<16xf32>,
    %mul3A_25 = arith.mulf %get3A_24, %get3A_24 : vector<16xf32>
    %add3A_26 = arith.addf %add3A_22, %mul3A_25 : vector<16xf32>
    %get3A_27 = arith.constant 80 : index
    %get3A_28 = tpu.vector_load %arg7[%get3A_27] {strides = array<i32>} : memref<768xf32, #tpu.memory_space<vmem>>, vector<16xf32>,
    %mul3A_29 = arith.mulf %get3A_28, %get3A_28 : vector<16xf32>
    %add3A_30 = arith.addf %add3A_26, %mul3A_29 : vector<16xf32>
    %get3A_31 = arith.constant 96 : index
    %get3A_32 = tpu.vector_load %arg7[%get3A_31] {strides = array<i32>} : memref<768xf32, #tpu.memory_space<vmem>>, vector<16xf32>,
    %mul3A_33 = arith.mulf %get3A_32, %get3A_32 : vector<16xf32>
    %add3A_34 = arith.addf %add3A_30, %mul3A_33 : vector<16xf32>
    %get3A_35 = arith.constant 112 : index
    %get3A_36 = tpu.vector_load %arg7[%get3A_35] {strides = array<i32>} : memref<768xf32, #tpu.memory_space<vmem>>, vector<16xf32>,
    %mul3A_37 = arith.mulf %get3A_36, %get3A_36 : vector<16xf32>
    %add3A_38 = arith.addf %add3A_34, %mul3A_37 : vector<16xf32>
    %get3A_39 = arith.constant 128 : index
    %get3A_40 = tpu.vector_load %arg7[%get3A_39] {strides = array<i32>} : memref<768xf32, #tpu.memory_space<vmem>>, vector<16xf32>,
    %mul3A_41 = arith.mulf %get3A_40, %get3A_40 : vector<16xf32>
    %add3A_42 = arith.addf %add3A_38, %mul3A_41 : vector<16xf32>
    %get3A_43 = arith.constant 144 : index
    %get3A_44 = tpu.vector_load %arg7[%get3A_43] {strides = array<i32>} : memref<768xf32, #tpu.memory_space<vmem>>, vector<16xf32>,
    %mul3A_45 = arith.mulf %get3A_44, %get3A_44 : vector<16xf32>
    %add3A_46 = arith.addf %add3A_42, %mul3A_45 : vector<16xf32>
    %get3A_47 = arith.constant 160 : index
    %get3A_48 = tpu.vector_load %arg7[%get3A_47] {strides = array<i32>} : memref<768xf32, #tpu.memory_space<vmem>>, vector<16xf32>,
    %mul3A_49 = arith.mulf %get3A_48, %get3A_48 : vector<16xf32>
    %add3A_50 = arith.addf %add3A_46, %mul3A_49 : vector<16xf32>
    %get3A_51 = arith.constant 176 : index
    %get3A_52 = tpu.vector_load %arg7[%get3A_51] {strides = array<i32>} : memref<768xf32, #tpu.memory_space<vmem>>, vector<16xf32>,
    %mul3A_53 = arith.mulf %get3A_52, %get3A_52 : vector<16xf32>
    %add3A_54 = arith.addf %add3A_50, %mul3A_53 : vector<16xf32>
    %get3A_55 = arith.constant 192 : index
    %get3A_56 = tpu.vector_load %arg7[%get3A_55] {strides = array<i32>} : memref<768xf32, #tpu.memory_space<vmem>>, vector<16xf32>,
    %mul3A_57 = arith.mulf %get3A_56, %get3A_56 : vector<16xf32>
    %add3A_58 = arith.addf %add3A_54, %mul3A_57 : vector<16xf32>
    %get3A_59 = arith.constant 208 : index
    %get3A_60 = tpu.vector_load %arg7[%get3A_59] {strides = array<i32>} : memref<768xf32, #tpu.memory_space<vmem>>, vector<16xf32>,
    %mul3A_61 = arith.mulf %get3A_60, %get3A_60 : vector<16xf32>
    %add3A_62 = arith.addf %add3A_58, %mul3A_61 : vector<16xf32>
    %get3A_63 = arith.constant 224 : index
    %get3A_64 = tpu.vector_load %arg7[%get3A_63] {strides = array<i32>} : memref<768xf32, #tpu.memory_space<vmem>>, vector<16xf32>,
    %mul3A_65 = arith.mulf %get3A_64, %get3A_64 : vector<16xf32>
    %add3A_66 = arith.addf %add3A_62, %mul3A_65 : vector<16xf32>
    %get3A_67 = arith.constant 240 : index
    %get3A_68 = tpu.vector_load %arg7[%get3A_67] {strides = array<i32>} : memref<768xf32, #tpu.memory_space<vmem>>, vector<16xf32>,
    %mul3A_69 = arith.mulf %get3A_68, %get3A_68 : vector<16xf32>
    %add3A_70 = arith.addf %add3A_66, %mul3A_69 : vector<16xf32>
    %get3A_71 = arith.constant 256 : index
    %get3A_72 = tpu.vector_load %arg7[%get3A_71] {strides = array<i32>} : memref<768xf32, #tpu.memory_space<vmem>>, vector<16xf32>,
    %mul3A_73 = arith.mulf %get3A_72, %get3A_72 : vector<16xf32>
    %add3A_74 = arith.addf %add3A_70, %mul3A_73 : vector<16xf32>
    %get3A_75 = arith.constant 272 : index
    %get3A_76 = tpu.vector_load %arg7[%get3A_75] {strides = array<i32>} : memref<768xf32, #tpu.memory_space<vmem>>, vector<16xf32>,
    %mul3A_77 = arith.mulf %get3A_76, %get3A_76 : vector<16xf32>
    %add3A_78 = arith.addf %add3A_74, %mul3A_77 : vector<16xf32>
    %get3A_79 = arith.constant 288 : index
    %get3A_80 = tpu.vector_load %arg7[%get3A_79] {strides = array<i32>} : memref<768xf32, #tpu.memory_space<vmem>>, vector<16xf32>,
    %mul3A_81 = arith.mulf %get3A_80, %get3A_80 : vector<16xf32>
    %add3A_82 = arith.addf %add3A_78, %mul3A_81 : vector<16xf32>
    %get3A_83 = arith.constant 304 : index
    %get3A_84 = tpu.vector_load %arg7[%get3A_83] {strides = array<i32>} : memref<768xf32, #tpu.memory_space<vmem>>, vector<16xf32>,
    %mul3A_85 = arith.mulf %get3A_84, %get3A_84 : vector<16xf32>
    %add3A_86 = arith.addf %add3A_82, %mul3A_85 : vector<16xf32>
    %get3A_87 = arith.constant 320 : index
    %get3A_88 = tpu.vector_load %arg7[%get3A_87] {strides = array<i32>} : memref<768xf32, #tpu.memory_space<vmem>>, vector<16xf32>,
    %mul3A_89 = arith.mulf %get3A_88, %get3A_88 : vector<16xf32>
    %add3A_90 = arith.addf %add3A_86, %mul3A_89 : vector<16xf32>
    %get3A_91 = arith.constant 336 : index
    %get3A_92 = tpu.vector_load %arg7[%get3A_91] {strides = array<i32>} : memref<768xf32, #tpu.memory_space<vmem>>, vector<16xf32>,
    %mul3A_93 = arith.mulf %get3A_92, %get3A_92 : vector<16xf32>
    %add3A_94 = arith.addf %add3A_90, %mul3A_93 : vector<16xf32>
    %get3A_95 = arith.constant 352 : index
    %get3A_96 = tpu.vector_load %arg7[%get3A_95] {strides = array<i32>} : memref<768xf32, #tpu.memory_space<vmem>>, vector<16xf32>,
    %mul3A_97 = arith.mulf %get3A_96, %get3A_96 : vector<16xf32>
    %add3A_98 = arith.addf %add3A_94, %mul3A_97 : vector<16xf32>
    %get3A_99 = arith.constant 368 : index
    %get3A_100 = tpu.vector_load %arg7[%get3A_99] {strides = array<i32>} : memref<768xf32, #tpu.memory_space<vmem>>, vector<16xf32>,
    %mul3A_101 = arith.mulf %get3A_100, %get3A_100 : vector<16xf32>
    %add3A_102 = arith.addf %add3A_98, %mul3A_101 : vector<16xf32>
    %get3A_103 = arith.constant 384 : index
    %get3A_104 = tpu.vector_load %arg7[%get3A_103] {strides = array<i32>} : memref<768xf32, #tpu.memory_space<vmem>>, vector<16xf32>,
    %mul3A_105 = arith.mulf %get3A_104, %get3A_104 : vector<16xf32>
    %add3A_106 = arith.addf %add3A_102, %mul3A_105 : vector<16xf32>
    %get3A_107 = arith.constant 400 : index
    %get3A_108 = tpu.vector_load %arg7[%get3A_107] {strides = array<i32>} : memref<768xf32, #tpu.memory_space<vmem>>, vector<16xf32>,
    %mul3A_109 = arith.mulf %get3A_108, %get3A_108 : vector<16xf32>
    %add3A_110 = arith.addf %add3A_106, %mul3A_109 : vector<16xf32>
    %get3A_111 = arith.constant 416 : index
    %get3A_112 = tpu.vector_load %arg7[%get3A_111] {strides = array<i32>} : memref<768xf32, #tpu.memory_space<vmem>>, vector<16xf32>,
    %mul3A_113 = arith.mulf %get3A_112, %get3A_112 : vector<16xf32>
    %add3A_114 = arith.addf %add3A_110, %mul3A_113 : vector<16xf32>
    %get3A_115 = arith.constant 432 : index
    %get3A_116 = tpu.vector_load %arg7[%get3A_115] {strides = array<i32>} : memref<768xf32, #tpu.memory_space<vmem>>, vector<16xf32>,
    %mul3A_117 = arith.mulf %get3A_116, %get3A_116 : vector<16xf32>
    %add3A_118 = arith.addf %add3A_114, %mul3A_117 : vector<16xf32>
    %get3A_119 = arith.constant 448 : index
    %get3A_120 = tpu.vector_load %arg7[%get3A_119] {strides = array<i32>} : memref<768xf32, #tpu.memory_space<vmem>>, vector<16xf32>,
    %mul3A_121 = arith.mulf %get3A_120, %get3A_120 : vector<16xf32>
    %add3A_122 = arith.addf %add3A_118, %mul3A_121 : vector<16xf32>
    %get3A_123 = arith.constant 464 : index
    %get3A_124 = tpu.vector_load %arg7[%get3A_123] {strides = array<i32>} : memref<768xf32, #tpu.memory_space<vmem>>, vector<16xf32>,
    %mul3A_125 = arith.mulf %get3A_124, %get3A_124 : vector<16xf32>
    %add3A_126 = arith.addf %add3A_122, %mul3A_125 : vector<16xf32>
    %get3A_127 = arith.constant 480 : index
    %get3A_128 = tpu.vector_load %arg7[%get3A_127] {strides = array<i32>} : memref<768xf32, #tpu.memory_space<vmem>>, vector<16xf32>,
    %mul3A_129 = arith.mulf %get3A_128, %get3A_128 : vector<16xf32>
    %add3A_130 = arith.addf %add3A_126, %mul3A_129 : vector<16xf32>
    %get3A_131 = arith.constant 496 : index
    %get3A_132 = tpu.vector_load %arg7[%get3A_131] {strides = array<i32>} : memref<768xf32, #tpu.memory_space<vmem>>, vector<16xf32>,
    %mul3A_133 = arith.mulf %get3A_132, %get3A_132 : vector<16xf32>
    %add3A_134 = arith.addf %add3A_130, %mul3A_133 : vector<16xf32>
    %get3A_135 = arith.constant 512 : index
    %get3A_136 = tpu.vector_load %arg7[%get3A_135] {strides = array<i32>} : memref<768xf32, #tpu.memory_space<vmem>>, vector<16xf32>,
    %mul3A_137 = arith.mulf %get3A_136, %get3A_136 : vector<16xf32>
    %add3A_138 = arith.addf %add3A_134, %mul3A_137 : vector<16xf32>
    %get3A_139 = arith.constant 528 : index
    %get3A_140 = tpu.vector_load %arg7[%get3A_139] {strides = array<i32>} : memref<768xf32, #tpu.memory_space<vmem>>, vector<16xf32>,
    %mul3A_141 = arith.mulf %get3A_140, %get3A_140 : vector<16xf32>
    %add3A_142 = arith.addf %add3A_138, %mul3A_141 : vector<16xf32>
    %get3A_143 = arith.constant 544 : index
    %get3A_144 = tpu.vector_load %arg7[%get3A_143] {strides = array<i32>} : memref<768xf32, #tpu.memory_space<vmem>>, vector<16xf32>,
    %mul3A_145 = arith.mulf %get3A_144, %get3A_144 : vector<16xf32>
    %add3A_146 = arith.addf %add3A_142, %mul3A_145 : vector<16xf32>
    %get3A_147 = arith.constant 560 : index
    %get3A_148 = tpu.vector_load %arg7[%get3A_147] {strides = array<i32>} : memref<768xf32, #tpu.memory_space<vmem>>, vector<16xf32>,
    %mul3A_149 = arith.mulf %get3A_148, %get3A_148 : vector<16xf32>
    %add3A_150 = arith.addf %add3A_146, %mul3A_149 : vector<16xf32>
    %get3A_151 = arith.constant 576 : index
    %get3A_152 = tpu.vector_load %arg7[%get3A_151] {strides = array<i32>} : memref<768xf32, #tpu.memory_space<vmem>>, vector<16xf32>,
    %mul3A_153 = arith.mulf %get3A_152, %get3A_152 : vector<16xf32>
    %add3A_154 = arith.addf %add3A_150, %mul3A_153 : vector<16xf32>
    %get3A_155 = arith.constant 592 : index
    %get3A_156 = tpu.vector_load %arg7[%get3A_155] {strides = array<i32>} : memref<768xf32, #tpu.memory_space<vmem>>, vector<16xf32>,
    %mul3A_157 = arith.mulf %get3A_156, %get3A_156 : vector<16xf32>
    %add3A_158 = arith.addf %add3A_154, %mul3A_157 : vector<16xf32>
    %get3A_159 = arith.constant 608 : index
    %get3A_160 = tpu.vector_load %arg7[%get3A_159] {strides = array<i32>} : memref<768xf32, #tpu.memory_space<vmem>>, vector<16xf32>,
    %mul3A_161 = arith.mulf %get3A_160, %get3A_160 : vector<16xf32>
    %add3A_162 = arith.addf %add3A_158, %mul3A_161 : vector<16xf32>
    %get3A_163 = arith.constant 624 : index
    %get3A_164 = tpu.vector_load %arg7[%get3A_163] {strides = array<i32>} : memref<768xf32, #tpu.memory_space<vmem>>, vector<16xf32>,
    %mul3A_165 = arith.mulf %get3A_164, %get3A_164 : vector<16xf32>
    %add3A_166 = arith.addf %add3A_162, %mul3A_165 : vector<16xf32>
    %get3A_167 = arith.constant 640 : index
    %get3A_168 = tpu.vector_load %arg7[%get3A_167] {strides = array<i32>} : memref<768xf32, #tpu.memory_space<vmem>>, vector<16xf32>,
    %mul3A_169 = arith.mulf %get3A_168, %get3A_168 : vector<16xf32>
    %add3A_170 = arith.addf %add3A_166, %mul3A_169 : vector<16xf32>
    %get3A_171 = arith.constant 656 : index
    %get3A_172 = tpu.vector_load %arg7[%get3A_171] {strides = array<i32>} : memref<768xf32, #tpu.memory_space<vmem>>, vector<16xf32>,
    %mul3A_173 = arith.mulf %get3A_172, %get3A_172 : vector<16xf32>
    %add3A_174 = arith.addf %add3A_170, %mul3A_173 : vector<16xf32>
    %get3A_175 = arith.constant 672 : index
    %get3A_176 = tpu.vector_load %arg7[%get3A_175] {strides = array<i32>} : memref<768xf32, #tpu.memory_space<vmem>>, vector<16xf32>,
    %mul3A_177 = arith.mulf %get3A_176, %get3A_176 : vector<16xf32>
    %add3A_178 = arith.addf %add3A_174, %mul3A_177 : vector<16xf32>
    %get3A_179 = arith.constant 688 : index
    %get3A_180 = tpu.vector_load %arg7[%get3A_179] {strides = array<i32>} : memref<768xf32, #tpu.memory_space<vmem>>, vector<16xf32>,
    %mul3A_181 = arith.mulf %get3A_180, %get3A_180 : vector<16xf32>
    %add3A_182 = arith.addf %add3A_178, %mul3A_181 : vector<16xf32>
    %get3A_183 = arith.constant 704 : index
    %get3A_184 = tpu.vector_load %arg7[%get3A_183] {strides = array<i32>} : memref<768xf32, #tpu.memory_space<vmem>>, vector<16xf32>,
    %mul3A_185 = arith.mulf %get3A_184, %get3A_184 : vector<16xf32>
    %add3A_186 = arith.addf %add3A_182, %mul3A_185 : vector<16xf32>
    %get3A_187 = arith.constant 720 : index
    %get3A_188 = tpu.vector_load %arg7[%get3A_187] {strides = array<i32>} : memref<768xf32, #tpu.memory_space<vmem>>, vector<16xf32>,
    %mul3A_189 = arith.mulf %get3A_188, %get3A_188 : vector<16xf32>
    %add3A_190 = arith.addf %add3A_186, %mul3A_189 : vector<16xf32>
    %get3A_191 = arith.constant 736 : index
    %get3A_192 = tpu.vector_load %arg7[%get3A_191] {strides = array<i32>} : memref<768xf32, #tpu.memory_space<vmem>>, vector<16xf32>,
    %mul3A_193 = arith.mulf %get3A_192, %get3A_192 : vector<16xf32>
    %add3A_194 = arith.addf %add3A_190, %mul3A_193 : vector<16xf32>
    %get3A_195 = arith.constant 752 : index
    %get3A_196 = tpu.vector_load %arg7[%get3A_195] {strides = array<i32>} : memref<768xf32, #tpu.memory_space<vmem>>, vector<16xf32>,
    %mul3A_197 = arith.mulf %get3A_196, %get3A_196 : vector<16xf32>
    %add3A_198 = arith.addf %add3A_194, %mul3A_197 : vector<16xf32>
    %iota3A = tpu.iota {dimensions = array<i32: 0>} : vector<16xi32>
    %swap3A = arith.constant 0 : i32
    %swap3A_199 = arith.index_cast %swap3A : i32 to index
    %swap3A_200 = arith.constant 0 : index
    %swap3A_201 = tpu.vector_load %arg9[%swap3A_199, %swap3A_200] {strides = array<i32>} : memref<16x17xf32, #tpu.memory_space<vmem>>, vector<16xf32>,
    tpu.vector_store %arg9[%swap3A_199, %swap3A_200], %add3A_198 {strides = array<i32>} : memref<16x17xf32, #tpu.memory_space<vmem>>, vector<16xf32>,
    %broadcast_in_dim3A_202 = arith.constant 0 : i32
    %broadcast_in_dim3A_203 = vector.broadcast %broadcast_in_dim3A_202 : i32 to vector<16xi32>
    %xor3A = arith.constant 1 : i32
    %xor3A_204 = vector.broadcast %xor3A : i32 to vector<16xi32>
    %xor3A_205 = arith.xori %iota3A, %xor3A_204 : vector<16xi32>
    %gather3A = tpu.vector_load_idx %arg9[%broadcast_in_dim3A_203, %xor3A_205] : memref<16x17xf32, #tpu.memory_space<vmem>>[vector<16xi32>, vector<16xi32>], vector<16xf32>,
    %add3A_206 = arith.addf %add3A_198, %gather3A : vector<16xf32>
    %swap3A_207 = arith.constant 0 : i32
    %swap3A_208 = arith.index_cast %swap3A_207 : i32 to index
    %swap3A_209 = arith.constant 0 : index
    %swap3A_210 = tpu.vector_load %arg9[%swap3A_208, %swap3A_209] {strides = array<i32>} : memref<16x17xf32, #tpu.memory_space<vmem>>, vector<16xf32>,
    tpu.vector_store %arg9[%swap3A_208, %swap3A_209], %add3A_206 {strides = array<i32>} : memref<16x17xf32, #tpu.memory_space<vmem>>, vector<16xf32>,
    %broadcast_in_dim3A_211 = arith.constant 0 : i32
    %broadcast_in_dim3A_212 = vector.broadcast %broadcast_in_dim3A_211 : i32 to vector<16xi32>
    %xor3A_213 = arith.constant 2 : i32
    %xor3A_214 = vector.broadcast %xor3A_213 : i32 to vector<16xi32>
    %xor3A_215 = arith.xori %iota3A, %xor3A_214 : vector<16xi32>
    %gather3A_216 = tpu.vector_load_idx %arg9[%broadcast_in_dim3A_212, %xor3A_215] : memref<16x17xf32, #tpu.memory_space<vmem>>[vector<16xi32>, vector<16xi32>], vector<16xf32>,
    %add3A_217 = arith.addf %add3A_206, %gather3A_216 : vector<16xf32>
    %swap3A_218 = arith.constant 0 : i32
    %swap3A_219 = arith.index_cast %swap3A_218 : i32 to index
    %swap3A_220 = arith.constant 0 : index
    %swap3A_221 = tpu.vector_load %arg9[%swap3A_219, %swap3A_220] {strides = array<i32>} : memref<16x17xf32, #tpu.memory_space<vmem>>, vector<16xf32>,
    tpu.vector_store %arg9[%swap3A_219, %swap3A_220], %add3A_217 {strides = array<i32>} : memref<16x17xf32, #tpu.memory_space<vmem>>, vector<16xf32>,
    %broadcast_in_dim3A_222 = arith.constant 0 : i32
    %broadcast_in_dim3A_223 = vector.broadcast %broadcast_in_dim3A_222 : i32 to vector<16xi32>
    %xor3A_224 = arith.constant 4 : i32
    %xor3A_225 = vector.broadcast %xor3A_224 : i32 to vector<16xi32>
    %xor3A_226 = arith.xori %iota3A, %xor3A_225 : vector<16xi32>
    %gather3A_227 = tpu.vector_load_idx %arg9[%broadcast_in_dim3A_223, %xor3A_226] : memref<16x17xf32, #tpu.memory_space<vmem>>[vector<16xi32>, vector<16xi32>], vector<16xf32>,
    %add3A_228 = arith.addf %add3A_217, %gather3A_227 : vector<16xf32>
    %swap3A_229 = arith.constant 0 : i32
    %swap3A_230 = arith.index_cast %swap3A_229 : i32 to index
    %swap3A_231 = arith.constant 0 : index
    %swap3A_232 = tpu.vector_load %arg9[%swap3A_230, %swap3A_231] {strides = array<i32>} : memref<16x17xf32, #tpu.memory_space<vmem>>, vector<16xf32>,
    tpu.vector_store %arg9[%swap3A_230, %swap3A_231], %add3A_228 {strides = array<i32>} : memref<16x17xf32, #tpu.memory_space<vmem>>, vector<16xf32>,
    %broadcast_in_dim3A_233 = arith.constant 0 : i32
    %broadcast_in_dim3A_234 = vector.broadcast %broadcast_in_dim3A_233 : i32 to vector<16xi32>
    %xor3A_235 = arith.constant 8 : i32
    %xor3A_236 = vector.broadcast %xor3A_235 : i32 to vector<16xi32>
    %xor3A_237 = arith.xori %iota3A, %xor3A_236 : vector<16xi32>
    %gather3A_238 = tpu.vector_load_idx %arg9[%broadcast_in_dim3A_234, %xor3A_237] : memref<16x17xf32, #tpu.memory_space<vmem>>[vector<16xi32>, vector<16xi32>], vector<16xf32>,
    %add3A_239 = arith.addf %add3A_228, %gather3A_238 : vector<16xf32>
    %max3A = arith.constant 1.000000e-30 : f32
    %max3A_240 = vector.broadcast %max3A : f32 to vector<16xf32>
    %max3A_241 = arith.maximumf %add3A_239, %max3A_240 : vector<16xf32>
    %bitcast3A = vector.bitcast %max3A_241 : vector<16xf32> to vector<16xi32>
    %shift_right_logical3A = arith.constant 1 : i32
    %shift_right_logical3A_242 = vector.broadcast %shift_right_logical3A : i32 to vector<16xi32>
    %shift_right_logical3A_243 = arith.shrui %bitcast3A, %shift_right_logical3A_242 : vector<16xi32>
    %sub3A = arith.constant 1597463007 : i32
    %sub3A_244 = vector.broadcast %sub3A : i32 to vector<16xi32>
    %sub3A_245 = arith.subi %sub3A_244, %shift_right_logical3A_243 : vector<16xi32>
    %bitcast3A_246 = vector.bitcast %sub3A_245 : vector<16xi32> to vector<16xf32>
    %mul3A_247 = arith.constant 5.000000e-01 : f32
    %mul3A_248 = vector.broadcast %mul3A_247 : f32 to vector<16xf32>
    %mul3A_249 = arith.mulf %mul3A_248, %max3A_241 : vector<16xf32>
    %mul3A_250 = arith.mulf %mul3A_249, %bitcast3A_246 : vector<16xf32>
    %mul3A_251 = arith.mulf %mul3A_250, %bitcast3A_246 : vector<16xf32>
    %sub3A_252 = arith.constant 1.500000e+00 : f32
    %sub3A_253 = vector.broadcast %sub3A_252 : f32 to vector<16xf32>
    %sub3A_254 = arith.subf %sub3A_253, %mul3A_251 : vector<16xf32>
    %mul3A_255 = arith.mulf %bitcast3A_246, %sub3A_254 : vector<16xf32>
    %mul3A_256 = arith.constant 5.000000e-01 : f32
    %mul3A_257 = vector.broadcast %mul3A_256 : f32 to vector<16xf32>
    %mul3A_258 = arith.mulf %mul3A_257, %max3A_241 : vector<16xf32>
    %mul3A_259 = arith.mulf %mul3A_258, %mul3A_255 : vector<16xf32>
    %mul3A_260 = arith.mulf %mul3A_259, %mul3A_255 : vector<16xf32>
    %sub3A_261 = arith.constant 1.500000e+00 : f32
    %sub3A_262 = vector.broadcast %sub3A_261 : f32 to vector<16xf32>
    %sub3A_263 = arith.subf %sub3A_262, %mul3A_260 : vector<16xf32>
    %mul3A_264 = arith.mulf %mul3A_255, %sub3A_263 : vector<16xf32>
    %mul3A_265 = arith.constant 5.000000e-01 : f32
    %mul3A_266 = vector.broadcast %mul3A_265 : f32 to vector<16xf32>
    %mul3A_267 = arith.mulf %mul3A_266, %max3A_241 : vector<16xf32>
    %mul3A_268 = arith.mulf %mul3A_267, %mul3A_264 : vector<16xf32>
    %mul3A_269 = arith.mulf %mul3A_268, %mul3A_264 : vector<16xf32>
    %sub3A_270 = arith.constant 1.500000e+00 : f32
    %sub3A_271 = vector.broadcast %sub3A_270 : f32 to vector<16xf32>
    %sub3A_272 = arith.subf %sub3A_271, %mul3A_269 : vector<16xf32>
    %mul3A_273 = arith.mulf %mul3A_264, %sub3A_272 : vector<16xf32>
    %mul3A_274 = arith.mulf %add3A_239, %mul3A_273 : vector<16xf32>
    %max3A_275 = arith.constant 9.99999993E-9 : f32
    %max3A_276 = vector.broadcast %max3A_275 : f32 to vector<16xf32>
    %max3A_277 = arith.maximumf %mul3A_274, %max3A_276 : vector<16xf32>
    %broadcast_in_dim3A_278 = arith.constant 0.000000e+00 : f32
    %broadcast_in_dim3A_279 = vector.broadcast %broadcast_in_dim3A_278 : f32 to vector<16xf32>
    %mul3A_280 = arith.constant 32 : i32
    %mul3A_281 = arith.muli %add3A_6, %mul3A_280 : i32
    %dma_start3A = arith.constant 0 : i32
    %dma_start3A_282 = tpu.memref_slice %arg2[%mul3A_281, %dma_start3A] : memref<100000x768xf32, #tpu.memory_space<hbm>> -> memref<32x768xf32, #tpu.memory_space<hbm>>
    %dma_start3A_283 = arith.constant 0 : i32
    %dma_start3A_284 = tpu.memref_slice %arg2[%mul3A_281, %dma_start3A_283] : memref<100000x768xf32, #tpu.memory_space<hbm>> -> memref<32x768xf32, #tpu.memory_space<hbm>>
    tpu.enqueue_dma source(%dma_start3A_284 : memref<32x768xf32, #tpu.memory_space<hbm>>) target(%arg5 : memref<32x768xf32, #tpu.memory_space<vmem>>) target_semaphore(%arg10 : memref<!tpu.dma_semaphore, #tpu.memory_space<semaphore_mem>>)
    %scan3A = arith.constant 0 : i32
    %scan3A_285 = arith.constant 0 : i32
    %scan3A_286 = arith.constant 49 : i32
    %scan3A_287 = arith.addi %scan3A_285, %scan3A_286 : i32
    %scan3A_288 = arith.constant 1 : i32
    %scan3A_289 = scf.for %scan3A_297 = %scan3A_285 to %scan3A_287 step %scan3A_288 iter_args(%scan3A_298 = %scan3A) -> (i32)  : i32 {
      %mul3A_299 = arith.constant 2 : i32
      %mul3A_300 = arith.muli %scan3A_297, %mul3A_299 : i32
      %add3A_301 = arith.constant 0 : i32
      %add3A_302 = arith.addi %mul3A_300, %add3A_301 : i32
      %add3A_303 = arith.addi %add3A_6, %add3A_302 : i32
      %lt3A_304 = arith.cmpi slt, %add3A_302, %select_n3A : i32
      %convert_element_type3A_305 = arith.extui %lt3A_304 : i1 to i32
      %cond3A_306 = arith.constant 0 : i32
      %cond3A_307 = arith.cmpi ne, %convert_element_type3A_305, %cond3A_306 : i32
      scf.if %cond3A_307 {
        %add3A_318 = arith.constant 1 : i32
        %add3A_319 = arith.addi %add3A_302, %add3A_318 : i32
        %lt3A_320 = arith.cmpi slt, %add3A_319, %select_n3A : i32
        %convert_element_type3A_321 = arith.extui %lt3A_320 : i1 to i32
        %cond3A_322 = arith.constant 0 : i32
        %cond3A_323 = arith.cmpi ne, %convert_element_type3A_321, %cond3A_322 : i32
        scf.if %cond3A_323 {
          %add3A_952 = arith.constant 1 : i32
          %add3A_953 = arith.addi %add3A_303, %add3A_952 : i32
          %mul3A_954 = arith.constant 32 : i32
          %mul3A_955 = arith.muli %add3A_953, %mul3A_954 : i32
          %dma_start3A_956 = arith.constant 0 : i32
          %dma_start3A_957 = tpu.memref_slice %arg2[%mul3A_955, %dma_start3A_956] : memref<100000x768xf32, #tpu.memory_space<hbm>> -> memref<32x768xf32, #tpu.memory_space<hbm>>
          %dma_start3A_958 = arith.constant 0 : i32
          %dma_start3A_959 = tpu.memref_slice %arg2[%mul3A_955, %dma_start3A_958] : memref<100000x768xf32, #tpu.memory_space<hbm>> -> memref<32x768xf32, #tpu.memory_space<hbm>>
          tpu.enqueue_dma source(%dma_start3A_959 : memref<32x768xf32, #tpu.memory_space<hbm>>) target(%arg6 : memref<32x768xf32, #tpu.memory_space<vmem>>) target_semaphore(%arg11 : memref<!tpu.dma_semaphore, #tpu.memory_space<semaphore_mem>>)
        } else {
        }
        %mul3A_324 = arith.constant 32 : i32
        %mul3A_325 = arith.muli %add3A_303, %mul3A_324 : i32
        %dma_wait3A = arith.constant 0 : i32
        %dma_wait3A_326 = tpu.memref_slice %arg2[%mul3A_325, %dma_wait3A] : memref<100000x768xf32, #tpu.memory_space<hbm>> -> memref<32x768xf32, #tpu.memory_space<hbm>>
        %dma_wait3A_327 = arith.constant 0 : i32
        %dma_wait3A_328 = tpu.memref_slice %arg2[%mul3A_325, %dma_wait3A_327] : memref<100000x768xf32, #tpu.memory_space<hbm>> -> memref<32x768xf32, #tpu.memory_space<hbm>>
        tpu.wait_dma2 semaphore(%arg10 : memref<!tpu.dma_semaphore, #tpu.memory_space<semaphore_mem>>) src(%dma_wait3A_328 : memref<32x768xf32, #tpu.memory_space<hbm>>) dst(%arg5 : memref<32x768xf32, #tpu.memory_space<vmem>>)
        %scan3A_329 = arith.constant 0 : i32
        %scan3A_330 = arith.constant 48 : i32
        %scan3A_331 = arith.addi %scan3A_329, %scan3A_330 : i32
        %scan3A_332 = arith.constant 2 : i32
        %scan3A_333:32 = scf.for %scan3A_952 = %scan3A_329 to %scan3A_331 step %scan3A_332 iter_args(%scan3A_953 = %broadcast_in_dim3A_279, %scan3A_954 = %broadcast_in_dim3A_279, %scan3A_955 = %broadcast_in_dim3A_279, %scan3A_956 = %broadcast_in_dim3A_279, %scan3A_957 = %broadcast_in_dim3A_279, %scan3A_958 = %broadcast_in_dim3A_279, %scan3A_959 = %broadcast_in_dim3A_279, %scan3A_960 = %broadcast_in_dim3A_279, %scan3A_961 = %broadcast_in_dim3A_279, %scan3A_962 = %broadcast_in_dim3A_279, %scan3A_963 = %broadcast_in_dim3A_279, %scan3A_964 = %broadcast_in_dim3A_279, %scan3A_965 = %broadcast_in_dim3A_279, %scan3A_966 = %broadcast_in_dim3A_279, %scan3A_967 = %broadcast_in_dim3A_279, %scan3A_968 = %broadcast_in_dim3A_279, %scan3A_969 = %broadcast_in_dim3A_279, %scan3A_970 = %broadcast_in_dim3A_279, %scan3A_971 = %broadcast_in_dim3A_279, %scan3A_972 = %broadcast_in_dim3A_279, %scan3A_973 = %broadcast_in_dim3A_279, %scan3A_974 = %broadcast_in_dim3A_279, %scan3A_975 = %broadcast_in_dim3A_279, %scan3A_976 = %broadcast_in_dim3A_279, %scan3A_977 = %broadcast_in_dim3A_279, %scan3A_978 = %broadcast_in_dim3A_279, %scan3A_979 = %broadcast_in_dim3A_279, %scan3A_980 = %broadcast_in_dim3A_279, %scan3A_981 = %broadcast_in_dim3A_279, %scan3A_982 = %broadcast_in_dim3A_279, %scan3A_983 = %broadcast_in_dim3A_279, %scan3A_984 = %broadcast_in_dim3A_279) -> (vector<16xf32>, vector<16xf32>, vector<16xf32>, vector<16xf32>, vector<16xf32>, vector<16xf32>, vector<16xf32>, vector<16xf32>, vector<16xf32>, vector<16xf32>, vector<16xf32>, vector<16xf32>, vector<16xf32>, vector<16xf32>, vector<16xf32>, vector<16xf32>, vector<16xf32>, vector<16xf32>, vector<16xf32>, vector<16xf32>, vector<16xf32>, vector<16xf32>, vector<16xf32>, vector<16xf32>, vector<16xf32>, vector<16xf32>, vector<16xf32>, vector<16xf32>, vector<16xf32>, vector<16xf32>, vector<16xf32>, vector<16xf32>)  : i32 {
          %mul3A_985 = arith.constant 16 : i32
          %mul3A_986 = arith.muli %scan3A_952, %mul3A_985 : i32
          %get3A_987 = arith.index_cast %mul3A_986 : i32 to index
          %get3A_988 = tpu.vector_load %arg7[%get3A_987] {strides = array<i32>} : memref<768xf32, #tpu.memory_space<vmem>>, vector<16xf32>,
          %mul3A_989 = arith.constant 16 : i32
          %mul3A_990 = arith.muli %scan3A_952, %mul3A_989 : i32
          %get3A_991 = arith.constant 0 : i32
          %get3A_992 = arith.index_cast %get3A_991 : i32 to index
          %get3A_993 = arith.index_cast %mul3A_990 : i32 to index
          %get3A_994 = tpu.vector_load %arg5[%get3A_992, %get3A_993] {strides = array<i32>} : memref<32x768xf32, #tpu.memory_space<vmem>>, vector<16xf32>,
          %mul3A_995 = arith.mulf %get3A_994, %get3A_988 : vector<16xf32>
          %add3A_996 = arith.addf %scan3A_953, %mul3A_995 : vector<16xf32>
          %mul3A_997 = arith.mulf %get3A_994, %get3A_994 : vector<16xf32>
          %add3A_998 = arith.addf %scan3A_954, %mul3A_997 : vector<16xf32>
          %mul3A_999 = arith.constant 16 : i32
          %mul3A_1000 = arith.muli %scan3A_952, %mul3A_999 : i32
          %get3A_1001 = arith.constant 1 : i32
          %get3A_1002 = arith.index_cast %get3A_1001 : i32 to index
          %get3A_1003 = arith.index_cast %mul3A_1000 : i32 to index
          %get3A_1004 = tpu.vector_load %arg5[%get3A_1002, %get3A_1003] {strides = array<i32>} : memref<32x768xf32, #tpu.memory_space<vmem>>, vector<16xf32>,
          %mul3A_1005 = arith.mulf %get3A_1004, %get3A_988 : vector<16xf32>
          %add3A_1006 = arith.addf %scan3A_955, %mul3A_1005 : vector<16xf32>
          %mul3A_1007 = arith.mulf %get3A_1004, %get3A_1004 : vector<16xf32>
          %add3A_1008 = arith.addf %scan3A_956, %mul3A_1007 : vector<16xf32>
          %mul3A_1009 = arith.constant 16 : i32
          %mul3A_1010 = arith.muli %scan3A_952, %mul3A_1009 : i32
          %get3A_1011 = arith.constant 2 : i32
          %get3A_1012 = arith.index_cast %get3A_1011 : i32 to index
          %get3A_1013 = arith.index_cast %mul3A_1010 : i32 to index
          %get3A_1014 = tpu.vector_load %arg5[%get3A_1012, %get3A_1013] {strides = array<i32>} : memref<32x768xf32, #tpu.memory_space<vmem>>, vector<16xf32>,
          %mul3A_1015 = arith.mulf %get3A_1014, %get3A_988 : vector<16xf32>
          %add3A_1016 = arith.addf %scan3A_957, %mul3A_1015 : vector<16xf32>
          %mul3A_1017 = arith.mulf %get3A_1014, %get3A_1014 : vector<16xf32>
          %add3A_1018 = arith.addf %scan3A_958, %mul3A_1017 : vector<16xf32>
          %mul3A_1019 = arith.constant 16 : i32
          %mul3A_1020 = arith.muli %scan3A_952, %mul3A_1019 : i32
          %get3A_1021 = arith.constant 3 : i32
          %get3A_1022 = arith.index_cast %get3A_1021 : i32 to index
          %get3A_1023 = arith.index_cast %mul3A_1020 : i32 to index
          %get3A_1024 = tpu.vector_load %arg5[%get3A_1022, %get3A_1023] {strides = array<i32>} : memref<32x768xf32, #tpu.memory_space<vmem>>, vector<16xf32>,
          %mul3A_1025 = arith.mulf %get3A_1024, %get3A_988 : vector<16xf32>
          %add3A_1026 = arith.addf %scan3A_959, %mul3A_1025 : vector<16xf32>
          %mul3A_1027 = arith.mulf %get3A_1024, %get3A_1024 : vector<16xf32>
          %add3A_1028 = arith.addf %scan3A_960, %mul3A_1027 : vector<16xf32>
          %mul3A_1029 = arith.constant 16 : i32
          %mul3A_1030 = arith.muli %scan3A_952, %mul3A_1029 : i32
          %get3A_1031 = arith.constant 4 : i32
          %get3A_1032 = arith.index_cast %get3A_1031 : i32 to index
          %get3A_1033 = arith.index_cast %mul3A_1030 : i32 to index
          %get3A_1034 = tpu.vector_load %arg5[%get3A_1032, %get3A_1033] {strides = array<i32>} : memref<32x768xf32, #tpu.memory_space<vmem>>, vector<16xf32>,
          %mul3A_1035 = arith.mulf %get3A_1034, %get3A_988 : vector<16xf32>
          %add3A_1036 = arith.addf %scan3A_961, %mul3A_1035 : vector<16xf32>
          %mul3A_1037 = arith.mulf %get3A_1034, %get3A_1034 : vector<16xf32>
          %add3A_1038 = arith.addf %scan3A_962, %mul3A_1037 : vector<16xf32>
          %mul3A_1039 = arith.constant 16 : i32
          %mul3A_1040 = arith.muli %scan3A_952, %mul3A_1039 : i32
          %get3A_1041 = arith.constant 5 : i32
          %get3A_1042 = arith.index_cast %get3A_1041 : i32 to index
          %get3A_1043 = arith.index_cast %mul3A_1040 : i32 to index
          %get3A_1044 = tpu.vector_load %arg5[%get3A_1042, %get3A_1043] {strides = array<i32>} : memref<32x768xf32, #tpu.memory_space<vmem>>, vector<16xf32>,
          %mul3A_1045 = arith.mulf %get3A_1044, %get3A_988 : vector<16xf32>
          %add3A_1046 = arith.addf %scan3A_963, %mul3A_1045 : vector<16xf32>
          %mul3A_1047 = arith.mulf %get3A_1044, %get3A_1044 : vector<16xf32>
          %add3A_1048 = arith.addf %scan3A_964, %mul3A_1047 : vector<16xf32>
          %mul3A_1049 = arith.constant 16 : i32
          %mul3A_1050 = arith.muli %scan3A_952, %mul3A_1049 : i32
          %get3A_1051 = arith.constant 6 : i32
          %get3A_1052 = arith.index_cast %get3A_1051 : i32 to index
          %get3A_1053 = arith.index_cast %mul3A_1050 : i32 to index
          %get3A_1054 = tpu.vector_load %arg5[%get3A_1052, %get3A_1053] {strides = array<i32>} : memref<32x768xf32, #tpu.memory_space<vmem>>, vector<16xf32>,
          %mul3A_1055 = arith.mulf %get3A_1054, %get3A_988 : vector<16xf32>
          %add3A_1056 = arith.addf %scan3A_965, %mul3A_1055 : vector<16xf32>
          %mul3A_1057 = arith.mulf %get3A_1054, %get3A_1054 : vector<16xf32>
          %add3A_1058 = arith.addf %scan3A_966, %mul3A_1057 : vector<16xf32>
          %mul3A_1059 = arith.constant 16 : i32
          %mul3A_1060 = arith.muli %scan3A_952, %mul3A_1059 : i32
          %get3A_1061 = arith.constant 7 : i32
          %get3A_1062 = arith.index_cast %get3A_1061 : i32 to index
          %get3A_1063 = arith.index_cast %mul3A_1060 : i32 to index
          %get3A_1064 = tpu.vector_load %arg5[%get3A_1062, %get3A_1063] {strides = array<i32>} : memref<32x768xf32, #tpu.memory_space<vmem>>, vector<16xf32>,
          %mul3A_1065 = arith.mulf %get3A_1064, %get3A_988 : vector<16xf32>
          %add3A_1066 = arith.addf %scan3A_967, %mul3A_1065 : vector<16xf32>
          %mul3A_1067 = arith.mulf %get3A_1064, %get3A_1064 : vector<16xf32>
          %add3A_1068 = arith.addf %scan3A_968, %mul3A_1067 : vector<16xf32>
          %mul3A_1069 = arith.constant 16 : i32
          %mul3A_1070 = arith.muli %scan3A_952, %mul3A_1069 : i32
          %get3A_1071 = arith.constant 8 : i32
          %get3A_1072 = arith.index_cast %get3A_1071 : i32 to index
          %get3A_1073 = arith.index_cast %mul3A_1070 : i32 to index
          %get3A_1074 = tpu.vector_load %arg5[%get3A_1072, %get3A_1073] {strides = array<i32>} : memref<32x768xf32, #tpu.memory_space<vmem>>, vector<16xf32>,
          %mul3A_1075 = arith.mulf %get3A_1074, %get3A_988 : vector<16xf32>
          %add3A_1076 = arith.addf %scan3A_969, %mul3A_1075 : vector<16xf32>
          %mul3A_1077 = arith.mulf %get3A_1074, %get3A_1074 : vector<16xf32>
          %add3A_1078 = arith.addf %scan3A_970, %mul3A_1077 : vector<16xf32>
          %mul3A_1079 = arith.constant 16 : i32
          %mul3A_1080 = arith.muli %scan3A_952, %mul3A_1079 : i32
          %get3A_1081 = arith.constant 9 : i32
          %get3A_1082 = arith.index_cast %get3A_1081 : i32 to index
          %get3A_1083 = arith.index_cast %mul3A_1080 : i32 to index
          %get3A_1084 = tpu.vector_load %arg5[%get3A_1082, %get3A_1083] {strides = array<i32>} : memref<32x768xf32, #tpu.memory_space<vmem>>, vector<16xf32>,
          %mul3A_1085 = arith.mulf %get3A_1084, %get3A_988 : vector<16xf32>
          %add3A_1086 = arith.addf %scan3A_971, %mul3A_1085 : vector<16xf32>
          %mul3A_1087 = arith.mulf %get3A_1084, %get3A_1084 : vector<16xf32>
          %add3A_1088 = arith.addf %scan3A_972, %mul3A_1087 : vector<16xf32>
          %mul3A_1089 = arith.constant 16 : i32
          %mul3A_1090 = arith.muli %scan3A_952, %mul3A_1089 : i32
          %get3A_1091 = arith.constant 10 : i32
          %get3A_1092 = arith.index_cast %get3A_1091 : i32 to index
          %get3A_1093 = arith.index_cast %mul3A_1090 : i32 to index
          %get3A_1094 = tpu.vector_load %arg5[%get3A_1092, %get3A_1093] {strides = array<i32>} : memref<32x768xf32, #tpu.memory_space<vmem>>, vector<16xf32>,
          %mul3A_1095 = arith.mulf %get3A_1094, %get3A_988 : vector<16xf32>
          %add3A_1096 = arith.addf %scan3A_973, %mul3A_1095 : vector<16xf32>
          %mul3A_1097 = arith.mulf %get3A_1094, %get3A_1094 : vector<16xf32>
          %add3A_1098 = arith.addf %scan3A_974, %mul3A_1097 : vector<16xf32>
          %mul3A_1099 = arith.constant 16 : i32
          %mul3A_1100 = arith.muli %scan3A_952, %mul3A_1099 : i32
          %get3A_1101 = arith.constant 11 : i32
          %get3A_1102 = arith.index_cast %get3A_1101 : i32 to index
          %get3A_1103 = arith.index_cast %mul3A_1100 : i32 to index
          %get3A_1104 = tpu.vector_load %arg5[%get3A_1102, %get3A_1103] {strides = array<i32>} : memref<32x768xf32, #tpu.memory_space<vmem>>, vector<16xf32>,
          %mul3A_1105 = arith.mulf %get3A_1104, %get3A_988 : vector<16xf32>
          %add3A_1106 = arith.addf %scan3A_975, %mul3A_1105 : vector<16xf32>
          %mul3A_1107 = arith.mulf %get3A_1104, %get3A_1104 : vector<16xf32>
          %add3A_1108 = arith.addf %scan3A_976, %mul3A_1107 : vector<16xf32>
          %mul3A_1109 = arith.constant 16 : i32
          %mul3A_1110 = arith.muli %scan3A_952, %mul3A_1109 : i32
          %get3A_1111 = arith.constant 12 : i32
          %get3A_1112 = arith.index_cast %get3A_1111 : i32 to index
          %get3A_1113 = arith.index_cast %mul3A_1110 : i32 to index
          %get3A_1114 = tpu.vector_load %arg5[%get3A_1112, %get3A_1113] {strides = array<i32>} : memref<32x768xf32, #tpu.memory_space<vmem>>, vector<16xf32>,
          %mul3A_1115 = arith.mulf %get3A_1114, %get3A_988 : vector<16xf32>
          %add3A_1116 = arith.addf %scan3A_977, %mul3A_1115 : vector<16xf32>
          %mul3A_1117 = arith.mulf %get3A_1114, %get3A_1114 : vector<16xf32>
          %add3A_1118 = arith.addf %scan3A_978, %mul3A_1117 : vector<16xf32>
          %mul3A_1119 = arith.constant 16 : i32
          %mul3A_1120 = arith.muli %scan3A_952, %mul3A_1119 : i32
          %get3A_1121 = arith.constant 13 : i32
          %get3A_1122 = arith.index_cast %get3A_1121 : i32 to index
          %get3A_1123 = arith.index_cast %mul3A_1120 : i32 to index
          %get3A_1124 = tpu.vector_load %arg5[%get3A_1122, %get3A_1123] {strides = array<i32>} : memref<32x768xf32, #tpu.memory_space<vmem>>, vector<16xf32>,
          %mul3A_1125 = arith.mulf %get3A_1124, %get3A_988 : vector<16xf32>
          %add3A_1126 = arith.addf %scan3A_979, %mul3A_1125 : vector<16xf32>
          %mul3A_1127 = arith.mulf %get3A_1124, %get3A_1124 : vector<16xf32>
          %add3A_1128 = arith.addf %scan3A_980, %mul3A_1127 : vector<16xf32>
          %mul3A_1129 = arith.constant 16 : i32
          %mul3A_1130 = arith.muli %scan3A_952, %mul3A_1129 : i32
          %get3A_1131 = arith.constant 14 : i32
          %get3A_1132 = arith.index_cast %get3A_1131 : i32 to index
          %get3A_1133 = arith.index_cast %mul3A_1130 : i32 to index
          %get3A_1134 = tpu.vector_load %arg5[%get3A_1132, %get3A_1133] {strides = array<i32>} : memref<32x768xf32, #tpu.memory_space<vmem>>, vector<16xf32>,
          %mul3A_1135 = arith.mulf %get3A_1134, %get3A_988 : vector<16xf32>
          %add3A_1136 = arith.addf %scan3A_981, %mul3A_1135 : vector<16xf32>
          %mul3A_1137 = arith.mulf %get3A_1134, %get3A_1134 : vector<16xf32>
          %add3A_1138 = arith.addf %scan3A_982, %mul3A_1137 : vector<16xf32>
          %mul3A_1139 = arith.constant 16 : i32
          %mul3A_1140 = arith.muli %scan3A_952, %mul3A_1139 : i32
          %get3A_1141 = arith.constant 15 : i32
          %get3A_1142 = arith.index_cast %get3A_1141 : i32 to index
          %get3A_1143 = arith.index_cast %mul3A_1140 : i32 to index
          %get3A_1144 = tpu.vector_load %arg5[%get3A_1142, %get3A_1143] {strides = array<i32>} : memref<32x768xf32, #tpu.memory_space<vmem>>, vector<16xf32>,
          %mul3A_1145 = arith.mulf %get3A_1144, %get3A_988 : vector<16xf32>
          %add3A_1146 = arith.addf %scan3A_983, %mul3A_1145 : vector<16xf32>
          %mul3A_1147 = arith.mulf %get3A_1144, %get3A_1144 : vector<16xf32>
          %add3A_1148 = arith.addf %scan3A_984, %mul3A_1147 : vector<16xf32>
          %scan3A_1149 = arith.constant 1 : i32
          %scan3A_1150 = arith.addi %scan3A_952, %scan3A_1149 : i32
          %mul3A_1151 = arith.constant 16 : i32
          %mul3A_1152 = arith.muli %scan3A_1150, %mul3A_1151 : i32
          %get3A_1153 = arith.index_cast %mul3A_1152 : i32 to index
          %get3A_1154 = tpu.vector_load %arg7[%get3A_1153] {strides = array<i32>} : memref<768xf32, #tpu.memory_space<vmem>>, vector<16xf32>,
          %mul3A_1155 = arith.constant 16 : i32
          %mul3A_1156 = arith.muli %scan3A_1150, %mul3A_1155 : i32
          %get3A_1157 = arith.constant 0 : i32
          %get3A_1158 = arith.index_cast %get3A_1157 : i32 to index
          %get3A_1159 = arith.index_cast %mul3A_1156 : i32 to index
          %get3A_1160 = tpu.vector_load %arg5[%get3A_1158, %get3A_1159] {strides = array<i32>} : memref<32x768xf32, #tpu.memory_space<vmem>>, vector<16xf32>,
          %mul3A_1161 = arith.mulf %get3A_1160, %get3A_1154 : vector<16xf32>
          %add3A_1162 = arith.addf %add3A_996, %mul3A_1161 : vector<16xf32>
          %mul3A_1163 = arith.mulf %get3A_1160, %get3A_1160 : vector<16xf32>
          %add3A_1164 = arith.addf %add3A_998, %mul3A_1163 : vector<16xf32>
          %mul3A_1165 = arith.constant 16 : i32
          %mul3A_1166 = arith.muli %scan3A_1150, %mul3A_1165 : i32
          %get3A_1167 = arith.constant 1 : i32
          %get3A_1168 = arith.index_cast %get3A_1167 : i32 to index
          %get3A_1169 = arith.index_cast %mul3A_1166 : i32 to index
          %get3A_1170 = tpu.vector_load %arg5[%get3A_1168, %get3A_1169] {strides = array<i32>} : memref<32x768xf32, #tpu.memory_space<vmem>>, vector<16xf32>,
          %mul3A_1171 = arith.mulf %get3A_1170, %get3A_1154 : vector<16xf32>
          %add3A_1172 = arith.addf %add3A_1006, %mul3A_1171 : vector<16xf32>
          %mul3A_1173 = arith.mulf %get3A_1170, %get3A_1170 : vector<16xf32>
          %add3A_1174 = arith.addf %add3A_1008, %mul3A_1173 : vector<16xf32>
          %mul3A_1175 = arith.constant 16 : i32
          %mul3A_1176 = arith.muli %scan3A_1150, %mul3A_1175 : i32
          %get3A_1177 = arith.constant 2 : i32
          %get3A_1178 = arith.index_cast %get3A_1177 : i32 to index
          %get3A_1179 = arith.index_cast %mul3A_1176 : i32 to index
          %get3A_1180 = tpu.vector_load %arg5[%get3A_1178, %get3A_1179] {strides = array<i32>} : memref<32x768xf32, #tpu.memory_space<vmem>>, vector<16xf32>,
          %mul3A_1181 = arith.mulf %get3A_1180, %get3A_1154 : vector<16xf32>
          %add3A_1182 = arith.addf %add3A_1016, %mul3A_1181 : vector<16xf32>
          %mul3A_1183 = arith.mulf %get3A_1180, %get3A_1180 : vector<16xf32>
          %add3A_1184 = arith.addf %add3A_1018, %mul3A_1183 : vector<16xf32>
          %mul3A_1185 = arith.constant 16 : i32
          %mul3A_1186 = arith.muli %scan3A_1150, %mul3A_1185 : i32
          %get3A_1187 = arith.constant 3 : i32
          %get3A_1188 = arith.index_cast %get3A_1187 : i32 to index
          %get3A_1189 = arith.index_cast %mul3A_1186 : i32 to index
          %get3A_1190 = tpu.vector_load %arg5[%get3A_1188, %get3A_1189] {strides = array<i32>} : memref<32x768xf32, #tpu.memory_space<vmem>>, vector<16xf32>,
          %mul3A_1191 = arith.mulf %get3A_1190, %get3A_1154 : vector<16xf32>
          %add3A_1192 = arith.addf %add3A_1026, %mul3A_1191 : vector<16xf32>
          %mul3A_1193 = arith.mulf %get3A_1190, %get3A_1190 : vector<16xf32>
          %add3A_1194 = arith.addf %add3A_1028, %mul3A_1193 : vector<16xf32>
          %mul3A_1195 = arith.constant 16 : i32
          %mul3A_1196 = arith.muli %scan3A_1150, %mul3A_1195 : i32
          %get3A_1197 = arith.constant 4 : i32
          %get3A_1198 = arith.index_cast %get3A_1197 : i32 to index
          %get3A_1199 = arith.index_cast %mul3A_1196 : i32 to index
          %get3A_1200 = tpu.vector_load %arg5[%get3A_1198, %get3A_1199] {strides = array<i32>} : memref<32x768xf32, #tpu.memory_space<vmem>>, vector<16xf32>,
          %mul3A_1201 = arith.mulf %get3A_1200, %get3A_1154 : vector<16xf32>
          %add3A_1202 = arith.addf %add3A_1036, %mul3A_1201 : vector<16xf32>
          %mul3A_1203 = arith.mulf %get3A_1200, %get3A_1200 : vector<16xf32>
          %add3A_1204 = arith.addf %add3A_1038, %mul3A_1203 : vector<16xf32>
          %mul3A_1205 = arith.constant 16 : i32
          %mul3A_1206 = arith.muli %scan3A_1150, %mul3A_1205 : i32
          %get3A_1207 = arith.constant 5 : i32
          %get3A_1208 = arith.index_cast %get3A_1207 : i32 to index
          %get3A_1209 = arith.index_cast %mul3A_1206 : i32 to index
          %get3A_1210 = tpu.vector_load %arg5[%get3A_1208, %get3A_1209] {strides = array<i32>} : memref<32x768xf32, #tpu.memory_space<vmem>>, vector<16xf32>,
          %mul3A_1211 = arith.mulf %get3A_1210, %get3A_1154 : vector<16xf32>
          %add3A_1212 = arith.addf %add3A_1046, %mul3A_1211 : vector<16xf32>
          %mul3A_1213 = arith.mulf %get3A_1210, %get3A_1210 : vector<16xf32>
          %add3A_1214 = arith.addf %add3A_1048, %mul3A_1213 : vector<16xf32>
          %mul3A_1215 = arith.constant 16 : i32
          %mul3A_1216 = arith.muli %scan3A_1150, %mul3A_1215 : i32
          %get3A_1217 = arith.constant 6 : i32
          %get3A_1218 = arith.index_cast %get3A_1217 : i32 to index
          %get3A_1219 = arith.index_cast %mul3A_1216 : i32 to index
          %get3A_1220 = tpu.vector_load %arg5[%get3A_1218, %get3A_1219] {strides = array<i32>} : memref<32x768xf32, #tpu.memory_space<vmem>>, vector<16xf32>,
          %mul3A_1221 = arith.mulf %get3A_1220, %get3A_1154 : vector<16xf32>
          %add3A_1222 = arith.addf %add3A_1056, %mul3A_1221 : vector<16xf32>
          %mul3A_1223 = arith.mulf %get3A_1220, %get3A_1220 : vector<16xf32>
          %add3A_1224 = arith.addf %add3A_1058, %mul3A_1223 : vector<16xf32>
          %mul3A_1225 = arith.constant 16 : i32
          %mul3A_1226 = arith.muli %scan3A_1150, %mul3A_1225 : i32
          %get3A_1227 = arith.constant 7 : i32
          %get3A_1228 = arith.index_cast %get3A_1227 : i32 to index
          %get3A_1229 = arith.index_cast %mul3A_1226 : i32 to index
          %get3A_1230 = tpu.vector_load %arg5[%get3A_1228, %get3A_1229] {strides = array<i32>} : memref<32x768xf32, #tpu.memory_space<vmem>>, vector<16xf32>,
          %mul3A_1231 = arith.mulf %get3A_1230, %get3A_1154 : vector<16xf32>
          %add3A_1232 = arith.addf %add3A_1066, %mul3A_1231 : vector<16xf32>
          %mul3A_1233 = arith.mulf %get3A_1230, %get3A_1230 : vector<16xf32>
          %add3A_1234 = arith.addf %add3A_1068, %mul3A_1233 : vector<16xf32>
          %mul3A_1235 = arith.constant 16 : i32
          %mul3A_1236 = arith.muli %scan3A_1150, %mul3A_1235 : i32
          %get3A_1237 = arith.constant 8 : i32
          %get3A_1238 = arith.index_cast %get3A_1237 : i32 to index
          %get3A_1239 = arith.index_cast %mul3A_1236 : i32 to index
          %get3A_1240 = tpu.vector_load %arg5[%get3A_1238, %get3A_1239] {strides = array<i32>} : memref<32x768xf32, #tpu.memory_space<vmem>>, vector<16xf32>,
          %mul3A_1241 = arith.mulf %get3A_1240, %get3A_1154 : vector<16xf32>
          %add3A_1242 = arith.addf %add3A_1076, %mul3A_1241 : vector<16xf32>
          %mul3A_1243 = arith.mulf %get3A_1240, %get3A_1240 : vector<16xf32>
          %add3A_1244 = arith.addf %add3A_1078, %mul3A_1243 : vector<16xf32>
          %mul3A_1245 = arith.constant 16 : i32
          %mul3A_1246 = arith.muli %scan3A_1150, %mul3A_1245 : i32
          %get3A_1247 = arith.constant 9 : i32
          %get3A_1248 = arith.index_cast %get3A_1247 : i32 to index
          %get3A_1249 = arith.index_cast %mul3A_1246 : i32 to index
          %get3A_1250 = tpu.vector_load %arg5[%get3A_1248, %get3A_1249] {strides = array<i32>} : memref<32x768xf32, #tpu.memory_space<vmem>>, vector<16xf32>,
          %mul3A_1251 = arith.mulf %get3A_1250, %get3A_1154 : vector<16xf32>
          %add3A_1252 = arith.addf %add3A_1086, %mul3A_1251 : vector<16xf32>
          %mul3A_1253 = arith.mulf %get3A_1250, %get3A_1250 : vector<16xf32>
          %add3A_1254 = arith.addf %add3A_1088, %mul3A_1253 : vector<16xf32>
          %mul3A_1255 = arith.constant 16 : i32
          %mul3A_1256 = arith.muli %scan3A_1150, %mul3A_1255 : i32
          %get3A_1257 = arith.constant 10 : i32
          %get3A_1258 = arith.index_cast %get3A_1257 : i32 to index
          %get3A_1259 = arith.index_cast %mul3A_1256 : i32 to index
          %get3A_1260 = tpu.vector_load %arg5[%get3A_1258, %get3A_1259] {strides = array<i32>} : memref<32x768xf32, #tpu.memory_space<vmem>>, vector<16xf32>,
          %mul3A_1261 = arith.mulf %get3A_1260, %get3A_1154 : vector<16xf32>
          %add3A_1262 = arith.addf %add3A_1096, %mul3A_1261 : vector<16xf32>
          %mul3A_1263 = arith.mulf %get3A_1260, %get3A_1260 : vector<16xf32>
          %add3A_1264 = arith.addf %add3A_1098, %mul3A_1263 : vector<16xf32>
          %mul3A_1265 = arith.constant 16 : i32
          %mul3A_1266 = arith.muli %scan3A_1150, %mul3A_1265 : i32
          %get3A_1267 = arith.constant 11 : i32
          %get3A_1268 = arith.index_cast %get3A_1267 : i32 to index
          %get3A_1269 = arith.index_cast %mul3A_1266 : i32 to index
          %get3A_1270 = tpu.vector_load %arg5[%get3A_1268, %get3A_1269] {strides = array<i32>} : memref<32x768xf32, #tpu.memory_space<vmem>>, vector<16xf32>,
          %mul3A_1271 = arith.mulf %get3A_1270, %get3A_1154 : vector<16xf32>
          %add3A_1272 = arith.addf %add3A_1106, %mul3A_1271 : vector<16xf32>
          %mul3A_1273 = arith.mulf %get3A_1270, %get3A_1270 : vector<16xf32>
          %add3A_1274 = arith.addf %add3A_1108, %mul3A_1273 : vector<16xf32>
          %mul3A_1275 = arith.constant 16 : i32
          %mul3A_1276 = arith.muli %scan3A_1150, %mul3A_1275 : i32
          %get3A_1277 = arith.constant 12 : i32
          %get3A_1278 = arith.index_cast %get3A_1277 : i32 to index
          %get3A_1279 = arith.index_cast %mul3A_1276 : i32 to index
          %get3A_1280 = tpu.vector_load %arg5[%get3A_1278, %get3A_1279] {strides = array<i32>} : memref<32x768xf32, #tpu.memory_space<vmem>>, vector<16xf32>,
          %mul3A_1281 = arith.mulf %get3A_1280, %get3A_1154 : vector<16xf32>
          %add3A_1282 = arith.addf %add3A_1116, %mul3A_1281 : vector<16xf32>
          %mul3A_1283 = arith.mulf %get3A_1280, %get3A_1280 : vector<16xf32>
          %add3A_1284 = arith.addf %add3A_1118, %mul3A_1283 : vector<16xf32>
          %mul3A_1285 = arith.constant 16 : i32
          %mul3A_1286 = arith.muli %scan3A_1150, %mul3A_1285 : i32
          %get3A_1287 = arith.constant 13 : i32
          %get3A_1288 = arith.index_cast %get3A_1287 : i32 to index
          %get3A_1289 = arith.index_cast %mul3A_1286 : i32 to index
          %get3A_1290 = tpu.vector_load %arg5[%get3A_1288, %get3A_1289] {strides = array<i32>} : memref<32x768xf32, #tpu.memory_space<vmem>>, vector<16xf32>,
          %mul3A_1291 = arith.mulf %get3A_1290, %get3A_1154 : vector<16xf32>
          %add3A_1292 = arith.addf %add3A_1126, %mul3A_1291 : vector<16xf32>
          %mul3A_1293 = arith.mulf %get3A_1290, %get3A_1290 : vector<16xf32>
          %add3A_1294 = arith.addf %add3A_1128, %mul3A_1293 : vector<16xf32>
          %mul3A_1295 = arith.constant 16 : i32
          %mul3A_1296 = arith.muli %scan3A_1150, %mul3A_1295 : i32
          %get3A_1297 = arith.constant 14 : i32
          %get3A_1298 = arith.index_cast %get3A_1297 : i32 to index
          %get3A_1299 = arith.index_cast %mul3A_1296 : i32 to index
          %get3A_1300 = tpu.vector_load %arg5[%get3A_1298, %get3A_1299] {strides = array<i32>} : memref<32x768xf32, #tpu.memory_space<vmem>>, vector<16xf32>,
          %mul3A_1301 = arith.mulf %get3A_1300, %get3A_1154 : vector<16xf32>
          %add3A_1302 = arith.addf %add3A_1136, %mul3A_1301 : vector<16xf32>
          %mul3A_1303 = arith.mulf %get3A_1300, %get3A_1300 : vector<16xf32>
          %add3A_1304 = arith.addf %add3A_1138, %mul3A_1303 : vector<16xf32>
          %mul3A_1305 = arith.constant 16 : i32
          %mul3A_1306 = arith.muli %scan3A_1150, %mul3A_1305 : i32
          %get3A_1307 = arith.constant 15 : i32
          %get3A_1308 = arith.index_cast %get3A_1307 : i32 to index
          %get3A_1309 = arith.index_cast %mul3A_1306 : i32 to index
          %get3A_1310 = tpu.vector_load %arg5[%get3A_1308, %get3A_1309] {strides = array<i32>} : memref<32x768xf32, #tpu.memory_space<vmem>>, vector<16xf32>,
          %mul3A_1311 = arith.mulf %get3A_1310, %get3A_1154 : vector<16xf32>
          %add3A_1312 = arith.addf %add3A_1146, %mul3A_1311 : vector<16xf32>
          %mul3A_1313 = arith.mulf %get3A_1310, %get3A_1310 : vector<16xf32>
          %add3A_1314 = arith.addf %add3A_1148, %mul3A_1313 : vector<16xf32>
          scf.yield %add3A_1162, %add3A_1164, %add3A_1172, %add3A_1174, %add3A_1182, %add3A_1184, %add3A_1192, %add3A_1194, %add3A_1202, %add3A_1204, %add3A_1212, %add3A_1214, %add3A_1222, %add3A_1224, %add3A_1232, %add3A_1234, %add3A_1242, %add3A_1244, %add3A_1252, %add3A_1254, %add3A_1262, %add3A_1264, %add3A_1272, %add3A_1274, %add3A_1282, %add3A_1284, %add3A_1292, %add3A_1294, %add3A_1302, %add3A_1304, %add3A_1312, %add3A_1314 : vector<16xf32>, vector<16xf32>, vector<16xf32>, vector<16xf32>, vector<16xf32>, vector<16xf32>, vector<16xf32>, vector<16xf32>, vector<16xf32>, vector<16xf32>, vector<16xf32>, vector<16xf32>, vector<16xf32>, vector<16xf32>, vector<16xf32>, vector<16xf32>, vector<16xf32>, vector<16xf32>, vector<16xf32>, vector<16xf32>, vector<16xf32>, vector<16xf32>, vector<16xf32>, vector<16xf32>, vector<16xf32>, vector<16xf32>, vector<16xf32>, vector<16xf32>, vector<16xf32>, vector<16xf32>, vector<16xf32>, vector<16xf32>
        }
        %scan3A_334 = arith.constant 48 : i32
        %swap3A_335 = arith.constant 0 : i32
        %swap3A_336 = arith.index_cast %swap3A_335 : i32 to index
        %swap3A_337 = arith.constant 0 : index
        %swap3A_338 = tpu.vector_load %arg9[%swap3A_336, %swap3A_337] {strides = array<i32>} : memref<16x17xf32, #tpu.memory_space<vmem>>, vector<16xf32>,
        tpu.vector_store %arg9[%swap3A_336, %swap3A_337], %scan3A_333#0 {strides = array<i32>} : memref<16x17xf32, #tpu.memory_space<vmem>>, vector<16xf32>,
        %swap3A_339 = arith.constant 1 : i32
        %swap3A_340 = arith.index_cast %swap3A_339 : i32 to index
        %swap3A_341 = arith.constant 0 : index
        %swap3A_342 = tpu.vector_load %arg9[%swap3A_340, %swap3A_341] {strides = array<i32>} : memref<16x17xf32, #tpu.memory_space<vmem>>, vector<16xf32>,
        tpu.vector_store %arg9[%swap3A_340, %swap3A_341], %scan3A_333#2 {strides = array<i32>} : memref<16x17xf32, #tpu.memory_space<vmem>>, vector<16xf32>,
        %swap3A_343 = arith.constant 2 : i32
        %swap3A_344 = arith.index_cast %swap3A_343 : i32 to index
        %swap3A_345 = arith.constant 0 : index
        %swap3A_346 = tpu.vector_load %arg9[%swap3A_344, %swap3A_345] {strides = array<i32>} : memref<16x17xf32, #tpu.memory_space<vmem>>, vector<16xf32>,
        tpu.vector_store %arg9[%swap3A_344, %swap3A_345], %scan3A_333#4 {strides = array<i32>} : memref<16x17xf32, #tpu.memory_space<vmem>>, vector<16xf32>,
        %swap3A_347 = arith.constant 3 : i32
        %swap3A_348 = arith.index_cast %swap3A_347 : i32 to index
        %swap3A_349 = arith.constant 0 : index
        %swap3A_350 = tpu.vector_load %arg9[%swap3A_348, %swap3A_349] {strides = array<i32>} : memref<16x17xf32, #tpu.memory_space<vmem>>, vector<16xf32>,
        tpu.vector_store %arg9[%swap3A_348, %swap3A_349], %scan3A_333#6 {strides = array<i32>} : memref<16x17xf32, #tpu.memory_space<vmem>>, vector<16xf32>,
        %swap3A_351 = arith.constant 4 : i32
        %swap3A_352 = arith.index_cast %swap3A_351 : i32 to index
        %swap3A_353 = arith.constant 0 : index
        %swap3A_354 = tpu.vector_load %arg9[%swap3A_352, %swap3A_353] {strides = array<i32>} : memref<16x17xf32, #tpu.memory_space<vmem>>, vector<16xf32>,
        tpu.vector_store %arg9[%swap3A_352, %swap3A_353], %scan3A_333#8 {strides = array<i32>} : memref<16x17xf32, #tpu.memory_space<vmem>>, vector<16xf32>,
        %swap3A_355 = arith.constant 5 : i32
        %swap3A_356 = arith.index_cast %swap3A_355 : i32 to index
        %swap3A_357 = arith.constant 0 : index
        %swap3A_358 = tpu.vector_load %arg9[%swap3A_356, %swap3A_357] {strides = array<i32>} : memref<16x17xf32, #tpu.memory_space<vmem>>, vector<16xf32>,
        tpu.vector_store %arg9[%swap3A_356, %swap3A_357], %scan3A_333#10 {strides = array<i32>} : memref<16x17xf32, #tpu.memory_space<vmem>>, vector<16xf32>,
        %swap3A_359 = arith.constant 6 : i32
        %swap3A_360 = arith.index_cast %swap3A_359 : i32 to index
        %swap3A_361 = arith.constant 0 : index
        %swap3A_362 = tpu.vector_load %arg9[%swap3A_360, %swap3A_361] {strides = array<i32>} : memref<16x17xf32, #tpu.memory_space<vmem>>, vector<16xf32>,
        tpu.vector_store %arg9[%swap3A_360, %swap3A_361], %scan3A_333#12 {strides = array<i32>} : memref<16x17xf32, #tpu.memory_space<vmem>>, vector<16xf32>,
        %swap3A_363 = arith.constant 7 : i32
        %swap3A_364 = arith.index_cast %swap3A_363 : i32 to index
        %swap3A_365 = arith.constant 0 : index
        %swap3A_366 = tpu.vector_load %arg9[%swap3A_364, %swap3A_365] {strides = array<i32>} : memref<16x17xf32, #tpu.memory_space<vmem>>, vector<16xf32>,
        tpu.vector_store %arg9[%swap3A_364, %swap3A_365], %scan3A_333#14 {strides = array<i32>} : memref<16x17xf32, #tpu.memory_space<vmem>>, vector<16xf32>,
        %swap3A_367 = arith.constant 8 : i32
        %swap3A_368 = arith.index_cast %swap3A_367 : i32 to index
        %swap3A_369 = arith.constant 0 : index
        %swap3A_370 = tpu.vector_load %arg9[%swap3A_368, %swap3A_369] {strides = array<i32>} : memref<16x17xf32, #tpu.memory_space<vmem>>, vector<16xf32>,
        tpu.vector_store %arg9[%swap3A_368, %swap3A_369], %scan3A_333#16 {strides = array<i32>} : memref<16x17xf32, #tpu.memory_space<vmem>>, vector<16xf32>,
        %swap3A_371 = arith.constant 9 : i32
        %swap3A_372 = arith.index_cast %swap3A_371 : i32 to index
        %swap3A_373 = arith.constant 0 : index
        %swap3A_374 = tpu.vector_load %arg9[%swap3A_372, %swap3A_373] {strides = array<i32>} : memref<16x17xf32, #tpu.memory_space<vmem>>, vector<16xf32>,
        tpu.vector_store %arg9[%swap3A_372, %swap3A_373], %scan3A_333#18 {strides = array<i32>} : memref<16x17xf32, #tpu.memory_space<vmem>>, vector<16xf32>,
        %swap3A_375 = arith.constant 10 : i32
        %swap3A_376 = arith.index_cast %swap3A_375 : i32 to index
        %swap3A_377 = arith.constant 0 : index
        %swap3A_378 = tpu.vector_load %arg9[%swap3A_376, %swap3A_377] {strides = array<i32>} : memref<16x17xf32, #tpu.memory_space<vmem>>, vector<16xf32>,
        tpu.vector_store %arg9[%swap3A_376, %swap3A_377], %scan3A_333#20 {strides = array<i32>} : memref<16x17xf32, #tpu.memory_space<vmem>>, vector<16xf32>,
        %swap3A_379 = arith.constant 11 : i32
        %swap3A_380 = arith.index_cast %swap3A_379 : i32 to index
        %swap3A_381 = arith.constant 0 : index
        %swap3A_382 = tpu.vector_load %arg9[%swap3A_380, %swap3A_381] {strides = array<i32>} : memref<16x17xf32, #tpu.memory_space<vmem>>, vector<16xf32>,
        tpu.vector_store %arg9[%swap3A_380, %swap3A_381], %scan3A_333#22 {strides = array<i32>} : memref<16x17xf32, #tpu.memory_space<vmem>>, vector<16xf32>,
        %swap3A_383 = arith.constant 12 : i32
        %swap3A_384 = arith.index_cast %swap3A_383 : i32 to index
        %swap3A_385 = arith.constant 0 : index
        %swap3A_386 = tpu.vector_load %arg9[%swap3A_384, %swap3A_385] {strides = array<i32>} : memref<16x17xf32, #tpu.memory_space<vmem>>, vector<16xf32>,
        tpu.vector_store %arg9[%swap3A_384, %swap3A_385], %scan3A_333#24 {strides = array<i32>} : memref<16x17xf32, #tpu.memory_space<vmem>>, vector<16xf32>,
        %swap3A_387 = arith.constant 13 : i32
        %swap3A_388 = arith.index_cast %swap3A_387 : i32 to index
        %swap3A_389 = arith.constant 0 : index
        %swap3A_390 = tpu.vector_load %arg9[%swap3A_388, %swap3A_389] {strides = array<i32>} : memref<16x17xf32, #tpu.memory_space<vmem>>, vector<16xf32>,
        tpu.vector_store %arg9[%swap3A_388, %swap3A_389], %scan3A_333#26 {strides = array<i32>} : memref<16x17xf32, #tpu.memory_space<vmem>>, vector<16xf32>,
        %swap3A_391 = arith.constant 14 : i32
        %swap3A_392 = arith.index_cast %swap3A_391 : i32 to index
        %swap3A_393 = arith.constant 0 : index
        %swap3A_394 = tpu.vector_load %arg9[%swap3A_392, %swap3A_393] {strides = array<i32>} : memref<16x17xf32, #tpu.memory_space<vmem>>, vector<16xf32>,
        tpu.vector_store %arg9[%swap3A_392, %swap3A_393], %scan3A_333#28 {strides = array<i32>} : memref<16x17xf32, #tpu.memory_space<vmem>>, vector<16xf32>,
        %swap3A_395 = arith.constant 15 : i32
        %swap3A_396 = arith.index_cast %swap3A_395 : i32 to index
        %swap3A_397 = arith.constant 0 : index
        %swap3A_398 = tpu.vector_load %arg9[%swap3A_396, %swap3A_397] {strides = array<i32>} : memref<16x17xf32, #tpu.memory_space<vmem>>, vector<16xf32>,
        tpu.vector_store %arg9[%swap3A_396, %swap3A_397], %scan3A_333#30 {strides = array<i32>} : memref<16x17xf32, #tpu.memory_space<vmem>>, vector<16xf32>,
        %broadcast_in_dim3A_399 = arith.constant 0 : i32
        %broadcast_in_dim3A_400 = vector.broadcast %broadcast_in_dim3A_399 : i32 to vector<16xi32>
        %gather3A_401 = tpu.vector_load_idx %arg9[%iota3A, %broadcast_in_dim3A_400] : memref<16x17xf32, #tpu.memory_space<vmem>>[vector<16xi32>, vector<16xi32>], vector<16xf32>,
        %add3A_402 = arith.addf %broadcast_in_dim3A_279, %gather3A_401 : vector<16xf32>
        %broadcast_in_dim3A_403 = arith.constant 1 : i32
        %broadcast_in_dim3A_404 = vector.broadcast %broadcast_in_dim3A_403 : i32 to vector<16xi32>
        %gather3A_405 = tpu.vector_load_idx %arg9[%iota3A, %broadcast_in_dim3A_404] : memref<16x17xf32, #tpu.memory_space<vmem>>[vector<16xi32>, vector<16xi32>], vector<16xf32>,
        %add3A_406 = arith.addf %add3A_402, %gather3A_405 : vector<16xf32>
        %broadcast_in_dim3A_407 = arith.constant 2 : i32
        %broadcast_in_dim3A_408 = vector.broadcast %broadcast_in_dim3A_407 : i32 to vector<16xi32>
        %gather3A_409 = tpu.vector_load_idx %arg9[%iota3A, %broadcast_in_dim3A_408] : memref<16x17xf32, #tpu.memory_space<vmem>>[vector<16xi32>, vector<16xi32>], vector<16xf32>,
        %add3A_410 = arith.addf %add3A_406, %gather3A_409 : vector<16xf32>
        %broadcast_in_dim3A_411 = arith.constant 3 : i32
        %broadcast_in_dim3A_412 = vector.broadcast %broadcast_in_dim3A_411 : i32 to vector<16xi32>
        %gather3A_413 = tpu.vector_load_idx %arg9[%iota3A, %broadcast_in_dim3A_412] : memref<16x17xf32, #tpu.memory_space<vmem>>[vector<16xi32>, vector<16xi32>], vector<16xf32>,
        %add3A_414 = arith.addf %add3A_410, %gather3A_413 : vector<16xf32>
        %broadcast_in_dim3A_415 = arith.constant 4 : i32
        %broadcast_in_dim3A_416 = vector.broadcast %broadcast_in_dim3A_415 : i32 to vector<16xi32>
        %gather3A_417 = tpu.vector_load_idx %arg9[%iota3A, %broadcast_in_dim3A_416] : memref<16x17xf32, #tpu.memory_space<vmem>>[vector<16xi32>, vector<16xi32>], vector<16xf32>,
        %add3A_418 = arith.addf %add3A_414, %gather3A_417 : vector<16xf32>
        %broadcast_in_dim3A_419 = arith.constant 5 : i32
        %broadcast_in_dim3A_420 = vector.broadcast %broadcast_in_dim3A_419 : i32 to vector<16xi32>
        %gather3A_421 = tpu.vector_load_idx %arg9[%iota3A, %broadcast_in_dim3A_420] : memref<16x17xf32, #tpu.memory_space<vmem>>[vector<16xi32>, vector<16xi32>], vector<16xf32>,
        %add3A_422 = arith.addf %add3A_418, %gather3A_421 : vector<16xf32>
        %broadcast_in_dim3A_423 = arith.constant 6 : i32
        %broadcast_in_dim3A_424 = vector.broadcast %broadcast_in_dim3A_423 : i32 to vector<16xi32>
        %gather3A_425 = tpu.vector_load_idx %arg9[%iota3A, %broadcast_in_dim3A_424] : memref<16x17xf32, #tpu.memory_space<vmem>>[vector<16xi32>, vector<16xi32>], vector<16xf32>,
        %add3A_426 = arith.addf %add3A_422, %gather3A_425 : vector<16xf32>
        %broadcast_in_dim3A_427 = arith.constant 7 : i32
        %broadcast_in_dim3A_428 = vector.broadcast %broadcast_in_dim3A_427 : i32 to vector<16xi32>
        %gather3A_429 = tpu.vector_load_idx %arg9[%iota3A, %broadcast_in_dim3A_428] : memref<16x17xf32, #tpu.memory_space<vmem>>[vector<16xi32>, vector<16xi32>], vector<16xf32>,
        %add3A_430 = arith.addf %add3A_426, %gather3A_429 : vector<16xf32>
        %broadcast_in_dim3A_431 = arith.constant 8 : i32
        %broadcast_in_dim3A_432 = vector.broadcast %broadcast_in_dim3A_431 : i32 to vector<16xi32>
        %gather3A_433 = tpu.vector_load_idx %arg9[%iota3A, %broadcast_in_dim3A_432] : memref<16x17xf32, #tpu.memory_space<vmem>>[vector<16xi32>, vector<16xi32>], vector<16xf32>,
        %add3A_434 = arith.addf %add3A_430, %gather3A_433 : vector<16xf32>
        %broadcast_in_dim3A_435 = arith.constant 9 : i32
        %broadcast_in_dim3A_436 = vector.broadcast %broadcast_in_dim3A_435 : i32 to vector<16xi32>
        %gather3A_437 = tpu.vector_load_idx %arg9[%iota3A, %broadcast_in_dim3A_436] : memref<16x17xf32, #tpu.memory_space<vmem>>[vector<16xi32>, vector<16xi32>], vector<16xf32>,
        %add3A_438 = arith.addf %add3A_434, %gather3A_437 : vector<16xf32>
        %broadcast_in_dim3A_439 = arith.constant 10 : i32
        %broadcast_in_dim3A_440 = vector.broadcast %broadcast_in_dim3A_439 : i32 to vector<16xi32>
        %gather3A_441 = tpu.vector_load_idx %arg9[%iota3A, %broadcast_in_dim3A_440] : memref<16x17xf32, #tpu.memory_space<vmem>>[vector<16xi32>, vector<16xi32>], vector<16xf32>,
        %add3A_442 = arith.addf %add3A_438, %gather3A_441 : vector<16xf32>
        %broadcast_in_dim3A_443 = arith.constant 11 : i32
        %broadcast_in_dim3A_444 = vector.broadcast %broadcast_in_dim3A_443 : i32 to vector<16xi32>
        %gather3A_445 = tpu.vector_load_idx %arg9[%iota3A, %broadcast_in_dim3A_444] : memref<16x17xf32, #tpu.memory_space<vmem>>[vector<16xi32>, vector<16xi32>], vector<16xf32>,
        %add3A_446 = arith.addf %add3A_442, %gather3A_445 : vector<16xf32>
        %broadcast_in_dim3A_447 = arith.constant 12 : i32
        %broadcast_in_dim3A_448 = vector.broadcast %broadcast_in_dim3A_447 : i32 to vector<16xi32>
        %gather3A_449 = tpu.vector_load_idx %arg9[%iota3A, %broadcast_in_dim3A_448] : memref<16x17xf32, #tpu.memory_space<vmem>>[vector<16xi32>, vector<16xi32>], vector<16xf32>,
        %add3A_450 = arith.addf %add3A_446, %gather3A_449 : vector<16xf32>
        %broadcast_in_dim3A_451 = arith.constant 13 : i32
        %broadcast_in_dim3A_452 = vector.broadcast %broadcast_in_dim3A_451 : i32 to vector<16xi32>
        %gather3A_453 = tpu.vector_load_idx %arg9[%iota3A, %broadcast_in_dim3A_452] : memref<16x17xf32, #tpu.memory_space<vmem>>[vector<16xi32>, vector<16xi32>], vector<16xf32>,
        %add3A_454 = arith.addf %add3A_450, %gather3A_453 : vector<16xf32>
        %broadcast_in_dim3A_455 = arith.constant 14 : i32
        %broadcast_in_dim3A_456 = vector.broadcast %broadcast_in_dim3A_455 : i32 to vector<16xi32>
        %gather3A_457 = tpu.vector_load_idx %arg9[%iota3A, %broadcast_in_dim3A_456] : memref<16x17xf32, #tpu.memory_space<vmem>>[vector<16xi32>, vector<16xi32>], vector<16xf32>,
        %add3A_458 = arith.addf %add3A_454, %gather3A_457 : vector<16xf32>
        %broadcast_in_dim3A_459 = arith.constant 15 : i32
        %broadcast_in_dim3A_460 = vector.broadcast %broadcast_in_dim3A_459 : i32 to vector<16xi32>
        %gather3A_461 = tpu.vector_load_idx %arg9[%iota3A, %broadcast_in_dim3A_460] : memref<16x17xf32, #tpu.memory_space<vmem>>[vector<16xi32>, vector<16xi32>], vector<16xf32>,
        %add3A_462 = arith.addf %add3A_458, %gather3A_461 : vector<16xf32>
        %swap3A_463 = arith.constant 0 : i32
        %swap3A_464 = arith.index_cast %swap3A_463 : i32 to index
        %swap3A_465 = arith.constant 0 : index
        %swap3A_466 = tpu.vector_load %arg9[%swap3A_464, %swap3A_465] {strides = array<i32>} : memref<16x17xf32, #tpu.memory_space<vmem>>, vector<16xf32>,
        tpu.vector_store %arg9[%swap3A_464, %swap3A_465], %scan3A_333#1 {strides = array<i32>} : memref<16x17xf32, #tpu.memory_space<vmem>>, vector<16xf32>,
        %swap3A_467 = arith.constant 1 : i32
        %swap3A_468 = arith.index_cast %swap3A_467 : i32 to index
        %swap3A_469 = arith.constant 0 : index
        %swap3A_470 = tpu.vector_load %arg9[%swap3A_468, %swap3A_469] {strides = array<i32>} : memref<16x17xf32, #tpu.memory_space<vmem>>, vector<16xf32>,
        tpu.vector_store %arg9[%swap3A_468, %swap3A_469], %scan3A_333#3 {strides = array<i32>} : memref<16x17xf32, #tpu.memory_space<vmem>>, vector<16xf32>,
        %swap3A_471 = arith.constant 2 : i32
        %swap3A_472 = arith.index_cast %swap3A_471 : i32 to index
        %swap3A_473 = arith.constant 0 : index
        %swap3A_474 = tpu.vector_load %arg9[%swap3A_472, %swap3A_473] {strides = array<i32>} : memref<16x17xf32, #tpu.memory_space<vmem>>, vector<16xf32>,
        tpu.vector_store %arg9[%swap3A_472, %swap3A_473], %scan3A_333#5 {strides = array<i32>} : memref<16x17xf32, #tpu.memory_space<vmem>>, vector<16xf32>,
        %swap3A_475 = arith.constant 3 : i32
        %swap3A_476 = arith.index_cast %swap3A_475 : i32 to index
        %swap3A_477 = arith.constant 0 : index
        %swap3A_478 = tpu.vector_load %arg9[%swap3A_476, %swap3A_477] {strides = array<i32>} : memref<16x17xf32, #tpu.memory_space<vmem>>, vector<16xf32>,
        tpu.vector_store %arg9[%swap3A_476, %swap3A_477], %scan3A_333#7 {strides = array<i32>} : memref<16x17xf32, #tpu.memory_space<vmem>>, vector<16xf32>,
        %swap3A_479 = arith.constant 4 : i32
        %swap3A_480 = arith.index_cast %swap3A_479 : i32 to index
        %swap3A_481 = arith.constant 0 : index
        %swap3A_482 = tpu.vector_load %arg9[%swap3A_480, %swap3A_481] {strides = array<i32>} : memref<16x17xf32, #tpu.memory_space<vmem>>, vector<16xf32>,
        tpu.vector_store %arg9[%swap3A_480, %swap3A_481], %scan3A_333#9 {strides = array<i32>} : memref<16x17xf32, #tpu.memory_space<vmem>>, vector<16xf32>,
        %swap3A_483 = arith.constant 5 : i32
        %swap3A_484 = arith.index_cast %swap3A_483 : i32 to index
        %swap3A_485 = arith.constant 0 : index
        %swap3A_486 = tpu.vector_load %arg9[%swap3A_484, %swap3A_485] {strides = array<i32>} : memref<16x17xf32, #tpu.memory_space<vmem>>, vector<16xf32>,
        tpu.vector_store %arg9[%swap3A_484, %swap3A_485], %scan3A_333#11 {strides = array<i32>} : memref<16x17xf32, #tpu.memory_space<vmem>>, vector<16xf32>,
        %swap3A_487 = arith.constant 6 : i32
        %swap3A_488 = arith.index_cast %swap3A_487 : i32 to index
        %swap3A_489 = arith.constant 0 : index
        %swap3A_490 = tpu.vector_load %arg9[%swap3A_488, %swap3A_489] {strides = array<i32>} : memref<16x17xf32, #tpu.memory_space<vmem>>, vector<16xf32>,
        tpu.vector_store %arg9[%swap3A_488, %swap3A_489], %scan3A_333#13 {strides = array<i32>} : memref<16x17xf32, #tpu.memory_space<vmem>>, vector<16xf32>,
        %swap3A_491 = arith.constant 7 : i32
        %swap3A_492 = arith.index_cast %swap3A_491 : i32 to index
        %swap3A_493 = arith.constant 0 : index
        %swap3A_494 = tpu.vector_load %arg9[%swap3A_492, %swap3A_493] {strides = array<i32>} : memref<16x17xf32, #tpu.memory_space<vmem>>, vector<16xf32>,
        tpu.vector_store %arg9[%swap3A_492, %swap3A_493], %scan3A_333#15 {strides = array<i32>} : memref<16x17xf32, #tpu.memory_space<vmem>>, vector<16xf32>,
        %swap3A_495 = arith.constant 8 : i32
        %swap3A_496 = arith.index_cast %swap3A_495 : i32 to index
        %swap3A_497 = arith.constant 0 : index
        %swap3A_498 = tpu.vector_load %arg9[%swap3A_496, %swap3A_497] {strides = array<i32>} : memref<16x17xf32, #tpu.memory_space<vmem>>, vector<16xf32>,
        tpu.vector_store %arg9[%swap3A_496, %swap3A_497], %scan3A_333#17 {strides = array<i32>} : memref<16x17xf32, #tpu.memory_space<vmem>>, vector<16xf32>,
        %swap3A_499 = arith.constant 9 : i32
        %swap3A_500 = arith.index_cast %swap3A_499 : i32 to index
        %swap3A_501 = arith.constant 0 : index
        %swap3A_502 = tpu.vector_load %arg9[%swap3A_500, %swap3A_501] {strides = array<i32>} : memref<16x17xf32, #tpu.memory_space<vmem>>, vector<16xf32>,
        tpu.vector_store %arg9[%swap3A_500, %swap3A_501], %scan3A_333#19 {strides = array<i32>} : memref<16x17xf32, #tpu.memory_space<vmem>>, vector<16xf32>,
        %swap3A_503 = arith.constant 10 : i32
        %swap3A_504 = arith.index_cast %swap3A_503 : i32 to index
        %swap3A_505 = arith.constant 0 : index
        %swap3A_506 = tpu.vector_load %arg9[%swap3A_504, %swap3A_505] {strides = array<i32>} : memref<16x17xf32, #tpu.memory_space<vmem>>, vector<16xf32>,
        tpu.vector_store %arg9[%swap3A_504, %swap3A_505], %scan3A_333#21 {strides = array<i32>} : memref<16x17xf32, #tpu.memory_space<vmem>>, vector<16xf32>,
        %swap3A_507 = arith.constant 11 : i32
        %swap3A_508 = arith.index_cast %swap3A_507 : i32 to index
        %swap3A_509 = arith.constant 0 : index
        %swap3A_510 = tpu.vector_load %arg9[%swap3A_508, %swap3A_509] {strides = array<i32>} : memref<16x17xf32, #tpu.memory_space<vmem>>, vector<16xf32>,
        tpu.vector_store %arg9[%swap3A_508, %swap3A_509], %scan3A_333#23 {strides = array<i32>} : memref<16x17xf32, #tpu.memory_space<vmem>>, vector<16xf32>,
        %swap3A_511 = arith.constant 12 : i32
        %swap3A_512 = arith.index_cast %swap3A_511 : i32 to index
        %swap3A_513 = arith.constant 0 : index
        %swap3A_514 = tpu.vector_load %arg9[%swap3A_512, %swap3A_513] {strides = array<i32>} : memref<16x17xf32, #tpu.memory_space<vmem>>, vector<16xf32>,
        tpu.vector_store %arg9[%swap3A_512, %swap3A_513], %scan3A_333#25 {strides = array<i32>} : memref<16x17xf32, #tpu.memory_space<vmem>>, vector<16xf32>,
        %swap3A_515 = arith.constant 13 : i32
        %swap3A_516 = arith.index_cast %swap3A_515 : i32 to index
        %swap3A_517 = arith.constant 0 : index
        %swap3A_518 = tpu.vector_load %arg9[%swap3A_516, %swap3A_517] {strides = array<i32>} : memref<16x17xf32, #tpu.memory_space<vmem>>, vector<16xf32>,
        tpu.vector_store %arg9[%swap3A_516, %swap3A_517], %scan3A_333#27 {strides = array<i32>} : memref<16x17xf32, #tpu.memory_space<vmem>>, vector<16xf32>,
        %swap3A_519 = arith.constant 14 : i32
        %swap3A_520 = arith.index_cast %swap3A_519 : i32 to index
        %swap3A_521 = arith.constant 0 : index
        %swap3A_522 = tpu.vector_load %arg9[%swap3A_520, %swap3A_521] {strides = array<i32>} : memref<16x17xf32, #tpu.memory_space<vmem>>, vector<16xf32>,
        tpu.vector_store %arg9[%swap3A_520, %swap3A_521], %scan3A_333#29 {strides = array<i32>} : memref<16x17xf32, #tpu.memory_space<vmem>>, vector<16xf32>,
        %swap3A_523 = arith.constant 15 : i32
        %swap3A_524 = arith.index_cast %swap3A_523 : i32 to index
        %swap3A_525 = arith.constant 0 : index
        %swap3A_526 = tpu.vector_load %arg9[%swap3A_524, %swap3A_525] {strides = array<i32>} : memref<16x17xf32, #tpu.memory_space<vmem>>, vector<16xf32>,
        tpu.vector_store %arg9[%swap3A_524, %swap3A_525], %scan3A_333#31 {strides = array<i32>} : memref<16x17xf32, #tpu.memory_space<vmem>>, vector<16xf32>,
        %broadcast_in_dim3A_527 = arith.constant 0 : i32
        %broadcast_in_dim3A_528 = vector.broadcast %broadcast_in_dim3A_527 : i32 to vector<16xi32>
        %gather3A_529 = tpu.vector_load_idx %arg9[%iota3A, %broadcast_in_dim3A_528] : memref<16x17xf32, #tpu.memory_space<vmem>>[vector<16xi32>, vector<16xi32>], vector<16xf32>,
        %add3A_530 = arith.addf %broadcast_in_dim3A_279, %gather3A_529 : vector<16xf32>
        %broadcast_in_dim3A_531 = arith.constant 1 : i32
        %broadcast_in_dim3A_532 = vector.broadcast %broadcast_in_dim3A_531 : i32 to vector<16xi32>
        %gather3A_533 = tpu.vector_load_idx %arg9[%iota3A, %broadcast_in_dim3A_532] : memref<16x17xf32, #tpu.memory_space<vmem>>[vector<16xi32>, vector<16xi32>], vector<16xf32>,
        %add3A_534 = arith.addf %add3A_530, %gather3A_533 : vector<16xf32>
        %broadcast_in_dim3A_535 = arith.constant 2 : i32
        %broadcast_in_dim3A_536 = vector.broadcast %broadcast_in_dim3A_535 : i32 to vector<16xi32>
        %gather3A_537 = tpu.vector_load_idx %arg9[%iota3A, %broadcast_in_dim3A_536] : memref<16x17xf32, #tpu.memory_space<vmem>>[vector<16xi32>, vector<16xi32>], vector<16xf32>,
        %add3A_538 = arith.addf %add3A_534, %gather3A_537 : vector<16xf32>
        %broadcast_in_dim3A_539 = arith.constant 3 : i32
        %broadcast_in_dim3A_540 = vector.broadcast %broadcast_in_dim3A_539 : i32 to vector<16xi32>
        %gather3A_541 = tpu.vector_load_idx %arg9[%iota3A, %broadcast_in_dim3A_540] : memref<16x17xf32, #tpu.memory_space<vmem>>[vector<16xi32>, vector<16xi32>], vector<16xf32>,
        %add3A_542 = arith.addf %add3A_538, %gather3A_541 : vector<16xf32>
        %broadcast_in_dim3A_543 = arith.constant 4 : i32
        %broadcast_in_dim3A_544 = vector.broadcast %broadcast_in_dim3A_543 : i32 to vector<16xi32>
        %gather3A_545 = tpu.vector_load_idx %arg9[%iota3A, %broadcast_in_dim3A_544] : memref<16x17xf32, #tpu.memory_space<vmem>>[vector<16xi32>, vector<16xi32>], vector<16xf32>,
        %add3A_546 = arith.addf %add3A_542, %gather3A_545 : vector<16xf32>
        %broadcast_in_dim3A_547 = arith.constant 5 : i32
        %broadcast_in_dim3A_548 = vector.broadcast %broadcast_in_dim3A_547 : i32 to vector<16xi32>
        %gather3A_549 = tpu.vector_load_idx %arg9[%iota3A, %broadcast_in_dim3A_548] : memref<16x17xf32, #tpu.memory_space<vmem>>[vector<16xi32>, vector<16xi32>], vector<16xf32>,
        %add3A_550 = arith.addf %add3A_546, %gather3A_549 : vector<16xf32>
        %broadcast_in_dim3A_551 = arith.constant 6 : i32
        %broadcast_in_dim3A_552 = vector.broadcast %broadcast_in_dim3A_551 : i32 to vector<16xi32>
        %gather3A_553 = tpu.vector_load_idx %arg9[%iota3A, %broadcast_in_dim3A_552] : memref<16x17xf32, #tpu.memory_space<vmem>>[vector<16xi32>, vector<16xi32>], vector<16xf32>,
        %add3A_554 = arith.addf %add3A_550, %gather3A_553 : vector<16xf32>
        %broadcast_in_dim3A_555 = arith.constant 7 : i32
        %broadcast_in_dim3A_556 = vector.broadcast %broadcast_in_dim3A_555 : i32 to vector<16xi32>
        %gather3A_557 = tpu.vector_load_idx %arg9[%iota3A, %broadcast_in_dim3A_556] : memref<16x17xf32, #tpu.memory_space<vmem>>[vector<16xi32>, vector<16xi32>], vector<16xf32>,
        %add3A_558 = arith.addf %add3A_554, %gather3A_557 : vector<16xf32>
        %broadcast_in_dim3A_559 = arith.constant 8 : i32
        %broadcast_in_dim3A_560 = vector.broadcast %broadcast_in_dim3A_559 : i32 to vector<16xi32>
        %gather3A_561 = tpu.vector_load_idx %arg9[%iota3A, %broadcast_in_dim3A_560] : memref<16x17xf32, #tpu.memory_space<vmem>>[vector<16xi32>, vector<16xi32>], vector<16xf32>,
        %add3A_562 = arith.addf %add3A_558, %gather3A_561 : vector<16xf32>
        %broadcast_in_dim3A_563 = arith.constant 9 : i32
        %broadcast_in_dim3A_564 = vector.broadcast %broadcast_in_dim3A_563 : i32 to vector<16xi32>
        %gather3A_565 = tpu.vector_load_idx %arg9[%iota3A, %broadcast_in_dim3A_564] : memref<16x17xf32, #tpu.memory_space<vmem>>[vector<16xi32>, vector<16xi32>], vector<16xf32>,
        %add3A_566 = arith.addf %add3A_562, %gather3A_565 : vector<16xf32>
        %broadcast_in_dim3A_567 = arith.constant 10 : i32
        %broadcast_in_dim3A_568 = vector.broadcast %broadcast_in_dim3A_567 : i32 to vector<16xi32>
        %gather3A_569 = tpu.vector_load_idx %arg9[%iota3A, %broadcast_in_dim3A_568] : memref<16x17xf32, #tpu.memory_space<vmem>>[vector<16xi32>, vector<16xi32>], vector<16xf32>,
        %add3A_570 = arith.addf %add3A_566, %gather3A_569 : vector<16xf32>
        %broadcast_in_dim3A_571 = arith.constant 11 : i32
        %broadcast_in_dim3A_572 = vector.broadcast %broadcast_in_dim3A_571 : i32 to vector<16xi32>
        %gather3A_573 = tpu.vector_load_idx %arg9[%iota3A, %broadcast_in_dim3A_572] : memref<16x17xf32, #tpu.memory_space<vmem>>[vector<16xi32>, vector<16xi32>], vector<16xf32>,
        %add3A_574 = arith.addf %add3A_570, %gather3A_573 : vector<16xf32>
        %broadcast_in_dim3A_575 = arith.constant 12 : i32
        %broadcast_in_dim3A_576 = vector.broadcast %broadcast_in_dim3A_575 : i32 to vector<16xi32>
        %gather3A_577 = tpu.vector_load_idx %arg9[%iota3A, %broadcast_in_dim3A_576] : memref<16x17xf32, #tpu.memory_space<vmem>>[vector<16xi32>, vector<16xi32>], vector<16xf32>,
        %add3A_578 = arith.addf %add3A_574, %gather3A_577 : vector<16xf32>
        %broadcast_in_dim3A_579 = arith.constant 13 : i32
        %broadcast_in_dim3A_580 = vector.broadcast %broadcast_in_dim3A_579 : i32 to vector<16xi32>
        %gather3A_581 = tpu.vector_load_idx %arg9[%iota3A, %broadcast_in_dim3A_580] : memref<16x17xf32, #tpu.memory_space<vmem>>[vector<16xi32>, vector<16xi32>], vector<16xf32>,
        %add3A_582 = arith.addf %add3A_578, %gather3A_581 : vector<16xf32>
        %broadcast_in_dim3A_583 = arith.constant 14 : i32
        %broadcast_in_dim3A_584 = vector.broadcast %broadcast_in_dim3A_583 : i32 to vector<16xi32>
        %gather3A_585 = tpu.vector_load_idx %arg9[%iota3A, %broadcast_in_dim3A_584] : memref<16x17xf32, #tpu.memory_space<vmem>>[vector<16xi32>, vector<16xi32>], vector<16xf32>,
        %add3A_586 = arith.addf %add3A_582, %gather3A_585 : vector<16xf32>
        %broadcast_in_dim3A_587 = arith.constant 15 : i32
        %broadcast_in_dim3A_588 = vector.broadcast %broadcast_in_dim3A_587 : i32 to vector<16xi32>
        %gather3A_589 = tpu.vector_load_idx %arg9[%iota3A, %broadcast_in_dim3A_588] : memref<16x17xf32, #tpu.memory_space<vmem>>[vector<16xi32>, vector<16xi32>], vector<16xf32>,
        %add3A_590 = arith.addf %add3A_586, %gather3A_589 : vector<16xf32>
        %max3A_591 = arith.constant 1.000000e-30 : f32
        %max3A_592 = vector.broadcast %max3A_591 : f32 to vector<16xf32>
        %max3A_593 = arith.maximumf %add3A_590, %max3A_592 : vector<16xf32>
        %bitcast3A_594 = vector.bitcast %max3A_593 : vector<16xf32> to vector<16xi32>
        %shift_right_logical3A_595 = arith.constant 1 : i32
        %shift_right_logical3A_596 = vector.broadcast %shift_right_logical3A_595 : i32 to vector<16xi32>
        %shift_right_logical3A_597 = arith.shrui %bitcast3A_594, %shift_right_logical3A_596 : vector<16xi32>
        %sub3A_598 = arith.constant 1597463007 : i32
        %sub3A_599 = vector.broadcast %sub3A_598 : i32 to vector<16xi32>
        %sub3A_600 = arith.subi %sub3A_599, %shift_right_logical3A_597 : vector<16xi32>
        %bitcast3A_601 = vector.bitcast %sub3A_600 : vector<16xi32> to vector<16xf32>
        %mul3A_602 = arith.constant 5.000000e-01 : f32
        %mul3A_603 = vector.broadcast %mul3A_602 : f32 to vector<16xf32>
        %mul3A_604 = arith.mulf %mul3A_603, %max3A_593 : vector<16xf32>
        %mul3A_605 = arith.mulf %mul3A_604, %bitcast3A_601 : vector<16xf32>
        %mul3A_606 = arith.mulf %mul3A_605, %bitcast3A_601 : vector<16xf32>
        %sub3A_607 = arith.constant 1.500000e+00 : f32
        %sub3A_608 = vector.broadcast %sub3A_607 : f32 to vector<16xf32>
        %sub3A_609 = arith.subf %sub3A_608, %mul3A_606 : vector<16xf32>
        %mul3A_610 = arith.mulf %bitcast3A_601, %sub3A_609 : vector<16xf32>
        %mul3A_611 = arith.constant 5.000000e-01 : f32
        %mul3A_612 = vector.broadcast %mul3A_611 : f32 to vector<16xf32>
        %mul3A_613 = arith.mulf %mul3A_612, %max3A_593 : vector<16xf32>
        %mul3A_614 = arith.mulf %mul3A_613, %mul3A_610 : vector<16xf32>
        %mul3A_615 = arith.mulf %mul3A_614, %mul3A_610 : vector<16xf32>
        %sub3A_616 = arith.constant 1.500000e+00 : f32
        %sub3A_617 = vector.broadcast %sub3A_616 : f32 to vector<16xf32>
        %sub3A_618 = arith.subf %sub3A_617, %mul3A_615 : vector<16xf32>
        %mul3A_619 = arith.mulf %mul3A_610, %sub3A_618 : vector<16xf32>
        %mul3A_620 = arith.constant 5.000000e-01 : f32
        %mul3A_621 = vector.broadcast %mul3A_620 : f32 to vector<16xf32>
        %mul3A_622 = arith.mulf %mul3A_621, %max3A_593 : vector<16xf32>
        %mul3A_623 = arith.mulf %mul3A_622, %mul3A_619 : vector<16xf32>
        %mul3A_624 = arith.mulf %mul3A_623, %mul3A_619 : vector<16xf32>
        %sub3A_625 = arith.constant 1.500000e+00 : f32
        %sub3A_626 = vector.broadcast %sub3A_625 : f32 to vector<16xf32>
        %sub3A_627 = arith.subf %sub3A_626, %mul3A_624 : vector<16xf32>
        %mul3A_628 = arith.mulf %mul3A_619, %sub3A_627 : vector<16xf32>
        %mul3A_629 = arith.mulf %add3A_590, %mul3A_628 : vector<16xf32>
        %max3A_630 = arith.constant 9.99999993E-9 : f32
        %max3A_631 = vector.broadcast %max3A_630 : f32 to vector<16xf32>
        %max3A_632 = arith.maximumf %mul3A_629, %max3A_631 : vector<16xf32>
        %mul3A_633 = arith.mulf %max3A_277, %max3A_632 : vector<16xf32>
        %div3A = arith.divf %add3A_462, %mul3A_633 : vector<16xf32>
        %mul3A_634 = arith.constant 32 : i32
        %mul3A_635 = arith.muli %add3A_302, %mul3A_634 : i32
        %add3A_636 = arith.constant 0 : i32
        %add3A_637 = arith.addi %mul3A_635, %add3A_636 : i32
        %swap3A_638 = arith.index_cast %add3A_637 : i32 to index
        %swap3A_639 = tpu.vector_load %arg8[%swap3A_638] {strides = array<i32>} : memref<3136xf32, #tpu.memory_space<vmem>>, vector<16xf32>,
        tpu.vector_store %arg8[%swap3A_638], %div3A {strides = array<i32>} : memref<3136xf32, #tpu.memory_space<vmem>>, vector<16xf32>,
        %scan3A_640 = arith.constant 0 : i32
        %scan3A_641 = arith.constant 48 : i32
        %scan3A_642 = arith.addi %scan3A_640, %scan3A_641 : i32
        %scan3A_643 = arith.constant 2 : i32
        %scan3A_644:32 = scf.for %scan3A_952 = %scan3A_640 to %scan3A_642 step %scan3A_643 iter_args(%scan3A_953 = %broadcast_in_dim3A_279, %scan3A_954 = %broadcast_in_dim3A_279, %scan3A_955 = %broadcast_in_dim3A_279, %scan3A_956 = %broadcast_in_dim3A_279, %scan3A_957 = %broadcast_in_dim3A_279, %scan3A_958 = %broadcast_in_dim3A_279, %scan3A_959 = %broadcast_in_dim3A_279, %scan3A_960 = %broadcast_in_dim3A_279, %scan3A_961 = %broadcast_in_dim3A_279, %scan3A_962 = %broadcast_in_dim3A_279, %scan3A_963 = %broadcast_in_dim3A_279, %scan3A_964 = %broadcast_in_dim3A_279, %scan3A_965 = %broadcast_in_dim3A_279, %scan3A_966 = %broadcast_in_dim3A_279, %scan3A_967 = %broadcast_in_dim3A_279, %scan3A_968 = %broadcast_in_dim3A_279, %scan3A_969 = %broadcast_in_dim3A_279, %scan3A_970 = %broadcast_in_dim3A_279, %scan3A_971 = %broadcast_in_dim3A_279, %scan3A_972 = %broadcast_in_dim3A_279, %scan3A_973 = %broadcast_in_dim3A_279, %scan3A_974 = %broadcast_in_dim3A_279, %scan3A_975 = %broadcast_in_dim3A_279, %scan3A_976 = %broadcast_in_dim3A_279, %scan3A_977 = %broadcast_in_dim3A_279, %scan3A_978 = %broadcast_in_dim3A_279, %scan3A_979 = %broadcast_in_dim3A_279, %scan3A_980 = %broadcast_in_dim3A_279, %scan3A_981 = %broadcast_in_dim3A_279, %scan3A_982 = %broadcast_in_dim3A_279, %scan3A_983 = %broadcast_in_dim3A_279, %scan3A_984 = %broadcast_in_dim3A_279) -> (vector<16xf32>, vector<16xf32>, vector<16xf32>, vector<16xf32>, vector<16xf32>, vector<16xf32>, vector<16xf32>, vector<16xf32>, vector<16xf32>, vector<16xf32>, vector<16xf32>, vector<16xf32>, vector<16xf32>, vector<16xf32>, vector<16xf32>, vector<16xf32>, vector<16xf32>, vector<16xf32>, vector<16xf32>, vector<16xf32>, vector<16xf32>, vector<16xf32>, vector<16xf32>, vector<16xf32>, vector<16xf32>, vector<16xf32>, vector<16xf32>, vector<16xf32>, vector<16xf32>, vector<16xf32>, vector<16xf32>, vector<16xf32>)  : i32 {
          %mul3A_985 = arith.constant 16 : i32
          %mul3A_986 = arith.muli %scan3A_952, %mul3A_985 : i32
          %get3A_987 = arith.index_cast %mul3A_986 : i32 to index
          %get3A_988 = tpu.vector_load %arg7[%get3A_987] {strides = array<i32>} : memref<768xf32, #tpu.memory_space<vmem>>, vector<16xf32>,
          %mul3A_989 = arith.constant 16 : i32
          %mul3A_990 = arith.muli %scan3A_952, %mul3A_989 : i32
          %get3A_991 = arith.constant 16 : i32
          %get3A_992 = arith.index_cast %get3A_991 : i32 to index
          %get3A_993 = arith.index_cast %mul3A_990 : i32 to index
          %get3A_994 = tpu.vector_load %arg5[%get3A_992, %get3A_993] {strides = array<i32>} : memref<32x768xf32, #tpu.memory_space<vmem>>, vector<16xf32>,
          %mul3A_995 = arith.mulf %get3A_994, %get3A_988 : vector<16xf32>
          %add3A_996 = arith.addf %scan3A_953, %mul3A_995 : vector<16xf32>
          %mul3A_997 = arith.mulf %get3A_994, %get3A_994 : vector<16xf32>
          %add3A_998 = arith.addf %scan3A_954, %mul3A_997 : vector<16xf32>
          %mul3A_999 = arith.constant 16 : i32
          %mul3A_1000 = arith.muli %scan3A_952, %mul3A_999 : i32
          %get3A_1001 = arith.constant 17 : i32
          %get3A_1002 = arith.index_cast %get3A_1001 : i32 to index
          %get3A_1003 = arith.index_cast %mul3A_1000 : i32 to index
          %get3A_1004 = tpu.vector_load %arg5[%get3A_1002, %get3A_1003] {strides = array<i32>} : memref<32x768xf32, #tpu.memory_space<vmem>>, vector<16xf32>,
          %mul3A_1005 = arith.mulf %get3A_1004, %get3A_988 : vector<16xf32>
          %add3A_1006 = arith.addf %scan3A_955, %mul3A_1005 : vector<16xf32>
          %mul3A_1007 = arith.mulf %get3A_1004, %get3A_1004 : vector<16xf32>
          %add3A_1008 = arith.addf %scan3A_956, %mul3A_1007 : vector<16xf32>
          %mul3A_1009 = arith.constant 16 : i32
          %mul3A_1010 = arith.muli %scan3A_952, %mul3A_1009 : i32
          %get3A_1011 = arith.constant 18 : i32
          %get3A_1012 = arith.index_cast %get3A_1011 : i32 to index
          %get3A_1013 = arith.index_cast %mul3A_1010 : i32 to index
          %get3A_1014 = tpu.vector_load %arg5[%get3A_1012, %get3A_1013] {strides = array<i32>} : memref<32x768xf32, #tpu.memory_space<vmem>>, vector<16xf32>,
          %mul3A_1015 = arith.mulf %get3A_1014, %get3A_988 : vector<16xf32>
          %add3A_1016 = arith.addf %scan3A_957, %mul3A_1015 : vector<16xf32>
          %mul3A_1017 = arith.mulf %get3A_1014, %get3A_1014 : vector<16xf32>
          %add3A_1018 = arith.addf %scan3A_958, %mul3A_1017 : vector<16xf32>
          %mul3A_1019 = arith.constant 16 : i32
          %mul3A_1020 = arith.muli %scan3A_952, %mul3A_1019 : i32
          %get3A_1021 = arith.constant 19 : i32
          %get3A_1022 = arith.index_cast %get3A_1021 : i32 to index
          %get3A_1023 = arith.index_cast %mul3A_1020 : i32 to index
          %get3A_1024 = tpu.vector_load %arg5[%get3A_1022, %get3A_1023] {strides = array<i32>} : memref<32x768xf32, #tpu.memory_space<vmem>>, vector<16xf32>,
          %mul3A_1025 = arith.mulf %get3A_1024, %get3A_988 : vector<16xf32>
          %add3A_1026 = arith.addf %scan3A_959, %mul3A_1025 : vector<16xf32>
          %mul3A_1027 = arith.mulf %get3A_1024, %get3A_1024 : vector<16xf32>
          %add3A_1028 = arith.addf %scan3A_960, %mul3A_1027 : vector<16xf32>
          %mul3A_1029 = arith.constant 16 : i32
          %mul3A_1030 = arith.muli %scan3A_952, %mul3A_1029 : i32
          %get3A_1031 = arith.constant 20 : i32
          %get3A_1032 = arith.index_cast %get3A_1031 : i32 to index
          %get3A_1033 = arith.index_cast %mul3A_1030 : i32 to index
          %get3A_1034 = tpu.vector_load %arg5[%get3A_1032, %get3A_1033] {strides = array<i32>} : memref<32x768xf32, #tpu.memory_space<vmem>>, vector<16xf32>,
          %mul3A_1035 = arith.mulf %get3A_1034, %get3A_988 : vector<16xf32>
          %add3A_1036 = arith.addf %scan3A_961, %mul3A_1035 : vector<16xf32>
          %mul3A_1037 = arith.mulf %get3A_1034, %get3A_1034 : vector<16xf32>
          %add3A_1038 = arith.addf %scan3A_962, %mul3A_1037 : vector<16xf32>
          %mul3A_1039 = arith.constant 16 : i32
          %mul3A_1040 = arith.muli %scan3A_952, %mul3A_1039 : i32
          %get3A_1041 = arith.constant 21 : i32
          %get3A_1042 = arith.index_cast %get3A_1041 : i32 to index
          %get3A_1043 = arith.index_cast %mul3A_1040 : i32 to index
          %get3A_1044 = tpu.vector_load %arg5[%get3A_1042, %get3A_1043] {strides = array<i32>} : memref<32x768xf32, #tpu.memory_space<vmem>>, vector<16xf32>,
          %mul3A_1045 = arith.mulf %get3A_1044, %get3A_988 : vector<16xf32>
          %add3A_1046 = arith.addf %scan3A_963, %mul3A_1045 : vector<16xf32>
          %mul3A_1047 = arith.mulf %get3A_1044, %get3A_1044 : vector<16xf32>
          %add3A_1048 = arith.addf %scan3A_964, %mul3A_1047 : vector<16xf32>
          %mul3A_1049 = arith.constant 16 : i32
          %mul3A_1050 = arith.muli %scan3A_952, %mul3A_1049 : i32
          %get3A_1051 = arith.constant 22 : i32
          %get3A_1052 = arith.index_cast %get3A_1051 : i32 to index
          %get3A_1053 = arith.index_cast %mul3A_1050 : i32 to index
          %get3A_1054 = tpu.vector_load %arg5[%get3A_1052, %get3A_1053] {strides = array<i32>} : memref<32x768xf32, #tpu.memory_space<vmem>>, vector<16xf32>,
          %mul3A_1055 = arith.mulf %get3A_1054, %get3A_988 : vector<16xf32>
          %add3A_1056 = arith.addf %scan3A_965, %mul3A_1055 : vector<16xf32>
          %mul3A_1057 = arith.mulf %get3A_1054, %get3A_1054 : vector<16xf32>
          %add3A_1058 = arith.addf %scan3A_966, %mul3A_1057 : vector<16xf32>
          %mul3A_1059 = arith.constant 16 : i32
          %mul3A_1060 = arith.muli %scan3A_952, %mul3A_1059 : i32
          %get3A_1061 = arith.constant 23 : i32
          %get3A_1062 = arith.index_cast %get3A_1061 : i32 to index
          %get3A_1063 = arith.index_cast %mul3A_1060 : i32 to index
          %get3A_1064 = tpu.vector_load %arg5[%get3A_1062, %get3A_1063] {strides = array<i32>} : memref<32x768xf32, #tpu.memory_space<vmem>>, vector<16xf32>,
          %mul3A_1065 = arith.mulf %get3A_1064, %get3A_988 : vector<16xf32>
          %add3A_1066 = arith.addf %scan3A_967, %mul3A_1065 : vector<16xf32>
          %mul3A_1067 = arith.mulf %get3A_1064, %get3A_1064 : vector<16xf32>
          %add3A_1068 = arith.addf %scan3A_968, %mul3A_1067 : vector<16xf32>
          %mul3A_1069 = arith.constant 16 : i32
          %mul3A_1070 = arith.muli %scan3A_952, %mul3A_1069 : i32
          %get3A_1071 = arith.constant 24 : i32
          %get3A_1072 = arith.index_cast %get3A_1071 : i32 to index
          %get3A_1073 = arith.index_cast %mul3A_1070 : i32 to index
          %get3A_1074 = tpu.vector_load %arg5[%get3A_1072, %get3A_1073] {strides = array<i32>} : memref<32x768xf32, #tpu.memory_space<vmem>>, vector<16xf32>,
          %mul3A_1075 = arith.mulf %get3A_1074, %get3A_988 : vector<16xf32>
          %add3A_1076 = arith.addf %scan3A_969, %mul3A_1075 : vector<16xf32>
          %mul3A_1077 = arith.mulf %get3A_1074, %get3A_1074 : vector<16xf32>
          %add3A_1078 = arith.addf %scan3A_970, %mul3A_1077 : vector<16xf32>
          %mul3A_1079 = arith.constant 16 : i32
          %mul3A_1080 = arith.muli %scan3A_952, %mul3A_1079 : i32
          %get3A_1081 = arith.constant 25 : i32
          %get3A_1082 = arith.index_cast %get3A_1081 : i32 to index
          %get3A_1083 = arith.index_cast %mul3A_1080 : i32 to index
          %get3A_1084 = tpu.vector_load %arg5[%get3A_1082, %get3A_1083] {strides = array<i32>} : memref<32x768xf32, #tpu.memory_space<vmem>>, vector<16xf32>,
          %mul3A_1085 = arith.mulf %get3A_1084, %get3A_988 : vector<16xf32>
          %add3A_1086 = arith.addf %scan3A_971, %mul3A_1085 : vector<16xf32>
          %mul3A_1087 = arith.mulf %get3A_1084, %get3A_1084 : vector<16xf32>
          %add3A_1088 = arith.addf %scan3A_972, %mul3A_1087 : vector<16xf32>
          %mul3A_1089 = arith.constant 16 : i32
          %mul3A_1090 = arith.muli %scan3A_952, %mul3A_1089 : i32
          %get3A_1091 = arith.constant 26 : i32
          %get3A_1092 = arith.index_cast %get3A_1091 : i32 to index
          %get3A_1093 = arith.index_cast %mul3A_1090 : i32 to index
          %get3A_1094 = tpu.vector_load %arg5[%get3A_1092, %get3A_1093] {strides = array<i32>} : memref<32x768xf32, #tpu.memory_space<vmem>>, vector<16xf32>,
          %mul3A_1095 = arith.mulf %get3A_1094, %get3A_988 : vector<16xf32>
          %add3A_1096 = arith.addf %scan3A_973, %mul3A_1095 : vector<16xf32>
          %mul3A_1097 = arith.mulf %get3A_1094, %get3A_1094 : vector<16xf32>
          %add3A_1098 = arith.addf %scan3A_974, %mul3A_1097 : vector<16xf32>
          %mul3A_1099 = arith.constant 16 : i32
          %mul3A_1100 = arith.muli %scan3A_952, %mul3A_1099 : i32
          %get3A_1101 = arith.constant 27 : i32
          %get3A_1102 = arith.index_cast %get3A_1101 : i32 to index
          %get3A_1103 = arith.index_cast %mul3A_1100 : i32 to index
          %get3A_1104 = tpu.vector_load %arg5[%get3A_1102, %get3A_1103] {strides = array<i32>} : memref<32x768xf32, #tpu.memory_space<vmem>>, vector<16xf32>,
          %mul3A_1105 = arith.mulf %get3A_1104, %get3A_988 : vector<16xf32>
          %add3A_1106 = arith.addf %scan3A_975, %mul3A_1105 : vector<16xf32>
          %mul3A_1107 = arith.mulf %get3A_1104, %get3A_1104 : vector<16xf32>
          %add3A_1108 = arith.addf %scan3A_976, %mul3A_1107 : vector<16xf32>
          %mul3A_1109 = arith.constant 16 : i32
          %mul3A_1110 = arith.muli %scan3A_952, %mul3A_1109 : i32
          %get3A_1111 = arith.constant 28 : i32
          %get3A_1112 = arith.index_cast %get3A_1111 : i32 to index
          %get3A_1113 = arith.index_cast %mul3A_1110 : i32 to index
          %get3A_1114 = tpu.vector_load %arg5[%get3A_1112, %get3A_1113] {strides = array<i32>} : memref<32x768xf32, #tpu.memory_space<vmem>>, vector<16xf32>,
          %mul3A_1115 = arith.mulf %get3A_1114, %get3A_988 : vector<16xf32>
          %add3A_1116 = arith.addf %scan3A_977, %mul3A_1115 : vector<16xf32>
          %mul3A_1117 = arith.mulf %get3A_1114, %get3A_1114 : vector<16xf32>
          %add3A_1118 = arith.addf %scan3A_978, %mul3A_1117 : vector<16xf32>
          %mul3A_1119 = arith.constant 16 : i32
          %mul3A_1120 = arith.muli %scan3A_952, %mul3A_1119 : i32
          %get3A_1121 = arith.constant 29 : i32
          %get3A_1122 = arith.index_cast %get3A_1121 : i32 to index
          %get3A_1123 = arith.index_cast %mul3A_1120 : i32 to index
          %get3A_1124 = tpu.vector_load %arg5[%get3A_1122, %get3A_1123] {strides = array<i32>} : memref<32x768xf32, #tpu.memory_space<vmem>>, vector<16xf32>,
          %mul3A_1125 = arith.mulf %get3A_1124, %get3A_988 : vector<16xf32>
          %add3A_1126 = arith.addf %scan3A_979, %mul3A_1125 : vector<16xf32>
          %mul3A_1127 = arith.mulf %get3A_1124, %get3A_1124 : vector<16xf32>
          %add3A_1128 = arith.addf %scan3A_980, %mul3A_1127 : vector<16xf32>
          %mul3A_1129 = arith.constant 16 : i32
          %mul3A_1130 = arith.muli %scan3A_952, %mul3A_1129 : i32
          %get3A_1131 = arith.constant 30 : i32
          %get3A_1132 = arith.index_cast %get3A_1131 : i32 to index
          %get3A_1133 = arith.index_cast %mul3A_1130 : i32 to index
          %get3A_1134 = tpu.vector_load %arg5[%get3A_1132, %get3A_1133] {strides = array<i32>} : memref<32x768xf32, #tpu.memory_space<vmem>>, vector<16xf32>,
          %mul3A_1135 = arith.mulf %get3A_1134, %get3A_988 : vector<16xf32>
          %add3A_1136 = arith.addf %scan3A_981, %mul3A_1135 : vector<16xf32>
          %mul3A_1137 = arith.mulf %get3A_1134, %get3A_1134 : vector<16xf32>
          %add3A_1138 = arith.addf %scan3A_982, %mul3A_1137 : vector<16xf32>
          %mul3A_1139 = arith.constant 16 : i32
          %mul3A_1140 = arith.muli %scan3A_952, %mul3A_1139 : i32
          %get3A_1141 = arith.constant 31 : i32
          %get3A_1142 = arith.index_cast %get3A_1141 : i32 to index
          %get3A_1143 = arith.index_cast %mul3A_1140 : i32 to index
          %get3A_1144 = tpu.vector_load %arg5[%get3A_1142, %get3A_1143] {strides = array<i32>} : memref<32x768xf32, #tpu.memory_space<vmem>>, vector<16xf32>,
          %mul3A_1145 = arith.mulf %get3A_1144, %get3A_988 : vector<16xf32>
          %add3A_1146 = arith.addf %scan3A_983, %mul3A_1145 : vector<16xf32>
          %mul3A_1147 = arith.mulf %get3A_1144, %get3A_1144 : vector<16xf32>
          %add3A_1148 = arith.addf %scan3A_984, %mul3A_1147 : vector<16xf32>
          %scan3A_1149 = arith.constant 1 : i32
          %scan3A_1150 = arith.addi %scan3A_952, %scan3A_1149 : i32
          %mul3A_1151 = arith.constant 16 : i32
          %mul3A_1152 = arith.muli %scan3A_1150, %mul3A_1151 : i32
          %get3A_1153 = arith.index_cast %mul3A_1152 : i32 to index
          %get3A_1154 = tpu.vector_load %arg7[%get3A_1153] {strides = array<i32>} : memref<768xf32, #tpu.memory_space<vmem>>, vector<16xf32>,
          %mul3A_1155 = arith.constant 16 : i32
          %mul3A_1156 = arith.muli %scan3A_1150, %mul3A_1155 : i32
          %get3A_1157 = arith.constant 16 : i32
          %get3A_1158 = arith.index_cast %get3A_1157 : i32 to index
          %get3A_1159 = arith.index_cast %mul3A_1156 : i32 to index
          %get3A_1160 = tpu.vector_load %arg5[%get3A_1158, %get3A_1159] {strides = array<i32>} : memref<32x768xf32, #tpu.memory_space<vmem>>, vector<16xf32>,
          %mul3A_1161 = arith.mulf %get3A_1160, %get3A_1154 : vector<16xf32>
          %add3A_1162 = arith.addf %add3A_996, %mul3A_1161 : vector<16xf32>
          %mul3A_1163 = arith.mulf %get3A_1160, %get3A_1160 : vector<16xf32>
          %add3A_1164 = arith.addf %add3A_998, %mul3A_1163 : vector<16xf32>
          %mul3A_1165 = arith.constant 16 : i32
          %mul3A_1166 = arith.muli %scan3A_1150, %mul3A_1165 : i32
          %get3A_1167 = arith.constant 17 : i32
          %get3A_1168 = arith.index_cast %get3A_1167 : i32 to index
          %get3A_1169 = arith.index_cast %mul3A_1166 : i32 to index
          %get3A_1170 = tpu.vector_load %arg5[%get3A_1168, %get3A_1169] {strides = array<i32>} : memref<32x768xf32, #tpu.memory_space<vmem>>, vector<16xf32>,
          %mul3A_1171 = arith.mulf %get3A_1170, %get3A_1154 : vector<16xf32>
          %add3A_1172 = arith.addf %add3A_1006, %mul3A_1171 : vector<16xf32>
          %mul3A_1173 = arith.mulf %get3A_1170, %get3A_1170 : vector<16xf32>
          %add3A_1174 = arith.addf %add3A_1008, %mul3A_1173 : vector<16xf32>
          %mul3A_1175 = arith.constant 16 : i32
          %mul3A_1176 = arith.muli %scan3A_1150, %mul3A_1175 : i32
          %get3A_1177 = arith.constant 18 : i32
          %get3A_1178 = arith.index_cast %get3A_1177 : i32 to index
          %get3A_1179 = arith.index_cast %mul3A_1176 : i32 to index
          %get3A_1180 = tpu.vector_load %arg5[%get3A_1178, %get3A_1179] {strides = array<i32>} : memref<32x768xf32, #tpu.memory_space<vmem>>, vector<16xf32>,
          %mul3A_1181 = arith.mulf %get3A_1180, %get3A_1154 : vector<16xf32>
          %add3A_1182 = arith.addf %add3A_1016, %mul3A_1181 : vector<16xf32>
          %mul3A_1183 = arith.mulf %get3A_1180, %get3A_1180 : vector<16xf32>
          %add3A_1184 = arith.addf %add3A_1018, %mul3A_1183 : vector<16xf32>
          %mul3A_1185 = arith.constant 16 : i32
          %mul3A_1186 = arith.muli %scan3A_1150, %mul3A_1185 : i32
          %get3A_1187 = arith.constant 19 : i32
          %get3A_1188 = arith.index_cast %get3A_1187 : i32 to index
          %get3A_1189 = arith.index_cast %mul3A_1186 : i32 to index
          %get3A_1190 = tpu.vector_load %arg5[%get3A_1188, %get3A_1189] {strides = array<i32>} : memref<32x768xf32, #tpu.memory_space<vmem>>, vector<16xf32>,
          %mul3A_1191 = arith.mulf %get3A_1190, %get3A_1154 : vector<16xf32>
          %add3A_1192 = arith.addf %add3A_1026, %mul3A_1191 : vector<16xf32>
          %mul3A_1193 = arith.mulf %get3A_1190, %get3A_1190 : vector<16xf32>
          %add3A_1194 = arith.addf %add3A_1028, %mul3A_1193 : vector<16xf32>
          %mul3A_1195 = arith.constant 16 : i32
          %mul3A_1196 = arith.muli %scan3A_1150, %mul3A_1195 : i32
          %get3A_1197 = arith.constant 20 : i32
          %get3A_1198 = arith.index_cast %get3A_1197 : i32 to index
          %get3A_1199 = arith.index_cast %mul3A_1196 : i32 to index
          %get3A_1200 = tpu.vector_load %arg5[%get3A_1198, %get3A_1199] {strides = array<i32>} : memref<32x768xf32, #tpu.memory_space<vmem>>, vector<16xf32>,
          %mul3A_1201 = arith.mulf %get3A_1200, %get3A_1154 : vector<16xf32>
          %add3A_1202 = arith.addf %add3A_1036, %mul3A_1201 : vector<16xf32>
          %mul3A_1203 = arith.mulf %get3A_1200, %get3A_1200 : vector<16xf32>
          %add3A_1204 = arith.addf %add3A_1038, %mul3A_1203 : vector<16xf32>
          %mul3A_1205 = arith.constant 16 : i32
          %mul3A_1206 = arith.muli %scan3A_1150, %mul3A_1205 : i32
          %get3A_1207 = arith.constant 21 : i32
          %get3A_1208 = arith.index_cast %get3A_1207 : i32 to index
          %get3A_1209 = arith.index_cast %mul3A_1206 : i32 to index
          %get3A_1210 = tpu.vector_load %arg5[%get3A_1208, %get3A_1209] {strides = array<i32>} : memref<32x768xf32, #tpu.memory_space<vmem>>, vector<16xf32>,
          %mul3A_1211 = arith.mulf %get3A_1210, %get3A_1154 : vector<16xf32>
          %add3A_1212 = arith.addf %add3A_1046, %mul3A_1211 : vector<16xf32>
          %mul3A_1213 = arith.mulf %get3A_1210, %get3A_1210 : vector<16xf32>
          %add3A_1214 = arith.addf %add3A_1048, %mul3A_1213 : vector<16xf32>
          %mul3A_1215 = arith.constant 16 : i32
          %mul3A_1216 = arith.muli %scan3A_1150, %mul3A_1215 : i32
          %get3A_1217 = arith.constant 22 : i32
          %get3A_1218 = arith.index_cast %get3A_1217 : i32 to index
          %get3A_1219 = arith.index_cast %mul3A_1216 : i32 to index
          %get3A_1220 = tpu.vector_load %arg5[%get3A_1218, %get3A_1219] {strides = array<i32>} : memref<32x768xf32, #tpu.memory_space<vmem>>, vector<16xf32>,
          %mul3A_1221 = arith.mulf %get3A_1220, %get3A_1154 : vector<16xf32>
          %add3A_1222 = arith.addf %add3A_1056, %mul3A_1221 : vector<16xf32>
          %mul3A_1223 = arith.mulf %get3A_1220, %get3A_1220 : vector<16xf32>
          %add3A_1224 = arith.addf %add3A_1058, %mul3A_1223 : vector<16xf32>
          %mul3A_1225 = arith.constant 16 : i32
          %mul3A_1226 = arith.muli %scan3A_1150, %mul3A_1225 : i32
          %get3A_1227 = arith.constant 23 : i32
          %get3A_1228 = arith.index_cast %get3A_1227 : i32 to index
          %get3A_1229 = arith.index_cast %mul3A_1226 : i32 to index
          %get3A_1230 = tpu.vector_load %arg5[%get3A_1228, %get3A_1229] {strides = array<i32>} : memref<32x768xf32, #tpu.memory_space<vmem>>, vector<16xf32>,
          %mul3A_1231 = arith.mulf %get3A_1230, %get3A_1154 : vector<16xf32>
          %add3A_1232 = arith.addf %add3A_1066, %mul3A_1231 : vector<16xf32>
          %mul3A_1233 = arith.mulf %get3A_1230, %get3A_1230 : vector<16xf32>
          %add3A_1234 = arith.addf %add3A_1068, %mul3A_1233 : vector<16xf32>
          %mul3A_1235 = arith.constant 16 : i32
          %mul3A_1236 = arith.muli %scan3A_1150, %mul3A_1235 : i32
          %get3A_1237 = arith.constant 24 : i32
          %get3A_1238 = arith.index_cast %get3A_1237 : i32 to index
          %get3A_1239 = arith.index_cast %mul3A_1236 : i32 to index
          %get3A_1240 = tpu.vector_load %arg5[%get3A_1238, %get3A_1239] {strides = array<i32>} : memref<32x768xf32, #tpu.memory_space<vmem>>, vector<16xf32>,
          %mul3A_1241 = arith.mulf %get3A_1240, %get3A_1154 : vector<16xf32>
          %add3A_1242 = arith.addf %add3A_1076, %mul3A_1241 : vector<16xf32>
          %mul3A_1243 = arith.mulf %get3A_1240, %get3A_1240 : vector<16xf32>
          %add3A_1244 = arith.addf %add3A_1078, %mul3A_1243 : vector<16xf32>
          %mul3A_1245 = arith.constant 16 : i32
          %mul3A_1246 = arith.muli %scan3A_1150, %mul3A_1245 : i32
          %get3A_1247 = arith.constant 25 : i32
          %get3A_1248 = arith.index_cast %get3A_1247 : i32 to index
          %get3A_1249 = arith.index_cast %mul3A_1246 : i32 to index
          %get3A_1250 = tpu.vector_load %arg5[%get3A_1248, %get3A_1249] {strides = array<i32>} : memref<32x768xf32, #tpu.memory_space<vmem>>, vector<16xf32>,
          %mul3A_1251 = arith.mulf %get3A_1250, %get3A_1154 : vector<16xf32>
          %add3A_1252 = arith.addf %add3A_1086, %mul3A_1251 : vector<16xf32>
          %mul3A_1253 = arith.mulf %get3A_1250, %get3A_1250 : vector<16xf32>
          %add3A_1254 = arith.addf %add3A_1088, %mul3A_1253 : vector<16xf32>
          %mul3A_1255 = arith.constant 16 : i32
          %mul3A_1256 = arith.muli %scan3A_1150, %mul3A_1255 : i32
          %get3A_1257 = arith.constant 26 : i32
          %get3A_1258 = arith.index_cast %get3A_1257 : i32 to index
          %get3A_1259 = arith.index_cast %mul3A_1256 : i32 to index
          %get3A_1260 = tpu.vector_load %arg5[%get3A_1258, %get3A_1259] {strides = array<i32>} : memref<32x768xf32, #tpu.memory_space<vmem>>, vector<16xf32>,
          %mul3A_1261 = arith.mulf %get3A_1260, %get3A_1154 : vector<16xf32>
          %add3A_1262 = arith.addf %add3A_1096, %mul3A_1261 : vector<16xf32>
          %mul3A_1263 = arith.mulf %get3A_1260, %get3A_1260 : vector<16xf32>
          %add3A_1264 = arith.addf %add3A_1098, %mul3A_1263 : vector<16xf32>
          %mul3A_1265 = arith.constant 16 : i32
          %mul3A_1266 = arith.muli %scan3A_1150, %mul3A_1265 : i32
          %get3A_1267 = arith.constant 27 : i32
          %get3A_1268 = arith.index_cast %get3A_1267 : i32 to index
          %get3A_1269 = arith.index_cast %mul3A_1266 : i32 to index
          %get3A_1270 = tpu.vector_load %arg5[%get3A_1268, %get3A_1269] {strides = array<i32>} : memref<32x768xf32, #tpu.memory_space<vmem>>, vector<16xf32>,
          %mul3A_1271 = arith.mulf %get3A_1270, %get3A_1154 : vector<16xf32>
          %add3A_1272 = arith.addf %add3A_1106, %mul3A_1271 : vector<16xf32>
          %mul3A_1273 = arith.mulf %get3A_1270, %get3A_1270 : vector<16xf32>
          %add3A_1274 = arith.addf %add3A_1108, %mul3A_1273 : vector<16xf32>
          %mul3A_1275 = arith.constant 16 : i32
          %mul3A_1276 = arith.muli %scan3A_1150, %mul3A_1275 : i32
          %get3A_1277 = arith.constant 28 : i32
          %get3A_1278 = arith.index_cast %get3A_1277 : i32 to index
          %get3A_1279 = arith.index_cast %mul3A_1276 : i32 to index
          %get3A_1280 = tpu.vector_load %arg5[%get3A_1278, %get3A_1279] {strides = array<i32>} : memref<32x768xf32, #tpu.memory_space<vmem>>, vector<16xf32>,
          %mul3A_1281 = arith.mulf %get3A_1280, %get3A_1154 : vector<16xf32>
          %add3A_1282 = arith.addf %add3A_1116, %mul3A_1281 : vector<16xf32>
          %mul3A_1283 = arith.mulf %get3A_1280, %get3A_1280 : vector<16xf32>
          %add3A_1284 = arith.addf %add3A_1118, %mul3A_1283 : vector<16xf32>
          %mul3A_1285 = arith.constant 16 : i32
          %mul3A_1286 = arith.muli %scan3A_1150, %mul3A_1285 : i32
          %get3A_1287 = arith.constant 29 : i32
          %get3A_1288 = arith.index_cast %get3A_1287 : i32 to index
          %get3A_1289 = arith.index_cast %mul3A_1286 : i32 to index
          %get3A_1290 = tpu.vector_load %arg5[%get3A_1288, %get3A_1289] {strides = array<i32>} : memref<32x768xf32, #tpu.memory_space<vmem>>, vector<16xf32>,
          %mul3A_1291 = arith.mulf %get3A_1290, %get3A_1154 : vector<16xf32>
          %add3A_1292 = arith.addf %add3A_1126, %mul3A_1291 : vector<16xf32>
          %mul3A_1293 = arith.mulf %get3A_1290, %get3A_1290 : vector<16xf32>
          %add3A_1294 = arith.addf %add3A_1128, %mul3A_1293 : vector<16xf32>
          %mul3A_1295 = arith.constant 16 : i32
          %mul3A_1296 = arith.muli %scan3A_1150, %mul3A_1295 : i32
          %get3A_1297 = arith.constant 30 : i32
          %get3A_1298 = arith.index_cast %get3A_1297 : i32 to index
          %get3A_1299 = arith.index_cast %mul3A_1296 : i32 to index
          %get3A_1300 = tpu.vector_load %arg5[%get3A_1298, %get3A_1299] {strides = array<i32>} : memref<32x768xf32, #tpu.memory_space<vmem>>, vector<16xf32>,
          %mul3A_1301 = arith.mulf %get3A_1300, %get3A_1154 : vector<16xf32>
          %add3A_1302 = arith.addf %add3A_1136, %mul3A_1301 : vector<16xf32>
          %mul3A_1303 = arith.mulf %get3A_1300, %get3A_1300 : vector<16xf32>
          %add3A_1304 = arith.addf %add3A_1138, %mul3A_1303 : vector<16xf32>
          %mul3A_1305 = arith.constant 16 : i32
          %mul3A_1306 = arith.muli %scan3A_1150, %mul3A_1305 : i32
          %get3A_1307 = arith.constant 31 : i32
          %get3A_1308 = arith.index_cast %get3A_1307 : i32 to index
          %get3A_1309 = arith.index_cast %mul3A_1306 : i32 to index
          %get3A_1310 = tpu.vector_load %arg5[%get3A_1308, %get3A_1309] {strides = array<i32>} : memref<32x768xf32, #tpu.memory_space<vmem>>, vector<16xf32>,
          %mul3A_1311 = arith.mulf %get3A_1310, %get3A_1154 : vector<16xf32>
          %add3A_1312 = arith.addf %add3A_1146, %mul3A_1311 : vector<16xf32>
          %mul3A_1313 = arith.mulf %get3A_1310, %get3A_1310 : vector<16xf32>
          %add3A_1314 = arith.addf %add3A_1148, %mul3A_1313 : vector<16xf32>
          scf.yield %add3A_1162, %add3A_1164, %add3A_1172, %add3A_1174, %add3A_1182, %add3A_1184, %add3A_1192, %add3A_1194, %add3A_1202, %add3A_1204, %add3A_1212, %add3A_1214, %add3A_1222, %add3A_1224, %add3A_1232, %add3A_1234, %add3A_1242, %add3A_1244, %add3A_1252, %add3A_1254, %add3A_1262, %add3A_1264, %add3A_1272, %add3A_1274, %add3A_1282, %add3A_1284, %add3A_1292, %add3A_1294, %add3A_1302, %add3A_1304, %add3A_1312, %add3A_1314 : vector<16xf32>, vector<16xf32>, vector<16xf32>, vector<16xf32>, vector<16xf32>, vector<16xf32>, vector<16xf32>, vector<16xf32>, vector<16xf32>, vector<16xf32>, vector<16xf32>, vector<16xf32>, vector<16xf32>, vector<16xf32>, vector<16xf32>, vector<16xf32>, vector<16xf32>, vector<16xf32>, vector<16xf32>, vector<16xf32>, vector<16xf32>, vector<16xf32>, vector<16xf32>, vector<16xf32>, vector<16xf32>, vector<16xf32>, vector<16xf32>, vector<16xf32>, vector<16xf32>, vector<16xf32>, vector<16xf32>, vector<16xf32>
        }
        %scan3A_645 = arith.constant 48 : i32
        %swap3A_646 = arith.constant 0 : i32
        %swap3A_647 = arith.index_cast %swap3A_646 : i32 to index
        %swap3A_648 = arith.constant 0 : index
        %swap3A_649 = tpu.vector_load %arg9[%swap3A_647, %swap3A_648] {strides = array<i32>} : memref<16x17xf32, #tpu.memory_space<vmem>>, vector<16xf32>,
        tpu.vector_store %arg9[%swap3A_647, %swap3A_648], %scan3A_644#0 {strides = array<i32>} : memref<16x17xf32, #tpu.memory_space<vmem>>, vector<16xf32>,
        %swap3A_650 = arith.constant 1 : i32
        %swap3A_651 = arith.index_cast %swap3A_650 : i32 to index
        %swap3A_652 = arith.constant 0 : index
        %swap3A_653 = tpu.vector_load %arg9[%swap3A_651, %swap3A_652] {strides = array<i32>} : memref<16x17xf32, #tpu.memory_space<vmem>>, vector<16xf32>,
        tpu.vector_store %arg9[%swap3A_651, %swap3A_652], %scan3A_644#2 {strides = array<i32>} : memref<16x17xf32, #tpu.memory_space<vmem>>, vector<16xf32>,
        %swap3A_654 = arith.constant 2 : i32
        %swap3A_655 = arith.index_cast %swap3A_654 : i32 to index
        %swap3A_656 = arith.constant 0 : index
        %swap3A_657 = tpu.vector_load %arg9[%swap3A_655, %swap3A_656] {strides = array<i32>} : memref<16x17xf32, #tpu.memory_space<vmem>>, vector<16xf32>,
        tpu.vector_store %arg9[%swap3A_655, %swap3A_656], %scan3A_644#4 {strides = array<i32>} : memref<16x17xf32, #tpu.memory_space<vmem>>, vector<16xf32>,
        %swap3A_658 = arith.constant 3 : i32
        %swap3A_659 = arith.index_cast %swap3A_658 : i32 to index
        %swap3A_660 = arith.constant 0 : index
        %swap3A_661 = tpu.vector_load %arg9[%swap3A_659, %swap3A_660] {strides = array<i32>} : memref<16x17xf32, #tpu.memory_space<vmem>>, vector<16xf32>,
        tpu.vector_store %arg9[%swap3A_659, %swap3A_660], %scan3A_644#6 {strides = array<i32>} : memref<16x17xf32, #tpu.memory_space<vmem>>, vector<16xf32>,
        %swap3A_662 = arith.constant 4 : i32
        %swap3A_663 = arith.index_cast %swap3A_662 : i32 to index
        %swap3A_664 = arith.constant 0 : index
        %swap3A_665 = tpu.vector_load %arg9[%swap3A_663, %swap3A_664] {strides = array<i32>} : memref<16x17xf32, #tpu.memory_space<vmem>>, vector<16xf32>,
        tpu.vector_store %arg9[%swap3A_663, %swap3A_664], %scan3A_644#8 {strides = array<i32>} : memref<16x17xf32, #tpu.memory_space<vmem>>, vector<16xf32>,
        %swap3A_666 = arith.constant 5 : i32
        %swap3A_667 = arith.index_cast %swap3A_666 : i32 to index
        %swap3A_668 = arith.constant 0 : index
        %swap3A_669 = tpu.vector_load %arg9[%swap3A_667, %swap3A_668] {strides = array<i32>} : memref<16x17xf32, #tpu.memory_space<vmem>>, vector<16xf32>,
        tpu.vector_store %arg9[%swap3A_667, %swap3A_668], %scan3A_644#10 {strides = array<i32>} : memref<16x17xf32, #tpu.memory_space<vmem>>, vector<16xf32>,
        %swap3A_670 = arith.constant 6 : i32
        %swap3A_671 = arith.index_cast %swap3A_670 : i32 to index
        %swap3A_672 = arith.constant 0 : index
        %swap3A_673 = tpu.vector_load %arg9[%swap3A_671, %swap3A_672] {strides = array<i32>} : memref<16x17xf32, #tpu.memory_space<vmem>>, vector<16xf32>,
        tpu.vector_store %arg9[%swap3A_671, %swap3A_672], %scan3A_644#12 {strides = array<i32>} : memref<16x17xf32, #tpu.memory_space<vmem>>, vector<16xf32>,
        %swap3A_674 = arith.constant 7 : i32
        %swap3A_675 = arith.index_cast %swap3A_674 : i32 to index
        %swap3A_676 = arith.constant 0 : index
        %swap3A_677 = tpu.vector_load %arg9[%swap3A_675, %swap3A_676] {strides = array<i32>} : memref<16x17xf32, #tpu.memory_space<vmem>>, vector<16xf32>,
        tpu.vector_store %arg9[%swap3A_675, %swap3A_676], %scan3A_644#14 {strides = array<i32>} : memref<16x17xf32, #tpu.memory_space<vmem>>, vector<16xf32>,
        %swap3A_678 = arith.constant 8 : i32
        %swap3A_679 = arith.index_cast %swap3A_678 : i32 to index
        %swap3A_680 = arith.constant 0 : index
        %swap3A_681 = tpu.vector_load %arg9[%swap3A_679, %swap3A_680] {strides = array<i32>} : memref<16x17xf32, #tpu.memory_space<vmem>>, vector<16xf32>,
        tpu.vector_store %arg9[%swap3A_679, %swap3A_680], %scan3A_644#16 {strides = array<i32>} : memref<16x17xf32, #tpu.memory_space<vmem>>, vector<16xf32>,
        %swap3A_682 = arith.constant 9 : i32
        %swap3A_683 = arith.index_cast %swap3A_682 : i32 to index
        %swap3A_684 = arith.constant 0 : index
        %swap3A_685 = tpu.vector_load %arg9[%swap3A_683, %swap3A_684] {strides = array<i32>} : memref<16x17xf32, #tpu.memory_space<vmem>>, vector<16xf32>,
        tpu.vector_store %arg9[%swap3A_683, %swap3A_684], %scan3A_644#18 {strides = array<i32>} : memref<16x17xf32, #tpu.memory_space<vmem>>, vector<16xf32>,
        %swap3A_686 = arith.constant 10 : i32
        %swap3A_687 = arith.index_cast %swap3A_686 : i32 to index
        %swap3A_688 = arith.constant 0 : index
        %swap3A_689 = tpu.vector_load %arg9[%swap3A_687, %swap3A_688] {strides = array<i32>} : memref<16x17xf32, #tpu.memory_space<vmem>>, vector<16xf32>,
        tpu.vector_store %arg9[%swap3A_687, %swap3A_688], %scan3A_644#20 {strides = array<i32>} : memref<16x17xf32, #tpu.memory_space<vmem>>, vector<16xf32>,
        %swap3A_690 = arith.constant 11 : i32
        %swap3A_691 = arith.index_cast %swap3A_690 : i32 to index
        %swap3A_692 = arith.constant 0 : index
        %swap3A_693 = tpu.vector_load %arg9[%swap3A_691, %swap3A_692] {strides = array<i32>} : memref<16x17xf32, #tpu.memory_space<vmem>>, vector<16xf32>,
        tpu.vector_store %arg9[%swap3A_691, %swap3A_692], %scan3A_644#22 {strides = array<i32>} : memref<16x17xf32, #tpu.memory_space<vmem>>, vector<16xf32>,
        %swap3A_694 = arith.constant 12 : i32
        %swap3A_695 = arith.index_cast %swap3A_694 : i32 to index
        %swap3A_696 = arith.constant 0 : index
        %swap3A_697 = tpu.vector_load %arg9[%swap3A_695, %swap3A_696] {strides = array<i32>} : memref<16x17xf32, #tpu.memory_space<vmem>>, vector<16xf32>,
        tpu.vector_store %arg9[%swap3A_695, %swap3A_696], %scan3A_644#24 {strides = array<i32>} : memref<16x17xf32, #tpu.memory_space<vmem>>, vector<16xf32>,
        %swap3A_698 = arith.constant 13 : i32
        %swap3A_699 = arith.index_cast %swap3A_698 : i32 to index
        %swap3A_700 = arith.constant 0 : index
        %swap3A_701 = tpu.vector_load %arg9[%swap3A_699, %swap3A_700] {strides = array<i32>} : memref<16x17xf32, #tpu.memory_space<vmem>>, vector<16xf32>,
        tpu.vector_store %arg9[%swap3A_699, %swap3A_700], %scan3A_644#26 {strides = array<i32>} : memref<16x17xf32, #tpu.memory_space<vmem>>, vector<16xf32>,
        %swap3A_702 = arith.constant 14 : i32
        %swap3A_703 = arith.index_cast %swap3A_702 : i32 to index
        %swap3A_704 = arith.constant 0 : index
        %swap3A_705 = tpu.vector_load %arg9[%swap3A_703, %swap3A_704] {strides = array<i32>} : memref<16x17xf32, #tpu.memory_space<vmem>>, vector<16xf32>,
        tpu.vector_store %arg9[%swap3A_703, %swap3A_704], %scan3A_644#28 {strides = array<i32>} : memref<16x17xf32, #tpu.memory_space<vmem>>, vector<16xf32>,
        %swap3A_706 = arith.constant 15 : i32
        %swap3A_707 = arith.index_cast %swap3A_706 : i32 to index
        %swap3A_708 = arith.constant 0 : index
        %swap3A_709 = tpu.vector_load %arg9[%swap3A_707, %swap3A_708] {strides = array<i32>} : memref<16x17xf32, #tpu.memory_space<vmem>>, vector<16xf32>,
        tpu.vector_store %arg9[%swap3A_707, %swap3A_708], %scan3A_644#30 {strides = array<i32>} : memref<16x17xf32, #tpu.memory_space<vmem>>, vector<16xf32>,
        %broadcast_in_dim3A_710 = arith.constant 0 : i32
        %broadcast_in_dim3A_711 = vector.broadcast %broadcast_in_dim3A_710 : i32 to vector<16xi32>
        %gather3A_712 = tpu.vector_load_idx %arg9[%iota3A, %broadcast_in_dim3A_711] : memref<16x17xf32, #tpu.memory_space<vmem>>[vector<16xi32>, vector<16xi32>], vector<16xf32>,
        %add3A_713 = arith.addf %broadcast_in_dim3A_279, %gather3A_712 : vector<16xf32>
        %broadcast_in_dim3A_714 = arith.constant 1 : i32
        %broadcast_in_dim3A_715 = vector.broadcast %broadcast_in_dim3A_714 : i32 to vector<16xi32>
        %gather3A_716 = tpu.vector_load_idx %arg9[%iota3A, %broadcast_in_dim3A_715] : memref<16x17xf32, #tpu.memory_space<vmem>>[vector<16xi32>, vector<16xi32>], vector<16xf32>,
        %add3A_717 = arith.addf %add3A_713, %gather3A_716 : vector<16xf32>
        %broadcast_in_dim3A_718 = arith.constant 2 : i32
        %broadcast_in_dim3A_719 = vector.broadcast %broadcast_in_dim3A_718 : i32 to vector<16xi32>
        %gather3A_720 = tpu.vector_load_idx %arg9[%iota3A, %broadcast_in_dim3A_719] : memref<16x17xf32, #tpu.memory_space<vmem>>[vector<16xi32>, vector<16xi32>], vector<16xf32>,
        %add3A_721 = arith.addf %add3A_717, %gather3A_720 : vector<16xf32>
        %broadcast_in_dim3A_722 = arith.constant 3 : i32
        %broadcast_in_dim3A_723 = vector.broadcast %broadcast_in_dim3A_722 : i32 to vector<16xi32>
        %gather3A_724 = tpu.vector_load_idx %arg9[%iota3A, %broadcast_in_dim3A_723] : memref<16x17xf32, #tpu.memory_space<vmem>>[vector<16xi32>, vector<16xi32>], vector<16xf32>,
        %add3A_725 = arith.addf %add3A_721, %gather3A_724 : vector<16xf32>
        %broadcast_in_dim3A_726 = arith.constant 4 : i32
        %broadcast_in_dim3A_727 = vector.broadcast %broadcast_in_dim3A_726 : i32 to vector<16xi32>
        %gather3A_728 = tpu.vector_load_idx %arg9[%iota3A, %broadcast_in_dim3A_727] : memref<16x17xf32, #tpu.memory_space<vmem>>[vector<16xi32>, vector<16xi32>], vector<16xf32>,
        %add3A_729 = arith.addf %add3A_725, %gather3A_728 : vector<16xf32>
        %broadcast_in_dim3A_730 = arith.constant 5 : i32
        %broadcast_in_dim3A_731 = vector.broadcast %broadcast_in_dim3A_730 : i32 to vector<16xi32>
        %gather3A_732 = tpu.vector_load_idx %arg9[%iota3A, %broadcast_in_dim3A_731] : memref<16x17xf32, #tpu.memory_space<vmem>>[vector<16xi32>, vector<16xi32>], vector<16xf32>,
        %add3A_733 = arith.addf %add3A_729, %gather3A_732 : vector<16xf32>
        %broadcast_in_dim3A_734 = arith.constant 6 : i32
        %broadcast_in_dim3A_735 = vector.broadcast %broadcast_in_dim3A_734 : i32 to vector<16xi32>
        %gather3A_736 = tpu.vector_load_idx %arg9[%iota3A, %broadcast_in_dim3A_735] : memref<16x17xf32, #tpu.memory_space<vmem>>[vector<16xi32>, vector<16xi32>], vector<16xf32>,
        %add3A_737 = arith.addf %add3A_733, %gather3A_736 : vector<16xf32>
        %broadcast_in_dim3A_738 = arith.constant 7 : i32
        %broadcast_in_dim3A_739 = vector.broadcast %broadcast_in_dim3A_738 : i32 to vector<16xi32>
        %gather3A_740 = tpu.vector_load_idx %arg9[%iota3A, %broadcast_in_dim3A_739] : memref<16x17xf32, #tpu.memory_space<vmem>>[vector<16xi32>, vector<16xi32>], vector<16xf32>,
        %add3A_741 = arith.addf %add3A_737, %gather3A_740 : vector<16xf32>
        %broadcast_in_dim3A_742 = arith.constant 8 : i32
        %broadcast_in_dim3A_743 = vector.broadcast %broadcast_in_dim3A_742 : i32 to vector<16xi32>
        %gather3A_744 = tpu.vector_load_idx %arg9[%iota3A, %broadcast_in_dim3A_743] : memref<16x17xf32, #tpu.memory_space<vmem>>[vector<16xi32>, vector<16xi32>], vector<16xf32>,
        %add3A_745 = arith.addf %add3A_741, %gather3A_744 : vector<16xf32>
        %broadcast_in_dim3A_746 = arith.constant 9 : i32
        %broadcast_in_dim3A_747 = vector.broadcast %broadcast_in_dim3A_746 : i32 to vector<16xi32>
        %gather3A_748 = tpu.vector_load_idx %arg9[%iota3A, %broadcast_in_dim3A_747] : memref<16x17xf32, #tpu.memory_space<vmem>>[vector<16xi32>, vector<16xi32>], vector<16xf32>,
        %add3A_749 = arith.addf %add3A_745, %gather3A_748 : vector<16xf32>
        %broadcast_in_dim3A_750 = arith.constant 10 : i32
        %broadcast_in_dim3A_751 = vector.broadcast %broadcast_in_dim3A_750 : i32 to vector<16xi32>
        %gather3A_752 = tpu.vector_load_idx %arg9[%iota3A, %broadcast_in_dim3A_751] : memref<16x17xf32, #tpu.memory_space<vmem>>[vector<16xi32>, vector<16xi32>], vector<16xf32>,
        %add3A_753 = arith.addf %add3A_749, %gather3A_752 : vector<16xf32>
        %broadcast_in_dim3A_754 = arith.constant 11 : i32
        %broadcast_in_dim3A_755 = vector.broadcast %broadcast_in_dim3A_754 : i32 to vector<16xi32>
        %gather3A_756 = tpu.vector_load_idx %arg9[%iota3A, %broadcast_in_dim3A_755] : memref<16x17xf32, #tpu.memory_space<vmem>>[vector<16xi32>, vector<16xi32>], vector<16xf32>,
        %add3A_757 = arith.addf %add3A_753, %gather3A_756 : vector<16xf32>
        %broadcast_in_dim3A_758 = arith.constant 12 : i32
        %broadcast_in_dim3A_759 = vector.broadcast %broadcast_in_dim3A_758 : i32 to vector<16xi32>
        %gather3A_760 = tpu.vector_load_idx %arg9[%iota3A, %broadcast_in_dim3A_759] : memref<16x17xf32, #tpu.memory_space<vmem>>[vector<16xi32>, vector<16xi32>], vector<16xf32>,
        %add3A_761 = arith.addf %add3A_757, %gather3A_760 : vector<16xf32>
        %broadcast_in_dim3A_762 = arith.constant 13 : i32
        %broadcast_in_dim3A_763 = vector.broadcast %broadcast_in_dim3A_762 : i32 to vector<16xi32>
        %gather3A_764 = tpu.vector_load_idx %arg9[%iota3A, %broadcast_in_dim3A_763] : memref<16x17xf32, #tpu.memory_space<vmem>>[vector<16xi32>, vector<16xi32>], vector<16xf32>,
        %add3A_765 = arith.addf %add3A_761, %gather3A_764 : vector<16xf32>
        %broadcast_in_dim3A_766 = arith.constant 14 : i32
        %broadcast_in_dim3A_767 = vector.broadcast %broadcast_in_dim3A_766 : i32 to vector<16xi32>
        %gather3A_768 = tpu.vector_load_idx %arg9[%iota3A, %broadcast_in_dim3A_767] : memref<16x17xf32, #tpu.memory_space<vmem>>[vector<16xi32>, vector<16xi32>], vector<16xf32>,
        %add3A_769 = arith.addf %add3A_765, %gather3A_768 : vector<16xf32>
        %broadcast_in_dim3A_770 = arith.constant 15 : i32
        %broadcast_in_dim3A_771 = vector.broadcast %broadcast_in_dim3A_770 : i32 to vector<16xi32>
        %gather3A_772 = tpu.vector_load_idx %arg9[%iota3A, %broadcast_in_dim3A_771] : memref<16x17xf32, #tpu.memory_space<vmem>>[vector<16xi32>, vector<16xi32>], vector<16xf32>,
        %add3A_773 = arith.addf %add3A_769, %gather3A_772 : vector<16xf32>
        %swap3A_774 = arith.constant 0 : i32
        %swap3A_775 = arith.index_cast %swap3A_774 : i32 to index
        %swap3A_776 = arith.constant 0 : index
        %swap3A_777 = tpu.vector_load %arg9[%swap3A_775, %swap3A_776] {strides = array<i32>} : memref<16x17xf32, #tpu.memory_space<vmem>>, vector<16xf32>,
        tpu.vector_store %arg9[%swap3A_775, %swap3A_776], %scan3A_644#1 {strides = array<i32>} : memref<16x17xf32, #tpu.memory_space<vmem>>, vector<16xf32>,
        %swap3A_778 = arith.constant 1 : i32
        %swap3A_779 = arith.index_cast %swap3A_778 : i32 to index
        %swap3A_780 = arith.constant 0 : index
        %swap3A_781 = tpu.vector_load %arg9[%swap3A_779, %swap3A_780] {strides = array<i32>} : memref<16x17xf32, #tpu.memory_space<vmem>>, vector<16xf32>,
        tpu.vector_store %arg9[%swap3A_779, %swap3A_780], %scan3A_644#3 {strides = array<i32>} : memref<16x17xf32, #tpu.memory_space<vmem>>, vector<16xf32>,
        %swap3A_782 = arith.constant 2 : i32
        %swap3A_783 = arith.index_cast %swap3A_782 : i32 to index
        %swap3A_784 = arith.constant 0 : index
        %swap3A_785 = tpu.vector_load %arg9[%swap3A_783, %swap3A_784] {strides = array<i32>} : memref<16x17xf32, #tpu.memory_space<vmem>>, vector<16xf32>,
        tpu.vector_store %arg9[%swap3A_783, %swap3A_784], %scan3A_644#5 {strides = array<i32>} : memref<16x17xf32, #tpu.memory_space<vmem>>, vector<16xf32>,
        %swap3A_786 = arith.constant 3 : i32
        %swap3A_787 = arith.index_cast %swap3A_786 : i32 to index
        %swap3A_788 = arith.constant 0 : index
        %swap3A_789 = tpu.vector_load %arg9[%swap3A_787, %swap3A_788] {strides = array<i32>} : memref<16x17xf32, #tpu.memory_space<vmem>>, vector<16xf32>,
        tpu.vector_store %arg9[%swap3A_787, %swap3A_788], %scan3A_644#7 {strides = array<i32>} : memref<16x17xf32, #tpu.memory_space<vmem>>, vector<16xf32>,
        %swap3A_790 = arith.constant 4 : i32
        %swap3A_791 = arith.index_cast %swap3A_790 : i32 to index
        %swap3A_792 = arith.constant 0 : index
        %swap3A_793 = tpu.vector_load %arg9[%swap3A_791, %swap3A_792] {strides = array<i32>} : memref<16x17xf32, #tpu.memory_space<vmem>>, vector<16xf32>,
        tpu.vector_store %arg9[%swap3A_791, %swap3A_792], %scan3A_644#9 {strides = array<i32>} : memref<16x17xf32, #tpu.memory_space<vmem>>, vector<16xf32>,
        %swap3A_794 = arith.constant 5 : i32
        %swap3A_795 = arith.index_cast %swap3A_794 : i32 to index
        %swap3A_796 = arith.constant 0 : index
        %swap3A_797 = tpu.vector_load %arg9[%swap3A_795, %swap3A_796] {strides = array<i32>} : memref<16x17xf32, #tpu.memory_space<vmem>>, vector<16xf32>,
        tpu.vector_store %arg9[%swap3A_795, %swap3A_796], %scan3A_644#11 {strides = array<i32>} : memref<16x17xf32, #tpu.memory_space<vmem>>, vector<16xf32>,
        %swap3A_798 = arith.constant 6 : i32
        %swap3A_799 = arith.index_cast %swap3A_798 : i32 to index
        %swap3A_800 = arith.constant 0 : index
        %swap3A_801 = tpu.vector_load %arg9[%swap3A_799, %swap3A_800] {strides = array<i32>} : memref<16x17xf32, #tpu.memory_space<vmem>>, vector<16xf32>,
        tpu.vector_store %arg9[%swap3A_799, %swap3A_800], %scan3A_644#13 {strides = array<i32>} : memref<16x17xf32, #tpu.memory_space<vmem>>, vector<16xf32>,
        %swap3A_802 = arith.constant 7 : i32
        %swap3A_803 = arith.index_cast %swap3A_802 : i32 to index
        %swap3A_804 = arith.constant 0 : index
        %swap3A_805 = tpu.vector_load %arg9[%swap3A_803, %swap3A_804] {strides = array<i32>} : memref<16x17xf32, #tpu.memory_space<vmem>>, vector<16xf32>,
        tpu.vector_store %arg9[%swap3A_803, %swap3A_804], %scan3A_644#15 {strides = array<i32>} : memref<16x17xf32, #tpu.memory_space<vmem>>, vector<16xf32>,
        %swap3A_806 = arith.constant 8 : i32
        %swap3A_807 = arith.index_cast %swap3A_806 : i32 to index
        %swap3A_808 = arith.constant 0 : index
        %swap3A_809 = tpu.vector_load %arg9[%swap3A_807, %swap3A_808] {strides = array<i32>} : memref<16x17xf32, #tpu.memory_space<vmem>>, vector<16xf32>,
        tpu.vector_store %arg9[%swap3A_807, %swap3A_808], %scan3A_644#17 {strides = array<i32>} : memref<16x17xf32, #tpu.memory_space<vmem>>, vector<16xf32>,
        %swap3A_810 = arith.constant 9 : i32
        %swap3A_811 = arith.index_cast %swap3A_810 : i32 to index
        %swap3A_812 = arith.constant 0 : index
        %swap3A_813 = tpu.vector_load %arg9[%swap3A_811, %swap3A_812] {strides = array<i32>} : memref<16x17xf32, #tpu.memory_space<vmem>>, vector<16xf32>,
        tpu.vector_store %arg9[%swap3A_811, %swap3A_812], %scan3A_644#19 {strides = array<i32>} : memref<16x17xf32, #tpu.memory_space<vmem>>, vector<16xf32>,
        %swap3A_814 = arith.constant 10 : i32
        %swap3A_815 = arith.index_cast %swap3A_814 : i32 to index
        %swap3A_816 = arith.constant 0 : index
        %swap3A_817 = tpu.vector_load %arg9[%swap3A_815, %swap3A_816] {strides = array<i32>} : memref<16x17xf32, #tpu.memory_space<vmem>>, vector<16xf32>,
        tpu.vector_store %arg9[%swap3A_815, %swap3A_816], %scan3A_644#21 {strides = array<i32>} : memref<16x17xf32, #tpu.memory_space<vmem>>, vector<16xf32>,
        %swap3A_818 = arith.constant 11 : i32
        %swap3A_819 = arith.index_cast %swap3A_818 : i32 to index
        %swap3A_820 = arith.constant 0 : index
        %swap3A_821 = tpu.vector_load %arg9[%swap3A_819, %swap3A_820] {strides = array<i32>} : memref<16x17xf32, #tpu.memory_space<vmem>>, vector<16xf32>,
        tpu.vector_store %arg9[%swap3A_819, %swap3A_820], %scan3A_644#23 {strides = array<i32>} : memref<16x17xf32, #tpu.memory_space<vmem>>, vector<16xf32>,
        %swap3A_822 = arith.constant 12 : i32
        %swap3A_823 = arith.index_cast %swap3A_822 : i32 to index
        %swap3A_824 = arith.constant 0 : index
        %swap3A_825 = tpu.vector_load %arg9[%swap3A_823, %swap3A_824] {strides = array<i32>} : memref<16x17xf32, #tpu.memory_space<vmem>>, vector<16xf32>,
        tpu.vector_store %arg9[%swap3A_823, %swap3A_824], %scan3A_644#25 {strides = array<i32>} : memref<16x17xf32, #tpu.memory_space<vmem>>, vector<16xf32>,
        %swap3A_826 = arith.constant 13 : i32
        %swap3A_827 = arith.index_cast %swap3A_826 : i32 to index
        %swap3A_828 = arith.constant 0 : index
        %swap3A_829 = tpu.vector_load %arg9[%swap3A_827, %swap3A_828] {strides = array<i32>} : memref<16x17xf32, #tpu.memory_space<vmem>>, vector<16xf32>,
        tpu.vector_store %arg9[%swap3A_827, %swap3A_828], %scan3A_644#27 {strides = array<i32>} : memref<16x17xf32, #tpu.memory_space<vmem>>, vector<16xf32>,
        %swap3A_830 = arith.constant 14 : i32
        %swap3A_831 = arith.index_cast %swap3A_830 : i32 to index
        %swap3A_832 = arith.constant 0 : index
        %swap3A_833 = tpu.vector_load %arg9[%swap3A_831, %swap3A_832] {strides = array<i32>} : memref<16x17xf32, #tpu.memory_space<vmem>>, vector<16xf32>,
        tpu.vector_store %arg9[%swap3A_831, %swap3A_832], %scan3A_644#29 {strides = array<i32>} : memref<16x17xf32, #tpu.memory_space<vmem>>, vector<16xf32>,
        %swap3A_834 = arith.constant 15 : i32
        %swap3A_835 = arith.index_cast %swap3A_834 : i32 to index
        %swap3A_836 = arith.constant 0 : index
        %swap3A_837 = tpu.vector_load %arg9[%swap3A_835, %swap3A_836] {strides = array<i32>} : memref<16x17xf32, #tpu.memory_space<vmem>>, vector<16xf32>,
        tpu.vector_store %arg9[%swap3A_835, %swap3A_836], %scan3A_644#31 {strides = array<i32>} : memref<16x17xf32, #tpu.memory_space<vmem>>, vector<16xf32>,
        %broadcast_in_dim3A_838 = arith.constant 0 : i32
        %broadcast_in_dim3A_839 = vector.broadcast %broadcast_in_dim3A_838 : i32 to vector<16xi32>
        %gather3A_840 = tpu.vector_load_idx %arg9[%iota3A, %broadcast_in_dim3A_839] : memref<16x17xf32, #tpu.memory_space<vmem>>[vector<16xi32>, vector<16xi32>], vector<16xf32>,
        %add3A_841 = arith.addf %broadcast_in_dim3A_279, %gather3A_840 : vector<16xf32>
        %broadcast_in_dim3A_842 = arith.constant 1 : i32
        %broadcast_in_dim3A_843 = vector.broadcast %broadcast_in_dim3A_842 : i32 to vector<16xi32>
        %gather3A_844 = tpu.vector_load_idx %arg9[%iota3A, %broadcast_in_dim3A_843] : memref<16x17xf32, #tpu.memory_space<vmem>>[vector<16xi32>, vector<16xi32>], vector<16xf32>,
        %add3A_845 = arith.addf %add3A_841, %gather3A_844 : vector<16xf32>
        %broadcast_in_dim3A_846 = arith.constant 2 : i32
        %broadcast_in_dim3A_847 = vector.broadcast %broadcast_in_dim3A_846 : i32 to vector<16xi32>
        %gather3A_848 = tpu.vector_load_idx %arg9[%iota3A, %broadcast_in_dim3A_847] : memref<16x17xf32, #tpu.memory_space<vmem>>[vector<16xi32>, vector<16xi32>], vector<16xf32>,
        %add3A_849 = arith.addf %add3A_845, %gather3A_848 : vector<16xf32>
        %broadcast_in_dim3A_850 = arith.constant 3 : i32
        %broadcast_in_dim3A_851 = vector.broadcast %broadcast_in_dim3A_850 : i32 to vector<16xi32>
        %gather3A_852 = tpu.vector_load_idx %arg9[%iota3A, %broadcast_in_dim3A_851] : memref<16x17xf32, #tpu.memory_space<vmem>>[vector<16xi32>, vector<16xi32>], vector<16xf32>,
        %add3A_853 = arith.addf %add3A_849, %gather3A_852 : vector<16xf32>
        %broadcast_in_dim3A_854 = arith.constant 4 : i32
        %broadcast_in_dim3A_855 = vector.broadcast %broadcast_in_dim3A_854 : i32 to vector<16xi32>
        %gather3A_856 = tpu.vector_load_idx %arg9[%iota3A, %broadcast_in_dim3A_855] : memref<16x17xf32, #tpu.memory_space<vmem>>[vector<16xi32>, vector<16xi32>], vector<16xf32>,
        %add3A_857 = arith.addf %add3A_853, %gather3A_856 : vector<16xf32>
        %broadcast_in_dim3A_858 = arith.constant 5 : i32
        %broadcast_in_dim3A_859 = vector.broadcast %broadcast_in_dim3A_858 : i32 to vector<16xi32>
        %gather3A_860 = tpu.vector_load_idx %arg9[%iota3A, %broadcast_in_dim3A_859] : memref<16x17xf32, #tpu.memory_space<vmem>>[vector<16xi32>, vector<16xi32>], vector<16xf32>,
        %add3A_861 = arith.addf %add3A_857, %gather3A_860 : vector<16xf32>
        %broadcast_in_dim3A_862 = arith.constant 6 : i32
        %broadcast_in_dim3A_863 = vector.broadcast %broadcast_in_dim3A_862 : i32 to vector<16xi32>
        %gather3A_864 = tpu.vector_load_idx %arg9[%iota3A, %broadcast_in_dim3A_863] : memref<16x17xf32, #tpu.memory_space<vmem>>[vector<16xi32>, vector<16xi32>], vector<16xf32>,
        %add3A_865 = arith.addf %add3A_861, %gather3A_864 : vector<16xf32>
        %broadcast_in_dim3A_866 = arith.constant 7 : i32
        %broadcast_in_dim3A_867 = vector.broadcast %broadcast_in_dim3A_866 : i32 to vector<16xi32>
        %gather3A_868 = tpu.vector_load_idx %arg9[%iota3A, %broadcast_in_dim3A_867] : memref<16x17xf32, #tpu.memory_space<vmem>>[vector<16xi32>, vector<16xi32>], vector<16xf32>,
        %add3A_869 = arith.addf %add3A_865, %gather3A_868 : vector<16xf32>
        %broadcast_in_dim3A_870 = arith.constant 8 : i32
        %broadcast_in_dim3A_871 = vector.broadcast %broadcast_in_dim3A_870 : i32 to vector<16xi32>
        %gather3A_872 = tpu.vector_load_idx %arg9[%iota3A, %broadcast_in_dim3A_871] : memref<16x17xf32, #tpu.memory_space<vmem>>[vector<16xi32>, vector<16xi32>], vector<16xf32>,
        %add3A_873 = arith.addf %add3A_869, %gather3A_872 : vector<16xf32>
        %broadcast_in_dim3A_874 = arith.constant 9 : i32
        %broadcast_in_dim3A_875 = vector.broadcast %broadcast_in_dim3A_874 : i32 to vector<16xi32>
        %gather3A_876 = tpu.vector_load_idx %arg9[%iota3A, %broadcast_in_dim3A_875] : memref<16x17xf32, #tpu.memory_space<vmem>>[vector<16xi32>, vector<16xi32>], vector<16xf32>,
        %add3A_877 = arith.addf %add3A_873, %gather3A_876 : vector<16xf32>
        %broadcast_in_dim3A_878 = arith.constant 10 : i32
        %broadcast_in_dim3A_879 = vector.broadcast %broadcast_in_dim3A_878 : i32 to vector<16xi32>
        %gather3A_880 = tpu.vector_load_idx %arg9[%iota3A, %broadcast_in_dim3A_879] : memref<16x17xf32, #tpu.memory_space<vmem>>[vector<16xi32>, vector<16xi32>], vector<16xf32>,
        %add3A_881 = arith.addf %add3A_877, %gather3A_880 : vector<16xf32>
        %broadcast_in_dim3A_882 = arith.constant 11 : i32
        %broadcast_in_dim3A_883 = vector.broadcast %broadcast_in_dim3A_882 : i32 to vector<16xi32>
        %gather3A_884 = tpu.vector_load_idx %arg9[%iota3A, %broadcast_in_dim3A_883] : memref<16x17xf32, #tpu.memory_space<vmem>>[vector<16xi32>, vector<16xi32>], vector<16xf32>,
        %add3A_885 = arith.addf %add3A_881, %gather3A_884 : vector<16xf32>
        %broadcast_in_dim3A_886 = arith.constant 12 : i32
        %broadcast_in_dim3A_887 = vector.broadcast %broadcast_in_dim3A_886 : i32 to vector<16xi32>
        %gather3A_888 = tpu.vector_load_idx %arg9[%iota3A, %broadcast_in_dim3A_887] : memref<16x17xf32, #tpu.memory_space<vmem>>[vector<16xi32>, vector<16xi32>], vector<16xf32>,
        %add3A_889 = arith.addf %add3A_885, %gather3A_888 : vector<16xf32>
        %broadcast_in_dim3A_890 = arith.constant 13 : i32
        %broadcast_in_dim3A_891 = vector.broadcast %broadcast_in_dim3A_890 : i32 to vector<16xi32>
        %gather3A_892 = tpu.vector_load_idx %arg9[%iota3A, %broadcast_in_dim3A_891] : memref<16x17xf32, #tpu.memory_space<vmem>>[vector<16xi32>, vector<16xi32>], vector<16xf32>,
        %add3A_893 = arith.addf %add3A_889, %gather3A_892 : vector<16xf32>
        %broadcast_in_dim3A_894 = arith.constant 14 : i32
        %broadcast_in_dim3A_895 = vector.broadcast %broadcast_in_dim3A_894 : i32 to vector<16xi32>
        %gather3A_896 = tpu.vector_load_idx %arg9[%iota3A, %broadcast_in_dim3A_895] : memref<16x17xf32, #tpu.memory_space<vmem>>[vector<16xi32>, vector<16xi32>], vector<16xf32>,
        %add3A_897 = arith.addf %add3A_893, %gather3A_896 : vector<16xf32>
        %broadcast_in_dim3A_898 = arith.constant 15 : i32
        %broadcast_in_dim3A_899 = vector.broadcast %broadcast_in_dim3A_898 : i32 to vector<16xi32>
        %gather3A_900 = tpu.vector_load_idx %arg9[%iota3A, %broadcast_in_dim3A_899] : memref<16x17xf32, #tpu.memory_space<vmem>>[vector<16xi32>, vector<16xi32>], vector<16xf32>,
        %add3A_901 = arith.addf %add3A_897, %gather3A_900 : vector<16xf32>
        %max3A_902 = arith.constant 1.000000e-30 : f32
        %max3A_903 = vector.broadcast %max3A_902 : f32 to vector<16xf32>
        %max3A_904 = arith.maximumf %add3A_901, %max3A_903 : vector<16xf32>
        %bitcast3A_905 = vector.bitcast %max3A_904 : vector<16xf32> to vector<16xi32>
        %shift_right_logical3A_906 = arith.constant 1 : i32
        %shift_right_logical3A_907 = vector.broadcast %shift_right_logical3A_906 : i32 to vector<16xi32>
        %shift_right_logical3A_908 = arith.shrui %bitcast3A_905, %shift_right_logical3A_907 : vector<16xi32>
        %sub3A_909 = arith.constant 1597463007 : i32
        %sub3A_910 = vector.broadcast %sub3A_909 : i32 to vector<16xi32>
        %sub3A_911 = arith.subi %sub3A_910, %shift_right_logical3A_908 : vector<16xi32>
        %bitcast3A_912 = vector.bitcast %sub3A_911 : vector<16xi32> to vector<16xf32>
        %mul3A_913 = arith.constant 5.000000e-01 : f32
        %mul3A_914 = vector.broadcast %mul3A_913 : f32 to vector<16xf32>
        %mul3A_915 = arith.mulf %mul3A_914, %max3A_904 : vector<16xf32>
        %mul3A_916 = arith.mulf %mul3A_915, %bitcast3A_912 : vector<16xf32>
        %mul3A_917 = arith.mulf %mul3A_916, %bitcast3A_912 : vector<16xf32>
        %sub3A_918 = arith.constant 1.500000e+00 : f32
        %sub3A_919 = vector.broadcast %sub3A_918 : f32 to vector<16xf32>
        %sub3A_920 = arith.subf %sub3A_919, %mul3A_917 : vector<16xf32>
        %mul3A_921 = arith.mulf %bitcast3A_912, %sub3A_920 : vector<16xf32>
        %mul3A_922 = arith.constant 5.000000e-01 : f32
        %mul3A_923 = vector.broadcast %mul3A_922 : f32 to vector<16xf32>
        %mul3A_924 = arith.mulf %mul3A_923, %max3A_904 : vector<16xf32>
        %mul3A_925 = arith.mulf %mul3A_924, %mul3A_921 : vector<16xf32>
        %mul3A_926 = arith.mulf %mul3A_925, %mul3A_921 : vector<16xf32>
        %sub3A_927 = arith.constant 1.500000e+00 : f32
        %sub3A_928 = vector.broadcast %sub3A_927 : f32 to vector<16xf32>
        %sub3A_929 = arith.subf %sub3A_928, %mul3A_926 : vector<16xf32>
        %mul3A_930 = arith.mulf %mul3A_921, %sub3A_929 : vector<16xf32>
        %mul3A_931 = arith.constant 5.000000e-01 : f32
        %mul3A_932 = vector.broadcast %mul3A_931 : f32 to vector<16xf32>
        %mul3A_933 = arith.mulf %mul3A_932, %max3A_904 : vector<16xf32>
        %mul3A_934 = arith.mulf %mul3A_933, %mul3A_930 : vector<16xf32>
        %mul3A_935 = arith.mulf %mul3A_934, %mul3A_930 : vector<16xf32>
        %sub3A_936 = arith.constant 1.500000e+00 : f32
        %sub3A_937 = vector.broadcast %sub3A_936 : f32 to vector<16xf32>
        %sub3A_938 = arith.subf %sub3A_937, %mul3A_935 : vector<16xf32>
        %mul3A_939 = arith.mulf %mul3A_930, %sub3A_938 : vector<16xf32>
        %mul3A_940 = arith.mulf %add3A_901, %mul3A_939 : vector<16xf32>
        %max3A_941 = arith.constant 9.99999993E-9 : f32
        %max3A_942 = vector.broadcast %max3A_941 : f32 to vector<16xf32>
        %max3A_943 = arith.maximumf %mul3A_940, %max3A_942 : vector<16xf32>
        %mul3A_944 = arith.mulf %max3A_277, %max3A_943 : vector<16xf32>
        %div3A_945 = arith.divf %add3A_773, %mul3A_944 : vector<16xf32>
        %mul3A_946 = arith.constant 32 : i32
        %mul3A_947 = arith.muli %add3A_302, %mul3A_946 : i32
        %add3A_948 = arith.constant 16 : i32
        %add3A_949 = arith.addi %mul3A_947, %add3A_948 : i32
        %swap3A_950 = arith.index_cast %add3A_949 : i32 to index
        %swap3A_951 = tpu.vector_load %arg8[%swap3A_950] {strides = array<i32>} : memref<3136xf32, #tpu.memory_space<vmem>>, vector<16xf32>,
        tpu.vector_store %arg8[%swap3A_950], %div3A_945 {strides = array<i32>} : memref<3136xf32, #tpu.memory_space<vmem>>, vector<16xf32>,
      } else {
      }
      %mul3A_308 = arith.constant 2 : i32
      %mul3A_309 = arith.muli %scan3A_297, %mul3A_308 : i32
      %add3A_310 = arith.constant 1 : i32
      %add3A_311 = arith.addi %mul3A_309, %add3A_310 : i32
      %add3A_312 = arith.addi %add3A_6, %add3A_311 : i32
      %lt3A_313 = arith.cmpi slt, %add3A_311, %select_n3A : i32
      %convert_element_type3A_314 = arith.extui %lt3A_313 : i1 to i32
      %cond3A_315 = arith.constant 0 : i32
      %cond3A_316 = arith.cmpi ne, %convert_element_type3A_314, %cond3A_315 : i32
      scf.if %cond3A_316 {
        %add3A_318 = arith.constant 1 : i32
        %add3A_319 = arith.addi %add3A_311, %add3A_318 : i32
        %lt3A_320 = arith.cmpi slt, %add3A_319, %select_n3A : i32
        %convert_element_type3A_321 = arith.extui %lt3A_320 : i1 to i32
        %cond3A_322 = arith.constant 0 : i32
        %cond3A_323 = arith.cmpi ne, %convert_element_type3A_321, %cond3A_322 : i32
        scf.if %cond3A_323 {
          %add3A_952 = arith.constant 1 : i32
          %add3A_953 = arith.addi %add3A_312, %add3A_952 : i32
          %mul3A_954 = arith.constant 32 : i32
          %mul3A_955 = arith.muli %add3A_953, %mul3A_954 : i32
          %dma_start3A_956 = arith.constant 0 : i32
          %dma_start3A_957 = tpu.memref_slice %arg2[%mul3A_955, %dma_start3A_956] : memref<100000x768xf32, #tpu.memory_space<hbm>> -> memref<32x768xf32, #tpu.memory_space<hbm>>
          %dma_start3A_958 = arith.constant 0 : i32
          %dma_start3A_959 = tpu.memref_slice %arg2[%mul3A_955, %dma_start3A_958] : memref<100000x768xf32, #tpu.memory_space<hbm>> -> memref<32x768xf32, #tpu.memory_space<hbm>>
          tpu.enqueue_dma source(%dma_start3A_959 : memref<32x768xf32, #tpu.memory_space<hbm>>) target(%arg5 : memref<32x768xf32, #tpu.memory_space<vmem>>) target_semaphore(%arg10 : memref<!tpu.dma_semaphore, #tpu.memory_space<semaphore_mem>>)
        } else {
        }
        %mul3A_324 = arith.constant 32 : i32
        %mul3A_325 = arith.muli %add3A_312, %mul3A_324 : i32
        %dma_wait3A = arith.constant 0 : i32
        %dma_wait3A_326 = tpu.memref_slice %arg2[%mul3A_325, %dma_wait3A] : memref<100000x768xf32, #tpu.memory_space<hbm>> -> memref<32x768xf32, #tpu.memory_space<hbm>>
        %dma_wait3A_327 = arith.constant 0 : i32
        %dma_wait3A_328 = tpu.memref_slice %arg2[%mul3A_325, %dma_wait3A_327] : memref<100000x768xf32, #tpu.memory_space<hbm>> -> memref<32x768xf32, #tpu.memory_space<hbm>>
        tpu.wait_dma2 semaphore(%arg11 : memref<!tpu.dma_semaphore, #tpu.memory_space<semaphore_mem>>) src(%dma_wait3A_328 : memref<32x768xf32, #tpu.memory_space<hbm>>) dst(%arg6 : memref<32x768xf32, #tpu.memory_space<vmem>>)
        %scan3A_329 = arith.constant 0 : i32
        %scan3A_330 = arith.constant 48 : i32
        %scan3A_331 = arith.addi %scan3A_329, %scan3A_330 : i32
        %scan3A_332 = arith.constant 2 : i32
        %scan3A_333:32 = scf.for %scan3A_952 = %scan3A_329 to %scan3A_331 step %scan3A_332 iter_args(%scan3A_953 = %broadcast_in_dim3A_279, %scan3A_954 = %broadcast_in_dim3A_279, %scan3A_955 = %broadcast_in_dim3A_279, %scan3A_956 = %broadcast_in_dim3A_279, %scan3A_957 = %broadcast_in_dim3A_279, %scan3A_958 = %broadcast_in_dim3A_279, %scan3A_959 = %broadcast_in_dim3A_279, %scan3A_960 = %broadcast_in_dim3A_279, %scan3A_961 = %broadcast_in_dim3A_279, %scan3A_962 = %broadcast_in_dim3A_279, %scan3A_963 = %broadcast_in_dim3A_279, %scan3A_964 = %broadcast_in_dim3A_279, %scan3A_965 = %broadcast_in_dim3A_279, %scan3A_966 = %broadcast_in_dim3A_279, %scan3A_967 = %broadcast_in_dim3A_279, %scan3A_968 = %broadcast_in_dim3A_279, %scan3A_969 = %broadcast_in_dim3A_279, %scan3A_970 = %broadcast_in_dim3A_279, %scan3A_971 = %broadcast_in_dim3A_279, %scan3A_972 = %broadcast_in_dim3A_279, %scan3A_973 = %broadcast_in_dim3A_279, %scan3A_974 = %broadcast_in_dim3A_279, %scan3A_975 = %broadcast_in_dim3A_279, %scan3A_976 = %broadcast_in_dim3A_279, %scan3A_977 = %broadcast_in_dim3A_279, %scan3A_978 = %broadcast_in_dim3A_279, %scan3A_979 = %broadcast_in_dim3A_279, %scan3A_980 = %broadcast_in_dim3A_279, %scan3A_981 = %broadcast_in_dim3A_279, %scan3A_982 = %broadcast_in_dim3A_279, %scan3A_983 = %broadcast_in_dim3A_279, %scan3A_984 = %broadcast_in_dim3A_279) -> (vector<16xf32>, vector<16xf32>, vector<16xf32>, vector<16xf32>, vector<16xf32>, vector<16xf32>, vector<16xf32>, vector<16xf32>, vector<16xf32>, vector<16xf32>, vector<16xf32>, vector<16xf32>, vector<16xf32>, vector<16xf32>, vector<16xf32>, vector<16xf32>, vector<16xf32>, vector<16xf32>, vector<16xf32>, vector<16xf32>, vector<16xf32>, vector<16xf32>, vector<16xf32>, vector<16xf32>, vector<16xf32>, vector<16xf32>, vector<16xf32>, vector<16xf32>, vector<16xf32>, vector<16xf32>, vector<16xf32>, vector<16xf32>)  : i32 {
          %mul3A_985 = arith.constant 16 : i32
          %mul3A_986 = arith.muli %scan3A_952, %mul3A_985 : i32
          %get3A_987 = arith.index_cast %mul3A_986 : i32 to index
          %get3A_988 = tpu.vector_load %arg7[%get3A_987] {strides = array<i32>} : memref<768xf32, #tpu.memory_space<vmem>>, vector<16xf32>,
          %mul3A_989 = arith.constant 16 : i32
          %mul3A_990 = arith.muli %scan3A_952, %mul3A_989 : i32
          %get3A_991 = arith.constant 0 : i32
          %get3A_992 = arith.index_cast %get3A_991 : i32 to index
          %get3A_993 = arith.index_cast %mul3A_990 : i32 to index
          %get3A_994 = tpu.vector_load %arg6[%get3A_992, %get3A_993] {strides = array<i32>} : memref<32x768xf32, #tpu.memory_space<vmem>>, vector<16xf32>,
          %mul3A_995 = arith.mulf %get3A_994, %get3A_988 : vector<16xf32>
          %add3A_996 = arith.addf %scan3A_953, %mul3A_995 : vector<16xf32>
          %mul3A_997 = arith.mulf %get3A_994, %get3A_994 : vector<16xf32>
          %add3A_998 = arith.addf %scan3A_954, %mul3A_997 : vector<16xf32>
          %mul3A_999 = arith.constant 16 : i32
          %mul3A_1000 = arith.muli %scan3A_952, %mul3A_999 : i32
          %get3A_1001 = arith.constant 1 : i32
          %get3A_1002 = arith.index_cast %get3A_1001 : i32 to index
          %get3A_1003 = arith.index_cast %mul3A_1000 : i32 to index
          %get3A_1004 = tpu.vector_load %arg6[%get3A_1002, %get3A_1003] {strides = array<i32>} : memref<32x768xf32, #tpu.memory_space<vmem>>, vector<16xf32>,
          %mul3A_1005 = arith.mulf %get3A_1004, %get3A_988 : vector<16xf32>
          %add3A_1006 = arith.addf %scan3A_955, %mul3A_1005 : vector<16xf32>
          %mul3A_1007 = arith.mulf %get3A_1004, %get3A_1004 : vector<16xf32>
          %add3A_1008 = arith.addf %scan3A_956, %mul3A_1007 : vector<16xf32>
          %mul3A_1009 = arith.constant 16 : i32
          %mul3A_1010 = arith.muli %scan3A_952, %mul3A_1009 : i32
          %get3A_1011 = arith.constant 2 : i32
          %get3A_1012 = arith.index_cast %get3A_1011 : i32 to index
          %get3A_1013 = arith.index_cast %mul3A_1010 : i32 to index
          %get3A_1014 = tpu.vector_load %arg6[%get3A_1012, %get3A_1013] {strides = array<i32>} : memref<32x768xf32, #tpu.memory_space<vmem>>, vector<16xf32>,
          %mul3A_1015 = arith.mulf %get3A_1014, %get3A_988 : vector<16xf32>
          %add3A_1016 = arith.addf %scan3A_957, %mul3A_1015 : vector<16xf32>
          %mul3A_1017 = arith.mulf %get3A_1014, %get3A_1014 : vector<16xf32>
          %add3A_1018 = arith.addf %scan3A_958, %mul3A_1017 : vector<16xf32>
          %mul3A_1019 = arith.constant 16 : i32
          %mul3A_1020 = arith.muli %scan3A_952, %mul3A_1019 : i32
          %get3A_1021 = arith.constant 3 : i32
          %get3A_1022 = arith.index_cast %get3A_1021 : i32 to index
          %get3A_1023 = arith.index_cast %mul3A_1020 : i32 to index
          %get3A_1024 = tpu.vector_load %arg6[%get3A_1022, %get3A_1023] {strides = array<i32>} : memref<32x768xf32, #tpu.memory_space<vmem>>, vector<16xf32>,
          %mul3A_1025 = arith.mulf %get3A_1024, %get3A_988 : vector<16xf32>
          %add3A_1026 = arith.addf %scan3A_959, %mul3A_1025 : vector<16xf32>
          %mul3A_1027 = arith.mulf %get3A_1024, %get3A_1024 : vector<16xf32>
          %add3A_1028 = arith.addf %scan3A_960, %mul3A_1027 : vector<16xf32>
          %mul3A_1029 = arith.constant 16 : i32
          %mul3A_1030 = arith.muli %scan3A_952, %mul3A_1029 : i32
          %get3A_1031 = arith.constant 4 : i32
          %get3A_1032 = arith.index_cast %get3A_1031 : i32 to index
          %get3A_1033 = arith.index_cast %mul3A_1030 : i32 to index
          %get3A_1034 = tpu.vector_load %arg6[%get3A_1032, %get3A_1033] {strides = array<i32>} : memref<32x768xf32, #tpu.memory_space<vmem>>, vector<16xf32>,
          %mul3A_1035 = arith.mulf %get3A_1034, %get3A_988 : vector<16xf32>
          %add3A_1036 = arith.addf %scan3A_961, %mul3A_1035 : vector<16xf32>
          %mul3A_1037 = arith.mulf %get3A_1034, %get3A_1034 : vector<16xf32>
          %add3A_1038 = arith.addf %scan3A_962, %mul3A_1037 : vector<16xf32>
          %mul3A_1039 = arith.constant 16 : i32
          %mul3A_1040 = arith.muli %scan3A_952, %mul3A_1039 : i32
          %get3A_1041 = arith.constant 5 : i32
          %get3A_1042 = arith.index_cast %get3A_1041 : i32 to index
          %get3A_1043 = arith.index_cast %mul3A_1040 : i32 to index
          %get3A_1044 = tpu.vector_load %arg6[%get3A_1042, %get3A_1043] {strides = array<i32>} : memref<32x768xf32, #tpu.memory_space<vmem>>, vector<16xf32>,
          %mul3A_1045 = arith.mulf %get3A_1044, %get3A_988 : vector<16xf32>
          %add3A_1046 = arith.addf %scan3A_963, %mul3A_1045 : vector<16xf32>
          %mul3A_1047 = arith.mulf %get3A_1044, %get3A_1044 : vector<16xf32>
          %add3A_1048 = arith.addf %scan3A_964, %mul3A_1047 : vector<16xf32>
          %mul3A_1049 = arith.constant 16 : i32
          %mul3A_1050 = arith.muli %scan3A_952, %mul3A_1049 : i32
          %get3A_1051 = arith.constant 6 : i32
          %get3A_1052 = arith.index_cast %get3A_1051 : i32 to index
          %get3A_1053 = arith.index_cast %mul3A_1050 : i32 to index
          %get3A_1054 = tpu.vector_load %arg6[%get3A_1052, %get3A_1053] {strides = array<i32>} : memref<32x768xf32, #tpu.memory_space<vmem>>, vector<16xf32>,
          %mul3A_1055 = arith.mulf %get3A_1054, %get3A_988 : vector<16xf32>
          %add3A_1056 = arith.addf %scan3A_965, %mul3A_1055 : vector<16xf32>
          %mul3A_1057 = arith.mulf %get3A_1054, %get3A_1054 : vector<16xf32>
          %add3A_1058 = arith.addf %scan3A_966, %mul3A_1057 : vector<16xf32>
          %mul3A_1059 = arith.constant 16 : i32
          %mul3A_1060 = arith.muli %scan3A_952, %mul3A_1059 : i32
          %get3A_1061 = arith.constant 7 : i32
          %get3A_1062 = arith.index_cast %get3A_1061 : i32 to index
          %get3A_1063 = arith.index_cast %mul3A_1060 : i32 to index
          %get3A_1064 = tpu.vector_load %arg6[%get3A_1062, %get3A_1063] {strides = array<i32>} : memref<32x768xf32, #tpu.memory_space<vmem>>, vector<16xf32>,
          %mul3A_1065 = arith.mulf %get3A_1064, %get3A_988 : vector<16xf32>
          %add3A_1066 = arith.addf %scan3A_967, %mul3A_1065 : vector<16xf32>
          %mul3A_1067 = arith.mulf %get3A_1064, %get3A_1064 : vector<16xf32>
          %add3A_1068 = arith.addf %scan3A_968, %mul3A_1067 : vector<16xf32>
          %mul3A_1069 = arith.constant 16 : i32
          %mul3A_1070 = arith.muli %scan3A_952, %mul3A_1069 : i32
          %get3A_1071 = arith.constant 8 : i32
          %get3A_1072 = arith.index_cast %get3A_1071 : i32 to index
          %get3A_1073 = arith.index_cast %mul3A_1070 : i32 to index
          %get3A_1074 = tpu.vector_load %arg6[%get3A_1072, %get3A_1073] {strides = array<i32>} : memref<32x768xf32, #tpu.memory_space<vmem>>, vector<16xf32>,
          %mul3A_1075 = arith.mulf %get3A_1074, %get3A_988 : vector<16xf32>
          %add3A_1076 = arith.addf %scan3A_969, %mul3A_1075 : vector<16xf32>
          %mul3A_1077 = arith.mulf %get3A_1074, %get3A_1074 : vector<16xf32>
          %add3A_1078 = arith.addf %scan3A_970, %mul3A_1077 : vector<16xf32>
          %mul3A_1079 = arith.constant 16 : i32
          %mul3A_1080 = arith.muli %scan3A_952, %mul3A_1079 : i32
          %get3A_1081 = arith.constant 9 : i32
          %get3A_1082 = arith.index_cast %get3A_1081 : i32 to index
          %get3A_1083 = arith.index_cast %mul3A_1080 : i32 to index
          %get3A_1084 = tpu.vector_load %arg6[%get3A_1082, %get3A_1083] {strides = array<i32>} : memref<32x768xf32, #tpu.memory_space<vmem>>, vector<16xf32>,
          %mul3A_1085 = arith.mulf %get3A_1084, %get3A_988 : vector<16xf32>
          %add3A_1086 = arith.addf %scan3A_971, %mul3A_1085 : vector<16xf32>
          %mul3A_1087 = arith.mulf %get3A_1084, %get3A_1084 : vector<16xf32>
          %add3A_1088 = arith.addf %scan3A_972, %mul3A_1087 : vector<16xf32>
          %mul3A_1089 = arith.constant 16 : i32
          %mul3A_1090 = arith.muli %scan3A_952, %mul3A_1089 : i32
          %get3A_1091 = arith.constant 10 : i32
          %get3A_1092 = arith.index_cast %get3A_1091 : i32 to index
          %get3A_1093 = arith.index_cast %mul3A_1090 : i32 to index
          %get3A_1094 = tpu.vector_load %arg6[%get3A_1092, %get3A_1093] {strides = array<i32>} : memref<32x768xf32, #tpu.memory_space<vmem>>, vector<16xf32>,
          %mul3A_1095 = arith.mulf %get3A_1094, %get3A_988 : vector<16xf32>
          %add3A_1096 = arith.addf %scan3A_973, %mul3A_1095 : vector<16xf32>
          %mul3A_1097 = arith.mulf %get3A_1094, %get3A_1094 : vector<16xf32>
          %add3A_1098 = arith.addf %scan3A_974, %mul3A_1097 : vector<16xf32>
          %mul3A_1099 = arith.constant 16 : i32
          %mul3A_1100 = arith.muli %scan3A_952, %mul3A_1099 : i32
          %get3A_1101 = arith.constant 11 : i32
          %get3A_1102 = arith.index_cast %get3A_1101 : i32 to index
          %get3A_1103 = arith.index_cast %mul3A_1100 : i32 to index
          %get3A_1104 = tpu.vector_load %arg6[%get3A_1102, %get3A_1103] {strides = array<i32>} : memref<32x768xf32, #tpu.memory_space<vmem>>, vector<16xf32>,
          %mul3A_1105 = arith.mulf %get3A_1104, %get3A_988 : vector<16xf32>
          %add3A_1106 = arith.addf %scan3A_975, %mul3A_1105 : vector<16xf32>
          %mul3A_1107 = arith.mulf %get3A_1104, %get3A_1104 : vector<16xf32>
          %add3A_1108 = arith.addf %scan3A_976, %mul3A_1107 : vector<16xf32>
          %mul3A_1109 = arith.constant 16 : i32
          %mul3A_1110 = arith.muli %scan3A_952, %mul3A_1109 : i32
          %get3A_1111 = arith.constant 12 : i32
          %get3A_1112 = arith.index_cast %get3A_1111 : i32 to index
          %get3A_1113 = arith.index_cast %mul3A_1110 : i32 to index
          %get3A_1114 = tpu.vector_load %arg6[%get3A_1112, %get3A_1113] {strides = array<i32>} : memref<32x768xf32, #tpu.memory_space<vmem>>, vector<16xf32>,
          %mul3A_1115 = arith.mulf %get3A_1114, %get3A_988 : vector<16xf32>
          %add3A_1116 = arith.addf %scan3A_977, %mul3A_1115 : vector<16xf32>
          %mul3A_1117 = arith.mulf %get3A_1114, %get3A_1114 : vector<16xf32>
          %add3A_1118 = arith.addf %scan3A_978, %mul3A_1117 : vector<16xf32>
          %mul3A_1119 = arith.constant 16 : i32
          %mul3A_1120 = arith.muli %scan3A_952, %mul3A_1119 : i32
          %get3A_1121 = arith.constant 13 : i32
          %get3A_1122 = arith.index_cast %get3A_1121 : i32 to index
          %get3A_1123 = arith.index_cast %mul3A_1120 : i32 to index
          %get3A_1124 = tpu.vector_load %arg6[%get3A_1122, %get3A_1123] {strides = array<i32>} : memref<32x768xf32, #tpu.memory_space<vmem>>, vector<16xf32>,
          %mul3A_1125 = arith.mulf %get3A_1124, %get3A_988 : vector<16xf32>
          %add3A_1126 = arith.addf %scan3A_979, %mul3A_1125 : vector<16xf32>
          %mul3A_1127 = arith.mulf %get3A_1124, %get3A_1124 : vector<16xf32>
          %add3A_1128 = arith.addf %scan3A_980, %mul3A_1127 : vector<16xf32>
          %mul3A_1129 = arith.constant 16 : i32
          %mul3A_1130 = arith.muli %scan3A_952, %mul3A_1129 : i32
          %get3A_1131 = arith.constant 14 : i32
          %get3A_1132 = arith.index_cast %get3A_1131 : i32 to index
          %get3A_1133 = arith.index_cast %mul3A_1130 : i32 to index
          %get3A_1134 = tpu.vector_load %arg6[%get3A_1132, %get3A_1133] {strides = array<i32>} : memref<32x768xf32, #tpu.memory_space<vmem>>, vector<16xf32>,
          %mul3A_1135 = arith.mulf %get3A_1134, %get3A_988 : vector<16xf32>
          %add3A_1136 = arith.addf %scan3A_981, %mul3A_1135 : vector<16xf32>
          %mul3A_1137 = arith.mulf %get3A_1134, %get3A_1134 : vector<16xf32>
          %add3A_1138 = arith.addf %scan3A_982, %mul3A_1137 : vector<16xf32>
          %mul3A_1139 = arith.constant 16 : i32
          %mul3A_1140 = arith.muli %scan3A_952, %mul3A_1139 : i32
          %get3A_1141 = arith.constant 15 : i32
          %get3A_1142 = arith.index_cast %get3A_1141 : i32 to index
          %get3A_1143 = arith.index_cast %mul3A_1140 : i32 to index
          %get3A_1144 = tpu.vector_load %arg6[%get3A_1142, %get3A_1143] {strides = array<i32>} : memref<32x768xf32, #tpu.memory_space<vmem>>, vector<16xf32>,
          %mul3A_1145 = arith.mulf %get3A_1144, %get3A_988 : vector<16xf32>
          %add3A_1146 = arith.addf %scan3A_983, %mul3A_1145 : vector<16xf32>
          %mul3A_1147 = arith.mulf %get3A_1144, %get3A_1144 : vector<16xf32>
          %add3A_1148 = arith.addf %scan3A_984, %mul3A_1147 : vector<16xf32>
          %scan3A_1149 = arith.constant 1 : i32
          %scan3A_1150 = arith.addi %scan3A_952, %scan3A_1149 : i32
          %mul3A_1151 = arith.constant 16 : i32
          %mul3A_1152 = arith.muli %scan3A_1150, %mul3A_1151 : i32
          %get3A_1153 = arith.index_cast %mul3A_1152 : i32 to index
          %get3A_1154 = tpu.vector_load %arg7[%get3A_1153] {strides = array<i32>} : memref<768xf32, #tpu.memory_space<vmem>>, vector<16xf32>,
          %mul3A_1155 = arith.constant 16 : i32
          %mul3A_1156 = arith.muli %scan3A_1150, %mul3A_1155 : i32
          %get3A_1157 = arith.constant 0 : i32
          %get3A_1158 = arith.index_cast %get3A_1157 : i32 to index
          %get3A_1159 = arith.index_cast %mul3A_1156 : i32 to index
          %get3A_1160 = tpu.vector_load %arg6[%get3A_1158, %get3A_1159] {strides = array<i32>} : memref<32x768xf32, #tpu.memory_space<vmem>>, vector<16xf32>,
          %mul3A_1161 = arith.mulf %get3A_1160, %get3A_1154 : vector<16xf32>
          %add3A_1162 = arith.addf %add3A_996, %mul3A_1161 : vector<16xf32>
          %mul3A_1163 = arith.mulf %get3A_1160, %get3A_1160 : vector<16xf32>
          %add3A_1164 = arith.addf %add3A_998, %mul3A_1163 : vector<16xf32>
          %mul3A_1165 = arith.constant 16 : i32
          %mul3A_1166 = arith.muli %scan3A_1150, %mul3A_1165 : i32
          %get3A_1167 = arith.constant 1 : i32
          %get3A_1168 = arith.index_cast %get3A_1167 : i32 to index
          %get3A_1169 = arith.index_cast %mul3A_1166 : i32 to index
          %get3A_1170 = tpu.vector_load %arg6[%get3A_1168, %get3A_1169] {strides = array<i32>} : memref<32x768xf32, #tpu.memory_space<vmem>>, vector<16xf32>,
          %mul3A_1171 = arith.mulf %get3A_1170, %get3A_1154 : vector<16xf32>
          %add3A_1172 = arith.addf %add3A_1006, %mul3A_1171 : vector<16xf32>
          %mul3A_1173 = arith.mulf %get3A_1170, %get3A_1170 : vector<16xf32>
          %add3A_1174 = arith.addf %add3A_1008, %mul3A_1173 : vector<16xf32>
          %mul3A_1175 = arith.constant 16 : i32
          %mul3A_1176 = arith.muli %scan3A_1150, %mul3A_1175 : i32
          %get3A_1177 = arith.constant 2 : i32
          %get3A_1178 = arith.index_cast %get3A_1177 : i32 to index
          %get3A_1179 = arith.index_cast %mul3A_1176 : i32 to index
          %get3A_1180 = tpu.vector_load %arg6[%get3A_1178, %get3A_1179] {strides = array<i32>} : memref<32x768xf32, #tpu.memory_space<vmem>>, vector<16xf32>,
          %mul3A_1181 = arith.mulf %get3A_1180, %get3A_1154 : vector<16xf32>
          %add3A_1182 = arith.addf %add3A_1016, %mul3A_1181 : vector<16xf32>
          %mul3A_1183 = arith.mulf %get3A_1180, %get3A_1180 : vector<16xf32>
          %add3A_1184 = arith.addf %add3A_1018, %mul3A_1183 : vector<16xf32>
          %mul3A_1185 = arith.constant 16 : i32
          %mul3A_1186 = arith.muli %scan3A_1150, %mul3A_1185 : i32
          %get3A_1187 = arith.constant 3 : i32
          %get3A_1188 = arith.index_cast %get3A_1187 : i32 to index
          %get3A_1189 = arith.index_cast %mul3A_1186 : i32 to index
          %get3A_1190 = tpu.vector_load %arg6[%get3A_1188, %get3A_1189] {strides = array<i32>} : memref<32x768xf32, #tpu.memory_space<vmem>>, vector<16xf32>,
          %mul3A_1191 = arith.mulf %get3A_1190, %get3A_1154 : vector<16xf32>
          %add3A_1192 = arith.addf %add3A_1026, %mul3A_1191 : vector<16xf32>
          %mul3A_1193 = arith.mulf %get3A_1190, %get3A_1190 : vector<16xf32>
          %add3A_1194 = arith.addf %add3A_1028, %mul3A_1193 : vector<16xf32>
          %mul3A_1195 = arith.constant 16 : i32
          %mul3A_1196 = arith.muli %scan3A_1150, %mul3A_1195 : i32
          %get3A_1197 = arith.constant 4 : i32
          %get3A_1198 = arith.index_cast %get3A_1197 : i32 to index
          %get3A_1199 = arith.index_cast %mul3A_1196 : i32 to index
          %get3A_1200 = tpu.vector_load %arg6[%get3A_1198, %get3A_1199] {strides = array<i32>} : memref<32x768xf32, #tpu.memory_space<vmem>>, vector<16xf32>,
          %mul3A_1201 = arith.mulf %get3A_1200, %get3A_1154 : vector<16xf32>
          %add3A_1202 = arith.addf %add3A_1036, %mul3A_1201 : vector<16xf32>
          %mul3A_1203 = arith.mulf %get3A_1200, %get3A_1200 : vector<16xf32>
          %add3A_1204 = arith.addf %add3A_1038, %mul3A_1203 : vector<16xf32>
          %mul3A_1205 = arith.constant 16 : i32
          %mul3A_1206 = arith.muli %scan3A_1150, %mul3A_1205 : i32
          %get3A_1207 = arith.constant 5 : i32
          %get3A_1208 = arith.index_cast %get3A_1207 : i32 to index
          %get3A_1209 = arith.index_cast %mul3A_1206 : i32 to index
          %get3A_1210 = tpu.vector_load %arg6[%get3A_1208, %get3A_1209] {strides = array<i32>} : memref<32x768xf32, #tpu.memory_space<vmem>>, vector<16xf32>,
          %mul3A_1211 = arith.mulf %get3A_1210, %get3A_1154 : vector<16xf32>
          %add3A_1212 = arith.addf %add3A_1046, %mul3A_1211 : vector<16xf32>
          %mul3A_1213 = arith.mulf %get3A_1210, %get3A_1210 : vector<16xf32>
          %add3A_1214 = arith.addf %add3A_1048, %mul3A_1213 : vector<16xf32>
          %mul3A_1215 = arith.constant 16 : i32
          %mul3A_1216 = arith.muli %scan3A_1150, %mul3A_1215 : i32
          %get3A_1217 = arith.constant 6 : i32
          %get3A_1218 = arith.index_cast %get3A_1217 : i32 to index
          %get3A_1219 = arith.index_cast %mul3A_1216 : i32 to index
          %get3A_1220 = tpu.vector_load %arg6[%get3A_1218, %get3A_1219] {strides = array<i32>} : memref<32x768xf32, #tpu.memory_space<vmem>>, vector<16xf32>,
          %mul3A_1221 = arith.mulf %get3A_1220, %get3A_1154 : vector<16xf32>
          %add3A_1222 = arith.addf %add3A_1056, %mul3A_1221 : vector<16xf32>
          %mul3A_1223 = arith.mulf %get3A_1220, %get3A_1220 : vector<16xf32>
          %add3A_1224 = arith.addf %add3A_1058, %mul3A_1223 : vector<16xf32>
          %mul3A_1225 = arith.constant 16 : i32
          %mul3A_1226 = arith.muli %scan3A_1150, %mul3A_1225 : i32
          %get3A_1227 = arith.constant 7 : i32
          %get3A_1228 = arith.index_cast %get3A_1227 : i32 to index
          %get3A_1229 = arith.index_cast %mul3A_1226 : i32 to index
          %get3A_1230 = tpu.vector_load %arg6[%get3A_1228, %get3A_1229] {strides = array<i32>} : memref<32x768xf32, #tpu.memory_space<vmem>>, vector<16xf32>,
          %mul3A_1231 = arith.mulf %get3A_1230, %get3A_1154 : vector<16xf32>
          %add3A_1232 = arith.addf %add3A_1066, %mul3A_1231 : vector<16xf32>
          %mul3A_1233 = arith.mulf %get3A_1230, %get3A_1230 : vector<16xf32>
          %add3A_1234 = arith.addf %add3A_1068, %mul3A_1233 : vector<16xf32>
          %mul3A_1235 = arith.constant 16 : i32
          %mul3A_1236 = arith.muli %scan3A_1150, %mul3A_1235 : i32
          %get3A_1237 = arith.constant 8 : i32
          %get3A_1238 = arith.index_cast %get3A_1237 : i32 to index
          %get3A_1239 = arith.index_cast %mul3A_1236 : i32 to index
          %get3A_1240 = tpu.vector_load %arg6[%get3A_1238, %get3A_1239] {strides = array<i32>} : memref<32x768xf32, #tpu.memory_space<vmem>>, vector<16xf32>,
          %mul3A_1241 = arith.mulf %get3A_1240, %get3A_1154 : vector<16xf32>
          %add3A_1242 = arith.addf %add3A_1076, %mul3A_1241 : vector<16xf32>
          %mul3A_1243 = arith.mulf %get3A_1240, %get3A_1240 : vector<16xf32>
          %add3A_1244 = arith.addf %add3A_1078, %mul3A_1243 : vector<16xf32>
          %mul3A_1245 = arith.constant 16 : i32
          %mul3A_1246 = arith.muli %scan3A_1150, %mul3A_1245 : i32
          %get3A_1247 = arith.constant 9 : i32
          %get3A_1248 = arith.index_cast %get3A_1247 : i32 to index
          %get3A_1249 = arith.index_cast %mul3A_1246 : i32 to index
          %get3A_1250 = tpu.vector_load %arg6[%get3A_1248, %get3A_1249] {strides = array<i32>} : memref<32x768xf32, #tpu.memory_space<vmem>>, vector<16xf32>,
          %mul3A_1251 = arith.mulf %get3A_1250, %get3A_1154 : vector<16xf32>
          %add3A_1252 = arith.addf %add3A_1086, %mul3A_1251 : vector<16xf32>
          %mul3A_1253 = arith.mulf %get3A_1250, %get3A_1250 : vector<16xf32>
          %add3A_1254 = arith.addf %add3A_1088, %mul3A_1253 : vector<16xf32>
          %mul3A_1255 = arith.constant 16 : i32
          %mul3A_1256 = arith.muli %scan3A_1150, %mul3A_1255 : i32
          %get3A_1257 = arith.constant 10 : i32
          %get3A_1258 = arith.index_cast %get3A_1257 : i32 to index
          %get3A_1259 = arith.index_cast %mul3A_1256 : i32 to index
          %get3A_1260 = tpu.vector_load %arg6[%get3A_1258, %get3A_1259] {strides = array<i32>} : memref<32x768xf32, #tpu.memory_space<vmem>>, vector<16xf32>,
          %mul3A_1261 = arith.mulf %get3A_1260, %get3A_1154 : vector<16xf32>
          %add3A_1262 = arith.addf %add3A_1096, %mul3A_1261 : vector<16xf32>
          %mul3A_1263 = arith.mulf %get3A_1260, %get3A_1260 : vector<16xf32>
          %add3A_1264 = arith.addf %add3A_1098, %mul3A_1263 : vector<16xf32>
          %mul3A_1265 = arith.constant 16 : i32
          %mul3A_1266 = arith.muli %scan3A_1150, %mul3A_1265 : i32
          %get3A_1267 = arith.constant 11 : i32
          %get3A_1268 = arith.index_cast %get3A_1267 : i32 to index
          %get3A_1269 = arith.index_cast %mul3A_1266 : i32 to index
          %get3A_1270 = tpu.vector_load %arg6[%get3A_1268, %get3A_1269] {strides = array<i32>} : memref<32x768xf32, #tpu.memory_space<vmem>>, vector<16xf32>,
          %mul3A_1271 = arith.mulf %get3A_1270, %get3A_1154 : vector<16xf32>
          %add3A_1272 = arith.addf %add3A_1106, %mul3A_1271 : vector<16xf32>
          %mul3A_1273 = arith.mulf %get3A_1270, %get3A_1270 : vector<16xf32>
          %add3A_1274 = arith.addf %add3A_1108, %mul3A_1273 : vector<16xf32>
          %mul3A_1275 = arith.constant 16 : i32
          %mul3A_1276 = arith.muli %scan3A_1150, %mul3A_1275 : i32
          %get3A_1277 = arith.constant 12 : i32
          %get3A_1278 = arith.index_cast %get3A_1277 : i32 to index
          %get3A_1279 = arith.index_cast %mul3A_1276 : i32 to index
          %get3A_1280 = tpu.vector_load %arg6[%get3A_1278, %get3A_1279] {strides = array<i32>} : memref<32x768xf32, #tpu.memory_space<vmem>>, vector<16xf32>,
          %mul3A_1281 = arith.mulf %get3A_1280, %get3A_1154 : vector<16xf32>
          %add3A_1282 = arith.addf %add3A_1116, %mul3A_1281 : vector<16xf32>
          %mul3A_1283 = arith.mulf %get3A_1280, %get3A_1280 : vector<16xf32>
          %add3A_1284 = arith.addf %add3A_1118, %mul3A_1283 : vector<16xf32>
          %mul3A_1285 = arith.constant 16 : i32
          %mul3A_1286 = arith.muli %scan3A_1150, %mul3A_1285 : i32
          %get3A_1287 = arith.constant 13 : i32
          %get3A_1288 = arith.index_cast %get3A_1287 : i32 to index
          %get3A_1289 = arith.index_cast %mul3A_1286 : i32 to index
          %get3A_1290 = tpu.vector_load %arg6[%get3A_1288, %get3A_1289] {strides = array<i32>} : memref<32x768xf32, #tpu.memory_space<vmem>>, vector<16xf32>,
          %mul3A_1291 = arith.mulf %get3A_1290, %get3A_1154 : vector<16xf32>
          %add3A_1292 = arith.addf %add3A_1126, %mul3A_1291 : vector<16xf32>
          %mul3A_1293 = arith.mulf %get3A_1290, %get3A_1290 : vector<16xf32>
          %add3A_1294 = arith.addf %add3A_1128, %mul3A_1293 : vector<16xf32>
          %mul3A_1295 = arith.constant 16 : i32
          %mul3A_1296 = arith.muli %scan3A_1150, %mul3A_1295 : i32
          %get3A_1297 = arith.constant 14 : i32
          %get3A_1298 = arith.index_cast %get3A_1297 : i32 to index
          %get3A_1299 = arith.index_cast %mul3A_1296 : i32 to index
          %get3A_1300 = tpu.vector_load %arg6[%get3A_1298, %get3A_1299] {strides = array<i32>} : memref<32x768xf32, #tpu.memory_space<vmem>>, vector<16xf32>,
          %mul3A_1301 = arith.mulf %get3A_1300, %get3A_1154 : vector<16xf32>
          %add3A_1302 = arith.addf %add3A_1136, %mul3A_1301 : vector<16xf32>
          %mul3A_1303 = arith.mulf %get3A_1300, %get3A_1300 : vector<16xf32>
          %add3A_1304 = arith.addf %add3A_1138, %mul3A_1303 : vector<16xf32>
          %mul3A_1305 = arith.constant 16 : i32
          %mul3A_1306 = arith.muli %scan3A_1150, %mul3A_1305 : i32
          %get3A_1307 = arith.constant 15 : i32
          %get3A_1308 = arith.index_cast %get3A_1307 : i32 to index
          %get3A_1309 = arith.index_cast %mul3A_1306 : i32 to index
          %get3A_1310 = tpu.vector_load %arg6[%get3A_1308, %get3A_1309] {strides = array<i32>} : memref<32x768xf32, #tpu.memory_space<vmem>>, vector<16xf32>,
          %mul3A_1311 = arith.mulf %get3A_1310, %get3A_1154 : vector<16xf32>
          %add3A_1312 = arith.addf %add3A_1146, %mul3A_1311 : vector<16xf32>
          %mul3A_1313 = arith.mulf %get3A_1310, %get3A_1310 : vector<16xf32>
          %add3A_1314 = arith.addf %add3A_1148, %mul3A_1313 : vector<16xf32>
          scf.yield %add3A_1162, %add3A_1164, %add3A_1172, %add3A_1174, %add3A_1182, %add3A_1184, %add3A_1192, %add3A_1194, %add3A_1202, %add3A_1204, %add3A_1212, %add3A_1214, %add3A_1222, %add3A_1224, %add3A_1232, %add3A_1234, %add3A_1242, %add3A_1244, %add3A_1252, %add3A_1254, %add3A_1262, %add3A_1264, %add3A_1272, %add3A_1274, %add3A_1282, %add3A_1284, %add3A_1292, %add3A_1294, %add3A_1302, %add3A_1304, %add3A_1312, %add3A_1314 : vector<16xf32>, vector<16xf32>, vector<16xf32>, vector<16xf32>, vector<16xf32>, vector<16xf32>, vector<16xf32>, vector<16xf32>, vector<16xf32>, vector<16xf32>, vector<16xf32>, vector<16xf32>, vector<16xf32>, vector<16xf32>, vector<16xf32>, vector<16xf32>, vector<16xf32>, vector<16xf32>, vector<16xf32>, vector<16xf32>, vector<16xf32>, vector<16xf32>, vector<16xf32>, vector<16xf32>, vector<16xf32>, vector<16xf32>, vector<16xf32>, vector<16xf32>, vector<16xf32>, vector<16xf32>, vector<16xf32>, vector<16xf32>
        }
        %scan3A_334 = arith.constant 48 : i32
        %swap3A_335 = arith.constant 0 : i32
        %swap3A_336 = arith.index_cast %swap3A_335 : i32 to index
        %swap3A_337 = arith.constant 0 : index
        %swap3A_338 = tpu.vector_load %arg9[%swap3A_336, %swap3A_337] {strides = array<i32>} : memref<16x17xf32, #tpu.memory_space<vmem>>, vector<16xf32>,
        tpu.vector_store %arg9[%swap3A_336, %swap3A_337], %scan3A_333#0 {strides = array<i32>} : memref<16x17xf32, #tpu.memory_space<vmem>>, vector<16xf32>,
        %swap3A_339 = arith.constant 1 : i32
        %swap3A_340 = arith.index_cast %swap3A_339 : i32 to index
        %swap3A_341 = arith.constant 0 : index
        %swap3A_342 = tpu.vector_load %arg9[%swap3A_340, %swap3A_341] {strides = array<i32>} : memref<16x17xf32, #tpu.memory_space<vmem>>, vector<16xf32>,
        tpu.vector_store %arg9[%swap3A_340, %swap3A_341], %scan3A_333#2 {strides = array<i32>} : memref<16x17xf32, #tpu.memory_space<vmem>>, vector<16xf32>,
        %swap3A_343 = arith.constant 2 : i32
        %swap3A_344 = arith.index_cast %swap3A_343 : i32 to index
        %swap3A_345 = arith.constant 0 : index
        %swap3A_346 = tpu.vector_load %arg9[%swap3A_344, %swap3A_345] {strides = array<i32>} : memref<16x17xf32, #tpu.memory_space<vmem>>, vector<16xf32>,
        tpu.vector_store %arg9[%swap3A_344, %swap3A_345], %scan3A_333#4 {strides = array<i32>} : memref<16x17xf32, #tpu.memory_space<vmem>>, vector<16xf32>,
        %swap3A_347 = arith.constant 3 : i32
        %swap3A_348 = arith.index_cast %swap3A_347 : i32 to index
        %swap3A_349 = arith.constant 0 : index
        %swap3A_350 = tpu.vector_load %arg9[%swap3A_348, %swap3A_349] {strides = array<i32>} : memref<16x17xf32, #tpu.memory_space<vmem>>, vector<16xf32>,
        tpu.vector_store %arg9[%swap3A_348, %swap3A_349], %scan3A_333#6 {strides = array<i32>} : memref<16x17xf32, #tpu.memory_space<vmem>>, vector<16xf32>,
        %swap3A_351 = arith.constant 4 : i32
        %swap3A_352 = arith.index_cast %swap3A_351 : i32 to index
        %swap3A_353 = arith.constant 0 : index
        %swap3A_354 = tpu.vector_load %arg9[%swap3A_352, %swap3A_353] {strides = array<i32>} : memref<16x17xf32, #tpu.memory_space<vmem>>, vector<16xf32>,
        tpu.vector_store %arg9[%swap3A_352, %swap3A_353], %scan3A_333#8 {strides = array<i32>} : memref<16x17xf32, #tpu.memory_space<vmem>>, vector<16xf32>,
        %swap3A_355 = arith.constant 5 : i32
        %swap3A_356 = arith.index_cast %swap3A_355 : i32 to index
        %swap3A_357 = arith.constant 0 : index
        %swap3A_358 = tpu.vector_load %arg9[%swap3A_356, %swap3A_357] {strides = array<i32>} : memref<16x17xf32, #tpu.memory_space<vmem>>, vector<16xf32>,
        tpu.vector_store %arg9[%swap3A_356, %swap3A_357], %scan3A_333#10 {strides = array<i32>} : memref<16x17xf32, #tpu.memory_space<vmem>>, vector<16xf32>,
        %swap3A_359 = arith.constant 6 : i32
        %swap3A_360 = arith.index_cast %swap3A_359 : i32 to index
        %swap3A_361 = arith.constant 0 : index
        %swap3A_362 = tpu.vector_load %arg9[%swap3A_360, %swap3A_361] {strides = array<i32>} : memref<16x17xf32, #tpu.memory_space<vmem>>, vector<16xf32>,
        tpu.vector_store %arg9[%swap3A_360, %swap3A_361], %scan3A_333#12 {strides = array<i32>} : memref<16x17xf32, #tpu.memory_space<vmem>>, vector<16xf32>,
        %swap3A_363 = arith.constant 7 : i32
        %swap3A_364 = arith.index_cast %swap3A_363 : i32 to index
        %swap3A_365 = arith.constant 0 : index
        %swap3A_366 = tpu.vector_load %arg9[%swap3A_364, %swap3A_365] {strides = array<i32>} : memref<16x17xf32, #tpu.memory_space<vmem>>, vector<16xf32>,
        tpu.vector_store %arg9[%swap3A_364, %swap3A_365], %scan3A_333#14 {strides = array<i32>} : memref<16x17xf32, #tpu.memory_space<vmem>>, vector<16xf32>,
        %swap3A_367 = arith.constant 8 : i32
        %swap3A_368 = arith.index_cast %swap3A_367 : i32 to index
        %swap3A_369 = arith.constant 0 : index
        %swap3A_370 = tpu.vector_load %arg9[%swap3A_368, %swap3A_369] {strides = array<i32>} : memref<16x17xf32, #tpu.memory_space<vmem>>, vector<16xf32>,
        tpu.vector_store %arg9[%swap3A_368, %swap3A_369], %scan3A_333#16 {strides = array<i32>} : memref<16x17xf32, #tpu.memory_space<vmem>>, vector<16xf32>,
        %swap3A_371 = arith.constant 9 : i32
        %swap3A_372 = arith.index_cast %swap3A_371 : i32 to index
        %swap3A_373 = arith.constant 0 : index
        %swap3A_374 = tpu.vector_load %arg9[%swap3A_372, %swap3A_373] {strides = array<i32>} : memref<16x17xf32, #tpu.memory_space<vmem>>, vector<16xf32>,
        tpu.vector_store %arg9[%swap3A_372, %swap3A_373], %scan3A_333#18 {strides = array<i32>} : memref<16x17xf32, #tpu.memory_space<vmem>>, vector<16xf32>,
        %swap3A_375 = arith.constant 10 : i32
        %swap3A_376 = arith.index_cast %swap3A_375 : i32 to index
        %swap3A_377 = arith.constant 0 : index
        %swap3A_378 = tpu.vector_load %arg9[%swap3A_376, %swap3A_377] {strides = array<i32>} : memref<16x17xf32, #tpu.memory_space<vmem>>, vector<16xf32>,
        tpu.vector_store %arg9[%swap3A_376, %swap3A_377], %scan3A_333#20 {strides = array<i32>} : memref<16x17xf32, #tpu.memory_space<vmem>>, vector<16xf32>,
        %swap3A_379 = arith.constant 11 : i32
        %swap3A_380 = arith.index_cast %swap3A_379 : i32 to index
        %swap3A_381 = arith.constant 0 : index
        %swap3A_382 = tpu.vector_load %arg9[%swap3A_380, %swap3A_381] {strides = array<i32>} : memref<16x17xf32, #tpu.memory_space<vmem>>, vector<16xf32>,
        tpu.vector_store %arg9[%swap3A_380, %swap3A_381], %scan3A_333#22 {strides = array<i32>} : memref<16x17xf32, #tpu.memory_space<vmem>>, vector<16xf32>,
        %swap3A_383 = arith.constant 12 : i32
        %swap3A_384 = arith.index_cast %swap3A_383 : i32 to index
        %swap3A_385 = arith.constant 0 : index
        %swap3A_386 = tpu.vector_load %arg9[%swap3A_384, %swap3A_385] {strides = array<i32>} : memref<16x17xf32, #tpu.memory_space<vmem>>, vector<16xf32>,
        tpu.vector_store %arg9[%swap3A_384, %swap3A_385], %scan3A_333#24 {strides = array<i32>} : memref<16x17xf32, #tpu.memory_space<vmem>>, vector<16xf32>,
        %swap3A_387 = arith.constant 13 : i32
        %swap3A_388 = arith.index_cast %swap3A_387 : i32 to index
        %swap3A_389 = arith.constant 0 : index
        %swap3A_390 = tpu.vector_load %arg9[%swap3A_388, %swap3A_389] {strides = array<i32>} : memref<16x17xf32, #tpu.memory_space<vmem>>, vector<16xf32>,
        tpu.vector_store %arg9[%swap3A_388, %swap3A_389], %scan3A_333#26 {strides = array<i32>} : memref<16x17xf32, #tpu.memory_space<vmem>>, vector<16xf32>,
        %swap3A_391 = arith.constant 14 : i32
        %swap3A_392 = arith.index_cast %swap3A_391 : i32 to index
        %swap3A_393 = arith.constant 0 : index
        %swap3A_394 = tpu.vector_load %arg9[%swap3A_392, %swap3A_393] {strides = array<i32>} : memref<16x17xf32, #tpu.memory_space<vmem>>, vector<16xf32>,
        tpu.vector_store %arg9[%swap3A_392, %swap3A_393], %scan3A_333#28 {strides = array<i32>} : memref<16x17xf32, #tpu.memory_space<vmem>>, vector<16xf32>,
        %swap3A_395 = arith.constant 15 : i32
        %swap3A_396 = arith.index_cast %swap3A_395 : i32 to index
        %swap3A_397 = arith.constant 0 : index
        %swap3A_398 = tpu.vector_load %arg9[%swap3A_396, %swap3A_397] {strides = array<i32>} : memref<16x17xf32, #tpu.memory_space<vmem>>, vector<16xf32>,
        tpu.vector_store %arg9[%swap3A_396, %swap3A_397], %scan3A_333#30 {strides = array<i32>} : memref<16x17xf32, #tpu.memory_space<vmem>>, vector<16xf32>,
        %broadcast_in_dim3A_399 = arith.constant 0 : i32
        %broadcast_in_dim3A_400 = vector.broadcast %broadcast_in_dim3A_399 : i32 to vector<16xi32>
        %gather3A_401 = tpu.vector_load_idx %arg9[%iota3A, %broadcast_in_dim3A_400] : memref<16x17xf32, #tpu.memory_space<vmem>>[vector<16xi32>, vector<16xi32>], vector<16xf32>,
        %add3A_402 = arith.addf %broadcast_in_dim3A_279, %gather3A_401 : vector<16xf32>
        %broadcast_in_dim3A_403 = arith.constant 1 : i32
        %broadcast_in_dim3A_404 = vector.broadcast %broadcast_in_dim3A_403 : i32 to vector<16xi32>
        %gather3A_405 = tpu.vector_load_idx %arg9[%iota3A, %broadcast_in_dim3A_404] : memref<16x17xf32, #tpu.memory_space<vmem>>[vector<16xi32>, vector<16xi32>], vector<16xf32>,
        %add3A_406 = arith.addf %add3A_402, %gather3A_405 : vector<16xf32>
        %broadcast_in_dim3A_407 = arith.constant 2 : i32
        %broadcast_in_dim3A_408 = vector.broadcast %broadcast_in_dim3A_407 : i32 to vector<16xi32>
        %gather3A_409 = tpu.vector_load_idx %arg9[%iota3A, %broadcast_in_dim3A_408] : memref<16x17xf32, #tpu.memory_space<vmem>>[vector<16xi32>, vector<16xi32>], vector<16xf32>,
        %add3A_410 = arith.addf %add3A_406, %gather3A_409 : vector<16xf32>
        %broadcast_in_dim3A_411 = arith.constant 3 : i32
        %broadcast_in_dim3A_412 = vector.broadcast %broadcast_in_dim3A_411 : i32 to vector<16xi32>
        %gather3A_413 = tpu.vector_load_idx %arg9[%iota3A, %broadcast_in_dim3A_412] : memref<16x17xf32, #tpu.memory_space<vmem>>[vector<16xi32>, vector<16xi32>], vector<16xf32>,
        %add3A_414 = arith.addf %add3A_410, %gather3A_413 : vector<16xf32>
        %broadcast_in_dim3A_415 = arith.constant 4 : i32
        %broadcast_in_dim3A_416 = vector.broadcast %broadcast_in_dim3A_415 : i32 to vector<16xi32>
        %gather3A_417 = tpu.vector_load_idx %arg9[%iota3A, %broadcast_in_dim3A_416] : memref<16x17xf32, #tpu.memory_space<vmem>>[vector<16xi32>, vector<16xi32>], vector<16xf32>,
        %add3A_418 = arith.addf %add3A_414, %gather3A_417 : vector<16xf32>
        %broadcast_in_dim3A_419 = arith.constant 5 : i32
        %broadcast_in_dim3A_420 = vector.broadcast %broadcast_in_dim3A_419 : i32 to vector<16xi32>
        %gather3A_421 = tpu.vector_load_idx %arg9[%iota3A, %broadcast_in_dim3A_420] : memref<16x17xf32, #tpu.memory_space<vmem>>[vector<16xi32>, vector<16xi32>], vector<16xf32>,
        %add3A_422 = arith.addf %add3A_418, %gather3A_421 : vector<16xf32>
        %broadcast_in_dim3A_423 = arith.constant 6 : i32
        %broadcast_in_dim3A_424 = vector.broadcast %broadcast_in_dim3A_423 : i32 to vector<16xi32>
        %gather3A_425 = tpu.vector_load_idx %arg9[%iota3A, %broadcast_in_dim3A_424] : memref<16x17xf32, #tpu.memory_space<vmem>>[vector<16xi32>, vector<16xi32>], vector<16xf32>,
        %add3A_426 = arith.addf %add3A_422, %gather3A_425 : vector<16xf32>
        %broadcast_in_dim3A_427 = arith.constant 7 : i32
        %broadcast_in_dim3A_428 = vector.broadcast %broadcast_in_dim3A_427 : i32 to vector<16xi32>
        %gather3A_429 = tpu.vector_load_idx %arg9[%iota3A, %broadcast_in_dim3A_428] : memref<16x17xf32, #tpu.memory_space<vmem>>[vector<16xi32>, vector<16xi32>], vector<16xf32>,
        %add3A_430 = arith.addf %add3A_426, %gather3A_429 : vector<16xf32>
        %broadcast_in_dim3A_431 = arith.constant 8 : i32
        %broadcast_in_dim3A_432 = vector.broadcast %broadcast_in_dim3A_431 : i32 to vector<16xi32>
        %gather3A_433 = tpu.vector_load_idx %arg9[%iota3A, %broadcast_in_dim3A_432] : memref<16x17xf32, #tpu.memory_space<vmem>>[vector<16xi32>, vector<16xi32>], vector<16xf32>,
        %add3A_434 = arith.addf %add3A_430, %gather3A_433 : vector<16xf32>
        %broadcast_in_dim3A_435 = arith.constant 9 : i32
        %broadcast_in_dim3A_436 = vector.broadcast %broadcast_in_dim3A_435 : i32 to vector<16xi32>
        %gather3A_437 = tpu.vector_load_idx %arg9[%iota3A, %broadcast_in_dim3A_436] : memref<16x17xf32, #tpu.memory_space<vmem>>[vector<16xi32>, vector<16xi32>], vector<16xf32>,
        %add3A_438 = arith.addf %add3A_434, %gather3A_437 : vector<16xf32>
        %broadcast_in_dim3A_439 = arith.constant 10 : i32
        %broadcast_in_dim3A_440 = vector.broadcast %broadcast_in_dim3A_439 : i32 to vector<16xi32>
        %gather3A_441 = tpu.vector_load_idx %arg9[%iota3A, %broadcast_in_dim3A_440] : memref<16x17xf32, #tpu.memory_space<vmem>>[vector<16xi32>, vector<16xi32>], vector<16xf32>,
        %add3A_442 = arith.addf %add3A_438, %gather3A_441 : vector<16xf32>
        %broadcast_in_dim3A_443 = arith.constant 11 : i32
        %broadcast_in_dim3A_444 = vector.broadcast %broadcast_in_dim3A_443 : i32 to vector<16xi32>
        %gather3A_445 = tpu.vector_load_idx %arg9[%iota3A, %broadcast_in_dim3A_444] : memref<16x17xf32, #tpu.memory_space<vmem>>[vector<16xi32>, vector<16xi32>], vector<16xf32>,
        %add3A_446 = arith.addf %add3A_442, %gather3A_445 : vector<16xf32>
        %broadcast_in_dim3A_447 = arith.constant 12 : i32
        %broadcast_in_dim3A_448 = vector.broadcast %broadcast_in_dim3A_447 : i32 to vector<16xi32>
        %gather3A_449 = tpu.vector_load_idx %arg9[%iota3A, %broadcast_in_dim3A_448] : memref<16x17xf32, #tpu.memory_space<vmem>>[vector<16xi32>, vector<16xi32>], vector<16xf32>,
        %add3A_450 = arith.addf %add3A_446, %gather3A_449 : vector<16xf32>
        %broadcast_in_dim3A_451 = arith.constant 13 : i32
        %broadcast_in_dim3A_452 = vector.broadcast %broadcast_in_dim3A_451 : i32 to vector<16xi32>
        %gather3A_453 = tpu.vector_load_idx %arg9[%iota3A, %broadcast_in_dim3A_452] : memref<16x17xf32, #tpu.memory_space<vmem>>[vector<16xi32>, vector<16xi32>], vector<16xf32>,
        %add3A_454 = arith.addf %add3A_450, %gather3A_453 : vector<16xf32>
        %broadcast_in_dim3A_455 = arith.constant 14 : i32
        %broadcast_in_dim3A_456 = vector.broadcast %broadcast_in_dim3A_455 : i32 to vector<16xi32>
        %gather3A_457 = tpu.vector_load_idx %arg9[%iota3A, %broadcast_in_dim3A_456] : memref<16x17xf32, #tpu.memory_space<vmem>>[vector<16xi32>, vector<16xi32>], vector<16xf32>,
        %add3A_458 = arith.addf %add3A_454, %gather3A_457 : vector<16xf32>
        %broadcast_in_dim3A_459 = arith.constant 15 : i32
        %broadcast_in_dim3A_460 = vector.broadcast %broadcast_in_dim3A_459 : i32 to vector<16xi32>
        %gather3A_461 = tpu.vector_load_idx %arg9[%iota3A, %broadcast_in_dim3A_460] : memref<16x17xf32, #tpu.memory_space<vmem>>[vector<16xi32>, vector<16xi32>], vector<16xf32>,
        %add3A_462 = arith.addf %add3A_458, %gather3A_461 : vector<16xf32>
        %swap3A_463 = arith.constant 0 : i32
        %swap3A_464 = arith.index_cast %swap3A_463 : i32 to index
        %swap3A_465 = arith.constant 0 : index
        %swap3A_466 = tpu.vector_load %arg9[%swap3A_464, %swap3A_465] {strides = array<i32>} : memref<16x17xf32, #tpu.memory_space<vmem>>, vector<16xf32>,
        tpu.vector_store %arg9[%swap3A_464, %swap3A_465], %scan3A_333#1 {strides = array<i32>} : memref<16x17xf32, #tpu.memory_space<vmem>>, vector<16xf32>,
        %swap3A_467 = arith.constant 1 : i32
        %swap3A_468 = arith.index_cast %swap3A_467 : i32 to index
        %swap3A_469 = arith.constant 0 : index
        %swap3A_470 = tpu.vector_load %arg9[%swap3A_468, %swap3A_469] {strides = array<i32>} : memref<16x17xf32, #tpu.memory_space<vmem>>, vector<16xf32>,
        tpu.vector_store %arg9[%swap3A_468, %swap3A_469], %scan3A_333#3 {strides = array<i32>} : memref<16x17xf32, #tpu.memory_space<vmem>>, vector<16xf32>,
        %swap3A_471 = arith.constant 2 : i32
        %swap3A_472 = arith.index_cast %swap3A_471 : i32 to index
        %swap3A_473 = arith.constant 0 : index
        %swap3A_474 = tpu.vector_load %arg9[%swap3A_472, %swap3A_473] {strides = array<i32>} : memref<16x17xf32, #tpu.memory_space<vmem>>, vector<16xf32>,
        tpu.vector_store %arg9[%swap3A_472, %swap3A_473], %scan3A_333#5 {strides = array<i32>} : memref<16x17xf32, #tpu.memory_space<vmem>>, vector<16xf32>,
        %swap3A_475 = arith.constant 3 : i32
        %swap3A_476 = arith.index_cast %swap3A_475 : i32 to index
        %swap3A_477 = arith.constant 0 : index
        %swap3A_478 = tpu.vector_load %arg9[%swap3A_476, %swap3A_477] {strides = array<i32>} : memref<16x17xf32, #tpu.memory_space<vmem>>, vector<16xf32>,
        tpu.vector_store %arg9[%swap3A_476, %swap3A_477], %scan3A_333#7 {strides = array<i32>} : memref<16x17xf32, #tpu.memory_space<vmem>>, vector<16xf32>,
        %swap3A_479 = arith.constant 4 : i32
        %swap3A_480 = arith.index_cast %swap3A_479 : i32 to index
        %swap3A_481 = arith.constant 0 : index
        %swap3A_482 = tpu.vector_load %arg9[%swap3A_480, %swap3A_481] {strides = array<i32>} : memref<16x17xf32, #tpu.memory_space<vmem>>, vector<16xf32>,
        tpu.vector_store %arg9[%swap3A_480, %swap3A_481], %scan3A_333#9 {strides = array<i32>} : memref<16x17xf32, #tpu.memory_space<vmem>>, vector<16xf32>,
        %swap3A_483 = arith.constant 5 : i32
        %swap3A_484 = arith.index_cast %swap3A_483 : i32 to index
        %swap3A_485 = arith.constant 0 : index
        %swap3A_486 = tpu.vector_load %arg9[%swap3A_484, %swap3A_485] {strides = array<i32>} : memref<16x17xf32, #tpu.memory_space<vmem>>, vector<16xf32>,
        tpu.vector_store %arg9[%swap3A_484, %swap3A_485], %scan3A_333#11 {strides = array<i32>} : memref<16x17xf32, #tpu.memory_space<vmem>>, vector<16xf32>,
        %swap3A_487 = arith.constant 6 : i32
        %swap3A_488 = arith.index_cast %swap3A_487 : i32 to index
        %swap3A_489 = arith.constant 0 : index
        %swap3A_490 = tpu.vector_load %arg9[%swap3A_488, %swap3A_489] {strides = array<i32>} : memref<16x17xf32, #tpu.memory_space<vmem>>, vector<16xf32>,
        tpu.vector_store %arg9[%swap3A_488, %swap3A_489], %scan3A_333#13 {strides = array<i32>} : memref<16x17xf32, #tpu.memory_space<vmem>>, vector<16xf32>,
        %swap3A_491 = arith.constant 7 : i32
        %swap3A_492 = arith.index_cast %swap3A_491 : i32 to index
        %swap3A_493 = arith.constant 0 : index
        %swap3A_494 = tpu.vector_load %arg9[%swap3A_492, %swap3A_493] {strides = array<i32>} : memref<16x17xf32, #tpu.memory_space<vmem>>, vector<16xf32>,
        tpu.vector_store %arg9[%swap3A_492, %swap3A_493], %scan3A_333#15 {strides = array<i32>} : memref<16x17xf32, #tpu.memory_space<vmem>>, vector<16xf32>,
        %swap3A_495 = arith.constant 8 : i32
        %swap3A_496 = arith.index_cast %swap3A_495 : i32 to index
        %swap3A_497 = arith.constant 0 : index
        %swap3A_498 = tpu.vector_load %arg9[%swap3A_496, %swap3A_497] {strides = array<i32>} : memref<16x17xf32, #tpu.memory_space<vmem>>, vector<16xf32>,
        tpu.vector_store %arg9[%swap3A_496, %swap3A_497], %scan3A_333#17 {strides = array<i32>} : memref<16x17xf32, #tpu.memory_space<vmem>>, vector<16xf32>,
        %swap3A_499 = arith.constant 9 : i32
        %swap3A_500 = arith.index_cast %swap3A_499 : i32 to index
        %swap3A_501 = arith.constant 0 : index
        %swap3A_502 = tpu.vector_load %arg9[%swap3A_500, %swap3A_501] {strides = array<i32>} : memref<16x17xf32, #tpu.memory_space<vmem>>, vector<16xf32>,
        tpu.vector_store %arg9[%swap3A_500, %swap3A_501], %scan3A_333#19 {strides = array<i32>} : memref<16x17xf32, #tpu.memory_space<vmem>>, vector<16xf32>,
        %swap3A_503 = arith.constant 10 : i32
        %swap3A_504 = arith.index_cast %swap3A_503 : i32 to index
        %swap3A_505 = arith.constant 0 : index
        %swap3A_506 = tpu.vector_load %arg9[%swap3A_504, %swap3A_505] {strides = array<i32>} : memref<16x17xf32, #tpu.memory_space<vmem>>, vector<16xf32>,
        tpu.vector_store %arg9[%swap3A_504, %swap3A_505], %scan3A_333#21 {strides = array<i32>} : memref<16x17xf32, #tpu.memory_space<vmem>>, vector<16xf32>,
        %swap3A_507 = arith.constant 11 : i32
        %swap3A_508 = arith.index_cast %swap3A_507 : i32 to index
        %swap3A_509 = arith.constant 0 : index
        %swap3A_510 = tpu.vector_load %arg9[%swap3A_508, %swap3A_509] {strides = array<i32>} : memref<16x17xf32, #tpu.memory_space<vmem>>, vector<16xf32>,
        tpu.vector_store %arg9[%swap3A_508, %swap3A_509], %scan3A_333#23 {strides = array<i32>} : memref<16x17xf32, #tpu.memory_space<vmem>>, vector<16xf32>,
        %swap3A_511 = arith.constant 12 : i32
        %swap3A_512 = arith.index_cast %swap3A_511 : i32 to index
        %swap3A_513 = arith.constant 0 : index
        %swap3A_514 = tpu.vector_load %arg9[%swap3A_512, %swap3A_513] {strides = array<i32>} : memref<16x17xf32, #tpu.memory_space<vmem>>, vector<16xf32>,
        tpu.vector_store %arg9[%swap3A_512, %swap3A_513], %scan3A_333#25 {strides = array<i32>} : memref<16x17xf32, #tpu.memory_space<vmem>>, vector<16xf32>,
        %swap3A_515 = arith.constant 13 : i32
        %swap3A_516 = arith.index_cast %swap3A_515 : i32 to index
        %swap3A_517 = arith.constant 0 : index
        %swap3A_518 = tpu.vector_load %arg9[%swap3A_516, %swap3A_517] {strides = array<i32>} : memref<16x17xf32, #tpu.memory_space<vmem>>, vector<16xf32>,
        tpu.vector_store %arg9[%swap3A_516, %swap3A_517], %scan3A_333#27 {strides = array<i32>} : memref<16x17xf32, #tpu.memory_space<vmem>>, vector<16xf32>,
        %swap3A_519 = arith.constant 14 : i32
        %swap3A_520 = arith.index_cast %swap3A_519 : i32 to index
        %swap3A_521 = arith.constant 0 : index
        %swap3A_522 = tpu.vector_load %arg9[%swap3A_520, %swap3A_521] {strides = array<i32>} : memref<16x17xf32, #tpu.memory_space<vmem>>, vector<16xf32>,
        tpu.vector_store %arg9[%swap3A_520, %swap3A_521], %scan3A_333#29 {strides = array<i32>} : memref<16x17xf32, #tpu.memory_space<vmem>>, vector<16xf32>,
        %swap3A_523 = arith.constant 15 : i32
        %swap3A_524 = arith.index_cast %swap3A_523 : i32 to index
        %swap3A_525 = arith.constant 0 : index
        %swap3A_526 = tpu.vector_load %arg9[%swap3A_524, %swap3A_525] {strides = array<i32>} : memref<16x17xf32, #tpu.memory_space<vmem>>, vector<16xf32>,
        tpu.vector_store %arg9[%swap3A_524, %swap3A_525], %scan3A_333#31 {strides = array<i32>} : memref<16x17xf32, #tpu.memory_space<vmem>>, vector<16xf32>,
        %broadcast_in_dim3A_527 = arith.constant 0 : i32
        %broadcast_in_dim3A_528 = vector.broadcast %broadcast_in_dim3A_527 : i32 to vector<16xi32>
        %gather3A_529 = tpu.vector_load_idx %arg9[%iota3A, %broadcast_in_dim3A_528] : memref<16x17xf32, #tpu.memory_space<vmem>>[vector<16xi32>, vector<16xi32>], vector<16xf32>,
        %add3A_530 = arith.addf %broadcast_in_dim3A_279, %gather3A_529 : vector<16xf32>
        %broadcast_in_dim3A_531 = arith.constant 1 : i32
        %broadcast_in_dim3A_532 = vector.broadcast %broadcast_in_dim3A_531 : i32 to vector<16xi32>
        %gather3A_533 = tpu.vector_load_idx %arg9[%iota3A, %broadcast_in_dim3A_532] : memref<16x17xf32, #tpu.memory_space<vmem>>[vector<16xi32>, vector<16xi32>], vector<16xf32>,
        %add3A_534 = arith.addf %add3A_530, %gather3A_533 : vector<16xf32>
        %broadcast_in_dim3A_535 = arith.constant 2 : i32
        %broadcast_in_dim3A_536 = vector.broadcast %broadcast_in_dim3A_535 : i32 to vector<16xi32>
        %gather3A_537 = tpu.vector_load_idx %arg9[%iota3A, %broadcast_in_dim3A_536] : memref<16x17xf32, #tpu.memory_space<vmem>>[vector<16xi32>, vector<16xi32>], vector<16xf32>,
        %add3A_538 = arith.addf %add3A_534, %gather3A_537 : vector<16xf32>
        %broadcast_in_dim3A_539 = arith.constant 3 : i32
        %broadcast_in_dim3A_540 = vector.broadcast %broadcast_in_dim3A_539 : i32 to vector<16xi32>
        %gather3A_541 = tpu.vector_load_idx %arg9[%iota3A, %broadcast_in_dim3A_540] : memref<16x17xf32, #tpu.memory_space<vmem>>[vector<16xi32>, vector<16xi32>], vector<16xf32>,
        %add3A_542 = arith.addf %add3A_538, %gather3A_541 : vector<16xf32>
        %broadcast_in_dim3A_543 = arith.constant 4 : i32
        %broadcast_in_dim3A_544 = vector.broadcast %broadcast_in_dim3A_543 : i32 to vector<16xi32>
        %gather3A_545 = tpu.vector_load_idx %arg9[%iota3A, %broadcast_in_dim3A_544] : memref<16x17xf32, #tpu.memory_space<vmem>>[vector<16xi32>, vector<16xi32>], vector<16xf32>,
        %add3A_546 = arith.addf %add3A_542, %gather3A_545 : vector<16xf32>
        %broadcast_in_dim3A_547 = arith.constant 5 : i32
        %broadcast_in_dim3A_548 = vector.broadcast %broadcast_in_dim3A_547 : i32 to vector<16xi32>
        %gather3A_549 = tpu.vector_load_idx %arg9[%iota3A, %broadcast_in_dim3A_548] : memref<16x17xf32, #tpu.memory_space<vmem>>[vector<16xi32>, vector<16xi32>], vector<16xf32>,
        %add3A_550 = arith.addf %add3A_546, %gather3A_549 : vector<16xf32>
        %broadcast_in_dim3A_551 = arith.constant 6 : i32
        %broadcast_in_dim3A_552 = vector.broadcast %broadcast_in_dim3A_551 : i32 to vector<16xi32>
        %gather3A_553 = tpu.vector_load_idx %arg9[%iota3A, %broadcast_in_dim3A_552] : memref<16x17xf32, #tpu.memory_space<vmem>>[vector<16xi32>, vector<16xi32>], vector<16xf32>,
        %add3A_554 = arith.addf %add3A_550, %gather3A_553 : vector<16xf32>
        %broadcast_in_dim3A_555 = arith.constant 7 : i32
        %broadcast_in_dim3A_556 = vector.broadcast %broadcast_in_dim3A_555 : i32 to vector<16xi32>
        %gather3A_557 = tpu.vector_load_idx %arg9[%iota3A, %broadcast_in_dim3A_556] : memref<16x17xf32, #tpu.memory_space<vmem>>[vector<16xi32>, vector<16xi32>], vector<16xf32>,
        %add3A_558 = arith.addf %add3A_554, %gather3A_557 : vector<16xf32>
        %broadcast_in_dim3A_559 = arith.constant 8 : i32
        %broadcast_in_dim3A_560 = vector.broadcast %broadcast_in_dim3A_559 : i32 to vector<16xi32>
        %gather3A_561 = tpu.vector_load_idx %arg9[%iota3A, %broadcast_in_dim3A_560] : memref<16x17xf32, #tpu.memory_space<vmem>>[vector<16xi32>, vector<16xi32>], vector<16xf32>,
        %add3A_562 = arith.addf %add3A_558, %gather3A_561 : vector<16xf32>
        %broadcast_in_dim3A_563 = arith.constant 9 : i32
        %broadcast_in_dim3A_564 = vector.broadcast %broadcast_in_dim3A_563 : i32 to vector<16xi32>
        %gather3A_565 = tpu.vector_load_idx %arg9[%iota3A, %broadcast_in_dim3A_564] : memref<16x17xf32, #tpu.memory_space<vmem>>[vector<16xi32>, vector<16xi32>], vector<16xf32>,
        %add3A_566 = arith.addf %add3A_562, %gather3A_565 : vector<16xf32>
        %broadcast_in_dim3A_567 = arith.constant 10 : i32
        %broadcast_in_dim3A_568 = vector.broadcast %broadcast_in_dim3A_567 : i32 to vector<16xi32>
        %gather3A_569 = tpu.vector_load_idx %arg9[%iota3A, %broadcast_in_dim3A_568] : memref<16x17xf32, #tpu.memory_space<vmem>>[vector<16xi32>, vector<16xi32>], vector<16xf32>,
        %add3A_570 = arith.addf %add3A_566, %gather3A_569 : vector<16xf32>
        %broadcast_in_dim3A_571 = arith.constant 11 : i32
        %broadcast_in_dim3A_572 = vector.broadcast %broadcast_in_dim3A_571 : i32 to vector<16xi32>
        %gather3A_573 = tpu.vector_load_idx %arg9[%iota3A, %broadcast_in_dim3A_572] : memref<16x17xf32, #tpu.memory_space<vmem>>[vector<16xi32>, vector<16xi32>], vector<16xf32>,
        %add3A_574 = arith.addf %add3A_570, %gather3A_573 : vector<16xf32>
        %broadcast_in_dim3A_575 = arith.constant 12 : i32
        %broadcast_in_dim3A_576 = vector.broadcast %broadcast_in_dim3A_575 : i32 to vector<16xi32>
        %gather3A_577 = tpu.vector_load_idx %arg9[%iota3A, %broadcast_in_dim3A_576] : memref<16x17xf32, #tpu.memory_space<vmem>>[vector<16xi32>, vector<16xi32>], vector<16xf32>,
        %add3A_578 = arith.addf %add3A_574, %gather3A_577 : vector<16xf32>
        %broadcast_in_dim3A_579 = arith.constant 13 : i32
        %broadcast_in_dim3A_580 = vector.broadcast %broadcast_in_dim3A_579 : i32 to vector<16xi32>
        %gather3A_581 = tpu.vector_load_idx %arg9[%iota3A, %broadcast_in_dim3A_580] : memref<16x17xf32, #tpu.memory_space<vmem>>[vector<16xi32>, vector<16xi32>], vector<16xf32>,
        %add3A_582 = arith.addf %add3A_578, %gather3A_581 : vector<16xf32>
        %broadcast_in_dim3A_583 = arith.constant 14 : i32
        %broadcast_in_dim3A_584 = vector.broadcast %broadcast_in_dim3A_583 : i32 to vector<16xi32>
        %gather3A_585 = tpu.vector_load_idx %arg9[%iota3A, %broadcast_in_dim3A_584] : memref<16x17xf32, #tpu.memory_space<vmem>>[vector<16xi32>, vector<16xi32>], vector<16xf32>,
        %add3A_586 = arith.addf %add3A_582, %gather3A_585 : vector<16xf32>
        %broadcast_in_dim3A_587 = arith.constant 15 : i32
        %broadcast_in_dim3A_588 = vector.broadcast %broadcast_in_dim3A_587 : i32 to vector<16xi32>
        %gather3A_589 = tpu.vector_load_idx %arg9[%iota3A, %broadcast_in_dim3A_588] : memref<16x17xf32, #tpu.memory_space<vmem>>[vector<16xi32>, vector<16xi32>], vector<16xf32>,
        %add3A_590 = arith.addf %add3A_586, %gather3A_589 : vector<16xf32>
        %max3A_591 = arith.constant 1.000000e-30 : f32
        %max3A_592 = vector.broadcast %max3A_591 : f32 to vector<16xf32>
        %max3A_593 = arith.maximumf %add3A_590, %max3A_592 : vector<16xf32>
        %bitcast3A_594 = vector.bitcast %max3A_593 : vector<16xf32> to vector<16xi32>
        %shift_right_logical3A_595 = arith.constant 1 : i32
        %shift_right_logical3A_596 = vector.broadcast %shift_right_logical3A_595 : i32 to vector<16xi32>
        %shift_right_logical3A_597 = arith.shrui %bitcast3A_594, %shift_right_logical3A_596 : vector<16xi32>
        %sub3A_598 = arith.constant 1597463007 : i32
        %sub3A_599 = vector.broadcast %sub3A_598 : i32 to vector<16xi32>
        %sub3A_600 = arith.subi %sub3A_599, %shift_right_logical3A_597 : vector<16xi32>
        %bitcast3A_601 = vector.bitcast %sub3A_600 : vector<16xi32> to vector<16xf32>
        %mul3A_602 = arith.constant 5.000000e-01 : f32
        %mul3A_603 = vector.broadcast %mul3A_602 : f32 to vector<16xf32>
        %mul3A_604 = arith.mulf %mul3A_603, %max3A_593 : vector<16xf32>
        %mul3A_605 = arith.mulf %mul3A_604, %bitcast3A_601 : vector<16xf32>
        %mul3A_606 = arith.mulf %mul3A_605, %bitcast3A_601 : vector<16xf32>
        %sub3A_607 = arith.constant 1.500000e+00 : f32
        %sub3A_608 = vector.broadcast %sub3A_607 : f32 to vector<16xf32>
        %sub3A_609 = arith.subf %sub3A_608, %mul3A_606 : vector<16xf32>
        %mul3A_610 = arith.mulf %bitcast3A_601, %sub3A_609 : vector<16xf32>
        %mul3A_611 = arith.constant 5.000000e-01 : f32
        %mul3A_612 = vector.broadcast %mul3A_611 : f32 to vector<16xf32>
        %mul3A_613 = arith.mulf %mul3A_612, %max3A_593 : vector<16xf32>
        %mul3A_614 = arith.mulf %mul3A_613, %mul3A_610 : vector<16xf32>
        %mul3A_615 = arith.mulf %mul3A_614, %mul3A_610 : vector<16xf32>
        %sub3A_616 = arith.constant 1.500000e+00 : f32
        %sub3A_617 = vector.broadcast %sub3A_616 : f32 to vector<16xf32>
        %sub3A_618 = arith.subf %sub3A_617, %mul3A_615 : vector<16xf32>
        %mul3A_619 = arith.mulf %mul3A_610, %sub3A_618 : vector<16xf32>
        %mul3A_620 = arith.constant 5.000000e-01 : f32
        %mul3A_621 = vector.broadcast %mul3A_620 : f32 to vector<16xf32>
        %mul3A_622 = arith.mulf %mul3A_621, %max3A_593 : vector<16xf32>
        %mul3A_623 = arith.mulf %mul3A_622, %mul3A_619 : vector<16xf32>
        %mul3A_624 = arith.mulf %mul3A_623, %mul3A_619 : vector<16xf32>
        %sub3A_625 = arith.constant 1.500000e+00 : f32
        %sub3A_626 = vector.broadcast %sub3A_625 : f32 to vector<16xf32>
        %sub3A_627 = arith.subf %sub3A_626, %mul3A_624 : vector<16xf32>
        %mul3A_628 = arith.mulf %mul3A_619, %sub3A_627 : vector<16xf32>
        %mul3A_629 = arith.mulf %add3A_590, %mul3A_628 : vector<16xf32>
        %max3A_630 = arith.constant 9.99999993E-9 : f32
        %max3A_631 = vector.broadcast %max3A_630 : f32 to vector<16xf32>
        %max3A_632 = arith.maximumf %mul3A_629, %max3A_631 : vector<16xf32>
        %mul3A_633 = arith.mulf %max3A_277, %max3A_632 : vector<16xf32>
        %div3A = arith.divf %add3A_462, %mul3A_633 : vector<16xf32>
        %mul3A_634 = arith.constant 32 : i32
        %mul3A_635 = arith.muli %add3A_311, %mul3A_634 : i32
        %add3A_636 = arith.constant 0 : i32
        %add3A_637 = arith.addi %mul3A_635, %add3A_636 : i32
        %swap3A_638 = arith.index_cast %add3A_637 : i32 to index
        %swap3A_639 = tpu.vector_load %arg8[%swap3A_638] {strides = array<i32>} : memref<3136xf32, #tpu.memory_space<vmem>>, vector<16xf32>,
        tpu.vector_store %arg8[%swap3A_638], %div3A {strides = array<i32>} : memref<3136xf32, #tpu.memory_space<vmem>>, vector<16xf32>,
        %scan3A_640 = arith.constant 0 : i32
        %scan3A_641 = arith.constant 48 : i32
        %scan3A_642 = arith.addi %scan3A_640, %scan3A_641 : i32
        %scan3A_643 = arith.constant 2 : i32
        %scan3A_644:32 = scf.for %scan3A_952 = %scan3A_640 to %scan3A_642 step %scan3A_643 iter_args(%scan3A_953 = %broadcast_in_dim3A_279, %scan3A_954 = %broadcast_in_dim3A_279, %scan3A_955 = %broadcast_in_dim3A_279, %scan3A_956 = %broadcast_in_dim3A_279, %scan3A_957 = %broadcast_in_dim3A_279, %scan3A_958 = %broadcast_in_dim3A_279, %scan3A_959 = %broadcast_in_dim3A_279, %scan3A_960 = %broadcast_in_dim3A_279, %scan3A_961 = %broadcast_in_dim3A_279, %scan3A_962 = %broadcast_in_dim3A_279, %scan3A_963 = %broadcast_in_dim3A_279, %scan3A_964 = %broadcast_in_dim3A_279, %scan3A_965 = %broadcast_in_dim3A_279, %scan3A_966 = %broadcast_in_dim3A_279, %scan3A_967 = %broadcast_in_dim3A_279, %scan3A_968 = %broadcast_in_dim3A_279, %scan3A_969 = %broadcast_in_dim3A_279, %scan3A_970 = %broadcast_in_dim3A_279, %scan3A_971 = %broadcast_in_dim3A_279, %scan3A_972 = %broadcast_in_dim3A_279, %scan3A_973 = %broadcast_in_dim3A_279, %scan3A_974 = %broadcast_in_dim3A_279, %scan3A_975 = %broadcast_in_dim3A_279, %scan3A_976 = %broadcast_in_dim3A_279, %scan3A_977 = %broadcast_in_dim3A_279, %scan3A_978 = %broadcast_in_dim3A_279, %scan3A_979 = %broadcast_in_dim3A_279, %scan3A_980 = %broadcast_in_dim3A_279, %scan3A_981 = %broadcast_in_dim3A_279, %scan3A_982 = %broadcast_in_dim3A_279, %scan3A_983 = %broadcast_in_dim3A_279, %scan3A_984 = %broadcast_in_dim3A_279) -> (vector<16xf32>, vector<16xf32>, vector<16xf32>, vector<16xf32>, vector<16xf32>, vector<16xf32>, vector<16xf32>, vector<16xf32>, vector<16xf32>, vector<16xf32>, vector<16xf32>, vector<16xf32>, vector<16xf32>, vector<16xf32>, vector<16xf32>, vector<16xf32>, vector<16xf32>, vector<16xf32>, vector<16xf32>, vector<16xf32>, vector<16xf32>, vector<16xf32>, vector<16xf32>, vector<16xf32>, vector<16xf32>, vector<16xf32>, vector<16xf32>, vector<16xf32>, vector<16xf32>, vector<16xf32>, vector<16xf32>, vector<16xf32>)  : i32 {
          %mul3A_985 = arith.constant 16 : i32
          %mul3A_986 = arith.muli %scan3A_952, %mul3A_985 : i32
          %get3A_987 = arith.index_cast %mul3A_986 : i32 to index
          %get3A_988 = tpu.vector_load %arg7[%get3A_987] {strides = array<i32>} : memref<768xf32, #tpu.memory_space<vmem>>, vector<16xf32>,
          %mul3A_989 = arith.constant 16 : i32
          %mul3A_990 = arith.muli %scan3A_952, %mul3A_989 : i32
          %get3A_991 = arith.constant 16 : i32
          %get3A_992 = arith.index_cast %get3A_991 : i32 to index
          %get3A_993 = arith.index_cast %mul3A_990 : i32 to index
          %get3A_994 = tpu.vector_load %arg6[%get3A_992, %get3A_993] {strides = array<i32>} : memref<32x768xf32, #tpu.memory_space<vmem>>, vector<16xf32>,
          %mul3A_995 = arith.mulf %get3A_994, %get3A_988 : vector<16xf32>
          %add3A_996 = arith.addf %scan3A_953, %mul3A_995 : vector<16xf32>
          %mul3A_997 = arith.mulf %get3A_994, %get3A_994 : vector<16xf32>
          %add3A_998 = arith.addf %scan3A_954, %mul3A_997 : vector<16xf32>
          %mul3A_999 = arith.constant 16 : i32
          %mul3A_1000 = arith.muli %scan3A_952, %mul3A_999 : i32
          %get3A_1001 = arith.constant 17 : i32
          %get3A_1002 = arith.index_cast %get3A_1001 : i32 to index
          %get3A_1003 = arith.index_cast %mul3A_1000 : i32 to index
          %get3A_1004 = tpu.vector_load %arg6[%get3A_1002, %get3A_1003] {strides = array<i32>} : memref<32x768xf32, #tpu.memory_space<vmem>>, vector<16xf32>,
          %mul3A_1005 = arith.mulf %get3A_1004, %get3A_988 : vector<16xf32>
          %add3A_1006 = arith.addf %scan3A_955, %mul3A_1005 : vector<16xf32>
          %mul3A_1007 = arith.mulf %get3A_1004, %get3A_1004 : vector<16xf32>
          %add3A_1008 = arith.addf %scan3A_956, %mul3A_1007 : vector<16xf32>
          %mul3A_1009 = arith.constant 16 : i32
          %mul3A_1010 = arith.muli %scan3A_952, %mul3A_1009 : i32
          %get3A_1011 = arith.constant 18 : i32
          %get3A_1012 = arith.index_cast %get3A_1011 : i32 to index
          %get3A_1013 = arith.index_cast %mul3A_1010 : i32 to index
          %get3A_1014 = tpu.vector_load %arg6[%get3A_1012, %get3A_1013] {strides = array<i32>} : memref<32x768xf32, #tpu.memory_space<vmem>>, vector<16xf32>,
          %mul3A_1015 = arith.mulf %get3A_1014, %get3A_988 : vector<16xf32>
          %add3A_1016 = arith.addf %scan3A_957, %mul3A_1015 : vector<16xf32>
          %mul3A_1017 = arith.mulf %get3A_1014, %get3A_1014 : vector<16xf32>
          %add3A_1018 = arith.addf %scan3A_958, %mul3A_1017 : vector<16xf32>
          %mul3A_1019 = arith.constant 16 : i32
          %mul3A_1020 = arith.muli %scan3A_952, %mul3A_1019 : i32
          %get3A_1021 = arith.constant 19 : i32
          %get3A_1022 = arith.index_cast %get3A_1021 : i32 to index
          %get3A_1023 = arith.index_cast %mul3A_1020 : i32 to index
          %get3A_1024 = tpu.vector_load %arg6[%get3A_1022, %get3A_1023] {strides = array<i32>} : memref<32x768xf32, #tpu.memory_space<vmem>>, vector<16xf32>,
          %mul3A_1025 = arith.mulf %get3A_1024, %get3A_988 : vector<16xf32>
          %add3A_1026 = arith.addf %scan3A_959, %mul3A_1025 : vector<16xf32>
          %mul3A_1027 = arith.mulf %get3A_1024, %get3A_1024 : vector<16xf32>
          %add3A_1028 = arith.addf %scan3A_960, %mul3A_1027 : vector<16xf32>
          %mul3A_1029 = arith.constant 16 : i32
          %mul3A_1030 = arith.muli %scan3A_952, %mul3A_1029 : i32
          %get3A_1031 = arith.constant 20 : i32
          %get3A_1032 = arith.index_cast %get3A_1031 : i32 to index
          %get3A_1033 = arith.index_cast %mul3A_1030 : i32 to index
          %get3A_1034 = tpu.vector_load %arg6[%get3A_1032, %get3A_1033] {strides = array<i32>} : memref<32x768xf32, #tpu.memory_space<vmem>>, vector<16xf32>,
          %mul3A_1035 = arith.mulf %get3A_1034, %get3A_988 : vector<16xf32>
          %add3A_1036 = arith.addf %scan3A_961, %mul3A_1035 : vector<16xf32>
          %mul3A_1037 = arith.mulf %get3A_1034, %get3A_1034 : vector<16xf32>
          %add3A_1038 = arith.addf %scan3A_962, %mul3A_1037 : vector<16xf32>
          %mul3A_1039 = arith.constant 16 : i32
          %mul3A_1040 = arith.muli %scan3A_952, %mul3A_1039 : i32
          %get3A_1041 = arith.constant 21 : i32
          %get3A_1042 = arith.index_cast %get3A_1041 : i32 to index
          %get3A_1043 = arith.index_cast %mul3A_1040 : i32 to index
          %get3A_1044 = tpu.vector_load %arg6[%get3A_1042, %get3A_1043] {strides = array<i32>} : memref<32x768xf32, #tpu.memory_space<vmem>>, vector<16xf32>,
          %mul3A_1045 = arith.mulf %get3A_1044, %get3A_988 : vector<16xf32>
          %add3A_1046 = arith.addf %scan3A_963, %mul3A_1045 : vector<16xf32>
          %mul3A_1047 = arith.mulf %get3A_1044, %get3A_1044 : vector<16xf32>
          %add3A_1048 = arith.addf %scan3A_964, %mul3A_1047 : vector<16xf32>
          %mul3A_1049 = arith.constant 16 : i32
          %mul3A_1050 = arith.muli %scan3A_952, %mul3A_1049 : i32
          %get3A_1051 = arith.constant 22 : i32
          %get3A_1052 = arith.index_cast %get3A_1051 : i32 to index
          %get3A_1053 = arith.index_cast %mul3A_1050 : i32 to index
          %get3A_1054 = tpu.vector_load %arg6[%get3A_1052, %get3A_1053] {strides = array<i32>} : memref<32x768xf32, #tpu.memory_space<vmem>>, vector<16xf32>,
          %mul3A_1055 = arith.mulf %get3A_1054, %get3A_988 : vector<16xf32>
          %add3A_1056 = arith.addf %scan3A_965, %mul3A_1055 : vector<16xf32>
          %mul3A_1057 = arith.mulf %get3A_1054, %get3A_1054 : vector<16xf32>
          %add3A_1058 = arith.addf %scan3A_966, %mul3A_1057 : vector<16xf32>
          %mul3A_1059 = arith.constant 16 : i32
          %mul3A_1060 = arith.muli %scan3A_952, %mul3A_1059 : i32
          %get3A_1061 = arith.constant 23 : i32
          %get3A_1062 = arith.index_cast %get3A_1061 : i32 to index
          %get3A_1063 = arith.index_cast %mul3A_1060 : i32 to index
          %get3A_1064 = tpu.vector_load %arg6[%get3A_1062, %get3A_1063] {strides = array<i32>} : memref<32x768xf32, #tpu.memory_space<vmem>>, vector<16xf32>,
          %mul3A_1065 = arith.mulf %get3A_1064, %get3A_988 : vector<16xf32>
          %add3A_1066 = arith.addf %scan3A_967, %mul3A_1065 : vector<16xf32>
          %mul3A_1067 = arith.mulf %get3A_1064, %get3A_1064 : vector<16xf32>
          %add3A_1068 = arith.addf %scan3A_968, %mul3A_1067 : vector<16xf32>
          %mul3A_1069 = arith.constant 16 : i32
          %mul3A_1070 = arith.muli %scan3A_952, %mul3A_1069 : i32
          %get3A_1071 = arith.constant 24 : i32
          %get3A_1072 = arith.index_cast %get3A_1071 : i32 to index
          %get3A_1073 = arith.index_cast %mul3A_1070 : i32 to index
          %get3A_1074 = tpu.vector_load %arg6[%get3A_1072, %get3A_1073] {strides = array<i32>} : memref<32x768xf32, #tpu.memory_space<vmem>>, vector<16xf32>,
          %mul3A_1075 = arith.mulf %get3A_1074, %get3A_988 : vector<16xf32>
          %add3A_1076 = arith.addf %scan3A_969, %mul3A_1075 : vector<16xf32>
          %mul3A_1077 = arith.mulf %get3A_1074, %get3A_1074 : vector<16xf32>
          %add3A_1078 = arith.addf %scan3A_970, %mul3A_1077 : vector<16xf32>
          %mul3A_1079 = arith.constant 16 : i32
          %mul3A_1080 = arith.muli %scan3A_952, %mul3A_1079 : i32
          %get3A_1081 = arith.constant 25 : i32
          %get3A_1082 = arith.index_cast %get3A_1081 : i32 to index
          %get3A_1083 = arith.index_cast %mul3A_1080 : i32 to index
          %get3A_1084 = tpu.vector_load %arg6[%get3A_1082, %get3A_1083] {strides = array<i32>} : memref<32x768xf32, #tpu.memory_space<vmem>>, vector<16xf32>,
          %mul3A_1085 = arith.mulf %get3A_1084, %get3A_988 : vector<16xf32>
          %add3A_1086 = arith.addf %scan3A_971, %mul3A_1085 : vector<16xf32>
          %mul3A_1087 = arith.mulf %get3A_1084, %get3A_1084 : vector<16xf32>
          %add3A_1088 = arith.addf %scan3A_972, %mul3A_1087 : vector<16xf32>
          %mul3A_1089 = arith.constant 16 : i32
          %mul3A_1090 = arith.muli %scan3A_952, %mul3A_1089 : i32
          %get3A_1091 = arith.constant 26 : i32
          %get3A_1092 = arith.index_cast %get3A_1091 : i32 to index
          %get3A_1093 = arith.index_cast %mul3A_1090 : i32 to index
          %get3A_1094 = tpu.vector_load %arg6[%get3A_1092, %get3A_1093] {strides = array<i32>} : memref<32x768xf32, #tpu.memory_space<vmem>>, vector<16xf32>,
          %mul3A_1095 = arith.mulf %get3A_1094, %get3A_988 : vector<16xf32>
          %add3A_1096 = arith.addf %scan3A_973, %mul3A_1095 : vector<16xf32>
          %mul3A_1097 = arith.mulf %get3A_1094, %get3A_1094 : vector<16xf32>
          %add3A_1098 = arith.addf %scan3A_974, %mul3A_1097 : vector<16xf32>
          %mul3A_1099 = arith.constant 16 : i32
          %mul3A_1100 = arith.muli %scan3A_952, %mul3A_1099 : i32
          %get3A_1101 = arith.constant 27 : i32
          %get3A_1102 = arith.index_cast %get3A_1101 : i32 to index
          %get3A_1103 = arith.index_cast %mul3A_1100 : i32 to index
          %get3A_1104 = tpu.vector_load %arg6[%get3A_1102, %get3A_1103] {strides = array<i32>} : memref<32x768xf32, #tpu.memory_space<vmem>>, vector<16xf32>,
          %mul3A_1105 = arith.mulf %get3A_1104, %get3A_988 : vector<16xf32>
          %add3A_1106 = arith.addf %scan3A_975, %mul3A_1105 : vector<16xf32>
          %mul3A_1107 = arith.mulf %get3A_1104, %get3A_1104 : vector<16xf32>
          %add3A_1108 = arith.addf %scan3A_976, %mul3A_1107 : vector<16xf32>
          %mul3A_1109 = arith.constant 16 : i32
          %mul3A_1110 = arith.muli %scan3A_952, %mul3A_1109 : i32
          %get3A_1111 = arith.constant 28 : i32
          %get3A_1112 = arith.index_cast %get3A_1111 : i32 to index
          %get3A_1113 = arith.index_cast %mul3A_1110 : i32 to index
          %get3A_1114 = tpu.vector_load %arg6[%get3A_1112, %get3A_1113] {strides = array<i32>} : memref<32x768xf32, #tpu.memory_space<vmem>>, vector<16xf32>,
          %mul3A_1115 = arith.mulf %get3A_1114, %get3A_988 : vector<16xf32>
          %add3A_1116 = arith.addf %scan3A_977, %mul3A_1115 : vector<16xf32>
          %mul3A_1117 = arith.mulf %get3A_1114, %get3A_1114 : vector<16xf32>
          %add3A_1118 = arith.addf %scan3A_978, %mul3A_1117 : vector<16xf32>
          %mul3A_1119 = arith.constant 16 : i32
          %mul3A_1120 = arith.muli %scan3A_952, %mul3A_1119 : i32
          %get3A_1121 = arith.constant 29 : i32
          %get3A_1122 = arith.index_cast %get3A_1121 : i32 to index
          %get3A_1123 = arith.index_cast %mul3A_1120 : i32 to index
          %get3A_1124 = tpu.vector_load %arg6[%get3A_1122, %get3A_1123] {strides = array<i32>} : memref<32x768xf32, #tpu.memory_space<vmem>>, vector<16xf32>,
          %mul3A_1125 = arith.mulf %get3A_1124, %get3A_988 : vector<16xf32>
          %add3A_1126 = arith.addf %scan3A_979, %mul3A_1125 : vector<16xf32>
          %mul3A_1127 = arith.mulf %get3A_1124, %get3A_1124 : vector<16xf32>
          %add3A_1128 = arith.addf %scan3A_980, %mul3A_1127 : vector<16xf32>
          %mul3A_1129 = arith.constant 16 : i32
          %mul3A_1130 = arith.muli %scan3A_952, %mul3A_1129 : i32
          %get3A_1131 = arith.constant 30 : i32
          %get3A_1132 = arith.index_cast %get3A_1131 : i32 to index
          %get3A_1133 = arith.index_cast %mul3A_1130 : i32 to index
          %get3A_1134 = tpu.vector_load %arg6[%get3A_1132, %get3A_1133] {strides = array<i32>} : memref<32x768xf32, #tpu.memory_space<vmem>>, vector<16xf32>,
          %mul3A_1135 = arith.mulf %get3A_1134, %get3A_988 : vector<16xf32>
          %add3A_1136 = arith.addf %scan3A_981, %mul3A_1135 : vector<16xf32>
          %mul3A_1137 = arith.mulf %get3A_1134, %get3A_1134 : vector<16xf32>
          %add3A_1138 = arith.addf %scan3A_982, %mul3A_1137 : vector<16xf32>
          %mul3A_1139 = arith.constant 16 : i32
          %mul3A_1140 = arith.muli %scan3A_952, %mul3A_1139 : i32
          %get3A_1141 = arith.constant 31 : i32
          %get3A_1142 = arith.index_cast %get3A_1141 : i32 to index
          %get3A_1143 = arith.index_cast %mul3A_1140 : i32 to index
          %get3A_1144 = tpu.vector_load %arg6[%get3A_1142, %get3A_1143] {strides = array<i32>} : memref<32x768xf32, #tpu.memory_space<vmem>>, vector<16xf32>,
          %mul3A_1145 = arith.mulf %get3A_1144, %get3A_988 : vector<16xf32>
          %add3A_1146 = arith.addf %scan3A_983, %mul3A_1145 : vector<16xf32>
          %mul3A_1147 = arith.mulf %get3A_1144, %get3A_1144 : vector<16xf32>
          %add3A_1148 = arith.addf %scan3A_984, %mul3A_1147 : vector<16xf32>
          %scan3A_1149 = arith.constant 1 : i32
          %scan3A_1150 = arith.addi %scan3A_952, %scan3A_1149 : i32
          %mul3A_1151 = arith.constant 16 : i32
          %mul3A_1152 = arith.muli %scan3A_1150, %mul3A_1151 : i32
          %get3A_1153 = arith.index_cast %mul3A_1152 : i32 to index
          %get3A_1154 = tpu.vector_load %arg7[%get3A_1153] {strides = array<i32>} : memref<768xf32, #tpu.memory_space<vmem>>, vector<16xf32>,
          %mul3A_1155 = arith.constant 16 : i32
          %mul3A_1156 = arith.muli %scan3A_1150, %mul3A_1155 : i32
          %get3A_1157 = arith.constant 16 : i32
          %get3A_1158 = arith.index_cast %get3A_1157 : i32 to index
          %get3A_1159 = arith.index_cast %mul3A_1156 : i32 to index
          %get3A_1160 = tpu.vector_load %arg6[%get3A_1158, %get3A_1159] {strides = array<i32>} : memref<32x768xf32, #tpu.memory_space<vmem>>, vector<16xf32>,
          %mul3A_1161 = arith.mulf %get3A_1160, %get3A_1154 : vector<16xf32>
          %add3A_1162 = arith.addf %add3A_996, %mul3A_1161 : vector<16xf32>
          %mul3A_1163 = arith.mulf %get3A_1160, %get3A_1160 : vector<16xf32>
          %add3A_1164 = arith.addf %add3A_998, %mul3A_1163 : vector<16xf32>
          %mul3A_1165 = arith.constant 16 : i32
          %mul3A_1166 = arith.muli %scan3A_1150, %mul3A_1165 : i32
          %get3A_1167 = arith.constant 17 : i32
          %get3A_1168 = arith.index_cast %get3A_1167 : i32 to index
          %get3A_1169 = arith.index_cast %mul3A_1166 : i32 to index
          %get3A_1170 = tpu.vector_load %arg6[%get3A_1168, %get3A_1169] {strides = array<i32>} : memref<32x768xf32, #tpu.memory_space<vmem>>, vector<16xf32>,
          %mul3A_1171 = arith.mulf %get3A_1170, %get3A_1154 : vector<16xf32>
          %add3A_1172 = arith.addf %add3A_1006, %mul3A_1171 : vector<16xf32>
          %mul3A_1173 = arith.mulf %get3A_1170, %get3A_1170 : vector<16xf32>
          %add3A_1174 = arith.addf %add3A_1008, %mul3A_1173 : vector<16xf32>
          %mul3A_1175 = arith.constant 16 : i32
          %mul3A_1176 = arith.muli %scan3A_1150, %mul3A_1175 : i32
          %get3A_1177 = arith.constant 18 : i32
          %get3A_1178 = arith.index_cast %get3A_1177 : i32 to index
          %get3A_1179 = arith.index_cast %mul3A_1176 : i32 to index
          %get3A_1180 = tpu.vector_load %arg6[%get3A_1178, %get3A_1179] {strides = array<i32>} : memref<32x768xf32, #tpu.memory_space<vmem>>, vector<16xf32>,
          %mul3A_1181 = arith.mulf %get3A_1180, %get3A_1154 : vector<16xf32>
          %add3A_1182 = arith.addf %add3A_1016, %mul3A_1181 : vector<16xf32>
          %mul3A_1183 = arith.mulf %get3A_1180, %get3A_1180 : vector<16xf32>
          %add3A_1184 = arith.addf %add3A_1018, %mul3A_1183 : vector<16xf32>
          %mul3A_1185 = arith.constant 16 : i32
          %mul3A_1186 = arith.muli %scan3A_1150, %mul3A_1185 : i32
          %get3A_1187 = arith.constant 19 : i32
          %get3A_1188 = arith.index_cast %get3A_1187 : i32 to index
          %get3A_1189 = arith.index_cast %mul3A_1186 : i32 to index
          %get3A_1190 = tpu.vector_load %arg6[%get3A_1188, %get3A_1189] {strides = array<i32>} : memref<32x768xf32, #tpu.memory_space<vmem>>, vector<16xf32>,
          %mul3A_1191 = arith.mulf %get3A_1190, %get3A_1154 : vector<16xf32>
          %add3A_1192 = arith.addf %add3A_1026, %mul3A_1191 : vector<16xf32>
          %mul3A_1193 = arith.mulf %get3A_1190, %get3A_1190 : vector<16xf32>
          %add3A_1194 = arith.addf %add3A_1028, %mul3A_1193 : vector<16xf32>
          %mul3A_1195 = arith.constant 16 : i32
          %mul3A_1196 = arith.muli %scan3A_1150, %mul3A_1195 : i32
          %get3A_1197 = arith.constant 20 : i32
          %get3A_1198 = arith.index_cast %get3A_1197 : i32 to index
          %get3A_1199 = arith.index_cast %mul3A_1196 : i32 to index
          %get3A_1200 = tpu.vector_load %arg6[%get3A_1198, %get3A_1199] {strides = array<i32>} : memref<32x768xf32, #tpu.memory_space<vmem>>, vector<16xf32>,
          %mul3A_1201 = arith.mulf %get3A_1200, %get3A_1154 : vector<16xf32>
          %add3A_1202 = arith.addf %add3A_1036, %mul3A_1201 : vector<16xf32>
          %mul3A_1203 = arith.mulf %get3A_1200, %get3A_1200 : vector<16xf32>
          %add3A_1204 = arith.addf %add3A_1038, %mul3A_1203 : vector<16xf32>
          %mul3A_1205 = arith.constant 16 : i32
          %mul3A_1206 = arith.muli %scan3A_1150, %mul3A_1205 : i32
          %get3A_1207 = arith.constant 21 : i32
          %get3A_1208 = arith.index_cast %get3A_1207 : i32 to index
          %get3A_1209 = arith.index_cast %mul3A_1206 : i32 to index
          %get3A_1210 = tpu.vector_load %arg6[%get3A_1208, %get3A_1209] {strides = array<i32>} : memref<32x768xf32, #tpu.memory_space<vmem>>, vector<16xf32>,
          %mul3A_1211 = arith.mulf %get3A_1210, %get3A_1154 : vector<16xf32>
          %add3A_1212 = arith.addf %add3A_1046, %mul3A_1211 : vector<16xf32>
          %mul3A_1213 = arith.mulf %get3A_1210, %get3A_1210 : vector<16xf32>
          %add3A_1214 = arith.addf %add3A_1048, %mul3A_1213 : vector<16xf32>
          %mul3A_1215 = arith.constant 16 : i32
          %mul3A_1216 = arith.muli %scan3A_1150, %mul3A_1215 : i32
          %get3A_1217 = arith.constant 22 : i32
          %get3A_1218 = arith.index_cast %get3A_1217 : i32 to index
          %get3A_1219 = arith.index_cast %mul3A_1216 : i32 to index
          %get3A_1220 = tpu.vector_load %arg6[%get3A_1218, %get3A_1219] {strides = array<i32>} : memref<32x768xf32, #tpu.memory_space<vmem>>, vector<16xf32>,
          %mul3A_1221 = arith.mulf %get3A_1220, %get3A_1154 : vector<16xf32>
          %add3A_1222 = arith.addf %add3A_1056, %mul3A_1221 : vector<16xf32>
          %mul3A_1223 = arith.mulf %get3A_1220, %get3A_1220 : vector<16xf32>
          %add3A_1224 = arith.addf %add3A_1058, %mul3A_1223 : vector<16xf32>
          %mul3A_1225 = arith.constant 16 : i32
          %mul3A_1226 = arith.muli %scan3A_1150, %mul3A_1225 : i32
          %get3A_1227 = arith.constant 23 : i32
          %get3A_1228 = arith.index_cast %get3A_1227 : i32 to index
          %get3A_1229 = arith.index_cast %mul3A_1226 : i32 to index
          %get3A_1230 = tpu.vector_load %arg6[%get3A_1228, %get3A_1229] {strides = array<i32>} : memref<32x768xf32, #tpu.memory_space<vmem>>, vector<16xf32>,
          %mul3A_1231 = arith.mulf %get3A_1230, %get3A_1154 : vector<16xf32>
          %add3A_1232 = arith.addf %add3A_1066, %mul3A_1231 : vector<16xf32>
          %mul3A_1233 = arith.mulf %get3A_1230, %get3A_1230 : vector<16xf32>
          %add3A_1234 = arith.addf %add3A_1068, %mul3A_1233 : vector<16xf32>
          %mul3A_1235 = arith.constant 16 : i32
          %mul3A_1236 = arith.muli %scan3A_1150, %mul3A_1235 : i32
          %get3A_1237 = arith.constant 24 : i32
          %get3A_1238 = arith.index_cast %get3A_1237 : i32 to index
          %get3A_1239 = arith.index_cast %mul3A_1236 : i32 to index
          %get3A_1240 = tpu.vector_load %arg6[%get3A_1238, %get3A_1239] {strides = array<i32>} : memref<32x768xf32, #tpu.memory_space<vmem>>, vector<16xf32>,
          %mul3A_1241 = arith.mulf %get3A_1240, %get3A_1154 : vector<16xf32>
          %add3A_1242 = arith.addf %add3A_1076, %mul3A_1241 : vector<16xf32>
          %mul3A_1243 = arith.mulf %get3A_1240, %get3A_1240 : vector<16xf32>
          %add3A_1244 = arith.addf %add3A_1078, %mul3A_1243 : vector<16xf32>
          %mul3A_1245 = arith.constant 16 : i32
          %mul3A_1246 = arith.muli %scan3A_1150, %mul3A_1245 : i32
          %get3A_1247 = arith.constant 25 : i32
          %get3A_1248 = arith.index_cast %get3A_1247 : i32 to index
          %get3A_1249 = arith.index_cast %mul3A_1246 : i32 to index
          %get3A_1250 = tpu.vector_load %arg6[%get3A_1248, %get3A_1249] {strides = array<i32>} : memref<32x768xf32, #tpu.memory_space<vmem>>, vector<16xf32>,
          %mul3A_1251 = arith.mulf %get3A_1250, %get3A_1154 : vector<16xf32>
          %add3A_1252 = arith.addf %add3A_1086, %mul3A_1251 : vector<16xf32>
          %mul3A_1253 = arith.mulf %get3A_1250, %get3A_1250 : vector<16xf32>
          %add3A_1254 = arith.addf %add3A_1088, %mul3A_1253 : vector<16xf32>
          %mul3A_1255 = arith.constant 16 : i32
          %mul3A_1256 = arith.muli %scan3A_1150, %mul3A_1255 : i32
          %get3A_1257 = arith.constant 26 : i32
          %get3A_1258 = arith.index_cast %get3A_1257 : i32 to index
          %get3A_1259 = arith.index_cast %mul3A_1256 : i32 to index
          %get3A_1260 = tpu.vector_load %arg6[%get3A_1258, %get3A_1259] {strides = array<i32>} : memref<32x768xf32, #tpu.memory_space<vmem>>, vector<16xf32>,
          %mul3A_1261 = arith.mulf %get3A_1260, %get3A_1154 : vector<16xf32>
          %add3A_1262 = arith.addf %add3A_1096, %mul3A_1261 : vector<16xf32>
          %mul3A_1263 = arith.mulf %get3A_1260, %get3A_1260 : vector<16xf32>
          %add3A_1264 = arith.addf %add3A_1098, %mul3A_1263 : vector<16xf32>
          %mul3A_1265 = arith.constant 16 : i32
          %mul3A_1266 = arith.muli %scan3A_1150, %mul3A_1265 : i32
          %get3A_1267 = arith.constant 27 : i32
          %get3A_1268 = arith.index_cast %get3A_1267 : i32 to index
          %get3A_1269 = arith.index_cast %mul3A_1266 : i32 to index
          %get3A_1270 = tpu.vector_load %arg6[%get3A_1268, %get3A_1269] {strides = array<i32>} : memref<32x768xf32, #tpu.memory_space<vmem>>, vector<16xf32>,
          %mul3A_1271 = arith.mulf %get3A_1270, %get3A_1154 : vector<16xf32>
          %add3A_1272 = arith.addf %add3A_1106, %mul3A_1271 : vector<16xf32>
          %mul3A_1273 = arith.mulf %get3A_1270, %get3A_1270 : vector<16xf32>
          %add3A_1274 = arith.addf %add3A_1108, %mul3A_1273 : vector<16xf32>
          %mul3A_1275 = arith.constant 16 : i32
          %mul3A_1276 = arith.muli %scan3A_1150, %mul3A_1275 : i32
          %get3A_1277 = arith.constant 28 : i32
          %get3A_1278 = arith.index_cast %get3A_1277 : i32 to index
          %get3A_1279 = arith.index_cast %mul3A_1276 : i32 to index
          %get3A_1280 = tpu.vector_load %arg6[%get3A_1278, %get3A_1279] {strides = array<i32>} : memref<32x768xf32, #tpu.memory_space<vmem>>, vector<16xf32>,
          %mul3A_1281 = arith.mulf %get3A_1280, %get3A_1154 : vector<16xf32>
          %add3A_1282 = arith.addf %add3A_1116, %mul3A_1281 : vector<16xf32>
          %mul3A_1283 = arith.mulf %get3A_1280, %get3A_1280 : vector<16xf32>
          %add3A_1284 = arith.addf %add3A_1118, %mul3A_1283 : vector<16xf32>
          %mul3A_1285 = arith.constant 16 : i32
          %mul3A_1286 = arith.muli %scan3A_1150, %mul3A_1285 : i32
          %get3A_1287 = arith.constant 29 : i32
          %get3A_1288 = arith.index_cast %get3A_1287 : i32 to index
          %get3A_1289 = arith.index_cast %mul3A_1286 : i32 to index
          %get3A_1290 = tpu.vector_load %arg6[%get3A_1288, %get3A_1289] {strides = array<i32>} : memref<32x768xf32, #tpu.memory_space<vmem>>, vector<16xf32>,
          %mul3A_1291 = arith.mulf %get3A_1290, %get3A_1154 : vector<16xf32>
          %add3A_1292 = arith.addf %add3A_1126, %mul3A_1291 : vector<16xf32>
          %mul3A_1293 = arith.mulf %get3A_1290, %get3A_1290 : vector<16xf32>
          %add3A_1294 = arith.addf %add3A_1128, %mul3A_1293 : vector<16xf32>
          %mul3A_1295 = arith.constant 16 : i32
          %mul3A_1296 = arith.muli %scan3A_1150, %mul3A_1295 : i32
          %get3A_1297 = arith.constant 30 : i32
          %get3A_1298 = arith.index_cast %get3A_1297 : i32 to index
          %get3A_1299 = arith.index_cast %mul3A_1296 : i32 to index
          %get3A_1300 = tpu.vector_load %arg6[%get3A_1298, %get3A_1299] {strides = array<i32>} : memref<32x768xf32, #tpu.memory_space<vmem>>, vector<16xf32>,
          %mul3A_1301 = arith.mulf %get3A_1300, %get3A_1154 : vector<16xf32>
          %add3A_1302 = arith.addf %add3A_1136, %mul3A_1301 : vector<16xf32>
          %mul3A_1303 = arith.mulf %get3A_1300, %get3A_1300 : vector<16xf32>
          %add3A_1304 = arith.addf %add3A_1138, %mul3A_1303 : vector<16xf32>
          %mul3A_1305 = arith.constant 16 : i32
          %mul3A_1306 = arith.muli %scan3A_1150, %mul3A_1305 : i32
          %get3A_1307 = arith.constant 31 : i32
          %get3A_1308 = arith.index_cast %get3A_1307 : i32 to index
          %get3A_1309 = arith.index_cast %mul3A_1306 : i32 to index
          %get3A_1310 = tpu.vector_load %arg6[%get3A_1308, %get3A_1309] {strides = array<i32>} : memref<32x768xf32, #tpu.memory_space<vmem>>, vector<16xf32>,
          %mul3A_1311 = arith.mulf %get3A_1310, %get3A_1154 : vector<16xf32>
          %add3A_1312 = arith.addf %add3A_1146, %mul3A_1311 : vector<16xf32>
          %mul3A_1313 = arith.mulf %get3A_1310, %get3A_1310 : vector<16xf32>
          %add3A_1314 = arith.addf %add3A_1148, %mul3A_1313 : vector<16xf32>
          scf.yield %add3A_1162, %add3A_1164, %add3A_1172, %add3A_1174, %add3A_1182, %add3A_1184, %add3A_1192, %add3A_1194, %add3A_1202, %add3A_1204, %add3A_1212, %add3A_1214, %add3A_1222, %add3A_1224, %add3A_1232, %add3A_1234, %add3A_1242, %add3A_1244, %add3A_1252, %add3A_1254, %add3A_1262, %add3A_1264, %add3A_1272, %add3A_1274, %add3A_1282, %add3A_1284, %add3A_1292, %add3A_1294, %add3A_1302, %add3A_1304, %add3A_1312, %add3A_1314 : vector<16xf32>, vector<16xf32>, vector<16xf32>, vector<16xf32>, vector<16xf32>, vector<16xf32>, vector<16xf32>, vector<16xf32>, vector<16xf32>, vector<16xf32>, vector<16xf32>, vector<16xf32>, vector<16xf32>, vector<16xf32>, vector<16xf32>, vector<16xf32>, vector<16xf32>, vector<16xf32>, vector<16xf32>, vector<16xf32>, vector<16xf32>, vector<16xf32>, vector<16xf32>, vector<16xf32>, vector<16xf32>, vector<16xf32>, vector<16xf32>, vector<16xf32>, vector<16xf32>, vector<16xf32>, vector<16xf32>, vector<16xf32>
        }
        %scan3A_645 = arith.constant 48 : i32
        %swap3A_646 = arith.constant 0 : i32
        %swap3A_647 = arith.index_cast %swap3A_646 : i32 to index
        %swap3A_648 = arith.constant 0 : index
        %swap3A_649 = tpu.vector_load %arg9[%swap3A_647, %swap3A_648] {strides = array<i32>} : memref<16x17xf32, #tpu.memory_space<vmem>>, vector<16xf32>,
        tpu.vector_store %arg9[%swap3A_647, %swap3A_648], %scan3A_644#0 {strides = array<i32>} : memref<16x17xf32, #tpu.memory_space<vmem>>, vector<16xf32>,
        %swap3A_650 = arith.constant 1 : i32
        %swap3A_651 = arith.index_cast %swap3A_650 : i32 to index
        %swap3A_652 = arith.constant 0 : index
        %swap3A_653 = tpu.vector_load %arg9[%swap3A_651, %swap3A_652] {strides = array<i32>} : memref<16x17xf32, #tpu.memory_space<vmem>>, vector<16xf32>,
        tpu.vector_store %arg9[%swap3A_651, %swap3A_652], %scan3A_644#2 {strides = array<i32>} : memref<16x17xf32, #tpu.memory_space<vmem>>, vector<16xf32>,
        %swap3A_654 = arith.constant 2 : i32
        %swap3A_655 = arith.index_cast %swap3A_654 : i32 to index
        %swap3A_656 = arith.constant 0 : index
        %swap3A_657 = tpu.vector_load %arg9[%swap3A_655, %swap3A_656] {strides = array<i32>} : memref<16x17xf32, #tpu.memory_space<vmem>>, vector<16xf32>,
        tpu.vector_store %arg9[%swap3A_655, %swap3A_656], %scan3A_644#4 {strides = array<i32>} : memref<16x17xf32, #tpu.memory_space<vmem>>, vector<16xf32>,
        %swap3A_658 = arith.constant 3 : i32
        %swap3A_659 = arith.index_cast %swap3A_658 : i32 to index
        %swap3A_660 = arith.constant 0 : index
        %swap3A_661 = tpu.vector_load %arg9[%swap3A_659, %swap3A_660] {strides = array<i32>} : memref<16x17xf32, #tpu.memory_space<vmem>>, vector<16xf32>,
        tpu.vector_store %arg9[%swap3A_659, %swap3A_660], %scan3A_644#6 {strides = array<i32>} : memref<16x17xf32, #tpu.memory_space<vmem>>, vector<16xf32>,
        %swap3A_662 = arith.constant 4 : i32
        %swap3A_663 = arith.index_cast %swap3A_662 : i32 to index
        %swap3A_664 = arith.constant 0 : index
        %swap3A_665 = tpu.vector_load %arg9[%swap3A_663, %swap3A_664] {strides = array<i32>} : memref<16x17xf32, #tpu.memory_space<vmem>>, vector<16xf32>,
        tpu.vector_store %arg9[%swap3A_663, %swap3A_664], %scan3A_644#8 {strides = array<i32>} : memref<16x17xf32, #tpu.memory_space<vmem>>, vector<16xf32>,
        %swap3A_666 = arith.constant 5 : i32
        %swap3A_667 = arith.index_cast %swap3A_666 : i32 to index
        %swap3A_668 = arith.constant 0 : index
        %swap3A_669 = tpu.vector_load %arg9[%swap3A_667, %swap3A_668] {strides = array<i32>} : memref<16x17xf32, #tpu.memory_space<vmem>>, vector<16xf32>,
        tpu.vector_store %arg9[%swap3A_667, %swap3A_668], %scan3A_644#10 {strides = array<i32>} : memref<16x17xf32, #tpu.memory_space<vmem>>, vector<16xf32>,
        %swap3A_670 = arith.constant 6 : i32
        %swap3A_671 = arith.index_cast %swap3A_670 : i32 to index
        %swap3A_672 = arith.constant 0 : index
        %swap3A_673 = tpu.vector_load %arg9[%swap3A_671, %swap3A_672] {strides = array<i32>} : memref<16x17xf32, #tpu.memory_space<vmem>>, vector<16xf32>,
        tpu.vector_store %arg9[%swap3A_671, %swap3A_672], %scan3A_644#12 {strides = array<i32>} : memref<16x17xf32, #tpu.memory_space<vmem>>, vector<16xf32>,
        %swap3A_674 = arith.constant 7 : i32
        %swap3A_675 = arith.index_cast %swap3A_674 : i32 to index
        %swap3A_676 = arith.constant 0 : index
        %swap3A_677 = tpu.vector_load %arg9[%swap3A_675, %swap3A_676] {strides = array<i32>} : memref<16x17xf32, #tpu.memory_space<vmem>>, vector<16xf32>,
        tpu.vector_store %arg9[%swap3A_675, %swap3A_676], %scan3A_644#14 {strides = array<i32>} : memref<16x17xf32, #tpu.memory_space<vmem>>, vector<16xf32>,
        %swap3A_678 = arith.constant 8 : i32
        %swap3A_679 = arith.index_cast %swap3A_678 : i32 to index
        %swap3A_680 = arith.constant 0 : index
        %swap3A_681 = tpu.vector_load %arg9[%swap3A_679, %swap3A_680] {strides = array<i32>} : memref<16x17xf32, #tpu.memory_space<vmem>>, vector<16xf32>,
        tpu.vector_store %arg9[%swap3A_679, %swap3A_680], %scan3A_644#16 {strides = array<i32>} : memref<16x17xf32, #tpu.memory_space<vmem>>, vector<16xf32>,
        %swap3A_682 = arith.constant 9 : i32
        %swap3A_683 = arith.index_cast %swap3A_682 : i32 to index
        %swap3A_684 = arith.constant 0 : index
        %swap3A_685 = tpu.vector_load %arg9[%swap3A_683, %swap3A_684] {strides = array<i32>} : memref<16x17xf32, #tpu.memory_space<vmem>>, vector<16xf32>,
        tpu.vector_store %arg9[%swap3A_683, %swap3A_684], %scan3A_644#18 {strides = array<i32>} : memref<16x17xf32, #tpu.memory_space<vmem>>, vector<16xf32>,
        %swap3A_686 = arith.constant 10 : i32
        %swap3A_687 = arith.index_cast %swap3A_686 : i32 to index
        %swap3A_688 = arith.constant 0 : index
        %swap3A_689 = tpu.vector_load %arg9[%swap3A_687, %swap3A_688] {strides = array<i32>} : memref<16x17xf32, #tpu.memory_space<vmem>>, vector<16xf32>,
        tpu.vector_store %arg9[%swap3A_687, %swap3A_688], %scan3A_644#20 {strides = array<i32>} : memref<16x17xf32, #tpu.memory_space<vmem>>, vector<16xf32>,
        %swap3A_690 = arith.constant 11 : i32
        %swap3A_691 = arith.index_cast %swap3A_690 : i32 to index
        %swap3A_692 = arith.constant 0 : index
        %swap3A_693 = tpu.vector_load %arg9[%swap3A_691, %swap3A_692] {strides = array<i32>} : memref<16x17xf32, #tpu.memory_space<vmem>>, vector<16xf32>,
        tpu.vector_store %arg9[%swap3A_691, %swap3A_692], %scan3A_644#22 {strides = array<i32>} : memref<16x17xf32, #tpu.memory_space<vmem>>, vector<16xf32>,
        %swap3A_694 = arith.constant 12 : i32
        %swap3A_695 = arith.index_cast %swap3A_694 : i32 to index
        %swap3A_696 = arith.constant 0 : index
        %swap3A_697 = tpu.vector_load %arg9[%swap3A_695, %swap3A_696] {strides = array<i32>} : memref<16x17xf32, #tpu.memory_space<vmem>>, vector<16xf32>,
        tpu.vector_store %arg9[%swap3A_695, %swap3A_696], %scan3A_644#24 {strides = array<i32>} : memref<16x17xf32, #tpu.memory_space<vmem>>, vector<16xf32>,
        %swap3A_698 = arith.constant 13 : i32
        %swap3A_699 = arith.index_cast %swap3A_698 : i32 to index
        %swap3A_700 = arith.constant 0 : index
        %swap3A_701 = tpu.vector_load %arg9[%swap3A_699, %swap3A_700] {strides = array<i32>} : memref<16x17xf32, #tpu.memory_space<vmem>>, vector<16xf32>,
        tpu.vector_store %arg9[%swap3A_699, %swap3A_700], %scan3A_644#26 {strides = array<i32>} : memref<16x17xf32, #tpu.memory_space<vmem>>, vector<16xf32>,
        %swap3A_702 = arith.constant 14 : i32
        %swap3A_703 = arith.index_cast %swap3A_702 : i32 to index
        %swap3A_704 = arith.constant 0 : index
        %swap3A_705 = tpu.vector_load %arg9[%swap3A_703, %swap3A_704] {strides = array<i32>} : memref<16x17xf32, #tpu.memory_space<vmem>>, vector<16xf32>,
        tpu.vector_store %arg9[%swap3A_703, %swap3A_704], %scan3A_644#28 {strides = array<i32>} : memref<16x17xf32, #tpu.memory_space<vmem>>, vector<16xf32>,
        %swap3A_706 = arith.constant 15 : i32
        %swap3A_707 = arith.index_cast %swap3A_706 : i32 to index
        %swap3A_708 = arith.constant 0 : index
        %swap3A_709 = tpu.vector_load %arg9[%swap3A_707, %swap3A_708] {strides = array<i32>} : memref<16x17xf32, #tpu.memory_space<vmem>>, vector<16xf32>,
        tpu.vector_store %arg9[%swap3A_707, %swap3A_708], %scan3A_644#30 {strides = array<i32>} : memref<16x17xf32, #tpu.memory_space<vmem>>, vector<16xf32>,
        %broadcast_in_dim3A_710 = arith.constant 0 : i32
        %broadcast_in_dim3A_711 = vector.broadcast %broadcast_in_dim3A_710 : i32 to vector<16xi32>
        %gather3A_712 = tpu.vector_load_idx %arg9[%iota3A, %broadcast_in_dim3A_711] : memref<16x17xf32, #tpu.memory_space<vmem>>[vector<16xi32>, vector<16xi32>], vector<16xf32>,
        %add3A_713 = arith.addf %broadcast_in_dim3A_279, %gather3A_712 : vector<16xf32>
        %broadcast_in_dim3A_714 = arith.constant 1 : i32
        %broadcast_in_dim3A_715 = vector.broadcast %broadcast_in_dim3A_714 : i32 to vector<16xi32>
        %gather3A_716 = tpu.vector_load_idx %arg9[%iota3A, %broadcast_in_dim3A_715] : memref<16x17xf32, #tpu.memory_space<vmem>>[vector<16xi32>, vector<16xi32>], vector<16xf32>,
        %add3A_717 = arith.addf %add3A_713, %gather3A_716 : vector<16xf32>
        %broadcast_in_dim3A_718 = arith.constant 2 : i32
        %broadcast_in_dim3A_719 = vector.broadcast %broadcast_in_dim3A_718 : i32 to vector<16xi32>
        %gather3A_720 = tpu.vector_load_idx %arg9[%iota3A, %broadcast_in_dim3A_719] : memref<16x17xf32, #tpu.memory_space<vmem>>[vector<16xi32>, vector<16xi32>], vector<16xf32>,
        %add3A_721 = arith.addf %add3A_717, %gather3A_720 : vector<16xf32>
        %broadcast_in_dim3A_722 = arith.constant 3 : i32
        %broadcast_in_dim3A_723 = vector.broadcast %broadcast_in_dim3A_722 : i32 to vector<16xi32>
        %gather3A_724 = tpu.vector_load_idx %arg9[%iota3A, %broadcast_in_dim3A_723] : memref<16x17xf32, #tpu.memory_space<vmem>>[vector<16xi32>, vector<16xi32>], vector<16xf32>,
        %add3A_725 = arith.addf %add3A_721, %gather3A_724 : vector<16xf32>
        %broadcast_in_dim3A_726 = arith.constant 4 : i32
        %broadcast_in_dim3A_727 = vector.broadcast %broadcast_in_dim3A_726 : i32 to vector<16xi32>
        %gather3A_728 = tpu.vector_load_idx %arg9[%iota3A, %broadcast_in_dim3A_727] : memref<16x17xf32, #tpu.memory_space<vmem>>[vector<16xi32>, vector<16xi32>], vector<16xf32>,
        %add3A_729 = arith.addf %add3A_725, %gather3A_728 : vector<16xf32>
        %broadcast_in_dim3A_730 = arith.constant 5 : i32
        %broadcast_in_dim3A_731 = vector.broadcast %broadcast_in_dim3A_730 : i32 to vector<16xi32>
        %gather3A_732 = tpu.vector_load_idx %arg9[%iota3A, %broadcast_in_dim3A_731] : memref<16x17xf32, #tpu.memory_space<vmem>>[vector<16xi32>, vector<16xi32>], vector<16xf32>,
        %add3A_733 = arith.addf %add3A_729, %gather3A_732 : vector<16xf32>
        %broadcast_in_dim3A_734 = arith.constant 6 : i32
        %broadcast_in_dim3A_735 = vector.broadcast %broadcast_in_dim3A_734 : i32 to vector<16xi32>
        %gather3A_736 = tpu.vector_load_idx %arg9[%iota3A, %broadcast_in_dim3A_735] : memref<16x17xf32, #tpu.memory_space<vmem>>[vector<16xi32>, vector<16xi32>], vector<16xf32>,
        %add3A_737 = arith.addf %add3A_733, %gather3A_736 : vector<16xf32>
        %broadcast_in_dim3A_738 = arith.constant 7 : i32
        %broadcast_in_dim3A_739 = vector.broadcast %broadcast_in_dim3A_738 : i32 to vector<16xi32>
        %gather3A_740 = tpu.vector_load_idx %arg9[%iota3A, %broadcast_in_dim3A_739] : memref<16x17xf32, #tpu.memory_space<vmem>>[vector<16xi32>, vector<16xi32>], vector<16xf32>,
        %add3A_741 = arith.addf %add3A_737, %gather3A_740 : vector<16xf32>
        %broadcast_in_dim3A_742 = arith.constant 8 : i32
        %broadcast_in_dim3A_743 = vector.broadcast %broadcast_in_dim3A_742 : i32 to vector<16xi32>
        %gather3A_744 = tpu.vector_load_idx %arg9[%iota3A, %broadcast_in_dim3A_743] : memref<16x17xf32, #tpu.memory_space<vmem>>[vector<16xi32>, vector<16xi32>], vector<16xf32>,
        %add3A_745 = arith.addf %add3A_741, %gather3A_744 : vector<16xf32>
        %broadcast_in_dim3A_746 = arith.constant 9 : i32
        %broadcast_in_dim3A_747 = vector.broadcast %broadcast_in_dim3A_746 : i32 to vector<16xi32>
        %gather3A_748 = tpu.vector_load_idx %arg9[%iota3A, %broadcast_in_dim3A_747] : memref<16x17xf32, #tpu.memory_space<vmem>>[vector<16xi32>, vector<16xi32>], vector<16xf32>,
        %add3A_749 = arith.addf %add3A_745, %gather3A_748 : vector<16xf32>
        %broadcast_in_dim3A_750 = arith.constant 10 : i32
        %broadcast_in_dim3A_751 = vector.broadcast %broadcast_in_dim3A_750 : i32 to vector<16xi32>
        %gather3A_752 = tpu.vector_load_idx %arg9[%iota3A, %broadcast_in_dim3A_751] : memref<16x17xf32, #tpu.memory_space<vmem>>[vector<16xi32>, vector<16xi32>], vector<16xf32>,
        %add3A_753 = arith.addf %add3A_749, %gather3A_752 : vector<16xf32>
        %broadcast_in_dim3A_754 = arith.constant 11 : i32
        %broadcast_in_dim3A_755 = vector.broadcast %broadcast_in_dim3A_754 : i32 to vector<16xi32>
        %gather3A_756 = tpu.vector_load_idx %arg9[%iota3A, %broadcast_in_dim3A_755] : memref<16x17xf32, #tpu.memory_space<vmem>>[vector<16xi32>, vector<16xi32>], vector<16xf32>,
        %add3A_757 = arith.addf %add3A_753, %gather3A_756 : vector<16xf32>
        %broadcast_in_dim3A_758 = arith.constant 12 : i32
        %broadcast_in_dim3A_759 = vector.broadcast %broadcast_in_dim3A_758 : i32 to vector<16xi32>
        %gather3A_760 = tpu.vector_load_idx %arg9[%iota3A, %broadcast_in_dim3A_759] : memref<16x17xf32, #tpu.memory_space<vmem>>[vector<16xi32>, vector<16xi32>], vector<16xf32>,
        %add3A_761 = arith.addf %add3A_757, %gather3A_760 : vector<16xf32>
        %broadcast_in_dim3A_762 = arith.constant 13 : i32
        %broadcast_in_dim3A_763 = vector.broadcast %broadcast_in_dim3A_762 : i32 to vector<16xi32>
        %gather3A_764 = tpu.vector_load_idx %arg9[%iota3A, %broadcast_in_dim3A_763] : memref<16x17xf32, #tpu.memory_space<vmem>>[vector<16xi32>, vector<16xi32>], vector<16xf32>,
        %add3A_765 = arith.addf %add3A_761, %gather3A_764 : vector<16xf32>
        %broadcast_in_dim3A_766 = arith.constant 14 : i32
        %broadcast_in_dim3A_767 = vector.broadcast %broadcast_in_dim3A_766 : i32 to vector<16xi32>
        %gather3A_768 = tpu.vector_load_idx %arg9[%iota3A, %broadcast_in_dim3A_767] : memref<16x17xf32, #tpu.memory_space<vmem>>[vector<16xi32>, vector<16xi32>], vector<16xf32>,
        %add3A_769 = arith.addf %add3A_765, %gather3A_768 : vector<16xf32>
        %broadcast_in_dim3A_770 = arith.constant 15 : i32
        %broadcast_in_dim3A_771 = vector.broadcast %broadcast_in_dim3A_770 : i32 to vector<16xi32>
        %gather3A_772 = tpu.vector_load_idx %arg9[%iota3A, %broadcast_in_dim3A_771] : memref<16x17xf32, #tpu.memory_space<vmem>>[vector<16xi32>, vector<16xi32>], vector<16xf32>,
        %add3A_773 = arith.addf %add3A_769, %gather3A_772 : vector<16xf32>
        %swap3A_774 = arith.constant 0 : i32
        %swap3A_775 = arith.index_cast %swap3A_774 : i32 to index
        %swap3A_776 = arith.constant 0 : index
        %swap3A_777 = tpu.vector_load %arg9[%swap3A_775, %swap3A_776] {strides = array<i32>} : memref<16x17xf32, #tpu.memory_space<vmem>>, vector<16xf32>,
        tpu.vector_store %arg9[%swap3A_775, %swap3A_776], %scan3A_644#1 {strides = array<i32>} : memref<16x17xf32, #tpu.memory_space<vmem>>, vector<16xf32>,
        %swap3A_778 = arith.constant 1 : i32
        %swap3A_779 = arith.index_cast %swap3A_778 : i32 to index
        %swap3A_780 = arith.constant 0 : index
        %swap3A_781 = tpu.vector_load %arg9[%swap3A_779, %swap3A_780] {strides = array<i32>} : memref<16x17xf32, #tpu.memory_space<vmem>>, vector<16xf32>,
        tpu.vector_store %arg9[%swap3A_779, %swap3A_780], %scan3A_644#3 {strides = array<i32>} : memref<16x17xf32, #tpu.memory_space<vmem>>, vector<16xf32>,
        %swap3A_782 = arith.constant 2 : i32
        %swap3A_783 = arith.index_cast %swap3A_782 : i32 to index
        %swap3A_784 = arith.constant 0 : index
        %swap3A_785 = tpu.vector_load %arg9[%swap3A_783, %swap3A_784] {strides = array<i32>} : memref<16x17xf32, #tpu.memory_space<vmem>>, vector<16xf32>,
        tpu.vector_store %arg9[%swap3A_783, %swap3A_784], %scan3A_644#5 {strides = array<i32>} : memref<16x17xf32, #tpu.memory_space<vmem>>, vector<16xf32>,
        %swap3A_786 = arith.constant 3 : i32
        %swap3A_787 = arith.index_cast %swap3A_786 : i32 to index
        %swap3A_788 = arith.constant 0 : index
        %swap3A_789 = tpu.vector_load %arg9[%swap3A_787, %swap3A_788] {strides = array<i32>} : memref<16x17xf32, #tpu.memory_space<vmem>>, vector<16xf32>,
        tpu.vector_store %arg9[%swap3A_787, %swap3A_788], %scan3A_644#7 {strides = array<i32>} : memref<16x17xf32, #tpu.memory_space<vmem>>, vector<16xf32>,
        %swap3A_790 = arith.constant 4 : i32
        %swap3A_791 = arith.index_cast %swap3A_790 : i32 to index
        %swap3A_792 = arith.constant 0 : index
        %swap3A_793 = tpu.vector_load %arg9[%swap3A_791, %swap3A_792] {strides = array<i32>} : memref<16x17xf32, #tpu.memory_space<vmem>>, vector<16xf32>,
        tpu.vector_store %arg9[%swap3A_791, %swap3A_792], %scan3A_644#9 {strides = array<i32>} : memref<16x17xf32, #tpu.memory_space<vmem>>, vector<16xf32>,
        %swap3A_794 = arith.constant 5 : i32
        %swap3A_795 = arith.index_cast %swap3A_794 : i32 to index
        %swap3A_796 = arith.constant 0 : index
        %swap3A_797 = tpu.vector_load %arg9[%swap3A_795, %swap3A_796] {strides = array<i32>} : memref<16x17xf32, #tpu.memory_space<vmem>>, vector<16xf32>,
        tpu.vector_store %arg9[%swap3A_795, %swap3A_796], %scan3A_644#11 {strides = array<i32>} : memref<16x17xf32, #tpu.memory_space<vmem>>, vector<16xf32>,
        %swap3A_798 = arith.constant 6 : i32
        %swap3A_799 = arith.index_cast %swap3A_798 : i32 to index
        %swap3A_800 = arith.constant 0 : index
        %swap3A_801 = tpu.vector_load %arg9[%swap3A_799, %swap3A_800] {strides = array<i32>} : memref<16x17xf32, #tpu.memory_space<vmem>>, vector<16xf32>,
        tpu.vector_store %arg9[%swap3A_799, %swap3A_800], %scan3A_644#13 {strides = array<i32>} : memref<16x17xf32, #tpu.memory_space<vmem>>, vector<16xf32>,
        %swap3A_802 = arith.constant 7 : i32
        %swap3A_803 = arith.index_cast %swap3A_802 : i32 to index
        %swap3A_804 = arith.constant 0 : index
        %swap3A_805 = tpu.vector_load %arg9[%swap3A_803, %swap3A_804] {strides = array<i32>} : memref<16x17xf32, #tpu.memory_space<vmem>>, vector<16xf32>,
        tpu.vector_store %arg9[%swap3A_803, %swap3A_804], %scan3A_644#15 {strides = array<i32>} : memref<16x17xf32, #tpu.memory_space<vmem>>, vector<16xf32>,
        %swap3A_806 = arith.constant 8 : i32
        %swap3A_807 = arith.index_cast %swap3A_806 : i32 to index
        %swap3A_808 = arith.constant 0 : index
        %swap3A_809 = tpu.vector_load %arg9[%swap3A_807, %swap3A_808] {strides = array<i32>} : memref<16x17xf32, #tpu.memory_space<vmem>>, vector<16xf32>,
        tpu.vector_store %arg9[%swap3A_807, %swap3A_808], %scan3A_644#17 {strides = array<i32>} : memref<16x17xf32, #tpu.memory_space<vmem>>, vector<16xf32>,
        %swap3A_810 = arith.constant 9 : i32
        %swap3A_811 = arith.index_cast %swap3A_810 : i32 to index
        %swap3A_812 = arith.constant 0 : index
        %swap3A_813 = tpu.vector_load %arg9[%swap3A_811, %swap3A_812] {strides = array<i32>} : memref<16x17xf32, #tpu.memory_space<vmem>>, vector<16xf32>,
        tpu.vector_store %arg9[%swap3A_811, %swap3A_812], %scan3A_644#19 {strides = array<i32>} : memref<16x17xf32, #tpu.memory_space<vmem>>, vector<16xf32>,
        %swap3A_814 = arith.constant 10 : i32
        %swap3A_815 = arith.index_cast %swap3A_814 : i32 to index
        %swap3A_816 = arith.constant 0 : index
        %swap3A_817 = tpu.vector_load %arg9[%swap3A_815, %swap3A_816] {strides = array<i32>} : memref<16x17xf32, #tpu.memory_space<vmem>>, vector<16xf32>,
        tpu.vector_store %arg9[%swap3A_815, %swap3A_816], %scan3A_644#21 {strides = array<i32>} : memref<16x17xf32, #tpu.memory_space<vmem>>, vector<16xf32>,
        %swap3A_818 = arith.constant 11 : i32
        %swap3A_819 = arith.index_cast %swap3A_818 : i32 to index
        %swap3A_820 = arith.constant 0 : index
        %swap3A_821 = tpu.vector_load %arg9[%swap3A_819, %swap3A_820] {strides = array<i32>} : memref<16x17xf32, #tpu.memory_space<vmem>>, vector<16xf32>,
        tpu.vector_store %arg9[%swap3A_819, %swap3A_820], %scan3A_644#23 {strides = array<i32>} : memref<16x17xf32, #tpu.memory_space<vmem>>, vector<16xf32>,
        %swap3A_822 = arith.constant 12 : i32
        %swap3A_823 = arith.index_cast %swap3A_822 : i32 to index
        %swap3A_824 = arith.constant 0 : index
        %swap3A_825 = tpu.vector_load %arg9[%swap3A_823, %swap3A_824] {strides = array<i32>} : memref<16x17xf32, #tpu.memory_space<vmem>>, vector<16xf32>,
        tpu.vector_store %arg9[%swap3A_823, %swap3A_824], %scan3A_644#25 {strides = array<i32>} : memref<16x17xf32, #tpu.memory_space<vmem>>, vector<16xf32>,
        %swap3A_826 = arith.constant 13 : i32
        %swap3A_827 = arith.index_cast %swap3A_826 : i32 to index
        %swap3A_828 = arith.constant 0 : index
        %swap3A_829 = tpu.vector_load %arg9[%swap3A_827, %swap3A_828] {strides = array<i32>} : memref<16x17xf32, #tpu.memory_space<vmem>>, vector<16xf32>,
        tpu.vector_store %arg9[%swap3A_827, %swap3A_828], %scan3A_644#27 {strides = array<i32>} : memref<16x17xf32, #tpu.memory_space<vmem>>, vector<16xf32>,
        %swap3A_830 = arith.constant 14 : i32
        %swap3A_831 = arith.index_cast %swap3A_830 : i32 to index
        %swap3A_832 = arith.constant 0 : index
        %swap3A_833 = tpu.vector_load %arg9[%swap3A_831, %swap3A_832] {strides = array<i32>} : memref<16x17xf32, #tpu.memory_space<vmem>>, vector<16xf32>,
        tpu.vector_store %arg9[%swap3A_831, %swap3A_832], %scan3A_644#29 {strides = array<i32>} : memref<16x17xf32, #tpu.memory_space<vmem>>, vector<16xf32>,
        %swap3A_834 = arith.constant 15 : i32
        %swap3A_835 = arith.index_cast %swap3A_834 : i32 to index
        %swap3A_836 = arith.constant 0 : index
        %swap3A_837 = tpu.vector_load %arg9[%swap3A_835, %swap3A_836] {strides = array<i32>} : memref<16x17xf32, #tpu.memory_space<vmem>>, vector<16xf32>,
        tpu.vector_store %arg9[%swap3A_835, %swap3A_836], %scan3A_644#31 {strides = array<i32>} : memref<16x17xf32, #tpu.memory_space<vmem>>, vector<16xf32>,
        %broadcast_in_dim3A_838 = arith.constant 0 : i32
        %broadcast_in_dim3A_839 = vector.broadcast %broadcast_in_dim3A_838 : i32 to vector<16xi32>
        %gather3A_840 = tpu.vector_load_idx %arg9[%iota3A, %broadcast_in_dim3A_839] : memref<16x17xf32, #tpu.memory_space<vmem>>[vector<16xi32>, vector<16xi32>], vector<16xf32>,
        %add3A_841 = arith.addf %broadcast_in_dim3A_279, %gather3A_840 : vector<16xf32>
        %broadcast_in_dim3A_842 = arith.constant 1 : i32
        %broadcast_in_dim3A_843 = vector.broadcast %broadcast_in_dim3A_842 : i32 to vector<16xi32>
        %gather3A_844 = tpu.vector_load_idx %arg9[%iota3A, %broadcast_in_dim3A_843] : memref<16x17xf32, #tpu.memory_space<vmem>>[vector<16xi32>, vector<16xi32>], vector<16xf32>,
        %add3A_845 = arith.addf %add3A_841, %gather3A_844 : vector<16xf32>
        %broadcast_in_dim3A_846 = arith.constant 2 : i32
        %broadcast_in_dim3A_847 = vector.broadcast %broadcast_in_dim3A_846 : i32 to vector<16xi32>
        %gather3A_848 = tpu.vector_load_idx %arg9[%iota3A, %broadcast_in_dim3A_847] : memref<16x17xf32, #tpu.memory_space<vmem>>[vector<16xi32>, vector<16xi32>], vector<16xf32>,
        %add3A_849 = arith.addf %add3A_845, %gather3A_848 : vector<16xf32>
        %broadcast_in_dim3A_850 = arith.constant 3 : i32
        %broadcast_in_dim3A_851 = vector.broadcast %broadcast_in_dim3A_850 : i32 to vector<16xi32>
        %gather3A_852 = tpu.vector_load_idx %arg9[%iota3A, %broadcast_in_dim3A_851] : memref<16x17xf32, #tpu.memory_space<vmem>>[vector<16xi32>, vector<16xi32>], vector<16xf32>,
        %add3A_853 = arith.addf %add3A_849, %gather3A_852 : vector<16xf32>
        %broadcast_in_dim3A_854 = arith.constant 4 : i32
        %broadcast_in_dim3A_855 = vector.broadcast %broadcast_in_dim3A_854 : i32 to vector<16xi32>
        %gather3A_856 = tpu.vector_load_idx %arg9[%iota3A, %broadcast_in_dim3A_855] : memref<16x17xf32, #tpu.memory_space<vmem>>[vector<16xi32>, vector<16xi32>], vector<16xf32>,
        %add3A_857 = arith.addf %add3A_853, %gather3A_856 : vector<16xf32>
        %broadcast_in_dim3A_858 = arith.constant 5 : i32
        %broadcast_in_dim3A_859 = vector.broadcast %broadcast_in_dim3A_858 : i32 to vector<16xi32>
        %gather3A_860 = tpu.vector_load_idx %arg9[%iota3A, %broadcast_in_dim3A_859] : memref<16x17xf32, #tpu.memory_space<vmem>>[vector<16xi32>, vector<16xi32>], vector<16xf32>,
        %add3A_861 = arith.addf %add3A_857, %gather3A_860 : vector<16xf32>
        %broadcast_in_dim3A_862 = arith.constant 6 : i32
        %broadcast_in_dim3A_863 = vector.broadcast %broadcast_in_dim3A_862 : i32 to vector<16xi32>
        %gather3A_864 = tpu.vector_load_idx %arg9[%iota3A, %broadcast_in_dim3A_863] : memref<16x17xf32, #tpu.memory_space<vmem>>[vector<16xi32>, vector<16xi32>], vector<16xf32>,
        %add3A_865 = arith.addf %add3A_861, %gather3A_864 : vector<16xf32>
        %broadcast_in_dim3A_866 = arith.constant 7 : i32
        %broadcast_in_dim3A_867 = vector.broadcast %broadcast_in_dim3A_866 : i32 to vector<16xi32>
        %gather3A_868 = tpu.vector_load_idx %arg9[%iota3A, %broadcast_in_dim3A_867] : memref<16x17xf32, #tpu.memory_space<vmem>>[vector<16xi32>, vector<16xi32>], vector<16xf32>,
        %add3A_869 = arith.addf %add3A_865, %gather3A_868 : vector<16xf32>
        %broadcast_in_dim3A_870 = arith.constant 8 : i32
        %broadcast_in_dim3A_871 = vector.broadcast %broadcast_in_dim3A_870 : i32 to vector<16xi32>
        %gather3A_872 = tpu.vector_load_idx %arg9[%iota3A, %broadcast_in_dim3A_871] : memref<16x17xf32, #tpu.memory_space<vmem>>[vector<16xi32>, vector<16xi32>], vector<16xf32>,
        %add3A_873 = arith.addf %add3A_869, %gather3A_872 : vector<16xf32>
        %broadcast_in_dim3A_874 = arith.constant 9 : i32
        %broadcast_in_dim3A_875 = vector.broadcast %broadcast_in_dim3A_874 : i32 to vector<16xi32>
        %gather3A_876 = tpu.vector_load_idx %arg9[%iota3A, %broadcast_in_dim3A_875] : memref<16x17xf32, #tpu.memory_space<vmem>>[vector<16xi32>, vector<16xi32>], vector<16xf32>,
        %add3A_877 = arith.addf %add3A_873, %gather3A_876 : vector<16xf32>
        %broadcast_in_dim3A_878 = arith.constant 10 : i32
        %broadcast_in_dim3A_879 = vector.broadcast %broadcast_in_dim3A_878 : i32 to vector<16xi32>
        %gather3A_880 = tpu.vector_load_idx %arg9[%iota3A, %broadcast_in_dim3A_879] : memref<16x17xf32, #tpu.memory_space<vmem>>[vector<16xi32>, vector<16xi32>], vector<16xf32>,
        %add3A_881 = arith.addf %add3A_877, %gather3A_880 : vector<16xf32>
        %broadcast_in_dim3A_882 = arith.constant 11 : i32
        %broadcast_in_dim3A_883 = vector.broadcast %broadcast_in_dim3A_882 : i32 to vector<16xi32>
        %gather3A_884 = tpu.vector_load_idx %arg9[%iota3A, %broadcast_in_dim3A_883] : memref<16x17xf32, #tpu.memory_space<vmem>>[vector<16xi32>, vector<16xi32>], vector<16xf32>,
        %add3A_885 = arith.addf %add3A_881, %gather3A_884 : vector<16xf32>
        %broadcast_in_dim3A_886 = arith.constant 12 : i32
        %broadcast_in_dim3A_887 = vector.broadcast %broadcast_in_dim3A_886 : i32 to vector<16xi32>
        %gather3A_888 = tpu.vector_load_idx %arg9[%iota3A, %broadcast_in_dim3A_887] : memref<16x17xf32, #tpu.memory_space<vmem>>[vector<16xi32>, vector<16xi32>], vector<16xf32>,
        %add3A_889 = arith.addf %add3A_885, %gather3A_888 : vector<16xf32>
        %broadcast_in_dim3A_890 = arith.constant 13 : i32
        %broadcast_in_dim3A_891 = vector.broadcast %broadcast_in_dim3A_890 : i32 to vector<16xi32>
        %gather3A_892 = tpu.vector_load_idx %arg9[%iota3A, %broadcast_in_dim3A_891] : memref<16x17xf32, #tpu.memory_space<vmem>>[vector<16xi32>, vector<16xi32>], vector<16xf32>,
        %add3A_893 = arith.addf %add3A_889, %gather3A_892 : vector<16xf32>
        %broadcast_in_dim3A_894 = arith.constant 14 : i32
        %broadcast_in_dim3A_895 = vector.broadcast %broadcast_in_dim3A_894 : i32 to vector<16xi32>
        %gather3A_896 = tpu.vector_load_idx %arg9[%iota3A, %broadcast_in_dim3A_895] : memref<16x17xf32, #tpu.memory_space<vmem>>[vector<16xi32>, vector<16xi32>], vector<16xf32>,
        %add3A_897 = arith.addf %add3A_893, %gather3A_896 : vector<16xf32>
        %broadcast_in_dim3A_898 = arith.constant 15 : i32
        %broadcast_in_dim3A_899 = vector.broadcast %broadcast_in_dim3A_898 : i32 to vector<16xi32>
        %gather3A_900 = tpu.vector_load_idx %arg9[%iota3A, %broadcast_in_dim3A_899] : memref<16x17xf32, #tpu.memory_space<vmem>>[vector<16xi32>, vector<16xi32>], vector<16xf32>,
        %add3A_901 = arith.addf %add3A_897, %gather3A_900 : vector<16xf32>
        %max3A_902 = arith.constant 1.000000e-30 : f32
        %max3A_903 = vector.broadcast %max3A_902 : f32 to vector<16xf32>
        %max3A_904 = arith.maximumf %add3A_901, %max3A_903 : vector<16xf32>
        %bitcast3A_905 = vector.bitcast %max3A_904 : vector<16xf32> to vector<16xi32>
        %shift_right_logical3A_906 = arith.constant 1 : i32
        %shift_right_logical3A_907 = vector.broadcast %shift_right_logical3A_906 : i32 to vector<16xi32>
        %shift_right_logical3A_908 = arith.shrui %bitcast3A_905, %shift_right_logical3A_907 : vector<16xi32>
        %sub3A_909 = arith.constant 1597463007 : i32
        %sub3A_910 = vector.broadcast %sub3A_909 : i32 to vector<16xi32>
        %sub3A_911 = arith.subi %sub3A_910, %shift_right_logical3A_908 : vector<16xi32>
        %bitcast3A_912 = vector.bitcast %sub3A_911 : vector<16xi32> to vector<16xf32>
        %mul3A_913 = arith.constant 5.000000e-01 : f32
        %mul3A_914 = vector.broadcast %mul3A_913 : f32 to vector<16xf32>
        %mul3A_915 = arith.mulf %mul3A_914, %max3A_904 : vector<16xf32>
        %mul3A_916 = arith.mulf %mul3A_915, %bitcast3A_912 : vector<16xf32>
        %mul3A_917 = arith.mulf %mul3A_916, %bitcast3A_912 : vector<16xf32>
        %sub3A_918 = arith.constant 1.500000e+00 : f32
        %sub3A_919 = vector.broadcast %sub3A_918 : f32 to vector<16xf32>
        %sub3A_920 = arith.subf %sub3A_919, %mul3A_917 : vector<16xf32>
        %mul3A_921 = arith.mulf %bitcast3A_912, %sub3A_920 : vector<16xf32>
        %mul3A_922 = arith.constant 5.000000e-01 : f32
        %mul3A_923 = vector.broadcast %mul3A_922 : f32 to vector<16xf32>
        %mul3A_924 = arith.mulf %mul3A_923, %max3A_904 : vector<16xf32>
        %mul3A_925 = arith.mulf %mul3A_924, %mul3A_921 : vector<16xf32>
        %mul3A_926 = arith.mulf %mul3A_925, %mul3A_921 : vector<16xf32>
        %sub3A_927 = arith.constant 1.500000e+00 : f32
        %sub3A_928 = vector.broadcast %sub3A_927 : f32 to vector<16xf32>
        %sub3A_929 = arith.subf %sub3A_928, %mul3A_926 : vector<16xf32>
        %mul3A_930 = arith.mulf %mul3A_921, %sub3A_929 : vector<16xf32>
        %mul3A_931 = arith.constant 5.000000e-01 : f32
        %mul3A_932 = vector.broadcast %mul3A_931 : f32 to vector<16xf32>
        %mul3A_933 = arith.mulf %mul3A_932, %max3A_904 : vector<16xf32>
        %mul3A_934 = arith.mulf %mul3A_933, %mul3A_930 : vector<16xf32>
        %mul3A_935 = arith.mulf %mul3A_934, %mul3A_930 : vector<16xf32>
        %sub3A_936 = arith.constant 1.500000e+00 : f32
        %sub3A_937 = vector.broadcast %sub3A_936 : f32 to vector<16xf32>
        %sub3A_938 = arith.subf %sub3A_937, %mul3A_935 : vector<16xf32>
        %mul3A_939 = arith.mulf %mul3A_930, %sub3A_938 : vector<16xf32>
        %mul3A_940 = arith.mulf %add3A_901, %mul3A_939 : vector<16xf32>
        %max3A_941 = arith.constant 9.99999993E-9 : f32
        %max3A_942 = vector.broadcast %max3A_941 : f32 to vector<16xf32>
        %max3A_943 = arith.maximumf %mul3A_940, %max3A_942 : vector<16xf32>
        %mul3A_944 = arith.mulf %max3A_277, %max3A_943 : vector<16xf32>
        %div3A_945 = arith.divf %add3A_773, %mul3A_944 : vector<16xf32>
        %mul3A_946 = arith.constant 32 : i32
        %mul3A_947 = arith.muli %add3A_311, %mul3A_946 : i32
        %add3A_948 = arith.constant 16 : i32
        %add3A_949 = arith.addi %mul3A_947, %add3A_948 : i32
        %swap3A_950 = arith.index_cast %add3A_949 : i32 to index
        %swap3A_951 = tpu.vector_load %arg8[%swap3A_950] {strides = array<i32>} : memref<3136xf32, #tpu.memory_space<vmem>>, vector<16xf32>,
        tpu.vector_store %arg8[%swap3A_950], %div3A_945 {strides = array<i32>} : memref<3136xf32, #tpu.memory_space<vmem>>, vector<16xf32>,
      } else {
      }
      %scan3A_317 = arith.constant 0 : i32
      scf.yield %scan3A_317 : i32
    }
    %scan3A_290 = arith.constant 49 : i32
    %eq3A = arith.constant 98 : i32
    %eq3A_291 = arith.cmpi eq, %select_n3A, %eq3A : i32
    %convert_element_type3A = arith.extui %eq3A_291 : i1 to i32
    %cond3A = arith.constant 0 : i32
    %cond3A_292 = arith.cmpi ne, %convert_element_type3A, %cond3A : i32
    scf.if %cond3A_292 {
      %mul3A_297 = arith.constant 32 : i32
      %mul3A_298 = arith.muli %add3A_6, %mul3A_297 : i32
      "tpu.region"() ({
        %run_scoped3A_299 = tpu.sem_alloc : memref<!tpu.dma_semaphore, #tpu.memory_space<semaphore_mem>>
        %dma_start3A_300 = tpu.memref_slice %arg4[%mul3A_298] : memref<100000xf32, #tpu.memory_space<hbm>> -> memref<3136xf32, #tpu.memory_space<hbm>>
        %dma_start3A_301 = tpu.memref_slice %arg4[%mul3A_298] : memref<100000xf32, #tpu.memory_space<hbm>> -> memref<3136xf32, #tpu.memory_space<hbm>>
        tpu.enqueue_dma source(%arg8 : memref<3136xf32, #tpu.memory_space<vmem>>) target(%dma_start3A_301 : memref<3136xf32, #tpu.memory_space<hbm>>) target_semaphore(%run_scoped3A_299 : memref<!tpu.dma_semaphore, #tpu.memory_space<semaphore_mem>>)
        %dma_wait3A = tpu.memref_slice %arg4[%mul3A_298] : memref<100000xf32, #tpu.memory_space<hbm>> -> memref<3136xf32, #tpu.memory_space<hbm>>
        %dma_wait3A_302 = tpu.memref_slice %arg4[%mul3A_298] : memref<100000xf32, #tpu.memory_space<hbm>> -> memref<3136xf32, #tpu.memory_space<hbm>>
        tpu.wait_dma2 semaphore(%run_scoped3A_299 : memref<!tpu.dma_semaphore, #tpu.memory_space<semaphore_mem>>) src(%arg8 : memref<3136xf32, #tpu.memory_space<vmem>>) dst(%dma_wait3A_302 : memref<3136xf32, #tpu.memory_space<hbm>>)
        tpu.yield
      }) : () -> ()
    } else {
    }
    %ne3A = arith.constant 98 : i32
    %ne3A_293 = arith.cmpi ne, %select_n3A, %ne3A : i32
    %convert_element_type3A_294 = arith.extui %ne3A_293 : i1 to i32
    %cond3A_295 = arith.constant 0 : i32
    %cond3A_296 = arith.cmpi ne, %convert_element_type3A_294, %cond3A_295 : i32
    scf.if %cond3A_296 {
      %mul3A_297 = arith.constant 32 : i32
      %mul3A_298 = arith.muli %add3A_6, %mul3A_297 : i32
      "tpu.region"() ({
        %run_scoped3A_299 = tpu.sem_alloc : memref<!tpu.dma_semaphore, #tpu.memory_space<semaphore_mem>>
        %dma_start3A_300 = arith.constant 0 : i32
        %dma_start3A_301 = tpu.memref_slice %arg8[%dma_start3A_300] : memref<3136xf32, #tpu.memory_space<vmem>> -> memref<3104xf32, #tpu.memory_space<vmem>>
        %dma_start3A_302 = tpu.memref_slice %arg4[%mul3A_298] : memref<100000xf32, #tpu.memory_space<hbm>> -> memref<3104xf32, #tpu.memory_space<hbm>>
        %dma_start3A_303 = tpu.memref_slice %arg4[%mul3A_298] : memref<100000xf32, #tpu.memory_space<hbm>> -> memref<3104xf32, #tpu.memory_space<hbm>>
        %dma_start3A_304 = arith.constant 0 : i32
        %dma_start3A_305 = tpu.memref_slice %arg8[%dma_start3A_304] : memref<3136xf32, #tpu.memory_space<vmem>> -> memref<3104xf32, #tpu.memory_space<vmem>>
        tpu.enqueue_dma source(%dma_start3A_305 : memref<3104xf32, #tpu.memory_space<vmem>>) target(%dma_start3A_303 : memref<3104xf32, #tpu.memory_space<hbm>>) target_semaphore(%run_scoped3A_299 : memref<!tpu.dma_semaphore, #tpu.memory_space<semaphore_mem>>)
        %dma_wait3A = arith.constant 0 : i32
        %dma_wait3A_306 = tpu.memref_slice %arg8[%dma_wait3A] : memref<3136xf32, #tpu.memory_space<vmem>> -> memref<3104xf32, #tpu.memory_space<vmem>>
        %dma_wait3A_307 = tpu.memref_slice %arg4[%mul3A_298] : memref<100000xf32, #tpu.memory_space<hbm>> -> memref<3104xf32, #tpu.memory_space<hbm>>
        %dma_wait3A_308 = tpu.memref_slice %arg4[%mul3A_298] : memref<100000xf32, #tpu.memory_space<hbm>> -> memref<3104xf32, #tpu.memory_space<hbm>>
        %dma_wait3A_309 = arith.constant 0 : i32
        %dma_wait3A_310 = tpu.memref_slice %arg8[%dma_wait3A_309] : memref<3136xf32, #tpu.memory_space<vmem>> -> memref<3104xf32, #tpu.memory_space<vmem>>
        tpu.wait_dma2 semaphore(%run_scoped3A_299 : memref<!tpu.dma_semaphore, #tpu.memory_space<semaphore_mem>>) src(%dma_wait3A_310 : memref<3104xf32, #tpu.memory_space<vmem>>) dst(%dma_wait3A_308 : memref<3104xf32, #tpu.memory_space<hbm>>)
        tpu.yield
      }) : () -> ()
    } else {
    }
    return
  }
}

</mosaic_0001>

<sc_bundles>
// kernel: kernel.3.cloned.1.call-start
scs
__scs_entry_jumppad:
0x0: {  	(pc) =	sbr.rel $0x88, $3  }
0x1: {  	(tag) =	ssettag $0x0;
	lr =	simm.s32 $0x1  }
0x2: {  	[smem:$0x3F9F] =	sst lr;
	_ =	strace $0xD0000000  }
0x3: {  	_ = 	snop  }
0x4: {  	_ = 	snop  }
0x5: {  	_ = 	snop  }
0x6: {  	_ = 	snop  }
0x7: {  	_ = 	snop  }
__scs_overlays_trampoline_lowered:
0x8: {  	[smem:$0x3FAE] =	sst s0  }
0x9: {  	[smem:$0x3FAF] =	sst s1  }
0xa: {  	[smem:$0x3FB0] =	sst s2  }
0xb: {  	[smem:$0x3FB1] =	sst s3  }
0xc: {  	[smem:$0x3FB2] =	sst s4  }
0xd: {  	[smem:$0x3FB3] =	sst s5  }
0xe: {  	[smem:$0x3FB4] =	sst s6  }
0xf: {  	[smem:$0x3FB5] =	sst s7  }
0x10: {  	[smem:$0x3FB6] =	sst s8  }
0x11: {  	[smem:$0x3FB7] =	sst s9;
	s0 =	simm.s32 @!p0 $0x0  }
0x12: {  	s1 =	sld [smem:$0x3F9D];
	s0 =	simm.s32 @p0 $0x1  }
0x13: {  	[smem:$0x3FB8] =	sst s0;
	s0 =	simm.s32 @!p1 $0x0  }
0x14: {  	s2 =	sld [smem:$0x3F9C];
	s0 =	simm.s32 @p1 $0x1  }
0x15: {  	[smem:$0x3FB9] =	sst s0;
	s0 =	simm.s32 @!p2 $0x0  }
0x16: {  	s3 =	sld [smem:$0x3FDB];
	s0 =	simm.s32 @p2 $0x1  }
0x17: {  	s4 =	simm.s32 $0x1BF5;
	[smem:$0x3FBB] =	sst s0  }
0x18: {  	s0 =	sld [smem:$0x3F9E];
	_ =	swait.ge [sflag:s4], $0x0  }
0x19: {  	s7 =	sld [smem:$0x3F9F]  }
0x1a: {  	s8 =	sadd.s32 $0xFFFFE003, lr  }
0x1b: {  	s9 =	sadd.s32 $0xFFFFFEF7, lr;
	s5 =	simm.s32 $0xFFFFFFFF;
	p2 =	slt.u32 s8, $0xFFFFF086  }
0x1c: {  	p1 =	slt.u32 s9, $0xF7A;
	s5 =	simm.s32 @!p2 $0x0  }
0x1d: {  	s5 =	simm.s32 @p1 $0x1;
	p0 =	seq.s32 s7, s2  }
0x1e: {  	s7 =	smul.u32 @!p0 $0xF7A, s2;
	p2 =	seq.s32 @!p0 s5, $0x0  }
0x1f: {  	s9 =	smul.u32 $0xF7A, s1;
	s8 =	simm.s32 @!p0 $0x1BF5;
	p2 =	por !p2, p0  }
0x20: {  	[sflag:s8] =	ssyncset.s32 @!p0 $0xFFFFF086;
	s6 =	sadd.s32 @!p0 s3, s7;
	s7 =	simm.s32 @!p0 $0x108  }
0x21: {  	s3 =	sadd.s32 s3, s9;
	s6 =	sadd.s32 @!p0 $0x88, s6;
	s7 =	simm.s32 @p2 $0x1082  }
0x22: {  	[simem:s7], [sflag:s8] =	dma.local @!p0 [hbm:s6], $0xF7A  }
0x23: {  	s9 =	sor.u32 $0xD0000000, s2;
	s6 =	simm.s32 $0x108;
	_ =	swait.ge @!p0 [sflag:s8], $0x0  }
0x24: {  	s3 =	sadd.s32 $0x88, s3;
	s6 =	simm.s32 @!p1 $0x1082;
	[sflag:s4] =	ssyncset.s32 $0xFFFFF086  }
0x25: {  	[simem:s6], [sflag:s4] =	dma.local [hbm:s3], $0xF7A  }
0x26: {  	[smem:$0x3F9F] =	sst s1;
	(tag) =	ssettag s2;
	_ =	strace s9  }
0x27: {  	s1 =	sld [smem:$0x3FAF]  }
0x28: {  	s2 =	sld [smem:$0x3FB0]  }
0x29: {  	s4 =	sld [smem:$0x3FB2]  }
0x2a: {  	p0 =	seq.s32 s5, $0x0;
	s5 =	sld [smem:$0x3FB3]  }
0x2b: {  	s6 =	sld [smem:$0x3FB4]  }
0x2c: {  	s7 =	sld [smem:$0x3FB5]  }
0x2d: {  	s3 =	simm.s32 $0x108;
	s8 =	sld [smem:$0x3FB6]  }
0x2e: {  	s3 =	simm.s32 @!p0 $0x1082;
	s9 =	sld [smem:$0x3FB7]  }
0x2f: {  	lr =	sadd.s32 s0, s3;
	s0 =	sld [smem:$0x3FAE]  }
0x30: {  	s3 =	sld [smem:$0x3FB1]  }
0x31: {  	[smem:$0x3FBA] =	sst s10  }
0x32: {  	s10 =	sld [smem:$0x3FB8];
	_ =	sdelay $0x3  }
0x33: {  	p0 =	seq.s32 s10, $0x1;
	s10 =	sld [smem:$0x3FBA];
	_ =	sdelay $0x3  }
0x34: {  	[smem:$0x3FBA] =	sst s10  }
0x35: {  	s10 =	sld [smem:$0x3FB9];
	_ =	sdelay $0x3  }
0x36: {  	p1 =	seq.s32 s10, $0x1;
	s10 =	sld [smem:$0x3FBA];
	_ =	sdelay $0x3  }
0x37: {  	[smem:$0x3FBA] =	sst s10  }
0x38: {  	s10 =	sld [smem:$0x3FBB]  }
0x39: {  	_ = 	snop;
	(pc) =	sbr.ind lr, $3  }
0x3a: {  	_ = 	snop  }
0x3b: {  	_ = 	snop  }
0x3c: {  	p2 =	seq.s32 s10, $0x1;
	s10 =	sld [smem:$0x3FBA]  }
0x3d: {  	_ =	shalt  }
0x3e: {  	_ =	shalt  }
0x3f: {  	_ =	shalt  }
0x40: {  	_ =	shalt  }
0x41: {  	_ =	shalt  }
0x42: {  	_ =	shalt  }
0x43: {  	_ =	shalt  }
0x44: {  	_ =	shalt  }
0x45: {  	_ =	shalt  }
0x46: {  	_ =	shalt  }
0x47: {  	_ =	shalt  }
0x48: {  	_ =	shalt  }
0x49: {  	_ =	shalt  }
0x4a: {  	_ =	shalt  }
0x4b: {  	_ =	shalt  }
0x4c: {  	_ =	shalt  }
0x4d: {  	_ =	shalt  }
0x4e: {  	_ =	shalt  }
0x4f: {  	_ =	shalt  }
0x50: {  	_ =	shalt  }
0x51: {  	_ =	shalt  }
0x52: {  	_ =	shalt  }
0x53: {  	_ =	shalt  }
0x54: {  	_ =	shalt  }
0x55: {  	_ =	shalt  }
0x56: {  	_ =	shalt  }
0x57: {  	_ =	shalt  }
0x58: {  	_ =	shalt  }
0x59: {  	_ =	shalt  }
0x5a: {  	_ =	shalt  }
0x5b: {  	_ =	shalt  }
0x5c: {  	_ =	shalt  }
0x5d: {  	_ =	shalt  }
0x5e: {  	_ =	shalt  }
0x5f: {  	_ =	shalt  }
0x60: {  	_ =	shalt  }
0x61: {  	_ =	shalt  }
0x62: {  	_ =	shalt  }
0x63: {  	_ =	shalt  }
0x64: {  	_ =	shalt  }
0x65: {  	_ =	shalt  }
0x66: {  	_ =	shalt  }
0x67: {  	_ =	shalt  }
0x68: {  	_ =	shalt  }
0x69: {  	_ =	shalt  }
0x6a: {  	_ =	shalt  }
0x6b: {  	_ =	shalt  }
0x6c: {  	_ =	shalt  }
0x6d: {  	_ =	shalt  }
0x6e: {  	_ =	shalt  }
0x6f: {  	_ =	shalt  }
0x70: {  	_ =	shalt  }
0x71: {  	_ =	shalt  }
0x72: {  	_ =	shalt  }
0x73: {  	_ =	shalt  }
0x74: {  	_ =	shalt  }
0x75: {  	_ =	shalt  }
0x76: {  	_ =	shalt  }
0x77: {  	_ =	shalt  }
0x78: {  	_ =	shalt  }
0x79: {  	_ =	shalt  }
0x7a: {  	_ =	shalt  }
0x7b: {  	_ =	shalt  }
0x7c: {  	_ =	shalt  }
0x7d: {  	_ =	shalt  }
0x7e: {  	_ =	shalt  }
0x7f: {  	_ =	shalt  }
0x80: {  	_ =	shalt  }
0x81: {  	_ =	shalt  }
0x82: {  	_ =	shalt  }
0x83: {  	_ =	shalt  }
0x84: {  	_ =	shalt  }
0x85: {  	_ =	shalt  }
0x86: {  	_ =	shalt  }
0x87: {  	_ =	shalt  }
.Lfunc_end0:
.L_simem_size_0:
called_computation_lowered:
.L_overlay_start_0:
0x88: {  	s2 =	sld [smem:$0x3FD9]  }
0x89: {  	s3 =	sld [smem:$0x3FFE];
	_ =	sdelay $0x1  }
0x8a: {  	s1 =	srdreg.scid  }
0x8b: {  	s0 =	sand.u32 $0x1, s1  }
0x8c: {  	s18 =	sshll.u32 s0, $0xA;
	s2 =	sadd.s32 s3, s2  }
0x8d: {  	s2 =	sadd.s32 s2, s18  }
0x8e: {  	[smem:$0x3FC6] =	sst s2  }
0x8f: {  	_ = 	snop  }
0x90: {  	s2 =	sld [smem:$0x3FC9]  }
0x91: {  	s19 =	sld [smem:$0x3FC8]  }
0x92: {  	s4 =	sld [smem:$0x3FD0];
	(tm) =	ssettm $0x1  }
0x93: {  	s5 =	sld [smem:$0x3FFB];
	_ =	sdelay $0x3  }
0x94: {  	_ =	strace s5  }
0x95: {  	s5 =	sld [smem:$0x3FFC];
	_ =	sdelay $0x3  }
0x96: {  	_ =	strace s5  }
0x97: {  	s5 =	sld [smem:$0x3FFD];
	_ =	sdelay $0x3  }
0x98: {  	_ =	strace s5  }
0x99: {  	_ =	strace $0x8FFFFFFF  }
0x9a: {  	s20 =	sld [smem:$0x3FDB];
	_ =	sdelay $0x1  }
0x9b: {  	s6 =	simm.s32 $_scs_section_size  }
0x9c: {  	s7 =	simm.s32 $_size__tile_overlayer_lowered;
	s8 =	simm.s32 $_tile_overlayer_lowered  }
0x9d: {  	s23 =	simm.s32 $0x1BFF;
	s22 =	sshll.u32 s8, $0x1;
	s5 =	sadd.s32 s6, s20  }
0x9e: {  	s9 =	simm.s32 $0x0;
	s21 =	sshll.u32 s7, $0x1;
	s7 =	sadd.s32 s22, s5  }
0x9f: {  	[timem:s9], [sflag:s23] =	dma.local [hbm:s7], s21  }
0xa0: {  	_ =	swait.ge [sflag:s23], s21  }
0xa1: {  	s6 =	ssub.s32 $0x0, s21;
	[sflag:s23] =	ssyncset.done $0x0  }
0xa2: {  	[sflag:s23] =	ssyncadd.s32 s6;
	_ =	sdelay $0x1  }
0xa3: {  	s24 =	simm.s32 $0x1B8B  }
0xa4: {  	_ =	swait.ge [sflag:s24], $0x1  }
0xa5: {  	[sflag:s24] =	ssyncset.done $0x0  }
0xa6: {  	s25 =	simm.s32 $0x1B8E;
	[sflag:s24] =	ssyncadd.s32 $0xFFFFFFFF  }
0xa7: {  	s26 =	simm.s32 $execute0_lowered;
	[smem:$0x3FD2] =	sst s25  }
0xa8: {  	s6 =	sshll.u32 s26, $0x1;
	_ =	strace $0x80000046;
	[dreg:$0x1] =	wrdreg $0xFFFFFFFF  }
0xa9: {  	s28 =	simm.s32 $_size_execute0_lowered;
	s5 =	sadd.s32 s5, s6;
	[dreg:$0x0] =	wrdreg $0x0  }
0xaa: {  	s6 =	sshll.u32 s28, $0x1;
	[dreg:$0x2] =	wrdreg s5  }
0xab: {  	[dreg:$0x3] =	wrdreg s6  }
0xac: {  	[dreg:$0x4] =	wrdreg $0xC0  }
0xad: {  	_ =	task [dreg:s9], $0x5FFFF  }
0xae: {  	[dreg:$0x1] =	wrdreg $0xFFFFFFFF  }
0xaf: {  	[dreg:$0x0] =	wrdreg $0x60  }
0xb0: {  	[dreg:$0x2] =	wrdreg s2  }
0xb1: {  	[dreg:$0x3] =	wrdreg s19  }
0xb2: {  	[dreg:$0x4] =	wrdreg s4  }
0xb3: {  	[dreg:$0x5] =	wrdreg $0x9  }
0xb4: {  	_ =	task.clear_ibuf [dreg:s9], $0x6FFFF;
	_ =	strace $0x90000046  }
0xb5: {  	s29 =	simm.s32 $0x9;
	_ =	strace $0x80000048  }
0xb6: {  	_ =	swait.ge [sflag:s29], $0x1  }
0xb7: {  	[sflag:s29] =	ssyncadd.s32 $0xFFFFFFFF  }
0xb8: {  	_ =	strace $0x90000048  }
0xb9: {  	_ =	sfence  }
0xba: {  	s30 =	sld [smem:$0x0];
	_ =	sdelay $0x2  }
0xbb: {  	s31 =	sshll.u32 s1, $0xD;
	s1 =	sshrl.u32 s1, $0x2  }
0xbc: {  	s3 =	sand.u32 $0x4000, s31;
	s1 =	sadd.s32 s1, s30  }
0xbd: {  	s0 =	sor.u32 s3, s0;
	s1 =	sshll.u32 s1, $0x11  }
0xbe: {  	s0 =	sor.u32 s1, s0  }
0xbf: {  	s0 =	sadd.s32 $0x8F2B, s0  }
0xc0: {  	[sflag:s0] =	ssyncadd.remote.s32 $0x1  }
0xc1: {  	_ =	sfence.sel $0xFFFF  }
0xc2: {  	[dreg:$0x0] =	wrdreg $0xFFFFFFFF;
	(pc) =	sbr.abs _section_cstart, $3  }
0xc3: {  	[dreg:$0x1] =	wrdreg $0xFFFFFFFF  }
0xc4: {  	_ =	task.clear_ibuf [dreg:s9], $0x2FFFF;
	_ =	strace $0x9FFFFFFF  }
0xc5: {  	(tm) =	ssettm $0x7FFFFFFF  }
tec
execute0_lowered:
.L_overlay_start_1:
0x0: {  	(tag) =	ssettag $0x1  }
0x1: {  	v0 =	vimm.s32 $0xEFCDAB89;
	v1 =	vimm.s32 $0x67452301  }
0x2: {  	s0 =	srdreg.scid;
	s2 =	stileid.u32;
	v2 =	vimm.s32 $0xDCFE98BA;
	v3 =	vimm.s32 $0x54761032;
	v4 =	vimm.s32 $0xBA98FEDC  }
0x3: {  	s1 =	rddreg [dreg:$0x0];
	v5 =	vimm.s32 $0x32107654;
	v6 =	vimm.s32 $0xFEDCBA98;
	v7 =	vimm.s32 $0x76543210;
	s0 =	sand.u32 $0x1, s0;
	s2 =	sshll.u32 s2, $0x1  }
0x4: {  	s3 =	rddreg [dreg:$0x2];
	s6 =	simm.s32 $0x0;
	v0 =	vunpack.c.l.s4.s8 v0;
	v1 =	vunpack.c.l.s4.s8 v1;
	v2 =	vunpack.c.l.s4.s8 v2;
	s2 =	sor.u32 s0, s2  }
0x5: {  	v3 =	vunpack.c.l.s4.s8 v3;
	[smem:$0x7FF] =	sst s6;
	v4 =	vunpack.c.l.s4.s8 v4;
	v6 =	vunpack.c.l.s4.s8 v6;
	s0 =	ssub.s32 $0x2, s0;
	s4 =	smul.u32 $0x61, s2  }
0x6: {  	v7 =	vunpack.c.l.s4.s8 v7;
	_ =	strace $0x80000047;
	v0 =	vunpack.c.0.s8.s32 v0;
	v1 =	vunpack.c.0.s8.s32 v1;
	s5 =	smin.u32 s2, $0x15;
	s7 =	sshrl.u32 s0, $0x1  }
0x7: {  	v5 =	vunpack.c.l.s4.s8 v5;
	p0 =	slt.u32 s2, $0x15;
	v2 =	vunpack.c.0.s8.s32 v2;
	v6 =	vunpack.c.0.s8.s32 v6;
	s0 =	ssub.s32 s0, s7;
	s4 =	sadd.s32 s5, s4  }
0x8: {  	v3 =	vunpack.c.0.s8.s32 v3;
	v57 =	vunpack.c.0.s8.s32 v7;
	s5 =	simm.s32 $0x62;
	v0 =	vcombine.low v1, v0;
	s0 =	smax.u32 s0, $0x1;
	[dreg:$0x4] =	wrdreg s4  }
0x9: {  	v4 =	vunpack.c.0.s8.s32 v4;
	v5 =	vunpack.c.0.s8.s32 v5;
	v59 =	vand.u32 $0xF, v6;
	s5 =	simm.s32 @!p0 $0x61;
	[dreg:$0xb] =	wrdreg s0  }
0xa: {  	v2 =	vcombine.low v3, v2;
	s28 =	smul.u32 $0xC00, s4;
	v60 =	vcombine.low v59, v57;
	s29 =	sadd.s32 $0xFFFFFFFF, s5;
	v0 =	vand.u32 $0xF, v0;
	[dreg:$0x5] =	wrdreg s5  }
.Ltmp0:
0xb: {  	v58 =	vcombine.low v5, v4;
	s30 =	sadd.s32 $0xFFFFFFFE, s5;
	[dreg:$0x7] =	wrdreg s29;
	[tilespmem:$0x1FFB0] =	vst v0;
	(pc) =	sbr.rel .LBB2_1-.Ltmp0, $4  }
0xc: {  	v61 =	vlaneseq.u32;
	v62 =	vand.u32 $0xF, v2;
	s6 =	sadd.s32 s1, s28;
	[dreg:$0x8] =	wrdreg s30;
	[tilespmem:$0x1FFC0] =	vst v60  }
0xd: {  	s31 =	sshll.u32 s4, $0x2;
	v63 =	vand.u32 $0xF, v58;
	s1 =	sadd.s32 $0xC00, s1;
	[tilespmem:$0x1FFD0] =	vst v62;
	v0 =	vmul.u32 $0x80, v61;
	[dreg:$0x6] =	wrdreg s6  }
0xe: {  	s14 =	simm.s32 $0xCF80;
	[tilespmem:$0x1FFE0] =	vst v63;
	[dreg:$0x9] =	wrdreg s1;
	s1 =	sadd.s32 s3, s31  }
0xf: {  	p0 =	sgt.u32 s2, $0x14;
	s2 =	simm.s32 $0x0;
	[dreg:$0xa] =	wrdreg s1;
	[tilespmem:$0x1FFF0] =	vst v0  }
.LBB2_15:
0x10: {  	s0 =	simm.s32 @p0 $0x0;
	s1 =	simm.s32 @p0 $0xC300;
	s2 =	rddreg [dreg:$0xa]  }
0x11: {  	[hbm4b:s2+s0] =	stream.linear.scatter @p0 [tilespmem:s1], [sflag:$0x3], $0xC20, $0x38;
	[tilespmem:$0xD780] =	vst v63  }
0x12: {  	s0 =	simm.s32 @p0 $0x3  }
0x13: {  	_ =	swait.ge @p0 [sflag:s0], $0xC20  }
0x14: {  	[sflag:s0] =	ssyncset.done @p0 $0x0  }
0x15: {  	s1 =	simm.s32 @!p0 $0xC300;
	[sflag:s0] =	ssyncadd.s32 @p0 $0xFFFFF3E0;
	s0 =	simm.s32 @!p0 $0x0  }
0x16: {  	[hbm4b:s2+s0] =	stream.linear.scatter @!p0 [tilespmem:s1], [sflag:$0x3], $0xC40, $0x38;
	[tilespmem:$0xD780] =	vst v63  }
0x17: {  	s0 =	simm.s32 @!p0 $0x3  }
0x18: {  	_ =	swait.ge @!p0 [sflag:s0], $0xC40  }
0x19: {  	s30 =	rddreg [dreg:$0xc]  }
0x1a: {  	s31 =	rddreg [dreg:$0xb];
	s2 =	sadd.s32 $0x1, s30  }
0x1b: {  	p1 =	sne.s32 s2, s31  }
.Ltmp1:
0x1c: {  	_ = 	snop;
	(pc) =	sbr.rel @!p1 .LBB2_16-.Ltmp1, $3  }
0x1d: {  	_ =	sdelay $0x1  }
0x1e: {  	[sflag:s0] =	ssyncset.done @!p0 $0x0  }
0x1f: {  	[sflag:s0] =	ssyncadd.s32 @!p0 $0xFFFFF3C0  }
.LBB2_1:
0x20: {  	[dreg:$0xc] =	wrdreg s2  }
0x21: {  	s0 =	rddreg [dreg:$0x1]  }
0x22: {  	s1 =	simm.s32 $0x0;
	s29 =	simm.s32 $0xC000;
	s30 =	simm.s32 $0x3  }
0x23: {  	[tilespmem:s29], [sflag:$0x3] =	stream.linear.gather [hbm4b:s0+s1], $0x300, $0x38;
	[tilespmem:$0xD780] =	vst v63  }
0x24: {  	_ =	swait.ge [sflag:s30], $0x300  }
0x25: {  	[sflag:s30] =	ssyncset.done $0x0  }
0x26: {  	[sflag:s30] =	ssyncadd.s32 $0xFFFFFD00  }
0x27: {  	v0 =	vld [tilespmem:$0xC000]  }
0x28: {  	v1 =	vld [tilespmem:$0xC010];
	_ =	sdelay $0x1  }
0x29: {  	v2 =	vld [tilespmem:$0xC020];
	_ =	sdelay $0x1  }
0x2a: {  	v3 =	vld [tilespmem:$0xC030]  }
0x2b: {  	v0 =	vmul.f32 v0, v0;
	v1 =	vmul.f32 v1, v1  }
0x2c: {  	v5 =	vld [tilespmem:$0xC040]  }
0x2d: {  	v26 =	vmul.f32 v2, v2;
	v0 =	vadd.f32 v1, v0  }
0x2e: {  	v27 =	vld [tilespmem:$0xC050]  }
0x2f: {  	v28 =	vmul.f32 v3, v3;
	v0 =	vadd.f32 v26, v0  }
0x30: {  	v29 =	vld [tilespmem:$0xC060]  }
0x31: {  	v30 =	vmul.f32 v5, v5;
	v0 =	vadd.f32 v28, v0  }
0x32: {  	v31 =	vld [tilespmem:$0xC070]  }
0x33: {  	v32 =	vmul.f32 v27, v27;
	v0 =	vadd.f32 v30, v0  }
0x34: {  	v33 =	vld [tilespmem:$0xC080]  }
0x35: {  	v34 =	vmul.f32 v29, v29;
	v0 =	vadd.f32 v32, v0  }
0x36: {  	v35 =	vld [tilespmem:$0xC090]  }
0x37: {  	v36 =	vmul.f32 v31, v31;
	v0 =	vadd.f32 v34, v0  }
0x38: {  	v37 =	vld [tilespmem:$0xC0A0]  }
0x39: {  	v38 =	vmul.f32 v33, v33;
	v0 =	vadd.f32 v36, v0  }
0x3a: {  	v39 =	vld [tilespmem:$0xC0B0]  }
0x3b: {  	v40 =	vmul.f32 v35, v35;
	v0 =	vadd.f32 v38, v0  }
0x3c: {  	v41 =	vld [tilespmem:$0xC0C0]  }
0x3d: {  	v42 =	vmul.f32 v37, v37;
	v0 =	vadd.f32 v40, v0  }
0x3e: {  	v43 =	vld [tilespmem:$0xC0D0]  }
0x3f: {  	v44 =	vmul.f32 v39, v39;
	v0 =	vadd.f32 v42, v0  }
0x40: {  	v45 =	vld [tilespmem:$0xC0E0]  }
0x41: {  	v46 =	vmul.f32 v41, v41;
	v0 =	vadd.f32 v44, v0  }
0x42: {  	v47 =	vld [tilespmem:$0xC0F0]  }
0x43: {  	v48 =	vmul.f32 v43, v43;
	v0 =	vadd.f32 v46, v0  }
0x44: {  	v49 =	vld [tilespmem:$0xC100]  }
0x45: {  	v50 =	vmul.f32 v45, v45;
	v0 =	vadd.f32 v48, v0  }
0x46: {  	v51 =	vld [tilespmem:$0xC110]  }
0x47: {  	v52 =	vmul.f32 v47, v47;
	v0 =	vadd.f32 v50, v0  }
0x48: {  	v53 =	vld [tilespmem:$0xC120]  }
0x49: {  	v54 =	vmul.f32 v49, v49;
	v0 =	vadd.f32 v52, v0  }
0x4a: {  	v55 =	vld [tilespmem:$0xC130]  }
0x4b: {  	v56 =	vmul.f32 v51, v51;
	v0 =	vadd.f32 v54, v0  }
0x4c: {  	v57 =	vld [tilespmem:$0xC140]  }
0x4d: {  	v58 =	vmul.f32 v53, v53;
	v0 =	vadd.f32 v56, v0  }
0x4e: {  	v59 =	vld [tilespmem:$0xC150]  }
0x4f: {  	v60 =	vmul.f32 v55, v55;
	v0 =	vadd.f32 v58, v0  }
0x50: {  	v61 =	vld [tilespmem:$0xC160]  }
0x51: {  	v62 =	vmul.f32 v57, v57;
	v0 =	vadd.f32 v60, v0  }
0x52: {  	v63 =	vld [tilespmem:$0xC170]  }
0x53: {  	v7 =	vmul.f32 v59, v59;
	v0 =	vadd.f32 v62, v0  }
0x54: {  	v8 =	vld [tilespmem:$0xC180]  }
0x55: {  	v9 =	vmul.f32 v61, v61;
	v0 =	vadd.f32 v7, v0  }
0x56: {  	v10 =	vld [tilespmem:$0xC190]  }
0x57: {  	v11 =	vmul.f32 v63, v63;
	v0 =	vadd.f32 v9, v0  }
0x58: {  	v12 =	vld [tilespmem:$0xC1A0]  }
0x59: {  	v13 =	vmul.f32 v8, v8;
	v0 =	vadd.f32 v11, v0  }
0x5a: {  	v14 =	vld [tilespmem:$0xC1B0]  }
0x5b: {  	v15 =	vmul.f32 v10, v10;
	v0 =	vadd.f32 v13, v0  }
0x5c: {  	v16 =	vld [tilespmem:$0xC1C0]  }
0x5d: {  	v17 =	vmul.f32 v12, v12;
	v0 =	vadd.f32 v15, v0  }
0x5e: {  	v18 =	vld [tilespmem:$0xC1D0]  }
0x5f: {  	v19 =	vmul.f32 v14, v14;
	v0 =	vadd.f32 v17, v0  }
0x60: {  	v20 =	vld [tilespmem:$0xC1E0]  }
0x61: {  	v21 =	vmul.f32 v16, v16;
	v0 =	vadd.f32 v19, v0  }
0x62: {  	v22 =	vld [tilespmem:$0xC1F0]  }
0x63: {  	v23 =	vmul.f32 v18, v18;
	v0 =	vadd.f32 v21, v0  }
0x64: {  	v24 =	vld [tilespmem:$0xC200]  }
0x65: {  	v25 =	vmul.f32 v20, v20;
	v0 =	vadd.f32 v23, v0  }
0x66: {  	v26 =	vld [tilespmem:$0xC210]  }
0x67: {  	v27 =	vmul.f32 v22, v22;
	v0 =	vadd.f32 v25, v0  }
0x68: {  	v28 =	vld [tilespmem:$0xC220]  }
0x69: {  	v29 =	vmul.f32 v24, v24;
	v0 =	vadd.f32 v27, v0  }
0x6a: {  	v30 =	vld [tilespmem:$0xC230]  }
0x6b: {  	v31 =	vmul.f32 v26, v26;
	v0 =	vadd.f32 v29, v0  }
0x6c: {  	v32 =	vld [tilespmem:$0xC240]  }
0x6d: {  	v33 =	vmul.f32 v28, v28;
	v0 =	vadd.f32 v31, v0  }
0x6e: {  	v34 =	vld [tilespmem:$0xC250]  }
0x6f: {  	v35 =	vmul.f32 v30, v30;
	v0 =	vadd.f32 v33, v0  }
0x70: {  	v36 =	vld [tilespmem:$0xC260]  }
0x71: {  	v37 =	vmul.f32 v32, v32;
	v0 =	vadd.f32 v35, v0  }
0x72: {  	v38 =	vld [tilespmem:$0xC270]  }
0x73: {  	v39 =	vmul.f32 v34, v34;
	v0 =	vadd.f32 v37, v0  }
0x74: {  	v40 =	vld [tilespmem:$0xC280]  }
0x75: {  	v41 =	vmul.f32 v36, v36;
	v0 =	vadd.f32 v39, v0  }
0x76: {  	v42 =	vld [tilespmem:$0xC290]  }
0x77: {  	v43 =	vmul.f32 v38, v38;
	v0 =	vadd.f32 v41, v0  }
0x78: {  	v44 =	vld [tilespmem:$0xC2A0]  }
0x79: {  	v45 =	vmul.f32 v40, v40;
	v0 =	vadd.f32 v43, v0  }
0x7a: {  	v46 =	vld [tilespmem:$0xC2B0]  }
0x7b: {  	v47 =	vmul.f32 v42, v42;
	v0 =	vadd.f32 v45, v0  }
0x7c: {  	v48 =	vld [tilespmem:$0xC2C0]  }
0x7d: {  	v49 =	vmul.f32 v44, v44;
	v0 =	vadd.f32 v47, v0  }
0x7e: {  	v50 =	vld [tilespmem:$0xC2D0]  }
0x7f: {  	v51 =	vmul.f32 v46, v46;
	v0 =	vadd.f32 v49, v0  }
0x80: {  	v52 =	vld [tilespmem:$0xC2E0]  }
0x81: {  	v53 =	vmul.f32 v48, v48;
	v0 =	vadd.f32 v51, v0  }
0x82: {  	v54 =	vld [tilespmem:$0xC2F0]  }
0x83: {  	v55 =	vmul.f32 v50, v50;
	v0 =	vadd.f32 v53, v0  }
0x84: {  	v58 =	vld [tilespmem:$0x1FFB0]  }
0x85: {  	v56 =	vmul.f32 v52, v52;
	v0 =	vadd.f32 v55, v0;
	_ =	sdelay $0x1  }
0x86: {  	v57 =	vmul.f32 v54, v54;
	v0 =	vadd.f32 v56, v0;
	_ =	sdelay $0x1  }
0x87: {  	v0 =	vadd.f32 v57, v0;
	_ =	sdelay $0x1  }
0x88: {  	v59 =	vld [tilespmem:$0x1FFD0];
	[tilespmem:$0xCF80] =	vst v0  }
0x89: {  	v1 =	vld.idx.msk [tilespmem:v58+s14+$0x0], $0xffff;
	_ =	sdelay $0x4  }
0x8a: {  	v0 =	vadd.f32 v1, v0;
	_ =	sdelay $0x1  }
0x8b: {  	v60 =	vld [tilespmem:$0x1FFE0];
	[tilespmem:$0xCF80] =	vst v0  }
0x8c: {  	v1 =	vld.idx.msk [tilespmem:v59+s14+$0x0], $0xffff;
	_ =	sdelay $0x4  }
0x8d: {  	v0 =	vadd.f32 v1, v0;
	_ =	sdelay $0x1  }
0x8e: {  	v61 =	vld [tilespmem:$0x1FFC0];
	[tilespmem:$0xCF80] =	vst v0  }
0x8f: {  	v1 =	vld.idx.msk [tilespmem:v60+s14+$0x0], $0xffff;
	_ =	sdelay $0x4  }
0x90: {  	v0 =	vadd.f32 v1, v0;
	_ =	sdelay $0x1  }
0x91: {  	[tilespmem:$0xCF80] =	vst v0  }
0x92: {  	v1 =	vld.idx.msk [tilespmem:v61+s14+$0x0], $0xffff;
	_ =	sdelay $0x4  }
0x93: {  	v0 =	vadd.f32 v1, v0;
	_ =	sdelay $0x1  }
0x94: {  	v1 =	vmax.f32 v0, $1.000000000e-30  }
0x95: {  	v62 =	vshrl.u32 v1, $0x1;
	v1 =	vmul.f32 $5.000000000e-01, v1  }
0x96: {  	v2 =	vsub.s32 $0x5F3759DF, v62  }
0x97: {  	v63 =	vmul.f32 v2, v1;
	_ =	sdelay $0x1  }
0x98: {  	v3 =	vmul.f32 v2, v63;
	_ =	sdelay $0x1  }
0x99: {  	v3 =	vsub.f32 $1.500000000e+00, v3;
	_ =	sdelay $0x1  }
0x9a: {  	v2 =	vmul.f32 v2, v3;
	_ =	sdelay $0x1  }
0x9b: {  	v3 =	vmul.f32 v2, v1;
	_ =	sdelay $0x1  }
0x9c: {  	v3 =	vmul.f32 v3, v2;
	_ =	sdelay $0x1  }
0x9d: {  	v3 =	vsub.f32 $1.500000000e+00, v3;
	_ =	sdelay $0x1  }
0x9e: {  	v2 =	vmul.f32 v3, v2;
	_ =	sdelay $0x1  }
0x9f: {  	v1 =	vmul.f32 v2, v1;
	_ =	sdelay $0x1  }
0xa0: {  	v1 =	vmul.f32 v1, v2;
	_ =	sdelay $0x1  }
0xa1: {  	v1 =	vsub.f32 $1.500000000e+00, v1;
	_ =	sdelay $0x1  }
0xa2: {  	v1 =	vmul.f32 v1, v2  }
.Ltmp2:
0xa3: {  	_ = 	snop;
	(pc) =	sbr.rel .LBB2_2-.Ltmp2, $4  }
0xa4: {  	v0 =	vmul.f32 v1, v0  }
0xa5: {  	s31 =	rddreg [dreg:$0x6]  }
0xa6: {  	[tilespmem:s1], [sflag:$0x1] =	stream.linear.gather [hbm4b:s31+s1], $0x6000, $0x38;
	v0 =	vmax.f32 v0, $9.999999930e-09;
	[tilespmem:$0xD780] =	vst v63  }
0xa7: {  	s18 =	simm.s32 $0x0;
	[tilespmem:$0x1FFA0] =	vst v0  }
.LBB2_14:
0xa8: {  	s18 =	sadd.s32 $0x1, s18  }
0xa9: {  	p1 =	sne.s32 s18, $0x31  }
.Ltmp3:
0xaa: {  	_ = 	snop;
	(pc) =	sbr.rel @!p1 .LBB2_15-.Ltmp3, $1  }
0xab: {  	_ =	sdelay $0x3  }
.LBB2_2:
0xac: {  	s19 =	sshll.u32 s18, $0x1  }
0xad: {  	p1 =	sge.u32 s19, s5  }
.Ltmp4:
0xae: {  	_ = 	snop;
	(pc) =	sbr.rel @p1 .LBB2_8-.Ltmp4, $1  }
0xaf: {  	_ =	sdelay $0x3  }
0xb0: {  	s0 =	rddreg [dreg:$0x4]  }
0xb1: {  	s1 =	rddreg [dreg:$0x7]  }
0xb2: {  	s0 =	sadd.s32 s0, s19;
	p1 =	sge.u32 s19, s1  }
0xb3: {  	s0 =	smul.u32 @!p1 $0xC00, s0  }
0xb4: {  	s31 =	simm.s32 $0x1;
	s1 =	rddreg [dreg:$0x9]  }
0xb5: {  	s2 =	simm.s32 @!p1 $0x6000;
	s0 =	sadd.s32 @!p1 s0, s1;
	s1 =	simm.s32 @!p1 $0x0  }
0xb6: {  	[tilespmem:s2], [sflag:$0x2] =	stream.linear.gather @!p1 [hbm4b:s0+s1], $0x6000, $0x38;
	[tilespmem:$0xD780] =	vst v63  }
0xb7: {  	s3 =	simm.s32 $0x0;
	_ =	swait.ge [sflag:s31], $0x6000  }
0xb8: {  	s4 =	sor.u32 s3, s3;
	s1 =	sand.u32 $0x3, s3;
	[sflag:s31] =	ssyncset.done $0x0  }
0xb9: {  	s2 =	simm.s32 $0xC000;
	s0 =	sshll.u32 s1, $0x5;
	[sflag:s31] =	ssyncadd.s32 $0xFFFFA000  }
0xba: {  	s5 =	sor.u32 $0x380, s4;
	s0 =	sadd.s32 $0x0, s0;
	v6 =	vld [tilespmem:s2+$0x0]  }
0xbb: {  	s21 =	sand.u32 $0x60, s3;
	s9 =	sand.u32 $0x1C00, s3;
	s6 =	sor.u32 $0x300, s0;
	v0 =	vld [tilespmem:s5+$0x0]  }
0xbc: {  	s12 =	sor.u32 s21, s9;
	v1 =	vld [tilespmem:s6+$0x0]  }
0xbd: {  	v3 =	vld [tilespmem:s12+$0x0]  }
0xbe: {  	s20 =	sor.u32 $0x10, s21;
	v5 =	vld [tilespmem:s12+$0x80]  }
0xbf: {  	s13 =	sor.u32 s20, s9;
	v9 =	vld [tilespmem:s12+$0x180]  }
0xc0: {  	s15 =	sadd.s32 $0x1980, s9;
	v15 =	vld [tilespmem:s13+$0x180]  }
0xc1: {  	s11 =	sor.u32 s20, s15;
	v17 =	vld [tilespmem:s13+$0x0]  }
0xc2: {  	s16 =	sadd.s32 $0x1B00, s9;
	v30 =	vld [tilespmem:s11+$0x0]  }
0xc3: {  	s17 =	sor.u32 s21, s16;
	s3 =	sand.u32 $0x380, s3;
	v34 =	vld [tilespmem:s13+$0x280]  }
0xc4: {  	s3 =	sor.u32 s20, s3;
	s7 =	sadd.s32 $0x10, s0;
	v25 =	vld [tilespmem:s17+$0x0];
	v13 =	vmul.f32 v0, v0  }
0xc5: {  	s8 =	sor.u32 $0x380, s7;
	v43 =	vld [tilespmem:s3+$0xC000];
	v18 =	vmul.f32 v1, v1;
	v1 =	vmul.f32 v1, v6  }
0xc6: {  	s1 =	sor.u32 $0x300, s7;
	s6 =	sadd.s32 $0x1B80, s9;
	v7 =	vld [tilespmem:s8+$0x0];
	v0 =	vmul.f32 v0, v6;
	v19 =	vmul.f32 v3, v3  }
0xc7: {  	v8 =	vld [tilespmem:s1+$0x0];
	s7 =	sor.u32 s21, s6;
	v23 =	vmul.f32 v5, v6;
	v31 =	vmul.f32 v9, v9  }
0xc8: {  	v12 =	vld [tilespmem:s7+$0x0];
	v3 =	vmul.f32 v3, v6;
	v5 =	vmul.f32 v5, v5  }
0xc9: {  	s24 =	sadd.s32 $0x1A80, s9;
	v2 =	vld [tilespmem:s12+$0x280];
	s6 =	sor.u32 s20, s6;
	v9 =	vmul.f32 v9, v6;
	v28 =	vmul.f32 v30, v30  }
0xca: {  	s25 =	sadd.s32 $0x1A00, s9;
	s26 =	sor.u32 s21, s24;
	v29 =	vld [tilespmem:s6+$0x0];
	v32 =	vmul.f32 v34, v34;
	v33 =	vmul.f32 v25, v25  }
0xcb: {  	v21 =	vimm.f32 $0.0e+00;
	s22 =	sadd.s32 $0x1880, s9;
	s28 =	sor.u32 s21, s25;
	v46 =	vld [tilespmem:s26+$0x0];
	v48 =	vmul.f32 v17, v17;
	v54 =	vmul.f32 v15, v43  }
0xcc: {  	s30 =	sor.u32 s20, s22;
	v47 =	vld [tilespmem:s28+$0x0];
	v14 =	vmul.f32 v7, v7;
	v16 =	vmul.f32 v8, v8;
	v13 =	vadd.f32 v13, v21  }
0xcd: {  	v37 =	vld [tilespmem:s30+$0x0];
	v26 =	vmul.f32 v12, v6;
	v12 =	vmul.f32 v12, v12  }
0xce: {  	v11 =	vld [tilespmem:s13+$0x200];
	s8 =	sadd.s32 $0x1900, s9;
	v55 =	vadd.f32 v14, v13;
	v13 =	vadd.f32 v0, v21;
	v0 =	vmul.f32 v2, v6  }
0xcf: {  	v44 =	vld [tilespmem:s13+$0x80];
	s10 =	sor.u32 s20, s8;
	v18 =	vadd.f32 v18, v21;
	v35 =	vadd.f32 v23, v21;
	v23 =	vmul.f32 v29, v29  }
0xd0: {  	v10 =	vld [tilespmem:s10+$0x0];
	s10 =	sor.u32 s20, s16;
	v20 =	vadd.f32 v0, v21;
	v0 =	vmul.f32 v2, v2;
	v2 =	vadd.f32 v12, v21  }
0xd1: {  	s7 =	sor.u32 s21, s15;
	v50 =	vmul.f32 v46, v46;
	v60 =	vmul.f32 v30, v43;
	v4 =	vadd.f32 v16, v18;
	v16 =	vld [tilespmem:s10+$0x0]  }
0xd2: {  	v41 =	vld [tilespmem:s7+$0x0];
	s7 =	sor.u32 s20, s25;
	v30 =	vmul.f32 v47, v47;
	v56 =	vmul.f32 v37, v43;
	v2 =	vadd.f32 v23, v2  }
0xd3: {  	s23 =	sor.u32 s21, s22;
	v51 =	vld [tilespmem:s7+$0x0];
	v40 =	vadd.f32 v19, v21;
	v19 =	vmul.f32 v25, v6;
	v45 =	vadd.f32 v9, v21  }
0xd4: {  	v57 =	vadd.f32 v1, v21;
	v63 =	vadd.f32 v3, v21;
	v18 =	vld [tilespmem:s23+$0x0];
	[tilespmem:$0x1FF40] =	vst v2;
	v2 =	vmul.f32 v11, v11  }
0xd5: {  	v42 =	vadd.f32 v5, v21;
	v5 =	vadd.f32 v31, v21;
	v3 =	vmul.f32 v34, v43;
	v14 =	vld [tilespmem:s13+$0x100]  }
0xd6: {  	v25 =	vmul.f32 v44, v43;
	v12 =	vld [tilespmem:s12+$0x200];
	v24 =	vmul.f32 v16, v16;
	[tilespmem:$0x1FF50] =	vst v2;
	v2 =	vadd.f32 v33, v21  }
0xd7: {  	s29 =	sor.u32 s20, s24;
	v22 =	vadd.f32 v30, v21;
	v30 =	vimm.f32 $0.0e+00;
	v34 =	vimm.f32 $0.0e+00  }
0xd8: {  	s8 =	sor.u32 s21, s8;
	v38 =	vmul.f32 v10, v10;
	v49 =	vmul.f32 v41, v6;
	[tilespmem:$0x1FF30] =	vst v4;
	v4 =	vld [tilespmem:s29+$0x0];
	v2 =	vadd.f32 v24, v2  }
0xd9: {  	v36 =	vld [tilespmem:s8+$0x0];
	v9 =	vadd.f32 v19, v21;
	v31 =	vmul.f32 v51, v51;
	v0 =	vadd.f32 v0, v21  }
0xda: {  	v53 =	vadd.f32 v25, v35;
	v39 =	vmul.f32 v14, v14;
	[tilespmem:$0x1FF70] =	vst v2;
	v2 =	vmul.f32 v15, v15  }
0xdb: {  	v0 =	vadd.f32 v32, v0;
	v32 =	vmul.f32 v18, v18;
	v19 =	vmul.f32 v12, v12  }
0xdc: {  	s0 =	sadd.s32 $0x1800, s9;
	v1 =	vmul.f32 v12, v6;
	v12 =	vadd.f32 v26, v21;
	v26 =	vld [tilespmem:s12+$0x100];
	v2 =	vadd.f32 v2, v5  }
0xdd: {  	s31 =	sor.u32 s21, s0;
	v35 =	vimm.f32 $0.0e+00;
	v11 =	vmul.f32 v11, v43;
	v61 =	vmul.f32 v4, v43;
	[tilespmem:$0x1FF60] =	vst v0  }
0xde: {  	v52 =	vld [tilespmem:s31+$0x0];
	v49 =	vadd.f32 v49, v21;
	v0 =	vmul.f32 v36, v6;
	[tilespmem:$0x1FF80] =	vst v2;
	v2 =	vmul.f32 v47, v6  }
0xdf: {  	v33 =	vadd.f32 v19, v21;
	v1 =	vadd.f32 v1, v21;
	v15 =	vmul.f32 v46, v6  }
0xe0: {  	v5 =	vmul.f32 v17, v43;
	v17 =	vmul.f32 v51, v43;
	v2 =	vadd.f32 v2, v21  }
0xe1: {  	v19 =	vmul.f32 v29, v43;
	v59 =	vmul.f32 v26, v26;
	v62 =	vadd.f32 v15, v21  }
0xe2: {  	v15 =	vadd.f32 v11, v1;
	v11 =	vadd.f32 v17, v2;
	v17 =	vmul.f32 v36, v36  }
0xe3: {  	v46 =	vimm.f32 $0.0e+00;
	v1 =	vmul.f32 v52, v6;
	v47 =	vadd.f32 v54, v45  }
0xe4: {  	v51 =	vmul.f32 v4, v4;
	v54 =	vadd.f32 v17, v21;
	v17 =	vadd.f32 v31, v22  }
0xe5: {  	s22 =	simm.s32 $0x100;
	s24 =	simm.s32 $0x20;
	s0 =	sor.u32 s20, s0;
	v1 =	vadd.f32 v1, v21;
	v45 =	vimm.f32 $0.0e+00;
	v2 =	vmul.f32 v26, v6  }
0xe6: {  	v58 =	vld [tilespmem:s0+$0x0];
	s21 =	simm.s32 $0xC020;
	s20 =	simm.s32 $0x0;
	s23 =	simm.s32 $0x1;
	v36 =	vimm.f32 $0.0e+00;
	v31 =	vimm.f32 $0.0e+00;
	[tilespmem:$0x1FF90] =	vst v17;
	v17 =	vimm.f32 $0.0e+00  }
.LBB2_4:
0xe7: {  	s0 =	sand.u32 $0x3, s23  }
0xe8: {  	s0 =	sshll.u32 s0, $0x5  }
0xe9: {  	v41 =	vmul.f32 v41, v41;
	s0 =	sadd.s32 s0, s22  }
0xea: {  	v24 =	vadd.f32 v50, v30;
	v25 =	vld [tilespmem:s21+$0x0];
	v50 =	vadd.f32 v5, v63;
	v5 =	vmul.f32 v7, v43;
	s2 =	sor.u32 $0x300, s0  }
0xeb: {  	v17 =	vadd.f32 v0, v17;
	v0 =	vmul.f32 v8, v43;
	v8 =	vmul.f32 v10, v43;
	s0 =	sadd.s32 $0x10, s0;
	v26 =	vld [tilespmem:s2+$0x0]  }
0xec: {  	v4 =	vld [tilespmem:$0x1FF30];
	v5 =	vadd.f32 v5, v13;
	v13 =	vadd.f32 v41, v31;
	s29 =	sor.u32 $0x380, s0;
	s0 =	sor.u32 $0x300, s0  }
0xed: {  	v17 =	vadd.f32 v8, v17;
	v8 =	vld [tilespmem:s0+$0x0]  }
0xee: {  	v31 =	vadd.f32 v28, v13;
	v13 =	vadd.f32 v59, v35;
	_ =	sdelay $0x1  }
0xef: {  	v35 =	vadd.f32 v39, v13;
	v13 =	vmul.f32 v26, v26;
	_ =	sdelay $0x1  }
0xf0: {  	v18 =	vmul.f32 v18, v6;
	v6 =	vmovc v25;
	v25 =	vmul.f32 v8, v8;
	v22 =	vadd.f32 v13, v4;
	_ =	sdelay $0x1  }
0xf1: {  	v4 =	vadd.f32 v25, v22  }
0xf2: {  	s13 =	sand.u32 $0x1C00, s22  }
0xf3: {  	s12 =	sand.u32 $0x60, s24;
	s17 =	sadd.s32 $0x1B80, s13;
	v10 =	vmul.f32 v58, v43;
	[tilespmem:$0x1FF30] =	vst v4;
	v4 =	vld [tilespmem:$0x1FF50]  }
0xf4: {  	s1 =	sor.u32 s22, s24;
	s4 =	sor.u32 s12, s17  }
0xf5: {  	s1 =	sor.u32 $0x380, s1;
	v0 =	vadd.f32 v0, v57;
	v57 =	vld [tilespmem:s4+$0x0];
	v1 =	vadd.f32 v10, v1  }
0xf6: {  	s25 =	sor.u32 s12, s13;
	v63 =	vld [tilespmem:s1+$0x0]  }
0xf7: {  	[tilespmem:$0x1FF20] =	vst v1;
	v1 =	vadd.f32 v61, v62;
	v62 =	vld [tilespmem:s25+$0x0]  }
0xf8: {  	v52 =	vmul.f32 v52, v52;
	v20 =	vadd.f32 v3, v20;
	v33 =	vadd.f32 v4, v33;
	v4 =	vld [tilespmem:$0x1FF40]  }
0xf9: {  	v16 =	vmul.f32 v16, v43;
	v37 =	vmul.f32 v37, v37;
	v54 =	vadd.f32 v38, v54;
	v38 =	vld [tilespmem:s25+$0x280]  }
0xfa: {  	v40 =	vadd.f32 v48, v40;
	s3 =	sor.u32 $0x10, s12;
	v32 =	vadd.f32 v32, v34;
	v48 =	vmul.f32 v57, v57  }
0xfb: {  	s28 =	sor.u32 s3, s13;
	v36 =	vadd.f32 v52, v36;
	v39 =	vmul.f32 v26, v6;
	v26 =	vmul.f32 v63, v6  }
0xfc: {  	v34 =	vadd.f32 v37, v32;
	v32 =	vmul.f32 v62, v62;
	v52 =	vmul.f32 v62, v6;
	v62 =	vld [tilespmem:s28+$0x280]  }
0xfd: {  	v14 =	vmul.f32 v14, v43;
	v2 =	vadd.f32 v2, v46;
	v23 =	vadd.f32 v48, v4;
	v4 =	vld [tilespmem:$0x1FF60]  }
0xfe: {  	v13 =	vadd.f32 v26, v5;
	v5 =	vadd.f32 v16, v9;
	v9 =	vmul.f32 v38, v6  }
0xff: {  	v30 =	vadd.f32 v51, v24;
	v51 =	vld [tilespmem:s28+$0x200]  }
0x100: {  	s31 =	sadd.s32 $0x1B00, s13;
	s9 =	sor.u32 s3, s17;
	v46 =	vadd.f32 v14, v2;
	v14 =	vld [tilespmem:s28+$0x100];
	v20 =	vadd.f32 v9, v20;
	v9 =	vmul.f32 v38, v38  }
0x101: {  	v3 =	vmul.f32 v44, v44;
	s8 =	sadd.s32 $0x1980, s13;
	v49 =	vadd.f32 v60, v49;
	s10 =	sor.u32 s12, s31;
	v60 =	vld [tilespmem:s9+$0x0]  }
0x102: {  	s17 =	sor.u32 s12, s8;
	v27 =	vld [tilespmem:s10+$0x0];
	v25 =	vmul.f32 v62, v62;
	v9 =	vadd.f32 v9, v4  }
0x103: {  	v3 =	vadd.f32 v3, v42;
	v41 =	vld [tilespmem:s17+$0x0];
	v42 =	vmul.f32 v58, v58  }
0x104: {  	v28 =	vld [tilespmem:s25+$0x80];
	v9 =	vadd.f32 v25, v9  }
0x105: {  	v36 =	vadd.f32 v42, v36;
	v42 =	vld [tilespmem:s25+$0x200];
	v10 =	vmul.f32 v63, v63  }
0x106: {  	v18 =	vadd.f32 v18, v45;
	[tilespmem:$0x1FF60] =	vst v9;
	v9 =	vld [tilespmem:$0x1FF70]  }
0x107: {  	v43 =	vld [tilespmem:s25+$0x180];
	v10 =	vadd.f32 v10, v55;
	v55 =	vmul.f32 v60, v60  }
0x108: {  	v12 =	vadd.f32 v19, v12;
	s8 =	sor.u32 s3, s8;
	v58 =	vld [tilespmem:s28+$0x180];
	v45 =	vadd.f32 v56, v18  }
0x109: {  	v56 =	vld [tilespmem:s8+$0x0];
	v19 =	vmul.f32 v57, v6;
	v48 =	vmul.f32 v27, v27;
	v21 =	vadd.f32 v55, v23  }
0x10a: {  	s11 =	sor.u32 s3, s31;
	v7 =	vld [tilespmem:s29+$0x0];
	v57 =	vmul.f32 v27, v6;
	v61 =	vmul.f32 v28, v28  }
0x10b: {  	s16 =	sadd.s32 $0x1A80, s13;
	v16 =	vld [tilespmem:s11+$0x0];
	v23 =	vmul.f32 v42, v6;
	[tilespmem:$0x1FF40] =	vst v21;
	v21 =	vmul.f32 v51, v51;
	v26 =	vadd.f32 v48, v9  }
0x10c: {  	s15 =	sadd.s32 $0x1A00, s13;
	s29 =	sor.u32 s3, s16;
	s16 =	sor.u32 s12, s16;
	v9 =	vadd.f32 v57, v5;
	v5 =	vmul.f32 v42, v42;
	v42 =	vadd.f32 v61, v3;
	v3 =	vld [tilespmem:$0x1FF80]  }
0x10d: {  	s26 =	sand.u32 $0x380, s24;
	s0 =	sor.u32 s12, s15;
	v2 =	vmul.f32 v43, v43;
	v43 =	vmul.f32 v43, v6;
	v22 =	vld [tilespmem:s16+$0x0]  }
0x10e: {  	s1 =	sor.u32 s3, s26;
	v18 =	vmul.f32 v28, v6;
	[tilespmem:$0x1FF50] =	vst v21;
	v21 =	vld [tilespmem:s0+$0x0]  }
0x10f: {  	s30 =	sadd.s32 $0x1880, s13;
	s31 =	sor.u32 s3, s15;
	v47 =	vadd.f32 v43, v47;
	v43 =	vld [tilespmem:s1+$0xC000]  }
0x110: {  	s6 =	sadd.s32 $0x1800, s13;
	s7 =	sadd.s32 $0x1900, s13;
	s2 =	sor.u32 s12, s30;
	v24 =	vmul.f32 v7, v7;
	v28 =	vmul.f32 v56, v56;
	v53 =	vadd.f32 v18, v53;
	v25 =	vld [tilespmem:s31+$0x0]  }
0x111: {  	s26 =	sor.u32 s3, s6;
	s15 =	sor.u32 s3, s30;
	s3 =	sor.u32 s3, s7;
	v18 =	vld [tilespmem:s2+$0x0];
	v33 =	vadd.f32 v5, v33;
	v5 =	vmul.f32 v58, v58;
	v2 =	vadd.f32 v2, v3  }
0x112: {  	v29 =	vadd.f32 v24, v10;
	v10 =	vld [tilespmem:s3+$0x0];
	v63 =	vadd.f32 v52, v50;
	v50 =	vmul.f32 v22, v22  }
0x113: {  	s13 =	sor.u32 s12, s7;
	v59 =	vld [tilespmem:s28+$0x0];
	v22 =	vmul.f32 v22, v6;
	v2 =	vadd.f32 v5, v2;
	v5 =	vmul.f32 v21, v6  }
0x114: {  	v12 =	vadd.f32 v19, v12;
	v24 =	vmul.f32 v41, v6;
	v4 =	vld [tilespmem:s13+$0x0];
	v3 =	vmul.f32 v62, v43  }
0x115: {  	v62 =	vadd.f32 v22, v1;
	v22 =	vmul.f32 v25, v43;
	v11 =	vadd.f32 v5, v11  }
0x116: {  	v44 =	vld [tilespmem:s28+$0x80];
	v49 =	vadd.f32 v24, v49;
	v40 =	vadd.f32 v32, v40;
	v32 =	vmul.f32 v18, v18  }
0x117: {  	v38 =	vmul.f32 v10, v10;
	v55 =	vmul.f32 v16, v16;
	v11 =	vadd.f32 v22, v11;
	v22 =	vld [tilespmem:$0x1FF90]  }
0x118: {  	v37 =	vld [tilespmem:s15+$0x0];
	v24 =	vmul.f32 v25, v25;
	v57 =	vadd.f32 v39, v0;
	v48 =	vmul.f32 v59, v59  }
0x119: {  	s5 =	sor.u32 s12, s6;
	v0 =	vmul.f32 v4, v6;
	v39 =	vmul.f32 v14, v14;
	v19 =	vadd.f32 v55, v26;
	v26 =	vld [tilespmem:s29+$0x0]  }
0x11a: {  	v52 =	vld [tilespmem:s5+$0x0];
	v4 =	vmul.f32 v4, v4;
	v21 =	vmul.f32 v21, v21  }
0x11b: {  	s20 =	sadd.s32 $0x2, s20;
	v27 =	vld [tilespmem:s25+$0x100];
	v55 =	vmul.f32 v58, v43;
	v58 =	vmul.f32 v44, v43  }
0x11c: {  	p1 =	slt.u32 s20, $0x2E;
	v54 =	vadd.f32 v4, v54;
	[tilespmem:$0x1FF70] =	vst v19;
	v19 =	vmul.f32 v60, v43;
	v21 =	vadd.f32 v21, v22;
	v22 =	vld [tilespmem:$0x1FF20]  }
.Ltmp5:
0x11d: {  	v60 =	vmul.f32 v56, v43;
	v1 =	vmul.f32 v51, v43;
	[tilespmem:$0x1FF80] =	vst v2;
	v2 =	vadd.f32 v23, v15;
	(pc) =	sbr.rel @p1 .LBB2_4-.Ltmp5, $4  }
0x11e: {  	v56 =	vmul.f32 v37, v43;
	v53 =	vadd.f32 v58, v53;
	v61 =	vmul.f32 v26, v43  }
0x11f: {  	v15 =	vadd.f32 v1, v2;
	v1 =	vmul.f32 v52, v6;
	v4 =	vadd.f32 v24, v21  }
0x120: {  	s21 =	sadd.s32 $0x20, s21;
	v47 =	vadd.f32 v55, v47;
	v55 =	vmovc v29;
	v51 =	vmul.f32 v26, v26;
	v5 =	vmul.f32 v59, v43  }
0x121: {  	s23 =	sadd.s32 $0x1, s23;
	s24 =	sadd.s32 $0x20, s24;
	s22 =	sadd.s32 $0x100, s22;
	v58 =	vld [tilespmem:s26+$0x0];
	v59 =	vmul.f32 v27, v27;
	v2 =	vmul.f32 v27, v6;
	[tilespmem:$0x1FF90] =	vst v4;
	v1 =	vadd.f32 v1, v22  }
0x122: {  	[tilespmem:$0xD000] =	vst v53  }
0x123: {  	v4 =	vadd.f32 v5, v63;
	[tilespmem:$0xD100] =	vst v47  }
0x124: {  	v5 =	vmul.f32 v14, v43;
	v3 =	vadd.f32 v3, v20;
	[tilespmem:$0xD180] =	vst v15;
	v2 =	vadd.f32 v2, v46  }
0x125: {  	[tilespmem:$0xCF80] =	vst v4;
	v4 =	vmul.f32 v8, v43  }
0x126: {  	v0 =	vadd.f32 v0, v17;
	[tilespmem:$0xD200] =	vst v3;
	v3 =	vmul.f32 v10, v43;
	v2 =	vadd.f32 v5, v2  }
0x127: {  	[tilespmem:$0xD580] =	vst v11;
	v5 =	vmul.f32 v18, v6;
	v6 =	vmul.f32 v58, v43;
	v4 =	vadd.f32 v4, v57  }
0x128: {  	v0 =	vadd.f32 v3, v0;
	[tilespmem:$0xD080] =	vst v2;
	v2 =	vmul.f32 v7, v43  }
0x129: {  	v7 =	vld [tilespmem:$0x1FFF0];
	v1 =	vadd.f32 v6, v1;
	[tilespmem:$0xD280] =	vst v4  }
0x12a: {  	[tilespmem:$0xD480] =	vst v0;
	v2 =	vadd.f32 v2, v13  }
0x12b: {  	v5 =	vadd.f32 v5, v45;
	v0 =	vadd.f32 v61, v62;
	[tilespmem:$0xD380] =	vst v1  }
0x12c: {  	v29 =	vld [tilespmem:$0x1FF50];
	v1 =	vadd.f32 v60, v49;
	[tilespmem:$0xD300] =	vst v2;
	v2 =	vmul.f32 v16, v43  }
0x12d: {  	v4 =	vadd.f32 v56, v5;
	[tilespmem:$0xD600] =	vst v0  }
0x12e: {  	[tilespmem:$0xD500] =	vst v1;
	v8 =	vor.u32 $0x1, v7;
	v1 =	vadd.f32 v2, v9  }
0x12f: {  	[tilespmem:$0xD400] =	vst v4;
	v10 =	vor.u32 $0x3, v7;
	v2 =	vadd.f32 v19, v12  }
0x130: {  	v11 =	vor.u32 $0x4, v7;
	[tilespmem:$0xD680] =	vst v1  }
0x131: {  	v33 =	vadd.f32 v29, v33;
	v29 =	vld [tilespmem:$0x1FF80];
	v13 =	vor.u32 $0x6, v7;
	[tilespmem:$0xD700] =	vst v2  }
0x132: {  	v14 =	vor.u32 $0x7, v7;
	v0 =	vld.idx.msk [tilespmem:v7+s14+$0x0], $0xffff  }
0x133: {  	v61 =	vor.u32 $0x8, v7;
	v1 =	vld.idx.msk [tilespmem:v8+s14+$0x0], $0xffff  }
0x134: {  	v16 =	vor.u32 $0x9, v7;
	v3 =	vld.idx.msk [tilespmem:v10+s14+$0x0], $0xffff  }
0x135: {  	v17 =	vor.u32 $0xA, v7;
	v4 =	vld.idx.msk [tilespmem:v11+s14+$0x0], $0xffff  }
0x136: {  	v18 =	vor.u32 $0xB, v7;
	v6 =	vld.idx.msk [tilespmem:v13+s14+$0x0], $0xffff  }
0x137: {  	v62 =	vor.u32 $0xC, v7;
	v21 =	vld.idx.msk [tilespmem:v14+s14+$0x0], $0xffff  }
0x138: {  	v63 =	vor.u32 $0xD, v7;
	v22 =	vld.idx.msk [tilespmem:v61+s14+$0x0], $0xffff  }
0x139: {  	v20 =	vor.u32 $0xF, v7;
	v23 =	vld.idx.msk [tilespmem:v16+s14+$0x0], $0xffff  }
0x13a: {  	v9 =	vor.u32 $0x2, v7;
	v24 =	vld.idx.msk [tilespmem:v17+s14+$0x0], $0xffff  }
0x13b: {  	v12 =	vor.u32 $0x5, v7;
	v25 =	vld.idx.msk [tilespmem:v18+s14+$0x0], $0xffff  }
0x13c: {  	v19 =	vor.u32 $0xE, v7;
	v26 =	vld.idx.msk [tilespmem:v62+s14+$0x0], $0xffff  }
0x13d: {  	v27 =	vmul.f32 v44, v44;
	v49 =	vld.idx.msk [tilespmem:v63+s14+$0x0], $0xffff  }
0x13e: {  	v56 =	vld.idx.msk [tilespmem:v20+s14+$0x0], $0xffff  }
0x13f: {  	v27 =	vadd.f32 v27, v42;
	v2 =	vld.idx.msk [tilespmem:v9+s14+$0x0], $0xffff  }
0x140: {  	v5 =	vld.idx.msk [tilespmem:v12+s14+$0x0], $0xffff  }
0x141: {  	v53 =	vld.idx.msk [tilespmem:v19+s14+$0x0], $0xffff;
	[tilespmem:$0xD000] =	vst v27;
	v27 =	vmul.f32 v52, v52;
	_ =	sdelay $0x1  }
0x142: {  	[tilespmem:$0xD100] =	vst v29;
	v29 =	vmul.f32 v58, v58;
	v27 =	vadd.f32 v27, v36;
	_ =	sdelay $0x1  }
0x143: {  	v27 =	vadd.f32 v29, v27;
	v29 =	vld [tilespmem:$0x1FF30];
	_ =	sdelay $0x1  }
0x144: {  	v40 =	vadd.f32 v48, v40;
	[tilespmem:$0xD380] =	vst v27;
	v27 =	vadd.f32 v50, v30  }
0x145: {  	v35 =	vadd.f32 v59, v35  }
0x146: {  	v59 =	vld [tilespmem:$0x1FF60];
	v57 =	vmul.f32 v41, v41;
	[tilespmem:$0xCF80] =	vst v40;
	v27 =	vadd.f32 v51, v27  }
0x147: {  	v35 =	vadd.f32 v39, v35;
	[tilespmem:$0xD280] =	vst v29  }
0x148: {  	v29 =	vadd.f32 v57, v31;
	[tilespmem:$0xD600] =	vst v27;
	v27 =	vld [tilespmem:$0x1FF70]  }
0x149: {  	[tilespmem:$0xD080] =	vst v35  }
0x14a: {  	[tilespmem:$0xD180] =	vst v33;
	v28 =	vadd.f32 v28, v29  }
0x14b: {  	[tilespmem:$0xD200] =	vst v59  }
0x14c: {  	v32 =	vadd.f32 v32, v34;
	v58 =	vmul.f32 v37, v37;
	[tilespmem:$0xD500] =	vst v28;
	v28 =	vld [tilespmem:$0x1FF90]  }
0x14d: {  	v60 =	vadd.f32 v38, v54;
	[tilespmem:$0xD680] =	vst v27;
	v27 =	vld [tilespmem:$0x1FF40]  }
0x14e: {  	[tilespmem:$0xD300] =	vst v55;
	v31 =	vadd.f32 v58, v32  }
0x14f: {  	[tilespmem:$0xD480] =	vst v60  }
0x150: {  	[tilespmem:$0xD400] =	vst v31  }
0x151: {  	[tilespmem:$0xD580] =	vst v28  }
0x152: {  	[tilespmem:$0xD700] =	vst v27  }
0x153: {  	v27 =	vld.idx.msk [tilespmem:v7+s14+$0x0], $0xffff;
	_ =	sdelay $0x1  }
0x154: {  	v28 =	vld.idx.msk [tilespmem:v8+s14+$0x0], $0xffff;
	_ =	sdelay $0x1  }
0x155: {  	v29 =	vld.idx.msk [tilespmem:v9+s14+$0x0], $0xffff  }
0x156: {  	v27 =	vadd.f32 $0.0e+00, v27  }
0x157: {  	v30 =	vld.idx.msk [tilespmem:v10+s14+$0x0], $0xffff  }
0x158: {  	v27 =	vadd.f32 v28, v27  }
0x159: {  	v28 =	vld.idx.msk [tilespmem:v11+s14+$0x0], $0xffff  }
0x15a: {  	v27 =	vadd.f32 v29, v27  }
0x15b: {  	v29 =	vld.idx.msk [tilespmem:v12+s14+$0x0], $0xffff  }
0x15c: {  	v27 =	vadd.f32 v30, v27  }
0x15d: {  	v30 =	vld.idx.msk [tilespmem:v13+s14+$0x0], $0xffff  }
0x15e: {  	v27 =	vadd.f32 v28, v27  }
0x15f: {  	v28 =	vld.idx.msk [tilespmem:v14+s14+$0x0], $0xffff  }
0x160: {  	v27 =	vadd.f32 v29, v27  }
0x161: {  	v29 =	vld.idx.msk [tilespmem:v61+s14+$0x0], $0xffff  }
0x162: {  	v27 =	vadd.f32 v30, v27  }
0x163: {  	v30 =	vld.idx.msk [tilespmem:v16+s14+$0x0], $0xffff  }
0x164: {  	v27 =	vadd.f32 v28, v27  }
0x165: {  	v28 =	vld.idx.msk [tilespmem:v17+s14+$0x0], $0xffff  }
0x166: {  	v27 =	vadd.f32 v29, v27  }
0x167: {  	v29 =	vld.idx.msk [tilespmem:v18+s14+$0x0], $0xffff  }
0x168: {  	v27 =	vadd.f32 v30, v27  }
0x169: {  	v30 =	vld.idx.msk [tilespmem:v62+s14+$0x0], $0xffff  }
0x16a: {  	v27 =	vadd.f32 v28, v27  }
0x16b: {  	v28 =	vld.idx.msk [tilespmem:v63+s14+$0x0], $0xffff  }
0x16c: {  	v27 =	vadd.f32 v29, v27  }
0x16d: {  	v29 =	vld.idx.msk [tilespmem:v19+s14+$0x0], $0xffff  }
0x16e: {  	v27 =	vadd.f32 v30, v27  }
0x16f: {  	v30 =	vld.idx.msk [tilespmem:v20+s14+$0x0], $0xffff  }
0x170: {  	v27 =	vadd.f32 v28, v27;
	_ =	sdelay $0x1  }
0x171: {  	v27 =	vadd.f32 v29, v27;
	_ =	sdelay $0x1  }
0x172: {  	v27 =	vadd.f32 v30, v27;
	_ =	sdelay $0x1  }
0x173: {  	v28 =	vmax.f32 v27, $1.000000000e-30  }
0x174: {  	v29 =	vshrl.u32 v28, $0x1;
	v28 =	vmul.f32 $5.000000000e-01, v28  }
0x175: {  	v29 =	vsub.s32 $0x5F3759DF, v29  }
0x176: {  	v30 =	vmul.f32 v29, v28;
	_ =	sdelay $0x1  }
0x177: {  	v30 =	vmul.f32 v29, v30;
	_ =	sdelay $0x1  }
0x178: {  	v30 =	vsub.f32 $1.500000000e+00, v30;
	_ =	sdelay $0x1  }
0x179: {  	v29 =	vmul.f32 v29, v30  }
0x17a: {  	v0 =	vadd.f32 $0.0e+00, v0  }
0x17b: {  	v30 =	vmul.f32 v29, v28  }
0x17c: {  	v0 =	vadd.f32 v1, v0  }
0x17d: {  	v1 =	vmul.f32 v30, v29  }
0x17e: {  	v0 =	vadd.f32 v2, v0  }
0x17f: {  	v1 =	vsub.f32 $1.500000000e+00, v1  }
0x180: {  	v0 =	vadd.f32 v3, v0  }
0x181: {  	v1 =	vmul.f32 v1, v29  }
0x182: {  	v0 =	vadd.f32 v4, v0  }
0x183: {  	v2 =	vmul.f32 v1, v28  }
0x184: {  	v0 =	vadd.f32 v5, v0  }
0x185: {  	v2 =	vmul.f32 v2, v1  }
0x186: {  	v0 =	vadd.f32 v6, v0  }
0x187: {  	v2 =	vsub.f32 $1.500000000e+00, v2  }
0x188: {  	v0 =	vadd.f32 v21, v0  }
0x189: {  	v1 =	vmul.f32 v2, v1;
	v2 =	vld [tilespmem:$0x1FFA0]  }
0x18a: {  	v0 =	vadd.f32 v22, v0  }
0x18b: {  	v1 =	vmul.f32 v1, v27  }
0x18c: {  	v0 =	vadd.f32 v23, v0  }
0x18d: {  	v1 =	vmax.f32 v1, $9.999999930e-09  }
0x18e: {  	v0 =	vadd.f32 v24, v0;
	v1 =	vmul.f32 v1, v2;
	_ =	sdelay $0x1  }
0x18f: {  	v0 =	vadd.f32 v25, v0;
	(erf) = vrcp.f32 v1;
	_ =	sdelay $0x1  }
0x190: {  	v0 =	vadd.f32 v26, v0;
	_ =	sdelay $0x1  }
0x191: {  	v0 =	vadd.f32 v49, v0;
	_ =	sdelay $0x1  }
0x192: {  	v0 =	vadd.f32 v53, v0;
	_ =	sdelay $0x1  }
0x193: {  	v0 =	vadd.f32 v56, v0  }
0x194: {  	v1 =	vpop (erf)  }
0x195: {  	s0 =	sshll.u32 s18, $0x6;
	s1 =	simm.s32 $0x0;
	v0 =	vmul.f32 v1, v0  }
0x196: {  	s0 =	sand.u32 $0x3FFFFFC0, s0;
	s22 =	sand.u32 $0x1C00, s1  }
0x197: {  	s15 =	simm.s32 $0xC000;
	s21 =	sand.u32 $0x60, s1;
	s4 =	sadd.s32 $0x4B80, s22;
	[tilespmem:s0+$0xC300] =	vst v0  }
0x198: {  	s3 =	sadd.s32 $0x3100, s22;
	s16 =	sor.u32 s21, s4;
	v33 =	vld [tilespmem:s15+$0x0]  }
0x199: {  	s7 =	sadd.s32 $0x4A00, s22;
	s6 =	sor.u32 s21, s3;
	v0 =	vld [tilespmem:s16+$0x0]  }
0x19a: {  	s2 =	sadd.s32 $0x3200, s22;
	s17 =	sor.u32 s21, s7;
	v1 =	vld [tilespmem:s6+$0x0]  }
0x19b: {  	s9 =	sadd.s32 $0x3280, s22;
	s8 =	sor.u32 s21, s2;
	v2 =	vld [tilespmem:s17+$0x0]  }
0x19c: {  	s25 =	sadd.s32 $0x4B00, s22;
	s10 =	sor.u32 s21, s9;
	v3 =	vld [tilespmem:s8+$0x0]  }
0x19d: {  	s26 =	sadd.s32 $0x3080, s22;
	s11 =	sor.u32 s21, s25;
	v5 =	vld [tilespmem:s10+$0x0]  }
0x19e: {  	s29 =	sadd.s32 $0x3000, s22;
	s23 =	sor.u32 $0x10, s21;
	s12 =	sor.u32 s21, s26;
	v6 =	vld [tilespmem:s11+$0x0]  }
0x19f: {  	s30 =	sor.u32 s23, s29;
	v22 =	vld [tilespmem:s12+$0x0];
	v23 =	vmul.f32 v0, v33;
	v0 =	vmul.f32 v0, v0  }
0x1a0: {  	s20 =	sadd.s32 $0x3180, s22;
	s4 =	sor.u32 s23, s4;
	v29 =	vld [tilespmem:s30+$0x0];
	v25 =	vmul.f32 v1, v1;
	v26 =	vmul.f32 v2, v2  }
0x1a1: {  	s24 =	sor.u32 s21, s20;
	v30 =	vld [tilespmem:s4+$0x0];
	v2 =	vmul.f32 v2, v33;
	v1 =	vmul.f32 v1, v33  }
0x1a2: {  	s31 =	sadd.s32 $0x3380, s22;
	v4 =	vld [tilespmem:s24+$0x0];
	s11 =	sor.u32 s21, s29;
	v27 =	vmul.f32 v3, v33;
	v3 =	vmul.f32 v3, v3  }
0x1a3: {  	s28 =	sadd.s32 $0x4980, s22;
	s5 =	sor.u32 s21, s31;
	[tilespmem:$0x1FEC0] =	vst v61;
	v31 =	vld [tilespmem:s11+$0x0];
	v28 =	vmul.f32 v6, v33;
	v6 =	vmul.f32 v6, v6  }
0x1a4: {  	s13 =	sor.u32 s21, s28;
	[tilespmem:$0x1FF00] =	vst v62;
	v32 =	vld [tilespmem:s5+$0x0];
	v61 =	vmul.f32 v22, v22;
	v62 =	vmul.f32 v5, v5  }
0x1a5: {  	s3 =	sor.u32 s23, s3;
	[tilespmem:$0x1FF10] =	vst v63;
	v24 =	vld [tilespmem:s13+$0x0];
	v63 =	vmul.f32 v22, v33;
	v5 =	vmul.f32 v5, v33  }
0x1a6: {  	[tilespmem:$0x1FEB0] =	vst v14;
	s10 =	sor.u32 s23, s28;
	v43 =	vld [tilespmem:s3+$0x0];
	v14 =	vmul.f32 v29, v29;
	v15 =	vmul.f32 v30, v30  }
0x1a7: {  	[tilespmem:$0x1FE80] =	vst v11;
	v21 =	vimm.f32 $0.0e+00;
	v34 =	vld [tilespmem:s10+$0x0];
	s10 =	sor.u32 s23, s25;
	v11 =	vmul.f32 v4, v4;
	v4 =	vmul.f32 v4, v33  }
0x1a8: {  	s1 =	sand.u32 $0x380, s1;
	[tilespmem:$0x1FEA0] =	vst v13;
	s13 =	sor.u32 s23, s31;
	v42 =	vld [tilespmem:s10+$0x0];
	v13 =	vmul.f32 v31, v33;
	v22 =	vmul.f32 v31, v31;
	v26 =	vadd.f32 v26, v21  }
0x1a9: {  	s1 =	sor.u32 s23, s1;
	s6 =	sor.u32 s23, s20;
	s20 =	sadd.s32 $0x4800, s22;
	v55 =	vld [tilespmem:s13+$0x0];
	v31 =	vmul.f32 v32, v33;
	v1 =	vadd.f32 v1, v21;
	v35 =	vadd.f32 v27, v21  }
0x1aa: {  	v54 =	vld [tilespmem:s1+$0xC000];
	s25 =	sor.u32 s21, s20;
	v32 =	vmul.f32 v32, v32;
	v3 =	vadd.f32 v3, v21;
	v27 =	vadd.f32 v2, v21  }
0x1ab: {  	s9 =	sor.u32 s23, s9;
	[tilespmem:$0x1FE90] =	vst v12;
	v12 =	vld [tilespmem:s25+$0x0];
	v2 =	vmul.f32 v24, v24;
	v6 =	vadd.f32 v6, v21;
	v0 =	vadd.f32 v0, v21  }
0x1ac: {  	s7 =	sor.u32 s23, s7;
	[tilespmem:$0x1FE70] =	vst v10;
	v48 =	vld [tilespmem:s9+$0x0];
	s11 =	sadd.s32 $0x4A80, s22;
	v24 =	vmul.f32 v24, v33;
	v37 =	vadd.f32 v62, v21;
	v38 =	vadd.f32 v23, v21  }
0x1ad: {  	[tilespmem:$0x1FE60] =	vst v9;
	v45 =	vld [tilespmem:s7+$0x0];
	s12 =	sor.u32 s23, s11;
	v9 =	vadd.f32 v25, v21;
	v25 =	vmul.f32 v34, v34;
	v10 =	vmul.f32 v42, v42  }
0x1ae: {  	s2 =	sor.u32 s23, s2;
	v47 =	vld [tilespmem:s12+$0x0];
	v36 =	vadd.f32 v61, v21;
	v56 =	vadd.f32 v5, v21;
	v5 =	vmul.f32 v55, v55  }
0x1af: {  	v49 =	vld [tilespmem:s2+$0x0];
	v61 =	vadd.f32 v63, v21;
	v41 =	vadd.f32 v11, v21;
	v60 =	vmul.f32 v42, v54  }
0x1b0: {  	s15 =	sadd.s32 $0x4880, s22;
	v62 =	vmul.f32 v12, v12;
	v11 =	vmul.f32 v43, v54;
	v22 =	vadd.f32 v22, v21  }
0x1b1: {  	v40 =	vld [tilespmem:s6+$0x0];
	s17 =	sor.u32 s21, s15;
	v53 =	vadd.f32 v31, v21;
	v31 =	vmul.f32 v48, v48;
	v32 =	vadd.f32 v32, v21  }
0x1b2: {  	[dreg:$0xd] =	wrdreg s0;
	s0 =	sor.u32 s23, s26;
	v51 =	vld [tilespmem:s17+$0x0];
	v2 =	vadd.f32 v2, v21;
	v52 =	vadd.f32 v24, v21;
	v24 =	vmul.f32 v45, v45  }
0x1b3: {  	v59 =	vld [tilespmem:s0+$0x0];
	v39 =	vmul.f32 v47, v54;
	v22 =	vadd.f32 v14, v22;
	v23 =	vadd.f32 v31, v37  }
0x1b4: {  	s16 =	sadd.s32 $0x4900, s22;
	s26 =	sor.u32 s21, s11;
	v14 =	vmul.f32 v49, v49;
	v31 =	vadd.f32 v24, v26;
	v25 =	vadd.f32 v25, v2  }
0x1b5: {  	s24 =	sor.u32 s23, s16;
	v7 =	vld [tilespmem:s26+$0x0];
	v2 =	vadd.f32 v13, v21;
	v26 =	vadd.f32 v10, v6;
	v6 =	vmul.f32 v43, v43  }
0x1b6: {  	s2 =	sor.u32 s23, s20;
	v58 =	vld [tilespmem:s24+$0x0];
	v13 =	vmul.f32 v29, v54;
	v24 =	vadd.f32 v5, v32;
	v5 =	vmul.f32 v40, v54  }
0x1b7: {  	v57 =	vld [tilespmem:s2+$0x0];
	v32 =	vadd.f32 v15, v0;
	v0 =	vmul.f32 v12, v33;
	v15 =	vmul.f32 v51, v33  }
0x1b8: {  	s28 =	sadd.s32 $0x3300, s22;
	s1 =	sor.u32 s21, s16;
	v63 =	vadd.f32 v11, v1;
	v10 =	vmul.f32 v40, v40;
	v12 =	vmul.f32 v59, v59  }
0x1b9: {  	[tilespmem:$0x1FE50] =	vst v8;
	s29 =	sor.u32 s21, s28;
	v8 =	vld [tilespmem:s1+$0x0];
	v59 =	vmul.f32 v59, v54;
	v50 =	vadd.f32 v14, v3;
	v29 =	vadd.f32 v6, v9  }
0x1ba: {  	v14 =	vmul.f32 v7, v33;
	v44 =	vadd.f32 v13, v2;
	v2 =	vadd.f32 v4, v21;
	v4 =	vld [tilespmem:s29+$0x0]  }
0x1bb: {  	s30 =	sor.u32 s23, s15;
	v6 =	vmul.f32 v58, v58;
	v3 =	vadd.f32 v15, v21;
	v37 =	vadd.f32 v10, v41  }
0x1bc: {  	s31 =	sor.u32 s23, s28;
	v13 =	vmul.f32 v57, v54;
	v40 =	vadd.f32 v5, v2;
	v2 =	vld [tilespmem:s30+$0x0];
	v5 =	vadd.f32 v0, v21  }
0x1bd: {  	v46 =	vadd.f32 v12, v36;
	v15 =	vmul.f32 v58, v54;
	v58 =	vmul.f32 v7, v7;
	v0 =	vld [tilespmem:s31+$0x0]  }
0x1be: {  	v42 =	vadd.f32 v13, v5;
	v5 =	vmul.f32 v8, v33;
	v8 =	vmul.f32 v8, v8  }
0x1bf: {  	v33 =	vmul.f32 v4, v33;
	v1 =	vmul.f32 v4, v4;
	v4 =	vadd.f32 v14, v21  }
0x1c0: {  	v41 =	vimm.f32 $0.0e+00;
	v12 =	vadd.f32 v5, v21;
	v8 =	vadd.f32 v8, v21  }
0x1c1: {  	v39 =	vadd.f32 v39, v4;
	v5 =	vmul.f32 v2, v54;
	v4 =	vmul.f32 v51, v51  }
0x1c2: {  	v13 =	vmul.f32 v0, v54;
	v14 =	vadd.f32 v33, v21;
	v51 =	vimm.f32 $0.0e+00  }
0x1c3: {  	[tilespmem:$0x1FED0] =	vst v16;
	v43 =	vadd.f32 v15, v12;
	v15 =	vmul.f32 v2, v2;
	v4 =	vadd.f32 v4, v21  }
0x1c4: {  	[tilespmem:$0x1FEE0] =	vst v17;
	s22 =	simm.s32 $0x100;
	v33 =	vadd.f32 v6, v8;
	v2 =	vmul.f32 v47, v47;
	v6 =	vmul.f32 v49, v54  }
0x1c5: {  	[tilespmem:$0x1FEF0] =	vst v18;
	s21 =	simm.s32 $0x0;
	s23 =	simm.s32 $0x20;
	s24 =	simm.s32 $0xC020;
	v47 =	vimm.f32 $0.0e+00;
	v49 =	vadd.f32 v13, v14;
	v36 =	vadd.f32 v15, v4  }
.LBB2_6:
0x1c6: {  	s29 =	sand.u32 $0x60, s23;
	s10 =	sand.u32 $0x1C00, s22;
	s0 =	sand.u32 $0x380, s23;
	v4 =	vadd.f32 v62, v21;
	v7 =	vadd.f32 v58, v47;
	v8 =	vmul.f32 v48, v54  }
0x1c7: {  	v61 =	vadd.f32 v59, v61;
	v21 =	vmul.f32 v55, v54;
	v59 =	vadd.f32 v5, v3;
	s1 =	sadd.s32 $0x3000, s10;
	s3 =	sadd.s32 $0x3100, s10;
	s12 =	sadd.s32 $0x4B80, s10  }
0x1c8: {  	v3 =	vadd.f32 v28, v51;
	v5 =	vmul.f32 v34, v54;
	v28 =	vmul.f32 v45, v54;
	s25 =	sadd.s32 $0x3080, s10;
	s31 =	sadd.s32 $0x3180, s10;
	v58 =	vld [tilespmem:s24+$0x0];
	s2 =	sor.u32 s29, s12  }
0x1c9: {  	v30 =	vmul.f32 v30, v54;
	s13 =	sadd.s32 $0x3200, s10;
	s17 =	sadd.s32 $0x4A00, s10;
	v6 =	vadd.f32 v6, v35;
	s4 =	sor.u32 s29, s3;
	v53 =	vadd.f32 v21, v53;
	v34 =	vld [tilespmem:s2+$0x0]  }
0x1ca: {  	v0 =	vmul.f32 v0, v0;
	s11 =	sor.u32 $0x10, s29;
	v21 =	vadd.f32 v1, v41;
	v51 =	vadd.f32 v60, v3;
	s2 =	sor.u32 s29, s13;
	v35 =	vld [tilespmem:s4+$0x0];
	s4 =	sor.u32 s29, s17  }
0x1cb: {  	s7 =	sadd.s32 $0x3280, s10;
	s8 =	sor.u32 s29, s31;
	v1 =	vadd.f32 v8, v56;
	v8 =	vmul.f32 v57, v57;
	v5 =	vadd.f32 v5, v52;
	v3 =	vld [tilespmem:s4+$0x0];
	s4 =	sadd.s32 $0x4B00, s10  }
0x1cc: {  	s9 =	sadd.s32 $0x3300, s10;
	v47 =	vadd.f32 v2, v7;
	v41 =	vadd.f32 v0, v21;
	v45 =	vld [tilespmem:s2+$0x0];
	s2 =	sor.u32 s29, s7;
	s6 =	sor.u32 s11, s4  }
0x1cd: {  	s15 =	sadd.s32 $0x4800, s10;
	v2 =	vadd.f32 v28, v27;
	v21 =	vadd.f32 v8, v4;
	s4 =	sor.u32 s29, s4;
	v0 =	vld [tilespmem:s8+$0x0];
	s8 =	sadd.s32 $0x3380, s10  }
0x1ce: {  	s16 =	sadd.s32 $0x4880, s10;
	s5 =	sadd.s32 $0x4980, s10;
	v38 =	vadd.f32 v30, v38;
	v4 =	vld [tilespmem:s2+$0x0];
	s2 =	sor.u32 s29, s15;
	v7 =	vmul.f32 v34, v58;
	v8 =	vmul.f32 v34, v34  }
0x1cf: {  	s20 =	sadd.s32 $0x4900, s10;
	s26 =	sor.u32 s29, s25;
	s30 =	sor.u32 s29, s5;
	v52 =	vmul.f32 v35, v35;
	v27 =	vld [tilespmem:s4+$0x0]  }
0x1d0: {  	s28 =	sor.u32 s11, s15;
	s10 =	sadd.s32 $0x4A80, s10;
	s4 =	sor.u32 s29, s8;
	v30 =	vld [tilespmem:s26+$0x0];
	v48 =	vmul.f32 v3, v58;
	v3 =	vmul.f32 v3, v3  }
0x1d1: {  	s15 =	sor.u32 s11, s10;
	v28 =	vmul.f32 v35, v58;
	s26 =	sor.u32 s29, s10;
	v54 =	vld [tilespmem:s30+$0x0];
	s30 =	sor.u32 s11, s1  }
0x1d2: {  	s10 =	sor.u32 s29, s1;
	s1 =	sor.u32 s11, s25;
	s25 =	sor.u32 s11, s9;
	v3 =	vadd.f32 v3, v31;
	v57 =	vld [tilespmem:s30+$0x0]  }
0x1d3: {  	s5 =	sor.u32 s11, s5;
	v63 =	vadd.f32 v28, v63;
	v34 =	vmul.f32 v45, v58;
	v45 =	vmul.f32 v45, v45;
	s30 =	sor.u32 s11, s16;
	v31 =	vld [tilespmem:s10+$0x0];
	s10 =	sor.u32 s29, s9  }
0x1d4: {  	s3 =	sor.u32 s11, s3;
	s9 =	sor.u32 s11, s12;
	v55 =	vld [tilespmem:s4+$0x0];
	v28 =	vmul.f32 v27, v58;
	v56 =	vmul.f32 v27, v27;
	s4 =	sor.u32 s11, s17  }
0x1d5: {  	s13 =	sor.u32 s11, s13;
	s7 =	sor.u32 s11, s7;
	v35 =	vadd.f32 v34, v6;
	v6 =	vmul.f32 v4, v4;
	s12 =	sor.u32 s11, s0;
	v60 =	vmul.f32 v30, v30;
	v34 =	vld [tilespmem:s5+$0x0]  }
0x1d6: {  	s8 =	sor.u32 s11, s8;
	v50 =	vadd.f32 v45, v50;
	v27 =	vadd.f32 v48, v2;
	v62 =	vmul.f32 v30, v58;
	s5 =	sor.u32 s29, s16;
	s16 =	sor.u32 s11, s20;
	v30 =	vld [tilespmem:s9+$0x0]  }
0x1d7: {  	s21 =	sadd.s32 $0x2, s21;
	s0 =	sor.u32 s29, s20;
	v2 =	vmul.f32 v4, v58;
	v4 =	vmul.f32 v54, v54;
	s9 =	sor.u32 s11, s31;
	v48 =	vld [tilespmem:s7+$0x0]  }
0x1d8: {  	p1 =	slt.u32 s21, $0x2E;
	v54 =	vmul.f32 v54, v58;
	v26 =	vadd.f32 v56, v26;
	v9 =	vld [tilespmem:s9+$0x0]  }
0x1d9: {  	v10 =	vmul.f32 v31, v58;
	v31 =	vmul.f32 v31, v31;
	v4 =	vadd.f32 v4, v25;
	v45 =	vld [tilespmem:s4+$0x0]  }
0x1da: {  	v8 =	vadd.f32 v8, v32;
	v32 =	vmul.f32 v57, v57;
	v25 =	vmul.f32 v55, v58;
	v11 =	vld [tilespmem:s6+$0x0]  }
0x1db: {  	v22 =	vadd.f32 v31, v22;
	v31 =	vmul.f32 v55, v55;
	v12 =	vld [tilespmem:s15+$0x0];
	v13 =	vmul.f32 v30, v30  }
0x1dc: {  	v6 =	vadd.f32 v6, v23;
	v53 =	vadd.f32 v25, v53;
	v23 =	vmul.f32 v48, v48;
	v55 =	vld [tilespmem:s8+$0x0]  }
0x1dd: {  	v38 =	vadd.f32 v7, v38;
	v25 =	vmul.f32 v34, v34;
	v22 =	vadd.f32 v32, v22;
	v7 =	vld [tilespmem:s13+$0x0]  }
0x1de: {  	v29 =	vadd.f32 v52, v29;
	v52 =	vadd.f32 v54, v5;
	v5 =	vld [tilespmem:s3+$0x0];
	v32 =	vmul.f32 v45, v45  }
0x1df: {  	v24 =	vadd.f32 v31, v24;
	v23 =	vadd.f32 v23, v6;
	v54 =	vld [tilespmem:s12+$0xC000];
	v6 =	vmul.f32 v11, v11  }
0x1e0: {  	v46 =	vadd.f32 v60, v46;
	v14 =	vld [tilespmem:s5+$0x0];
	v31 =	vadd.f32 v32, v3  }
0x1e1: {  	v56 =	vadd.f32 v2, v1;
	v25 =	vadd.f32 v25, v4;
	v1 =	vmul.f32 v55, v55;
	v2 =	vld [tilespmem:s16+$0x0]  }
0x1e2: {  	v4 =	vmul.f32 v0, v0;
	v3 =	vadd.f32 v10, v44;
	v26 =	vadd.f32 v6, v26;
	v10 =	vld [tilespmem:s2+$0x0]  }
0x1e3: {  	v61 =	vadd.f32 v62, v61;
	v6 =	vld [tilespmem:s10+$0x0];
	v32 =	vmul.f32 v5, v5;
	v24 =	vadd.f32 v1, v24  }
0x1e4: {  	v4 =	vadd.f32 v4, v37;
	v1 =	vmul.f32 v57, v54;
	v37 =	vmul.f32 v9, v54  }
0x1e5: {  	v16 =	vmul.f32 v12, v54;
	v60 =	vmul.f32 v11, v54;
	v15 =	vld [tilespmem:s0+$0x0];
	v29 =	vadd.f32 v32, v29  }
0x1e6: {  	v17 =	vmul.f32 v7, v7;
	v32 =	vadd.f32 v13, v8;
	v11 =	vld [tilespmem:s1+$0x0];
	v18 =	vmul.f32 v2, v2  }
0x1e7: {  	v13 =	vmul.f32 v14, v58;
	v44 =	vadd.f32 v1, v3;
	v8 =	vmul.f32 v10, v58;
	v57 =	vld [tilespmem:s28+$0x0]  }
0x1e8: {  	v0 =	vmul.f32 v0, v58;
	v50 =	vadd.f32 v17, v50;
	v62 =	vmul.f32 v10, v10;
	v10 =	vld [tilespmem:s26+$0x0]  }
0x1e9: {  	v9 =	vmul.f32 v9, v9;
	v2 =	vmul.f32 v2, v54;
	v3 =	vadd.f32 v13, v59  }
0x1ea: {  	v5 =	vmul.f32 v5, v54;
	v13 =	vadd.f32 v0, v40;
	v1 =	vmul.f32 v6, v6;
	v17 =	vld [tilespmem:s30+$0x0]  }
0x1eb: {  	v6 =	vmul.f32 v6, v58;
	v8 =	vadd.f32 v8, v42;
	v42 =	vmul.f32 v11, v11;
	v0 =	vld [tilespmem:s25+$0x0]  }
0x1ec: {  	v40 =	vadd.f32 v37, v13;
	v37 =	vadd.f32 v9, v4;
	v4 =	vmul.f32 v57, v54  }
0x1ed: {  	v9 =	vmul.f32 v15, v58;
	v13 =	vmul.f32 v10, v58;
	v46 =	vadd.f32 v42, v46  }
0x1ee: {  	v63 =	vadd.f32 v5, v63;
	v15 =	vmul.f32 v15, v15;
	v42 =	vadd.f32 v4, v8  }
0x1ef: {  	v59 =	vmul.f32 v11, v54;
	v4 =	vadd.f32 v13, v39;
	v5 =	vmul.f32 v17, v54  }
.Ltmp6:
0x1f0: {  	v9 =	vadd.f32 v9, v43;
	v8 =	vmul.f32 v14, v14;
	v11 =	vmul.f32 v0, v54;
	(pc) =	sbr.rel @p1 .LBB2_6-.Ltmp6, $4  }
0x1f1: {  	v58 =	vmul.f32 v10, v10;
	v13 =	vadd.f32 v15, v33;
	v39 =	vadd.f32 v16, v4  }
0x1f2: {  	v10 =	vmul.f32 v17, v17;
	v8 =	vadd.f32 v8, v36;
	v4 =	vadd.f32 v6, v49  }
0x1f3: {  	v43 =	vadd.f32 v2, v9;
	v2 =	vmul.f32 v12, v12;
	v33 =	vadd.f32 v18, v13  }
0x1f4: {  	s22 =	sadd.s32 $0x100, s22;
	s23 =	sadd.s32 $0x20, s23;
	s24 =	sadd.s32 $0x20, s24;
	v6 =	vmul.f32 v7, v54;
	v36 =	vadd.f32 v10, v8;
	v49 =	vadd.f32 v11, v4  }
0x1f5: {  	[tilespmem:$0xCF80] =	vst v44  }
0x1f6: {  	[tilespmem:$0xD080] =	vst v63  }
0x1f7: {  	v18 =	vmul.f32 v48, v54;
	[tilespmem:$0xD100] =	vst v40;
	v48 =	vadd.f32 v28, v51;
	v28 =	vld [tilespmem:$0x1FE50]  }
0x1f8: {  	v44 =	vmul.f32 v34, v54;
	[tilespmem:$0xD380] =	vst v42;
	v34 =	vld [tilespmem:$0x1FE70]  }
0x1f9: {  	v7 =	vmul.f32 v55, v54;
	[tilespmem:$0xD480] =	vst v43;
	v55 =	vld [tilespmem:$0x1FEC0]  }
0x1fa: {  	v4 =	vadd.f32 v59, v61;
	[tilespmem:$0xD600] =	vst v39;
	v59 =	vld [tilespmem:$0x1FEE0]  }
0x1fb: {  	v3 =	vadd.f32 v5, v3;
	v61 =	vld [tilespmem:$0x1FF00];
	[tilespmem:$0xD280] =	vst v49  }
0x1fc: {  	v63 =	vld [tilespmem:$0x1FF10];
	v6 =	vadd.f32 v6, v35;
	[tilespmem:$0xD000] =	vst v4  }
0x1fd: {  	v45 =	vmul.f32 v45, v54;
	v49 =	vmul.f32 v30, v54;
	v30 =	vld [tilespmem:$0x1FE60];
	v4 =	vadd.f32 v18, v56;
	[tilespmem:$0xD400] =	vst v3  }
0x1fe: {  	v35 =	vld [tilespmem:$0x1FE80];
	v40 =	vadd.f32 v7, v53;
	[tilespmem:$0xD180] =	vst v6  }
0x1ff: {  	v54 =	vld [tilespmem:$0x1FEB0];
	v5 =	vadd.f32 v45, v27;
	[tilespmem:$0xD200] =	vst v4  }
0x200: {  	v3 =	vadd.f32 v60, v48;
	v27 =	vld [tilespmem:$0x1FFF0];
	[tilespmem:$0xD300] =	vst v40  }
0x201: {  	v53 =	vld [tilespmem:$0x1FEA0];
	v51 =	vadd.f32 v49, v38;
	[tilespmem:$0xD580] =	vst v5  }
0x202: {  	v56 =	vld [tilespmem:$0x1FED0];
	v4 =	vadd.f32 v44, v52;
	[tilespmem:$0xD680] =	vst v3  }
0x203: {  	v60 =	vld [tilespmem:$0x1FEF0];
	[tilespmem:$0xD700] =	vst v51  }
0x204: {  	v52 =	vld [tilespmem:$0x1FE90];
	[tilespmem:$0xD500] =	vst v4  }
0x205: {  	v17 =	vld.idx.msk [tilespmem:v19+s14+$0x0], $0xffff  }
0x206: {  	v18 =	vld.idx.msk [tilespmem:v20+s14+$0x0], $0xffff  }
0x207: {  	v4 =	vld.idx.msk [tilespmem:v28+s14+$0x0], $0xffff  }
0x208: {  	v6 =	vld.idx.msk [tilespmem:v34+s14+$0x0], $0xffff  }
0x209: {  	v11 =	vld.idx.msk [tilespmem:v55+s14+$0x0], $0xffff  }
0x20a: {  	v13 =	vld.idx.msk [tilespmem:v59+s14+$0x0], $0xffff  }
0x20b: {  	v15 =	vld.idx.msk [tilespmem:v61+s14+$0x0], $0xffff  }
0x20c: {  	v16 =	vld.idx.msk [tilespmem:v63+s14+$0x0], $0xffff  }
0x20d: {  	v5 =	vld.idx.msk [tilespmem:v30+s14+$0x0], $0xffff  }
0x20e: {  	v7 =	vld.idx.msk [tilespmem:v35+s14+$0x0], $0xffff  }
0x20f: {  	v10 =	vld.idx.msk [tilespmem:v54+s14+$0x0], $0xffff  }
0x210: {  	v3 =	vld.idx.msk [tilespmem:v27+s14+$0x0], $0xffff  }
0x211: {  	v9 =	vld.idx.msk [tilespmem:v53+s14+$0x0], $0xffff  }
0x212: {  	v12 =	vld.idx.msk [tilespmem:v56+s14+$0x0], $0xffff  }
0x213: {  	v14 =	vld.idx.msk [tilespmem:v60+s14+$0x0], $0xffff  }
0x214: {  	v8 =	vld.idx.msk [tilespmem:v52+s14+$0x0], $0xffff;
	[tilespmem:$0xCF80] =	vst v22  }
0x215: {  	[tilespmem:$0xD000] =	vst v46  }
0x216: {  	v1 =	vadd.f32 v1, v41;
	v0 =	vmul.f32 v0, v0;
	[tilespmem:$0xD080] =	vst v29  }
0x217: {  	[tilespmem:$0xD100] =	vst v37  }
0x218: {  	v0 =	vadd.f32 v0, v1;
	[tilespmem:$0xD180] =	vst v50  }
0x219: {  	[tilespmem:$0xD200] =	vst v23  }
0x21a: {  	[tilespmem:$0xD280] =	vst v0  }
0x21b: {  	[tilespmem:$0xD300] =	vst v24  }
0x21c: {  	[tilespmem:$0xD400] =	vst v36  }
0x21d: {  	[tilespmem:$0xD480] =	vst v33  }
0x21e: {  	v21 =	vadd.f32 v62, v21;
	v22 =	vmul.f32 v57, v57;
	[tilespmem:$0xD500] =	vst v25  }
0x21f: {  	v29 =	vadd.f32 v58, v47;
	[tilespmem:$0xD580] =	vst v31  }
0x220: {  	[tilespmem:$0xD680] =	vst v26;
	v1 =	vadd.f32 v22, v21  }
0x221: {  	[tilespmem:$0xD700] =	vst v32;
	v0 =	vadd.f32 v2, v29  }
0x222: {  	[tilespmem:$0xD380] =	vst v1  }
0x223: {  	[tilespmem:$0xD600] =	vst v0  }
0x224: {  	v0 =	vld.idx.msk [tilespmem:v27+s14+$0x0], $0xffff;
	_ =	sdelay $0x1  }
0x225: {  	v1 =	vld.idx.msk [tilespmem:v28+s14+$0x0], $0xffff;
	_ =	sdelay $0x1  }
0x226: {  	v33 =	vld.idx.msk [tilespmem:v30+s14+$0x0], $0xffff  }
0x227: {  	v0 =	vadd.f32 $0.0e+00, v0  }
0x228: {  	v36 =	vld.idx.msk [tilespmem:v34+s14+$0x0], $0xffff  }
0x229: {  	v0 =	vadd.f32 v1, v0  }
0x22a: {  	v37 =	vld.idx.msk [tilespmem:v35+s14+$0x0], $0xffff  }
0x22b: {  	v0 =	vadd.f32 v33, v0  }
0x22c: {  	v38 =	vld.idx.msk [tilespmem:v52+s14+$0x0], $0xffff  }
0x22d: {  	v0 =	vadd.f32 v36, v0  }
0x22e: {  	v39 =	vld.idx.msk [tilespmem:v53+s14+$0x0], $0xffff  }
0x22f: {  	v0 =	vadd.f32 v37, v0  }
0x230: {  	v41 =	vld.idx.msk [tilespmem:v54+s14+$0x0], $0xffff  }
0x231: {  	v0 =	vadd.f32 v38, v0  }
0x232: {  	v42 =	vld.idx.msk [tilespmem:v55+s14+$0x0], $0xffff  }
0x233: {  	v0 =	vadd.f32 v39, v0  }
0x234: {  	v46 =	vld.idx.msk [tilespmem:v56+s14+$0x0], $0xffff  }
0x235: {  	v0 =	vadd.f32 v41, v0  }
0x236: {  	v47 =	vld.idx.msk [tilespmem:v59+s14+$0x0], $0xffff  }
0x237: {  	v0 =	vadd.f32 v42, v0  }
0x238: {  	v50 =	vld.idx.msk [tilespmem:v60+s14+$0x0], $0xffff  }
0x239: {  	v0 =	vadd.f32 v46, v0  }
0x23a: {  	v51 =	vld.idx.msk [tilespmem:v61+s14+$0x0], $0xffff  }
0x23b: {  	v0 =	vadd.f32 v47, v0  }
0x23c: {  	v52 =	vld.idx.msk [tilespmem:v63+s14+$0x0], $0xffff  }
0x23d: {  	v0 =	vadd.f32 v50, v0  }
0x23e: {  	v53 =	vld.idx.msk [tilespmem:v19+s14+$0x0], $0xffff  }
0x23f: {  	v0 =	vadd.f32 v51, v0  }
0x240: {  	v54 =	vld.idx.msk [tilespmem:v20+s14+$0x0], $0xffff  }
0x241: {  	v0 =	vadd.f32 v52, v0;
	_ =	sdelay $0x1  }
0x242: {  	v0 =	vadd.f32 v53, v0;
	_ =	sdelay $0x1  }
0x243: {  	v0 =	vadd.f32 v54, v0;
	_ =	sdelay $0x1  }
0x244: {  	v55 =	vmax.f32 v0, $1.000000000e-30  }
0x245: {  	v56 =	vshrl.u32 v55, $0x1;
	v1 =	vmul.f32 $5.000000000e-01, v55  }
0x246: {  	v2 =	vsub.s32 $0x5F3759DF, v56  }
0x247: {  	v57 =	vmul.f32 v2, v1;
	_ =	sdelay $0x1  }
0x248: {  	v19 =	vmul.f32 v2, v57;
	_ =	sdelay $0x1  }
0x249: {  	v19 =	vsub.f32 $1.500000000e+00, v19;
	_ =	sdelay $0x1  }
0x24a: {  	v2 =	vmul.f32 v2, v19  }
0x24b: {  	v3 =	vadd.f32 $0.0e+00, v3  }
0x24c: {  	v19 =	vmul.f32 v2, v1  }
0x24d: {  	v3 =	vadd.f32 v4, v3  }
0x24e: {  	v58 =	vmul.f32 v19, v2  }
0x24f: {  	v3 =	vadd.f32 v5, v3  }
0x250: {  	v4 =	vsub.f32 $1.500000000e+00, v58  }
0x251: {  	v3 =	vadd.f32 v6, v3  }
0x252: {  	v2 =	vmul.f32 v4, v2  }
0x253: {  	v3 =	vadd.f32 v7, v3  }
0x254: {  	v1 =	vmul.f32 v2, v1  }
0x255: {  	v3 =	vadd.f32 v8, v3  }
0x256: {  	v1 =	vmul.f32 v1, v2  }
0x257: {  	v3 =	vadd.f32 v9, v3  }
0x258: {  	v1 =	vsub.f32 $1.500000000e+00, v1  }
0x259: {  	v3 =	vadd.f32 v10, v3  }
0x25a: {  	v61 =	vld [tilespmem:$0x1FFA0];
	v1 =	vmul.f32 v1, v2  }
0x25b: {  	v59 =	vadd.f32 v11, v3  }
0x25c: {  	v0 =	vmul.f32 v1, v0  }
0x25d: {  	v60 =	vadd.f32 v12, v59  }
0x25e: {  	v0 =	vmax.f32 v0, $9.999999930e-09  }
0x25f: {  	v1 =	vadd.f32 v13, v60;
	v0 =	vmul.f32 v0, v61;
	_ =	sdelay $0x1  }
0x260: {  	v1 =	vadd.f32 v14, v1;
	(erf) = vrcp.f32 v0;
	_ =	sdelay $0x1  }
0x261: {  	v62 =	vadd.f32 v15, v1;
	_ =	sdelay $0x1  }
0x262: {  	v0 =	vadd.f32 v16, v62;
	_ =	sdelay $0x1  }
0x263: {  	v0 =	vadd.f32 v17, v0;
	_ =	sdelay $0x1  }
0x264: {  	v0 =	vadd.f32 v18, v0  }
0x265: {  	v63 =	vpop (erf)  }
0x266: {  	v0 =	vmul.f32 v63, v0  }
0x267: {  	s0 =	rddreg [dreg:$0xd]  }
0x268: {  	s5 =	rddreg [dreg:$0x5];
	[tilespmem:s0+$0xC310] =	vst v0  }
.LBB2_8:
0x269: {  	s20 =	sor.u32 $0x1, s19  }
0x26a: {  	p1 =	sge.u32 s20, s5  }
.Ltmp7:
0x26b: {  	_ = 	snop;
	(pc) =	sbr.rel @p1 .LBB2_14-.Ltmp7, $1  }
0x26c: {  	_ =	sdelay $0x3  }
0x26d: {  	s0 =	rddreg [dreg:$0x4]  }
0x26e: {  	s1 =	rddreg [dreg:$0x8]  }
0x26f: {  	s0 =	sadd.s32 s0, s20;
	p1 =	sge.u32 s19, s1  }
0x270: {  	s0 =	smul.u32 @!p1 $0xC00, s0  }
0x271: {  	s1 =	rddreg [dreg:$0x9]  }
0x272: {  	s25 =	simm.s32 $0x2;
	s0 =	sadd.s32 @!p1 s0, s1;
	s1 =	simm.s32 @!p1 $0x0  }
0x273: {  	[tilespmem:s1], [sflag:$0x1] =	stream.linear.gather @!p1 [hbm4b:s0+s1], $0x6000, $0x38;
	[tilespmem:$0xD780] =	vst v63  }
0x274: {  	s6 =	simm.s32 $0x0;
	s28 =	simm.s32 $0xC000;
	_ =	swait.ge [sflag:s25], $0x6000  }
0x275: {  	s26 =	sand.u32 $0x60, s6;
	s3 =	sand.u32 $0x1C00, s6;
	[sflag:s25] =	ssyncset.done $0x0  }
0x276: {  	s19 =	sor.u32 $0x10, s26;
	s4 =	sadd.s32 $0x7980, s3;
	[sflag:s25] =	ssyncadd.s32 $0xFFFFA000  }
0x277: {  	s2 =	sor.u32 $0x6000, s3;
	s29 =	sor.u32 s19, s4;
	v0 =	vld [tilespmem:s28+$0x0]  }
0x278: {  	s21 =	sadd.s32 $0x7880, s3;
	s5 =	sor.u32 s26, s2;
	v1 =	vld [tilespmem:s29+$0x0]  }
0x279: {  	s7 =	sadd.s32 $0x7B80, s3;
	s30 =	sor.u32 s26, s21;
	v2 =	vld [tilespmem:s5+$0x280]  }
0x27a: {  	s22 =	sadd.s32 $0x7A00, s3;
	s8 =	sor.u32 s19, s7;
	v3 =	vld [tilespmem:s30+$0x0]  }
0x27b: {  	s31 =	sor.u32 s26, s22;
	v23 =	vld [tilespmem:s8+$0x0]  }
0x27c: {  	s9 =	sand.u32 $0x3, s6;
	v4 =	vld [tilespmem:s31+$0x0]  }
0x27d: {  	s1 =	sshll.u32 s9, $0x5;
	v5 =	vld [tilespmem:s5+$0x0]  }
0x27e: {  	s23 =	sor.u32 s19, s2;
	s1 =	sadd.s32 $0x0, s1;
	v11 =	vld [tilespmem:s5+$0x100]  }
0x27f: {  	s12 =	sadd.s32 $0x10, s1;
	v12 =	vld [tilespmem:s23+$0x200]  }
0x280: {  	s13 =	sor.u32 $0x380, s12;
	v15 =	vld [tilespmem:s5+$0x80]  }
0x281: {  	v14 =	vld [tilespmem:s13+$0x6000]  }
0x282: {  	s24 =	sor.u32 s6, s6;
	v29 =	vld [tilespmem:s5+$0x200];
	v61 =	vmul.f32 v1, v1  }
0x283: {  	s10 =	sadd.s32 $0x7800, s3;
	s15 =	sadd.s32 $0x7B00, s3;
	s4 =	sor.u32 s26, s4;
	v19 =	vld [tilespmem:s23+$0x180];
	v9 =	vmul.f32 v23, v23;
	v20 =	vmul.f32 v2, v0  }
0x284: {  	s16 =	sadd.s32 $0x7900, s3;
	s3 =	sadd.s32 $0x7A80, s3;
	s25 =	sor.u32 $0x380, s24;
	v32 =	vld [tilespmem:s4+$0x0];
	v13 =	vmul.f32 v4, v0;
	v8 =	vmul.f32 v5, v5  }
0x285: {  	s0 =	sor.u32 s26, s3;
	v39 =	vld [tilespmem:s25+$0x6000];
	v5 =	vmul.f32 v5, v0;
	v18 =	vmul.f32 v3, v3  }
0x286: {  	s8 =	sor.u32 s26, s10;
	v6 =	vld [tilespmem:s0+$0x0];
	v3 =	vmul.f32 v3, v0;
	v2 =	vmul.f32 v2, v2  }
0x287: {  	s11 =	sor.u32 s26, s7;
	v7 =	vld [tilespmem:s8+$0x0];
	v4 =	vmul.f32 v4, v4;
	v31 =	vmul.f32 v15, v15  }
0x288: {  	v10 =	vld [tilespmem:s11+$0x0];
	v15 =	vmul.f32 v15, v0;
	v35 =	vmul.f32 v29, v0  }
0x289: {  	v16 =	vld [tilespmem:s5+$0x180];
	s5 =	sor.u32 s26, s15;
	v41 =	vmul.f32 v19, v19;
	v30 =	vmul.f32 v14, v14  }
0x28a: {  	v21 =	vld [tilespmem:s5+$0x0];
	v43 =	vmul.f32 v32, v0;
	v50 =	vmul.f32 v32, v32  }
0x28b: {  	v60 =	vimm.f32 $0.0e+00;
	v46 =	vmul.f32 v12, v12;
	v52 =	vmul.f32 v6, v6  }
0x28c: {  	v58 =	vmul.f32 v39, v39;
	v27 =	vmul.f32 v7, v7;
	v25 =	vadd.f32 v8, v60  }
0x28d: {  	v28 =	vmul.f32 v7, v0;
	v26 =	vadd.f32 v18, v60;
	v8 =	vadd.f32 v3, v60  }
0x28e: {  	v7 =	vmul.f32 v10, v10;
	v24 =	vadd.f32 v4, v60;
	v38 =	vadd.f32 v5, v60  }
0x28f: {  	v48 =	vmul.f32 v21, v21;
	v18 =	vld [tilespmem:s23+$0x280];
	v2 =	vadd.f32 v2, v60;
	v40 =	vadd.f32 v15, v60  }
0x290: {  	v3 =	vmul.f32 v16, v0;
	v45 =	vadd.f32 v20, v60;
	v54 =	vadd.f32 v35, v60  }
0x291: {  	s9 =	sor.u32 s26, s16;
	v17 =	vld [tilespmem:s23+$0x100];
	v5 =	vmul.f32 v16, v16;
	v4 =	vadd.f32 v7, v60;
	v7 =	vadd.f32 v13, v60  }
0x292: {  	s30 =	sor.u32 $0x300, s1;
	v16 =	vadd.f32 v28, v60;
	v34 =	vadd.f32 v27, v60;
	v28 =	vld [tilespmem:s9+$0x0];
	v27 =	vmul.f32 v29, v29  }
0x293: {  	s17 =	sor.u32 s19, s15;
	v55 =	vld [tilespmem:s30+$0x6000];
	v62 =	vadd.f32 v9, v4;
	v4 =	vmul.f32 v11, v0;
	v11 =	vmul.f32 v11, v11  }
0x294: {  	s26 =	sor.u32 s19, s10;
	v13 =	vmul.f32 v10, v0;
	v10 =	vld [tilespmem:s17+$0x0];
	v5 =	vadd.f32 v5, v60;
	v29 =	vmul.f32 v18, v18  }
0x295: {  	s28 =	sor.u32 s19, s3;
	v49 =	vld [tilespmem:s26+$0x0];
	v35 =	vimm.f32 $0.0e+00;
	v36 =	vadd.f32 v27, v60;
	v11 =	vadd.f32 v11, v60  }
0x296: {  	s6 =	sand.u32 $0x380, s6;
	s29 =	sor.u32 s19, s16;
	v37 =	vld [tilespmem:s28+$0x0];
	v27 =	vadd.f32 v29, v2;
	v29 =	vadd.f32 v41, v5;
	v5 =	vmul.f32 v17, v17  }
0x297: {  	s6 =	sor.u32 s19, s6;
	v53 =	vld [tilespmem:s29+$0x0];
	v15 =	vadd.f32 v3, v60;
	v9 =	vadd.f32 v13, v60;
	v3 =	vmul.f32 v28, v0  }
0x298: {  	v13 =	vld [tilespmem:s6+$0xC000];
	v56 =	vadd.f32 v4, v60;
	v4 =	vmul.f32 v21, v0;
	v5 =	vadd.f32 v5, v11  }
0x299: {  	v21 =	vmul.f32 v55, v0;
	v33 =	vmul.f32 v10, v10;
	v51 =	vadd.f32 v3, v60;
	v3 =	vld [tilespmem:s23+$0x80]  }
0x29a: {  	v2 =	vmul.f32 v28, v28;
	v20 =	vadd.f32 v4, v60;
	[tilespmem:$0x1FE40] =	vst v5;
	v5 =	vmul.f32 v49, v49  }
0x29b: {  	v4 =	vadd.f32 v31, v60;
	v41 =	vmul.f32 v39, v0;
	v31 =	vmul.f32 v6, v0  }
0x29c: {  	v0 =	vmul.f32 v53, v53;
	v57 =	vadd.f32 v21, v60;
	v32 =	vadd.f32 v5, v34;
	v34 =	vld [tilespmem:s23+$0x0]  }
0x29d: {  	v47 =	vmul.f32 v12, v13;
	v11 =	vmul.f32 v37, v13;
	v63 =	vadd.f32 v31, v60  }
0x29e: {  	v1 =	vmul.f32 v1, v13;
	v5 =	vadd.f32 v43, v60;
	v12 =	vmul.f32 v3, v3  }
0x29f: {  	v59 =	vmul.f32 v53, v13;
	v11 =	vadd.f32 v11, v63;
	v43 =	vadd.f32 v50, v60  }
0x2a0: {  	s24 =	simm.s32 $0x20;
	s25 =	sor.u32 s19, s21;
	v31 =	vadd.f32 v12, v4;
	v12 =	vadd.f32 v1, v5;
	v4 =	vmul.f32 v55, v55  }
0x2a1: {  	s31 =	sor.u32 $0x300, s12;
	s21 =	simm.s32 $0xC020;
	s26 =	sor.u32 s19, s22;
	v1 =	vadd.f32 v2, v60;
	v55 =	vadd.f32 v41, v60;
	v5 =	vmul.f32 v34, v13  }
0x2a2: {  	s19 =	simm.s32 $0x0;
	s22 =	simm.s32 $0x100;
	v39 =	vld [tilespmem:s31+$0x6000];
	s23 =	simm.s32 $0x1;
	v2 =	vadd.f32 v4, v60;
	v53 =	vmul.f32 v34, v34;
	v34 =	vimm.f32 $0.0e+00  }
.LBB2_10:
0x2a3: {  	s0 =	sand.u32 $0x60, s24;
	s1 =	sand.u32 $0x1C00, s22;
	v4 =	vmul.f32 v3, v13;
	v19 =	vmul.f32 v19, v13;
	v38 =	vadd.f32 v5, v38  }
0x2a4: {  	v41 =	vld [tilespmem:s21+$0x0];
	v10 =	vmul.f32 v10, v13;
	s11 =	sor.u32 $0x10, s0;
	s10 =	sadd.s32 $0x7980, s1;
	v0 =	vadd.f32 v0, v1;
	v34 =	vadd.f32 v58, v34  }
0x2a5: {  	v5 =	vmul.f32 v14, v13;
	v14 =	vld [tilespmem:s25+$0x0];
	s6 =	sor.u32 $0x6000, s1;
	v43 =	vadd.f32 v61, v43;
	v25 =	vadd.f32 v53, v25;
	s7 =	sor.u32 s11, s10  }
0x2a6: {  	v17 =	vmul.f32 v17, v13;
	s12 =	sadd.s32 $0x7B80, s1;
	s2 =	sor.u32 s0, s6;
	v4 =	vadd.f32 v4, v40;
	v20 =	vadd.f32 v10, v20;
	v50 =	vld [tilespmem:s7+$0x0]  }
0x2a7: {  	v22 =	vmul.f32 v37, v37;
	s13 =	sor.u32 s11, s12;
	v15 =	vadd.f32 v19, v15;
	v37 =	vld [tilespmem:s2+$0x280];
	v34 =	vadd.f32 v30, v34  }
0x2a8: {  	v63 =	vld [tilespmem:s13+$0x0];
	v5 =	vadd.f32 v5, v55;
	v3 =	vadd.f32 v52, v60  }
0x2a9: {  	v40 =	vld [tilespmem:s2+$0x0];
	v44 =	vmul.f32 v39, v39;
	v52 =	vadd.f32 v17, v56;
	v17 =	vmul.f32 v18, v13  }
0x2aa: {  	[tilespmem:$0x1FE10] =	vst v0;
	v1 =	vld [tilespmem:s2+$0x100];
	v18 =	vadd.f32 v48, v35;
	v39 =	vmul.f32 v39, v13;
	v0 =	vadd.f32 v22, v3  }
0x2ab: {  	s4 =	sadd.s32 $0x7800, s1;
	v60 =	vld [tilespmem:s26+$0x0];
	v3 =	vadd.f32 v46, v36;
	v45 =	vadd.f32 v17, v45;
	v17 =	vmul.f32 v14, v14  }
0x2ac: {  	s8 =	sor.u32 s0, s4;
	v14 =	vmul.f32 v14, v13;
	[tilespmem:$0x1FE30] =	vst v0;
	v0 =	vadd.f32 v44, v2;
	v2 =	vmul.f32 v49, v13  }
0x2ad: {  	v61 =	vld [tilespmem:s8+$0x0];
	v35 =	vadd.f32 v33, v18;
	v6 =	vmul.f32 v50, v50;
	v33 =	vmul.f32 v63, v63  }
0x2ae: {  	v21 =	vld [tilespmem:$0x1FE40];
	s5 =	sadd.s32 $0x7880, s1;
	v53 =	vadd.f32 v39, v57;
	v46 =	vmul.f32 v37, v41;
	v10 =	vmul.f32 v40, v40  }
0x2af: {  	s9 =	sor.u32 s0, s5;
	v55 =	vld [tilespmem:s2+$0x200];
	s26 =	sand.u32 $0x3, s23;
	v26 =	vadd.f32 v17, v26;
	v37 =	vmul.f32 v37, v37;
	v57 =	vmul.f32 v1, v41  }
0x2b0: {  	s7 =	sshll.u32 s26, $0x5;
	s26 =	sor.u32 s0, s12;
	v36 =	vld [tilespmem:s9+$0x0];
	v8 =	vadd.f32 v14, v8;
	v1 =	vmul.f32 v1, v1;
	v17 =	vmul.f32 v60, v13  }
0x2b1: {  	s9 =	sadd.s32 $0x7A00, s1;
	v30 =	vld [tilespmem:s26+$0x0];
	v14 =	vmul.f32 v60, v60;
	v13 =	vmul.f32 v23, v13;
	[tilespmem:$0x1FE20] =	vst v0;
	v0 =	vadd.f32 v59, v51  }
0x2b2: {  	s25 =	sor.u32 s11, s5;
	s28 =	sadd.s32 s7, s22;
	v39 =	vld [tilespmem:s2+$0x80];
	s16 =	sor.u32 s0, s9;
	v60 =	vmul.f32 v61, v61;
	v16 =	vadd.f32 v2, v16;
	v2 =	vadd.f32 v47, v54  }
0x2b3: {  	s29 =	sor.u32 $0x300, s28;
	s5 =	sadd.s32 $0x10, s28;
	s28 =	sor.u32 s11, s6;
	v48 =	vld [tilespmem:s16+$0x0];
	v25 =	vadd.f32 v10, v25;
	v47 =	vmul.f32 v61, v41;
	v27 =	vadd.f32 v37, v27  }
0x2b4: {  	v58 =	vld [tilespmem:s28+$0x200];
	v54 =	vmul.f32 v55, v41;
	v45 =	vadd.f32 v46, v45;
	v1 =	vadd.f32 v1, v21  }
0x2b5: {  	s3 =	sadd.s32 $0x7B00, s1;
	s15 =	sadd.s32 $0x7900, s1;
	v28 =	vmovc v63;
	v63 =	vld [tilespmem:s2+$0x180];
	v24 =	vadd.f32 v14, v24;
	v9 =	vadd.f32 v13, v9;
	v13 =	vmul.f32 v40, v41  }
0x2b6: {  	s12 =	sor.u32 s0, s3;
	s1 =	sadd.s32 $0x7A80, s1;
	s7 =	sor.u32 s11, s3;
	v18 =	vld [tilespmem:s28+$0x280];
	v59 =	vmul.f32 v36, v36;
	v7 =	vadd.f32 v17, v7;
	v36 =	vmul.f32 v36, v41  }
0x2b7: {  	s6 =	sor.u32 s0, s15;
	s3 =	sor.u32 s0, s1;
	s0 =	sor.u32 s0, s10;
	v19 =	vld [tilespmem:s28+$0x180];
	v61 =	vmul.f32 v30, v30;
	v30 =	vmul.f32 v30, v41;
	v32 =	vadd.f32 v60, v32  }
0x2b8: {  	s13 =	sor.u32 $0x300, s5;
	s5 =	sor.u32 $0x380, s5;
	v51 =	vld [tilespmem:s0+$0x0];
	v40 =	vmul.f32 v39, v41;
	v16 =	vadd.f32 v47, v16;
	v54 =	vadd.f32 v54, v2  }
0x2b9: {  	v14 =	vld [tilespmem:s5+$0x6000];
	v49 =	vmul.f32 v48, v41;
	v10 =	vmul.f32 v48, v48;
	v26 =	vadd.f32 v59, v26  }
0x2ba: {  	s31 =	sor.u32 s22, s24;
	v47 =	vld [tilespmem:s6+$0x0];
	v48 =	vmul.f32 v39, v39;
	v8 =	vadd.f32 v36, v8;
	v38 =	vadd.f32 v13, v38  }
0x2bb: {  	s31 =	sor.u32 $0x380, s31;
	v17 =	vld [tilespmem:s28+$0x100];
	v56 =	vmul.f32 v63, v41;
	v13 =	vadd.f32 v61, v62;
	v63 =	vmul.f32 v63, v63  }
0x2bc: {  	v60 =	vld [tilespmem:s31+$0x6000];
	v59 =	vmul.f32 v19, v19;
	v9 =	vadd.f32 v30, v9;
	v40 =	vadd.f32 v40, v4  }
0x2bd: {  	v4 =	vld [tilespmem:s3+$0x0];
	v24 =	vadd.f32 v10, v24;
	v44 =	vadd.f32 v33, v13;
	v33 =	vmul.f32 v55, v55  }
0x2be: {  	s17 =	sand.u32 $0x380, s24;
	v46 =	vmul.f32 v58, v58;
	v7 =	vadd.f32 v49, v7;
	v29 =	vadd.f32 v63, v29;
	v55 =	vld [tilespmem:s12+$0x0]  }
0x2bf: {  	s17 =	sor.u32 s11, s17;
	v10 =	vld [tilespmem:s7+$0x0];
	v61 =	vmul.f32 v51, v41;
	v36 =	vadd.f32 v33, v3;
	v3 =	vmul.f32 v47, v41  }
0x2c0: {  	v13 =	vld [tilespmem:s17+$0xC000];
	v49 =	vmul.f32 v18, v18;
	v15 =	vadd.f32 v56, v15;
	v56 =	vadd.f32 v57, v52  }
0x2c1: {  	s1 =	sor.u32 s11, s1;
	v62 =	vmul.f32 v51, v51;
	v31 =	vadd.f32 v48, v31;
	v51 =	vadd.f32 v3, v0;
	v3 =	vld [tilespmem:s28+$0x80]  }
0x2c2: {  	s16 =	sor.u32 s11, s15;
	v37 =	vld [tilespmem:s1+$0x0];
	v30 =	vmul.f32 v14, v14;
	v21 =	vmul.f32 v60, v41;
	v27 =	vadd.f32 v49, v27  }
0x2c3: {  	s30 =	sor.u32 s11, s4;
	v57 =	vld [tilespmem:s16+$0x0];
	v63 =	vmul.f32 v47, v47;
	v29 =	vadd.f32 v59, v29;
	v42 =	vmul.f32 v55, v41  }
0x2c4: {  	v49 =	vld [tilespmem:s30+$0x0];
	v2 =	vadd.f32 v61, v12;
	v22 =	vmul.f32 v4, v41;
	v0 =	vmul.f32 v17, v17  }
0x2c5: {  	v52 =	vmul.f32 v4, v4;
	v33 =	vmul.f32 v10, v10;
	v20 =	vadd.f32 v42, v20;
	v42 =	vld [tilespmem:s29+$0x6000]  }
0x2c6: {  	v4 =	vld [tilespmem:s28+$0x0];
	v0 =	vadd.f32 v0, v1;
	v1 =	vmul.f32 v50, v13;
	v12 =	vmul.f32 v3, v3  }
0x2c7: {  	s19 =	sadd.s32 $0x2, s19;
	v43 =	vadd.f32 v62, v43;
	v61 =	vmovc v6;
	v6 =	vld [tilespmem:$0x1FE20];
	v47 =	vmul.f32 v58, v13;
	v23 =	vmul.f32 v37, v13  }
0x2c8: {  	p1 =	slt.u32 s19, $0x2E;
	v59 =	vmul.f32 v57, v13;
	v31 =	vadd.f32 v12, v31;
	v12 =	vadd.f32 v1, v2;
	v1 =	vld [tilespmem:$0x1FE10]  }
.Ltmp8:
0x2c9: {  	v48 =	vmul.f32 v55, v55;
	v11 =	vadd.f32 v22, v11;
	v58 =	vmul.f32 v60, v60;
	(pc) =	sbr.rel @p1 .LBB2_10-.Ltmp8, $4  }
0x2ca: {  	v55 =	vadd.f32 v21, v5;
	[tilespmem:$0x1FE40] =	vst v0;
	v0 =	vmul.f32 v49, v49;
	v22 =	vmul.f32 v42, v41  }
0x2cb: {  	v11 =	vadd.f32 v23, v11;
	v5 =	vmul.f32 v4, v13;
	v2 =	vmul.f32 v42, v42  }
0x2cc: {  	s21 =	sadd.s32 $0x20, s21;
	s24 =	sadd.s32 $0x20, s24;
	v39 =	vld [tilespmem:s13+$0x6000];
	v62 =	vmovc v44;
	v32 =	vadd.f32 v0, v32;
	v0 =	vmul.f32 v57, v57;
	v57 =	vadd.f32 v22, v53  }
0x2cd: {  	s23 =	sadd.s32 $0x1, s23;
	s22 =	sadd.s32 $0x100, s22;
	s26 =	sor.u32 s11, s9;
	v60 =	vld [tilespmem:$0x1FE30];
	v23 =	vmovc v28;
	v2 =	vadd.f32 v2, v6;
	v53 =	vmul.f32 v4, v4;
	v1 =	vadd.f32 v63, v1  }
0x2ce: {  	v3 =	vmul.f32 v3, v13  }
0x2cf: {  	v4 =	vadd.f32 v5, v38;
	v5 =	vld [tilespmem:s25+$0x0]  }
0x2d0: {  	v17 =	vmul.f32 v17, v13;
	v3 =	vadd.f32 v3, v40  }
0x2d1: {  	v21 =	vld [tilespmem:s26+$0x0];
	[tilespmem:$0xCF80] =	vst v4;
	v4 =	vmul.f32 v18, v13  }
0x2d2: {  	v17 =	vadd.f32 v17, v56;
	[tilespmem:$0xD000] =	vst v3;
	v3 =	vmul.f32 v39, v13  }
0x2d3: {  	[tilespmem:$0xD500] =	vst v12;
	v56 =	vmul.f32 v49, v13;
	v4 =	vadd.f32 v4, v45  }
0x2d4: {  	[tilespmem:$0xD080] =	vst v17;
	v17 =	vmul.f32 v5, v13;
	v3 =	vadd.f32 v3, v57  }
0x2d5: {  	v19 =	vmul.f32 v19, v13;
	[tilespmem:$0xD200] =	vst v4;
	v4 =	vadd.f32 v56, v16  }
0x2d6: {  	[tilespmem:$0xD280] =	vst v3;
	v3 =	vadd.f32 v17, v8;
	v8 =	vadd.f32 v59, v51;
	v59 =	vmul.f32 v21, v13  }
0x2d7: {  	[tilespmem:$0xD600] =	vst v11;
	v15 =	vadd.f32 v19, v15  }
0x2d8: {  	v14 =	vmul.f32 v14, v13;
	v18 =	vadd.f32 v47, v54;
	[tilespmem:$0xD380] =	vst v4;
	v4 =	vadd.f32 v59, v7;
	v7 =	vld [tilespmem:$0x1FFF0]  }
0x2d9: {  	[tilespmem:$0xD100] =	vst v15  }
0x2da: {  	v14 =	vadd.f32 v14, v55;
	[tilespmem:$0xD180] =	vst v18  }
0x2db: {  	[tilespmem:$0xD400] =	vst v3;
	v3 =	vmul.f32 v10, v13  }
0x2dc: {  	v6 =	vmul.f32 v23, v13;
	[tilespmem:$0xD300] =	vst v14  }
0x2dd: {  	[tilespmem:$0xD480] =	vst v8;
	v3 =	vadd.f32 v3, v20;
	v8 =	vor.u32 $0x1, v7  }
0x2de: {  	[tilespmem:$0xD580] =	vst v4;
	v4 =	vadd.f32 v6, v9;
	v9 =	vor.u32 $0x2, v7  }
0x2df: {  	[tilespmem:$0xD680] =	vst v3;
	v10 =	vor.u32 $0x3, v7  }
0x2e0: {  	v28 =	vld [tilespmem:$0x1FE40];
	[tilespmem:$0xD700] =	vst v4;
	v11 =	vor.u32 $0x4, v7  }
0x2e1: {  	v12 =	vor.u32 $0x5, v7;
	v3 =	vld.idx.msk [tilespmem:v7+s14+$0x0], $0xffff  }
0x2e2: {  	v13 =	vor.u32 $0x6, v7;
	v4 =	vld.idx.msk [tilespmem:v8+s14+$0x0], $0xffff  }
0x2e3: {  	v14 =	vor.u32 $0x7, v7;
	v6 =	vld.idx.msk [tilespmem:v9+s14+$0x0], $0xffff  }
0x2e4: {  	v15 =	vor.u32 $0x8, v7;
	v22 =	vld.idx.msk [tilespmem:v10+s14+$0x0], $0xffff  }
0x2e5: {  	v16 =	vor.u32 $0x9, v7;
	v23 =	vld.idx.msk [tilespmem:v11+s14+$0x0], $0xffff  }
0x2e6: {  	v17 =	vor.u32 $0xA, v7;
	v38 =	vld.idx.msk [tilespmem:v12+s14+$0x0], $0xffff  }
0x2e7: {  	v18 =	vor.u32 $0xB, v7;
	v40 =	vld.idx.msk [tilespmem:v13+s14+$0x0], $0xffff  }
0x2e8: {  	v54 =	vor.u32 $0xC, v7;
	v41 =	vld.idx.msk [tilespmem:v14+s14+$0x0], $0xffff  }
0x2e9: {  	v55 =	vor.u32 $0xD, v7;
	v42 =	vld.idx.msk [tilespmem:v15+s14+$0x0], $0xffff  }
0x2ea: {  	v19 =	vor.u32 $0xE, v7;
	v44 =	vld.idx.msk [tilespmem:v16+s14+$0x0], $0xffff  }
0x2eb: {  	v20 =	vor.u32 $0xF, v7;
	v45 =	vld.idx.msk [tilespmem:v17+s14+$0x0], $0xffff  }
0x2ec: {  	v63 =	vld.idx.msk [tilespmem:v18+s14+$0x0], $0xffff  }
0x2ed: {  	v56 =	vld.idx.msk [tilespmem:v54+s14+$0x0], $0xffff  }
0x2ee: {  	v25 =	vadd.f32 v53, v25;
	v50 =	vld.idx.msk [tilespmem:v55+s14+$0x0], $0xffff  }
0x2ef: {  	v57 =	vld.idx.msk [tilespmem:v19+s14+$0x0], $0xffff  }
0x2f0: {  	v59 =	vld.idx.msk [tilespmem:v20+s14+$0x0], $0xffff;
	[tilespmem:$0xCF80] =	vst v25  }
0x2f1: {  	[tilespmem:$0xD000] =	vst v31  }
0x2f2: {  	[tilespmem:$0xD080] =	vst v28  }
0x2f3: {  	v0 =	vadd.f32 v0, v1;
	v1 =	vmul.f32 v21, v21;
	[tilespmem:$0xD100] =	vst v29  }
0x2f4: {  	[tilespmem:$0xD200] =	vst v27  }
0x2f5: {  	v1 =	vadd.f32 v1, v24;
	v25 =	vmul.f32 v39, v39;
	[tilespmem:$0xD380] =	vst v32  }
0x2f6: {  	v28 =	vadd.f32 v58, v34;
	[tilespmem:$0xD480] =	vst v0  }
0x2f7: {  	v5 =	vmul.f32 v5, v5;
	[tilespmem:$0xD580] =	vst v1;
	v2 =	vadd.f32 v25, v2  }
0x2f8: {  	[tilespmem:$0xD700] =	vst v62;
	v25 =	vadd.f32 v30, v28  }
0x2f9: {  	[tilespmem:$0xD280] =	vst v2;
	v2 =	vadd.f32 v5, v26  }
0x2fa: {  	v21 =	vmul.f32 v37, v37;
	v31 =	vadd.f32 v46, v36;
	[tilespmem:$0xD300] =	vst v25;
	v5 =	vadd.f32 v52, v60  }
0x2fb: {  	v25 =	vadd.f32 v61, v43;
	[tilespmem:$0xD400] =	vst v2;
	v2 =	vadd.f32 v48, v35  }
0x2fc: {  	[tilespmem:$0xD180] =	vst v31;
	v0 =	vadd.f32 v21, v5  }
0x2fd: {  	[tilespmem:$0xD500] =	vst v25;
	v2 =	vadd.f32 v33, v2  }
0x2fe: {  	[tilespmem:$0xD600] =	vst v0  }
0x2ff: {  	[tilespmem:$0xD680] =	vst v2  }
0x300: {  	v0 =	vld.idx.msk [tilespmem:v7+s14+$0x0], $0xffff;
	_ =	sdelay $0x1  }
0x301: {  	v1 =	vld.idx.msk [tilespmem:v8+s14+$0x0], $0xffff;
	_ =	sdelay $0x1  }
0x302: {  	v2 =	vld.idx.msk [tilespmem:v9+s14+$0x0], $0xffff  }
0x303: {  	v0 =	vadd.f32 $0.0e+00, v0  }
0x304: {  	v5 =	vld.idx.msk [tilespmem:v10+s14+$0x0], $0xffff  }
0x305: {  	v0 =	vadd.f32 v1, v0  }
0x306: {  	v1 =	vld.idx.msk [tilespmem:v11+s14+$0x0], $0xffff  }
0x307: {  	v0 =	vadd.f32 v2, v0  }
0x308: {  	v2 =	vld.idx.msk [tilespmem:v12+s14+$0x0], $0xffff  }
0x309: {  	v0 =	vadd.f32 v5, v0  }
0x30a: {  	v5 =	vld.idx.msk [tilespmem:v13+s14+$0x0], $0xffff  }
0x30b: {  	v0 =	vadd.f32 v1, v0  }
0x30c: {  	v1 =	vld.idx.msk [tilespmem:v14+s14+$0x0], $0xffff  }
0x30d: {  	v0 =	vadd.f32 v2, v0  }
0x30e: {  	v2 =	vld.idx.msk [tilespmem:v15+s14+$0x0], $0xffff  }
0x30f: {  	v0 =	vadd.f32 v5, v0  }
0x310: {  	v5 =	vld.idx.msk [tilespmem:v16+s14+$0x0], $0xffff  }
0x311: {  	v0 =	vadd.f32 v1, v0  }
0x312: {  	v1 =	vld.idx.msk [tilespmem:v17+s14+$0x0], $0xffff  }
0x313: {  	v0 =	vadd.f32 v2, v0  }
0x314: {  	v2 =	vld.idx.msk [tilespmem:v18+s14+$0x0], $0xffff  }
0x315: {  	v0 =	vadd.f32 v5, v0  }
0x316: {  	v5 =	vld.idx.msk [tilespmem:v54+s14+$0x0], $0xffff  }
0x317: {  	v0 =	vadd.f32 v1, v0  }
0x318: {  	v1 =	vld.idx.msk [tilespmem:v55+s14+$0x0], $0xffff  }
0x319: {  	v0 =	vadd.f32 v2, v0  }
0x31a: {  	v2 =	vld.idx.msk [tilespmem:v19+s14+$0x0], $0xffff  }
0x31b: {  	v0 =	vadd.f32 v5, v0  }
0x31c: {  	v5 =	vld.idx.msk [tilespmem:v20+s14+$0x0], $0xffff  }
0x31d: {  	v0 =	vadd.f32 v1, v0;
	_ =	sdelay $0x1  }
0x31e: {  	v0 =	vadd.f32 v2, v0;
	_ =	sdelay $0x1  }
0x31f: {  	v0 =	vadd.f32 v5, v0;
	_ =	sdelay $0x1  }
0x320: {  	v1 =	vmax.f32 v0, $1.000000000e-30  }
0x321: {  	v2 =	vshrl.u32 v1, $0x1;
	v1 =	vmul.f32 $5.000000000e-01, v1  }
0x322: {  	v2 =	vsub.s32 $0x5F3759DF, v2  }
0x323: {  	v5 =	vmul.f32 v2, v1;
	_ =	sdelay $0x1  }
0x324: {  	v5 =	vmul.f32 v2, v5;
	_ =	sdelay $0x1  }
0x325: {  	v5 =	vsub.f32 $1.500000000e+00, v5;
	_ =	sdelay $0x1  }
0x326: {  	v3 =	vadd.f32 $0.0e+00, v3;
	v2 =	vmul.f32 v2, v5;
	_ =	sdelay $0x1  }
0x327: {  	v3 =	vadd.f32 v4, v3;
	v5 =	vmul.f32 v2, v1;
	_ =	sdelay $0x1  }
0x328: {  	v3 =	vadd.f32 v6, v3;
	v4 =	vmul.f32 v5, v2;
	_ =	sdelay $0x1  }
0x329: {  	v3 =	vadd.f32 v22, v3;
	v4 =	vsub.f32 $1.500000000e+00, v4;
	_ =	sdelay $0x1  }
0x32a: {  	v3 =	vadd.f32 v23, v3;
	v2 =	vmul.f32 v4, v2;
	_ =	sdelay $0x1  }
0x32b: {  	v3 =	vadd.f32 v38, v3;
	v1 =	vmul.f32 v2, v1;
	_ =	sdelay $0x1  }
0x32c: {  	v3 =	vadd.f32 v40, v3;
	v1 =	vmul.f32 v1, v2;
	_ =	sdelay $0x1  }
0x32d: {  	v3 =	vadd.f32 v41, v3;
	v1 =	vsub.f32 $1.500000000e+00, v1;
	_ =	sdelay $0x1  }
0x32e: {  	v1 =	vmul.f32 v1, v2;
	v2 =	vadd.f32 v42, v3;
	_ =	sdelay $0x1  }
0x32f: {  	v0 =	vmul.f32 v1, v0;
	v1 =	vadd.f32 v44, v2;
	v2 =	vld [tilespmem:$0x1FFA0];
	_ =	sdelay $0x3  }
0x330: {  	v0 =	vmax.f32 v0, $9.999999930e-09  }
0x331: {  	v1 =	vadd.f32 v45, v1;
	v0 =	vmul.f32 v0, v2;
	_ =	sdelay $0x1  }
0x332: {  	v1 =	vadd.f32 v63, v1;
	(erf) = vrcp.f32 v0;
	_ =	sdelay $0x1  }
0x333: {  	v0 =	vadd.f32 v56, v1;
	_ =	sdelay $0x1  }
0x334: {  	v0 =	vadd.f32 v50, v0;
	_ =	sdelay $0x1  }
0x335: {  	v0 =	vadd.f32 v57, v0;
	_ =	sdelay $0x1  }
0x336: {  	v0 =	vadd.f32 v59, v0  }
0x337: {  	v1 =	vpop (erf)  }
0x338: {  	s0 =	sshll.u32 s20, $0x5;
	s1 =	simm.s32 $0x0;
	v0 =	vmul.f32 v1, v0  }
0x339: {  	s19 =	sand.u32 $0x3FFFFFE0, s0;
	s21 =	sand.u32 $0x1C00, s1  }
0x33a: {  	s16 =	simm.s32 $0xC000;
	s20 =	sand.u32 $0x60, s1;
	s4 =	sadd.s32 $0xAB80, s21;
	[tilespmem:s19+$0xC300] =	vst v0  }
0x33b: {  	s3 =	sadd.s32 $0x9100, s21;
	s17 =	sor.u32 s20, s4;
	v33 =	vld [tilespmem:s16+$0x0]  }
0x33c: {  	s6 =	sadd.s32 $0xAA00, s21;
	s5 =	sor.u32 s20, s3;
	v0 =	vld [tilespmem:s17+$0x0]  }
0x33d: {  	s2 =	sadd.s32 $0x9200, s21;
	s22 =	sor.u32 s20, s6;
	v1 =	vld [tilespmem:s5+$0x0]  }
0x33e: {  	s8 =	sadd.s32 $0x9280, s21;
	s7 =	sor.u32 s20, s2;
	v2 =	vld [tilespmem:s22+$0x0]  }
0x33f: {  	s25 =	sadd.s32 $0xAB00, s21;
	s9 =	sor.u32 s20, s8;
	v3 =	vld [tilespmem:s7+$0x0]  }
0x340: {  	s0 =	sadd.s32 $0x9080, s21;
	s10 =	sor.u32 s20, s25;
	v5 =	vld [tilespmem:s9+$0x0]  }
0x341: {  	s23 =	sadd.s32 $0x9180, s21;
	s11 =	sor.u32 s20, s0;
	v6 =	vld [tilespmem:s10+$0x0]  }
0x342: {  	s26 =	sadd.s32 $0xA980, s21;
	s24 =	sor.u32 s20, s23;
	v22 =	vld [tilespmem:s11+$0x0];
	v23 =	vmul.f32 v0, v33;
	v0 =	vmul.f32 v0, v0  }
0x343: {  	s28 =	sadd.s32 $0x9000, s21;
	s12 =	sor.u32 s20, s26;
	v4 =	vld [tilespmem:s24+$0x0];
	v25 =	vmul.f32 v1, v1;
	v26 =	vmul.f32 v2, v2  }
0x344: {  	s30 =	sadd.s32 $0x9380, s21;
	v24 =	vld [tilespmem:s12+$0x0];
	s10 =	sor.u32 s20, s28;
	v2 =	vmul.f32 v2, v33;
	v1 =	vmul.f32 v1, v33  }
0x345: {  	s31 =	sor.u32 s20, s30;
	s22 =	sor.u32 $0x10, s20;
	v31 =	vld [tilespmem:s10+$0x0];
	v27 =	vmul.f32 v3, v33;
	v3 =	vmul.f32 v3, v3  }
0x346: {  	v32 =	vld [tilespmem:s31+$0x0];
	s29 =	sor.u32 s22, s28;
	v28 =	vmul.f32 v6, v33;
	v6 =	vmul.f32 v6, v6  }
0x347: {  	s9 =	sor.u32 s22, s26;
	v29 =	vld [tilespmem:s29+$0x0];
	v61 =	vmul.f32 v22, v22;
	v62 =	vmul.f32 v5, v5  }
0x348: {  	s4 =	sor.u32 s22, s4;
	v34 =	vld [tilespmem:s9+$0x0];
	v63 =	vmul.f32 v22, v33;
	v5 =	vmul.f32 v5, v33  }
0x349: {  	[tilespmem:$0x1FD70] =	vst v11;
	s8 =	sor.u32 s22, s8;
	v30 =	vld [tilespmem:s4+$0x0];
	v11 =	vmul.f32 v4, v4;
	v4 =	vmul.f32 v4, v33  }
0x34a: {  	[tilespmem:$0x1FD90] =	vst v13;
	v21 =	vimm.f32 $0.0e+00;
	s13 =	sor.u32 s22, s30;
	v48 =	vld [tilespmem:s8+$0x0];
	v13 =	vmul.f32 v31, v33;
	v22 =	vmul.f32 v31, v31  }
0x34b: {  	s1 =	sand.u32 $0x380, s1;
	[tilespmem:$0x1FE00] =	vst v55;
	s3 =	sor.u32 s22, s3;
	v55 =	vld [tilespmem:s13+$0x0];
	v31 =	vmul.f32 v32, v33;
	v26 =	vadd.f32 v26, v21;
	v1 =	vadd.f32 v1, v21  }
0x34c: {  	s1 =	sor.u32 s22, s1;
	v43 =	vld [tilespmem:s3+$0x0];
	v32 =	vmul.f32 v32, v32;
	v35 =	vadd.f32 v27, v21;
	v3 =	vadd.f32 v3, v21  }
0x34d: {  	[tilespmem:$0x1FDF0] =	vst v54;
	s10 =	sadd.s32 $0xAA80, s21;
	s9 =	sor.u32 s22, s25;
	v54 =	vld [tilespmem:s1+$0xC000];
	v27 =	vadd.f32 v2, v21;
	v2 =	vmul.f32 v24, v24;
	v24 =	vmul.f32 v24, v33  }
0x34e: {  	[tilespmem:$0x1FDA0] =	vst v14;
	s11 =	sor.u32 s22, s10;
	v42 =	vld [tilespmem:s9+$0x0];
	v6 =	vadd.f32 v6, v21;
	v0 =	vadd.f32 v0, v21;
	v14 =	vmul.f32 v29, v29  }
0x34f: {  	[tilespmem:$0x1FDB0] =	vst v15;
	s5 =	sor.u32 s22, s23;
	s23 =	sadd.s32 $0xA800, s21;
	s8 =	sor.u32 s22, s6;
	v47 =	vld [tilespmem:s11+$0x0];
	v15 =	vmul.f32 v30, v30;
	v37 =	vadd.f32 v62, v21;
	v38 =	vadd.f32 v23, v21  }
0x350: {  	[tilespmem:$0x1FD50] =	vst v9;
	s25 =	sor.u32 s20, s23;
	v45 =	vld [tilespmem:s8+$0x0];
	v9 =	vadd.f32 v25, v21;
	v25 =	vmul.f32 v34, v34;
	v36 =	vadd.f32 v61, v21  }
0x351: {  	[tilespmem:$0x1FD80] =	vst v12;
	s2 =	sor.u32 s22, s2;
	v12 =	vld [tilespmem:s25+$0x0];
	v56 =	vadd.f32 v5, v21;
	v5 =	vmul.f32 v55, v55;
	v61 =	vadd.f32 v63, v21  }
0x352: {  	v49 =	vld [tilespmem:s2+$0x0];
	v41 =	vadd.f32 v11, v21;
	v11 =	vmul.f32 v43, v54;
	v22 =	vadd.f32 v22, v21  }
0x353: {  	s15 =	sadd.s32 $0xA880, s21;
	[tilespmem:$0x1FD60] =	vst v10;
	v53 =	vadd.f32 v31, v21;
	v31 =	vmul.f32 v48, v48;
	v10 =	vmul.f32 v42, v42  }
0x354: {  	s17 =	sor.u32 s20, s15;
	v40 =	vld [tilespmem:s5+$0x0];
	v32 =	vadd.f32 v32, v21;
	v39 =	vmul.f32 v47, v54;
	v60 =	vmul.f32 v42, v54  }
0x355: {  	v51 =	vld [tilespmem:s17+$0x0];
	s0 =	sor.u32 s22, s0;
	v2 =	vadd.f32 v2, v21;
	v52 =	vadd.f32 v24, v21;
	v24 =	vmul.f32 v45, v45  }
0x356: {  	v59 =	vld [tilespmem:s0+$0x0];
	v62 =	vmul.f32 v12, v12;
	v22 =	vadd.f32 v14, v22;
	v23 =	vadd.f32 v31, v37  }
0x357: {  	s16 =	sadd.s32 $0xA900, s21;
	s26 =	sor.u32 s20, s10;
	v14 =	vmul.f32 v49, v49;
	v31 =	vadd.f32 v24, v26;
	v25 =	vadd.f32 v25, v2  }
0x358: {  	s24 =	sor.u32 s22, s16;
	v7 =	vld [tilespmem:s26+$0x0];
	v2 =	vadd.f32 v13, v21;
	v26 =	vadd.f32 v10, v6;
	v6 =	vmul.f32 v43, v43  }
0x359: {  	v58 =	vld [tilespmem:s24+$0x0];
	s2 =	sor.u32 s22, s23;
	v13 =	vmul.f32 v29, v54;
	v24 =	vadd.f32 v5, v32;
	v5 =	vmul.f32 v40, v54  }
0x35a: {  	v57 =	vld [tilespmem:s2+$0x0];
	v32 =	vadd.f32 v15, v0;
	v0 =	vmul.f32 v12, v33;
	v15 =	vmul.f32 v51, v33  }
0x35b: {  	s28 =	sadd.s32 $0x9300, s21;
	s1 =	sor.u32 s20, s16;
	v63 =	vadd.f32 v11, v1;
	v10 =	vmul.f32 v40, v40;
	v12 =	vmul.f32 v59, v59  }
0x35c: {  	[tilespmem:$0x1FD40] =	vst v8;
	s29 =	sor.u32 s20, s28;
	v8 =	vld [tilespmem:s1+$0x0];
	v59 =	vmul.f32 v59, v54;
	v50 =	vadd.f32 v14, v3;
	v29 =	vadd.f32 v6, v9  }
0x35d: {  	v14 =	vmul.f32 v7, v33;
	v44 =	vadd.f32 v13, v2;
	v2 =	vadd.f32 v4, v21;
	v4 =	vld [tilespmem:s29+$0x0]  }
0x35e: {  	s30 =	sor.u32 s22, s15;
	v6 =	vmul.f32 v58, v58;
	v3 =	vadd.f32 v15, v21;
	v37 =	vadd.f32 v10, v41  }
0x35f: {  	s31 =	sor.u32 s22, s28;
	v13 =	vmul.f32 v57, v54;
	v40 =	vadd.f32 v5, v2;
	v2 =	vld [tilespmem:s30+$0x0];
	v5 =	vadd.f32 v0, v21  }
0x360: {  	v46 =	vadd.f32 v12, v36;
	v15 =	vmul.f32 v58, v54;
	v58 =	vmul.f32 v7, v7;
	v0 =	vld [tilespmem:s31+$0x0]  }
0x361: {  	v42 =	vadd.f32 v13, v5;
	v5 =	vmul.f32 v8, v33;
	v8 =	vmul.f32 v8, v8  }
0x362: {  	v33 =	vmul.f32 v4, v33;
	v1 =	vmul.f32 v4, v4;
	v4 =	vadd.f32 v14, v21  }
0x363: {  	v41 =	vimm.f32 $0.0e+00;
	v12 =	vadd.f32 v5, v21;
	v8 =	vadd.f32 v8, v21  }
0x364: {  	v39 =	vadd.f32 v39, v4;
	v5 =	vmul.f32 v2, v54;
	v4 =	vmul.f32 v51, v51  }
0x365: {  	v13 =	vmul.f32 v0, v54;
	v14 =	vadd.f32 v33, v21;
	v51 =	vimm.f32 $0.0e+00  }
0x366: {  	[tilespmem:$0x1FDC0] =	vst v16;
	v43 =	vadd.f32 v15, v12;
	v15 =	vmul.f32 v2, v2;
	v4 =	vadd.f32 v4, v21  }
0x367: {  	[tilespmem:$0x1FDD0] =	vst v17;
	s21 =	simm.s32 $0x100;
	v33 =	vadd.f32 v6, v8;
	v2 =	vmul.f32 v47, v47;
	v6 =	vmul.f32 v49, v54  }
0x368: {  	[tilespmem:$0x1FDE0] =	vst v18;
	s20 =	simm.s32 $0x0;
	s22 =	simm.s32 $0x20;
	s23 =	simm.s32 $0xC020;
	v47 =	vimm.f32 $0.0e+00;
	v49 =	vadd.f32 v13, v14;
	v36 =	vadd.f32 v15, v4  }
.LBB2_12:
0x369: {  	s28 =	sand.u32 $0x60, s22;
	s2 =	sand.u32 $0x1C00, s21;
	s0 =	sand.u32 $0x380, s22;
	v4 =	vadd.f32 v62, v21;
	v7 =	vadd.f32 v58, v47;
	v8 =	vmul.f32 v48, v54  }
0x36a: {  	v61 =	vadd.f32 v59, v61;
	v21 =	vmul.f32 v55, v54;
	v59 =	vadd.f32 v5, v3;
	s1 =	sadd.s32 $0x9000, s2;
	s3 =	sadd.s32 $0x9100, s2;
	s12 =	sadd.s32 $0xAB80, s2  }
0x36b: {  	v3 =	vadd.f32 v28, v51;
	v5 =	vmul.f32 v34, v54;
	v28 =	vmul.f32 v45, v54;
	s13 =	sadd.s32 $0x9080, s2;
	s30 =	sadd.s32 $0x9180, s2;
	v58 =	vld [tilespmem:s23+$0x0];
	s4 =	sor.u32 s28, s12  }
0x36c: {  	v30 =	vmul.f32 v30, v54;
	s10 =	sadd.s32 $0x9200, s2;
	s17 =	sadd.s32 $0xAA00, s2;
	v6 =	vadd.f32 v6, v35;
	s5 =	sor.u32 s28, s3;
	v53 =	vadd.f32 v21, v53;
	v34 =	vld [tilespmem:s4+$0x0]  }
0x36d: {  	v0 =	vmul.f32 v0, v0;
	s11 =	sor.u32 $0x10, s28;
	v21 =	vadd.f32 v1, v41;
	v51 =	vadd.f32 v60, v3;
	s4 =	sor.u32 s28, s10;
	v35 =	vld [tilespmem:s5+$0x0];
	s5 =	sor.u32 s28, s17  }
0x36e: {  	s7 =	sadd.s32 $0x9280, s2;
	s8 =	sor.u32 s28, s30;
	v1 =	vadd.f32 v8, v56;
	v8 =	vmul.f32 v57, v57;
	v5 =	vadd.f32 v5, v52;
	v3 =	vld [tilespmem:s5+$0x0];
	s5 =	sadd.s32 $0xAB00, s2  }
0x36f: {  	s9 =	sadd.s32 $0x9300, s2;
	v47 =	vadd.f32 v2, v7;
	v41 =	vadd.f32 v0, v21;
	v45 =	vld [tilespmem:s4+$0x0];
	s4 =	sor.u32 s28, s7;
	s6 =	sor.u32 s11, s5  }
0x370: {  	s15 =	sadd.s32 $0xA800, s2;
	v2 =	vadd.f32 v28, v27;
	v21 =	vadd.f32 v8, v4;
	s5 =	sor.u32 s28, s5;
	v0 =	vld [tilespmem:s8+$0x0];
	s8 =	sadd.s32 $0x9380, s2  }
0x371: {  	s16 =	sadd.s32 $0xA980, s2;
	s29 =	sor.u32 s28, s15;
	v38 =	vadd.f32 v30, v38;
	v4 =	vld [tilespmem:s4+$0x0];
	s4 =	sadd.s32 $0xA880, s2;
	v7 =	vmul.f32 v34, v58;
	v8 =	vmul.f32 v34, v34  }
0x372: {  	s31 =	sadd.s32 $0xA900, s2;
	s24 =	sor.u32 s28, s13;
	s25 =	sor.u32 s28, s16;
	v52 =	vmul.f32 v35, v35;
	v27 =	vld [tilespmem:s5+$0x0]  }
0x373: {  	s26 =	sor.u32 s11, s15;
	s2 =	sadd.s32 $0xAA80, s2;
	s5 =	sor.u32 s28, s8;
	v30 =	vld [tilespmem:s24+$0x0];
	v48 =	vmul.f32 v3, v58;
	v3 =	vmul.f32 v3, v3  }
0x374: {  	v28 =	vmul.f32 v35, v58;
	s15 =	sor.u32 s11, s2;
	s24 =	sor.u32 s11, s1;
	v54 =	vld [tilespmem:s25+$0x0];
	s25 =	sor.u32 s28, s2  }
0x375: {  	s2 =	sor.u32 s28, s1;
	s1 =	sor.u32 s11, s13;
	v3 =	vadd.f32 v3, v31;
	v57 =	vld [tilespmem:s24+$0x0];
	s24 =	sor.u32 s11, s9  }
0x376: {  	v63 =	vadd.f32 v28, v63;
	v34 =	vmul.f32 v45, v58;
	v45 =	vmul.f32 v45, v45;
	s13 =	sor.u32 s28, s9;
	s9 =	sor.u32 s11, s16;
	v31 =	vld [tilespmem:s2+$0x0];
	s2 =	sor.u32 s11, s4  }
0x377: {  	s3 =	sor.u32 s11, s3;
	s12 =	sor.u32 s11, s12;
	v55 =	vld [tilespmem:s5+$0x0];
	v28 =	vmul.f32 v27, v58;
	v56 =	vmul.f32 v27, v27;
	s5 =	sor.u32 s11, s17  }
0x378: {  	s10 =	sor.u32 s11, s10;
	s7 =	sor.u32 s11, s7;
	s16 =	sor.u32 s11, s0;
	v35 =	vadd.f32 v34, v6;
	v6 =	vmul.f32 v4, v4;
	v60 =	vmul.f32 v30, v30;
	v34 =	vld [tilespmem:s9+$0x0]  }
0x379: {  	s8 =	sor.u32 s11, s8;
	v50 =	vadd.f32 v45, v50;
	s4 =	sor.u32 s28, s4;
	v27 =	vadd.f32 v48, v2;
	v62 =	vmul.f32 v30, v58;
	s9 =	sor.u32 s11, s31;
	v30 =	vld [tilespmem:s12+$0x0]  }
0x37a: {  	s20 =	sadd.s32 $0x2, s20;
	s0 =	sor.u32 s28, s31;
	v2 =	vmul.f32 v4, v58;
	s11 =	sor.u32 s11, s30;
	v4 =	vmul.f32 v54, v54;
	v48 =	vld [tilespmem:s7+$0x0]  }
0x37b: {  	p1 =	slt.u32 s20, $0x2E;
	v54 =	vmul.f32 v54, v58;
	v26 =	vadd.f32 v56, v26;
	v9 =	vld [tilespmem:s11+$0x0]  }
0x37c: {  	v10 =	vmul.f32 v31, v58;
	v31 =	vmul.f32 v31, v31;
	v4 =	vadd.f32 v4, v25;
	v45 =	vld [tilespmem:s5+$0x0]  }
0x37d: {  	v8 =	vadd.f32 v8, v32;
	v32 =	vmul.f32 v57, v57;
	v25 =	vmul.f32 v55, v58;
	v11 =	vld [tilespmem:s6+$0x0]  }
0x37e: {  	v22 =	vadd.f32 v31, v22;
	v31 =	vmul.f32 v55, v55;
	v12 =	vld [tilespmem:s15+$0x0];
	v13 =	vmul.f32 v30, v30  }
0x37f: {  	v6 =	vadd.f32 v6, v23;
	v53 =	vadd.f32 v25, v53;
	v23 =	vmul.f32 v48, v48;
	v55 =	vld [tilespmem:s8+$0x0]  }
0x380: {  	v38 =	vadd.f32 v7, v38;
	v25 =	vmul.f32 v34, v34;
	v22 =	vadd.f32 v32, v22;
	v7 =	vld [tilespmem:s10+$0x0]  }
0x381: {  	v29 =	vadd.f32 v52, v29;
	v52 =	vadd.f32 v54, v5;
	v5 =	vld [tilespmem:s3+$0x0];
	v32 =	vmul.f32 v45, v45  }
0x382: {  	v24 =	vadd.f32 v31, v24;
	v23 =	vadd.f32 v23, v6;
	v54 =	vld [tilespmem:s16+$0xC000];
	v6 =	vmul.f32 v11, v11  }
0x383: {  	v46 =	vadd.f32 v60, v46;
	v14 =	vld [tilespmem:s4+$0x0];
	v31 =	vadd.f32 v32, v3  }
0x384: {  	v56 =	vadd.f32 v2, v1;
	v25 =	vadd.f32 v25, v4;
	v1 =	vmul.f32 v55, v55;
	v2 =	vld [tilespmem:s9+$0x0]  }
0x385: {  	v4 =	vmul.f32 v0, v0;
	v3 =	vadd.f32 v10, v44;
	v26 =	vadd.f32 v6, v26;
	v10 =	vld [tilespmem:s29+$0x0]  }
0x386: {  	v61 =	vadd.f32 v62, v61;
	v6 =	vld [tilespmem:s13+$0x0];
	v32 =	vmul.f32 v5, v5;
	v24 =	vadd.f32 v1, v24  }
0x387: {  	v4 =	vadd.f32 v4, v37;
	v1 =	vmul.f32 v57, v54;
	v37 =	vmul.f32 v9, v54  }
0x388: {  	v16 =	vmul.f32 v12, v54;
	v60 =	vmul.f32 v11, v54;
	v15 =	vld [tilespmem:s0+$0x0];
	v29 =	vadd.f32 v32, v29  }
0x389: {  	v17 =	vmul.f32 v7, v7;
	v32 =	vadd.f32 v13, v8;
	v11 =	vld [tilespmem:s1+$0x0];
	v18 =	vmul.f32 v2, v2  }
0x38a: {  	v13 =	vmul.f32 v14, v58;
	v44 =	vadd.f32 v1, v3;
	v8 =	vmul.f32 v10, v58;
	v57 =	vld [tilespmem:s26+$0x0]  }
0x38b: {  	v0 =	vmul.f32 v0, v58;
	v50 =	vadd.f32 v17, v50;
	v62 =	vmul.f32 v10, v10;
	v10 =	vld [tilespmem:s25+$0x0]  }
0x38c: {  	v9 =	vmul.f32 v9, v9;
	v2 =	vmul.f32 v2, v54;
	v3 =	vadd.f32 v13, v59  }
0x38d: {  	v5 =	vmul.f32 v5, v54;
	v13 =	vadd.f32 v0, v40;
	v1 =	vmul.f32 v6, v6;
	v17 =	vld [tilespmem:s2+$0x0]  }
0x38e: {  	v6 =	vmul.f32 v6, v58;
	v8 =	vadd.f32 v8, v42;
	v42 =	vmul.f32 v11, v11;
	v0 =	vld [tilespmem:s24+$0x0]  }
0x38f: {  	v40 =	vadd.f32 v37, v13;
	v37 =	vadd.f32 v9, v4;
	v4 =	vmul.f32 v57, v54  }
0x390: {  	v9 =	vmul.f32 v15, v58;
	v13 =	vmul.f32 v10, v58;
	v46 =	vadd.f32 v42, v46  }
0x391: {  	v63 =	vadd.f32 v5, v63;
	v15 =	vmul.f32 v15, v15;
	v42 =	vadd.f32 v4, v8  }
0x392: {  	v59 =	vmul.f32 v11, v54;
	v4 =	vadd.f32 v13, v39;
	v5 =	vmul.f32 v17, v54  }
.Ltmp9:
0x393: {  	v9 =	vadd.f32 v9, v43;
	v8 =	vmul.f32 v14, v14;
	v11 =	vmul.f32 v0, v54;
	(pc) =	sbr.rel @p1 .LBB2_12-.Ltmp9, $4  }
0x394: {  	v58 =	vmul.f32 v10, v10;
	v13 =	vadd.f32 v15, v33;
	v39 =	vadd.f32 v16, v4  }
0x395: {  	v10 =	vmul.f32 v17, v17;
	v8 =	vadd.f32 v8, v36;
	v4 =	vadd.f32 v6, v49  }
0x396: {  	v43 =	vadd.f32 v2, v9;
	v2 =	vmul.f32 v12, v12;
	v33 =	vadd.f32 v18, v13  }
0x397: {  	s21 =	sadd.s32 $0x100, s21;
	s22 =	sadd.s32 $0x20, s22;
	s23 =	sadd.s32 $0x20, s23;
	v6 =	vmul.f32 v7, v54;
	v36 =	vadd.f32 v10, v8;
	v49 =	vadd.f32 v11, v4  }
0x398: {  	[tilespmem:$0xCF80] =	vst v44  }
0x399: {  	[tilespmem:$0xD080] =	vst v63  }
0x39a: {  	v18 =	vmul.f32 v48, v54;
	[tilespmem:$0xD100] =	vst v40;
	v48 =	vadd.f32 v28, v51;
	v28 =	vld [tilespmem:$0x1FD40]  }
0x39b: {  	v44 =	vmul.f32 v34, v54;
	[tilespmem:$0xD380] =	vst v42;
	v34 =	vld [tilespmem:$0x1FD60]  }
0x39c: {  	v7 =	vmul.f32 v55, v54;
	[tilespmem:$0xD480] =	vst v43;
	v55 =	vld [tilespmem:$0x1FDB0]  }
0x39d: {  	v4 =	vadd.f32 v59, v61;
	[tilespmem:$0xD600] =	vst v39;
	v59 =	vld [tilespmem:$0x1FDD0]  }
0x39e: {  	v3 =	vadd.f32 v5, v3;
	v61 =	vld [tilespmem:$0x1FDF0];
	[tilespmem:$0xD280] =	vst v49  }
0x39f: {  	v63 =	vld [tilespmem:$0x1FE00];
	v6 =	vadd.f32 v6, v35;
	[tilespmem:$0xD000] =	vst v4  }
0x3a0: {  	v45 =	vmul.f32 v45, v54;
	v49 =	vmul.f32 v30, v54;
	v30 =	vld [tilespmem:$0x1FD50];
	v4 =	vadd.f32 v18, v56;
	[tilespmem:$0xD400] =	vst v3  }
0x3a1: {  	v35 =	vld [tilespmem:$0x1FD70];
	v40 =	vadd.f32 v7, v53;
	[tilespmem:$0xD180] =	vst v6  }
0x3a2: {  	v54 =	vld [tilespmem:$0x1FDA0];
	v5 =	vadd.f32 v45, v27;
	[tilespmem:$0xD200] =	vst v4  }
0x3a3: {  	v3 =	vadd.f32 v60, v48;
	v27 =	vld [tilespmem:$0x1FFF0];
	[tilespmem:$0xD300] =	vst v40  }
0x3a4: {  	v53 =	vld [tilespmem:$0x1FD90];
	v51 =	vadd.f32 v49, v38;
	[tilespmem:$0xD580] =	vst v5  }
0x3a5: {  	v56 =	vld [tilespmem:$0x1FDC0];
	v4 =	vadd.f32 v44, v52;
	[tilespmem:$0xD680] =	vst v3  }
0x3a6: {  	v60 =	vld [tilespmem:$0x1FDE0];
	[tilespmem:$0xD700] =	vst v51  }
0x3a7: {  	v52 =	vld [tilespmem:$0x1FD80];
	[tilespmem:$0xD500] =	vst v4  }
0x3a8: {  	v17 =	vld.idx.msk [tilespmem:v19+s14+$0x0], $0xffff  }
0x3a9: {  	v18 =	vld.idx.msk [tilespmem:v20+s14+$0x0], $0xffff  }
0x3aa: {  	v4 =	vld.idx.msk [tilespmem:v28+s14+$0x0], $0xffff  }
0x3ab: {  	v6 =	vld.idx.msk [tilespmem:v34+s14+$0x0], $0xffff  }
0x3ac: {  	v11 =	vld.idx.msk [tilespmem:v55+s14+$0x0], $0xffff  }
0x3ad: {  	v13 =	vld.idx.msk [tilespmem:v59+s14+$0x0], $0xffff  }
0x3ae: {  	v15 =	vld.idx.msk [tilespmem:v61+s14+$0x0], $0xffff  }
0x3af: {  	v16 =	vld.idx.msk [tilespmem:v63+s14+$0x0], $0xffff  }
0x3b0: {  	v5 =	vld.idx.msk [tilespmem:v30+s14+$0x0], $0xffff  }
0x3b1: {  	v7 =	vld.idx.msk [tilespmem:v35+s14+$0x0], $0xffff  }
0x3b2: {  	v10 =	vld.idx.msk [tilespmem:v54+s14+$0x0], $0xffff  }
0x3b3: {  	v3 =	vld.idx.msk [tilespmem:v27+s14+$0x0], $0xffff  }
0x3b4: {  	v9 =	vld.idx.msk [tilespmem:v53+s14+$0x0], $0xffff  }
0x3b5: {  	v12 =	vld.idx.msk [tilespmem:v56+s14+$0x0], $0xffff  }
0x3b6: {  	v14 =	vld.idx.msk [tilespmem:v60+s14+$0x0], $0xffff  }
0x3b7: {  	v8 =	vld.idx.msk [tilespmem:v52+s14+$0x0], $0xffff;
	[tilespmem:$0xCF80] =	vst v22  }
0x3b8: {  	[tilespmem:$0xD000] =	vst v46  }
0x3b9: {  	v1 =	vadd.f32 v1, v41;
	v0 =	vmul.f32 v0, v0;
	[tilespmem:$0xD080] =	vst v29  }
0x3ba: {  	[tilespmem:$0xD100] =	vst v37  }
0x3bb: {  	v0 =	vadd.f32 v0, v1;
	[tilespmem:$0xD180] =	vst v50  }
0x3bc: {  	[tilespmem:$0xD200] =	vst v23  }
0x3bd: {  	[tilespmem:$0xD280] =	vst v0  }
0x3be: {  	[tilespmem:$0xD300] =	vst v24  }
0x3bf: {  	[tilespmem:$0xD400] =	vst v36  }
0x3c0: {  	[tilespmem:$0xD480] =	vst v33  }
0x3c1: {  	v21 =	vadd.f32 v62, v21;
	v22 =	vmul.f32 v57, v57;
	[tilespmem:$0xD500] =	vst v25  }
0x3c2: {  	v29 =	vadd.f32 v58, v47;
	[tilespmem:$0xD580] =	vst v31  }
0x3c3: {  	[tilespmem:$0xD680] =	vst v26;
	v1 =	vadd.f32 v22, v21  }
0x3c4: {  	[tilespmem:$0xD700] =	vst v32;
	v0 =	vadd.f32 v2, v29  }
0x3c5: {  	[tilespmem:$0xD380] =	vst v1  }
0x3c6: {  	[tilespmem:$0xD600] =	vst v0  }
0x3c7: {  	v0 =	vld.idx.msk [tilespmem:v27+s14+$0x0], $0xffff;
	_ =	sdelay $0x1  }
0x3c8: {  	v1 =	vld.idx.msk [tilespmem:v28+s14+$0x0], $0xffff;
	_ =	sdelay $0x1  }
0x3c9: {  	v33 =	vld.idx.msk [tilespmem:v30+s14+$0x0], $0xffff  }
0x3ca: {  	v0 =	vadd.f32 $0.0e+00, v0  }
0x3cb: {  	v36 =	vld.idx.msk [tilespmem:v34+s14+$0x0], $0xffff  }
0x3cc: {  	v0 =	vadd.f32 v1, v0  }
0x3cd: {  	v37 =	vld.idx.msk [tilespmem:v35+s14+$0x0], $0xffff  }
0x3ce: {  	v0 =	vadd.f32 v33, v0  }
0x3cf: {  	v38 =	vld.idx.msk [tilespmem:v52+s14+$0x0], $0xffff  }
0x3d0: {  	v0 =	vadd.f32 v36, v0  }
0x3d1: {  	v39 =	vld.idx.msk [tilespmem:v53+s14+$0x0], $0xffff  }
0x3d2: {  	v0 =	vadd.f32 v37, v0  }
0x3d3: {  	v41 =	vld.idx.msk [tilespmem:v54+s14+$0x0], $0xffff  }
0x3d4: {  	v0 =	vadd.f32 v38, v0  }
0x3d5: {  	v42 =	vld.idx.msk [tilespmem:v55+s14+$0x0], $0xffff  }
0x3d6: {  	v0 =	vadd.f32 v39, v0  }
0x3d7: {  	v46 =	vld.idx.msk [tilespmem:v56+s14+$0x0], $0xffff  }
0x3d8: {  	v0 =	vadd.f32 v41, v0  }
0x3d9: {  	v47 =	vld.idx.msk [tilespmem:v59+s14+$0x0], $0xffff  }
0x3da: {  	v0 =	vadd.f32 v42, v0  }
0x3db: {  	v50 =	vld.idx.msk [tilespmem:v60+s14+$0x0], $0xffff  }
0x3dc: {  	v0 =	vadd.f32 v46, v0  }
0x3dd: {  	v51 =	vld.idx.msk [tilespmem:v61+s14+$0x0], $0xffff  }
0x3de: {  	v0 =	vadd.f32 v47, v0  }
0x3df: {  	v52 =	vld.idx.msk [tilespmem:v63+s14+$0x0], $0xffff  }
0x3e0: {  	v0 =	vadd.f32 v50, v0  }
0x3e1: {  	v53 =	vld.idx.msk [tilespmem:v19+s14+$0x0], $0xffff  }
0x3e2: {  	v0 =	vadd.f32 v51, v0  }
0x3e3: {  	v54 =	vld.idx.msk [tilespmem:v20+s14+$0x0], $0xffff  }
0x3e4: {  	v0 =	vadd.f32 v52, v0;
	_ =	sdelay $0x1  }
0x3e5: {  	v0 =	vadd.f32 v53, v0;
	_ =	sdelay $0x1  }
0x3e6: {  	v0 =	vadd.f32 v54, v0;
	_ =	sdelay $0x1  }
0x3e7: {  	v55 =	vmax.f32 v0, $1.000000000e-30  }
0x3e8: {  	v56 =	vshrl.u32 v55, $0x1;
	v1 =	vmul.f32 $5.000000000e-01, v55  }
0x3e9: {  	v2 =	vsub.s32 $0x5F3759DF, v56  }
0x3ea: {  	v57 =	vmul.f32 v2, v1;
	_ =	sdelay $0x1  }
0x3eb: {  	v19 =	vmul.f32 v2, v57;
	_ =	sdelay $0x1  }
0x3ec: {  	v19 =	vsub.f32 $1.500000000e+00, v19;
	_ =	sdelay $0x1  }
0x3ed: {  	v2 =	vmul.f32 v2, v19  }
0x3ee: {  	v3 =	vadd.f32 $0.0e+00, v3  }
0x3ef: {  	v19 =	vmul.f32 v2, v1  }
0x3f0: {  	v3 =	vadd.f32 v4, v3  }
0x3f1: {  	v58 =	vmul.f32 v19, v2  }
0x3f2: {  	v3 =	vadd.f32 v5, v3  }
0x3f3: {  	v4 =	vsub.f32 $1.500000000e+00, v58  }
0x3f4: {  	v3 =	vadd.f32 v6, v3  }
0x3f5: {  	v2 =	vmul.f32 v4, v2  }
0x3f6: {  	v3 =	vadd.f32 v7, v3  }
0x3f7: {  	v1 =	vmul.f32 v2, v1  }
0x3f8: {  	v3 =	vadd.f32 v8, v3  }
0x3f9: {  	v1 =	vmul.f32 v1, v2  }
0x3fa: {  	v3 =	vadd.f32 v9, v3  }
0x3fb: {  	v1 =	vsub.f32 $1.500000000e+00, v1  }
0x3fc: {  	v3 =	vadd.f32 v10, v3  }
0x3fd: {  	v61 =	vld [tilespmem:$0x1FFA0];
	v1 =	vmul.f32 v1, v2  }
0x3fe: {  	v59 =	vadd.f32 v11, v3  }
0x3ff: {  	v0 =	vmul.f32 v1, v0  }
0x400: {  	v60 =	vadd.f32 v12, v59  }
0x401: {  	v0 =	vmax.f32 v0, $9.999999930e-09  }
0x402: {  	v1 =	vadd.f32 v13, v60;
	v0 =	vmul.f32 v0, v61;
	_ =	sdelay $0x1  }
0x403: {  	v1 =	vadd.f32 v14, v1;
	(erf) = vrcp.f32 v0;
	_ =	sdelay $0x1  }
0x404: {  	v62 =	vadd.f32 v15, v1;
	_ =	sdelay $0x1  }
0x405: {  	v0 =	vadd.f32 v16, v62;
	_ =	sdelay $0x1  }
0x406: {  	v0 =	vadd.f32 v17, v0;
	_ =	sdelay $0x1  }
.Ltmp10:
0x407: {  	v0 =	vadd.f32 v18, v0;
	(pc) =	sbr.rel .LBB2_14-.Ltmp10, $3  }
0x408: {  	v63 =	vpop (erf)  }
0x409: {  	v0 =	vmul.f32 v63, v0;
	_ =	sdelay $0x1  }
0x40a: {  	s5 =	rddreg [dreg:$0x5];
	[tilespmem:s19+$0xC310] =	vst v0  }
.LBB2_16:
0x40b: {  	_ =	sfence.sel $0x180000  }
0x40c: {  	[bflag:$0x0] =	sbarrier.arrive $0xFFFF  }
0x40d: {  	_ =	strace $0x90000047  }
0x40e: {  	s0 =	stileid.u32;
	[bflag:$0x2] =	sbarrier.arrive $0xFFFF  }
0x40f: {  	p0 =	sne.s32 s0, $0x0;
	s0 =	rddreg [dreg:$0x3]  }
0x410: {  	s0 =	sadd.s32 @!p0 $0x100000, s0  }
0x411: {  	[sflag:s0] =	ssyncadd.tile.s32 @!p0 $0x1;
	_ =	shalt  }
.Lfunc_end2:
_tile_overlayer_lowered:
.L_overlay_start_2:
0x412: {  	(tag) =	ssettag $0x2  }
0x413: {  	s0 =	rddreg [dreg:$0x0];
	s2 =	stileid.u32  }
0x414: {  	s1 =	rddreg [dreg:$0x1];
	p0 =	sne.s32 s2, $0x0  }
0x415: {  	s3 =	rddreg [dreg:$0x2];
	[bflag:$0x3] =	sbarrier.arrive $0xFFFF;
	s2 =	simm.s32 @!p0 $0x1C03  }
0x416: {  	[timem:s3], [sflag:s2] =	dma.local @!p0 [hbm:s0], s1  }
0x417: {  	s0 =	simm.s32 @!p0 $0x3  }
0x418: {  	_ =	swait.ge @!p0 [sflag:s0], s1  }
0x419: {  	s1 =	ssub.s32 @!p0 $0x0, s1;
	[sflag:s0] =	ssyncset.done @!p0 $0x0  }
0x41a: {  	[sflag:s0] =	ssyncadd.s32 @!p0 s1  }
0x41b: {  	[bflag:$0x3] =	sbarrier.arrive $0xFFFF  }
0x41c: {  	_ =	shalt  }

</sc_bundles>
